<compile_context>
chip_gen: v7x
topology: tpu7x:2x2x1
jax: 0.10.2.dev20260603
libtpu: 0.0.44.dev20260713+nightly
codegen_flags: <defaults>
</compile_context>

<pallas_src>
import jax
import jax.numpy as jnp
from jax import lax
from jax.experimental import pallas as pl
from jax.experimental.pallas import tpu as pltpu
from jax.experimental.pallas import tpu_sc as plsc

_R = 2
_INV2SX = 1.0 / (2.0 * 0.05 ** 2)
_INV2SH = 1.0 / (2.0 * 0.1 ** 2)
_SX = _INV2SX ** 0.5
_SH = _INV2SH ** 0.5
_PAD = 1e4

_B, _H, _W = 4, 192, 640
_WP = 656
_HP = _H + 2 * _R
_NW = 32
_L = 16

_SC_B = 3
_BLK = _H // _NW
_PW = _BLK + 2 * _R
_WS = 672
_CO = 16


def _sc_body(xy1_h, dgt_h, msk_h, hsv_h, xy1p_h, dpp_h, hsvp_h,
             psum_h, cnt_h,
             xyzp_s, hsvp_s, dpp_v, xyzg_s, hsvg_s, dgt_v, msk_v,
             psum_st, cnt_st, sem):
    wid = lax.axis_index("s") * 2 + lax.axis_index("c")
    yg = wid * _BLK
    PWW = _PW * _WP

    cps = []
    for c in range(3):
        cps.append(pltpu.async_copy(
            xy1p_h.at[pl.ds(c * (_HP * _WP) + yg * _WP, PWW)],
            xyzp_s.at[pl.ds(c * PWW, PWW)], sem))
    cps.append(pltpu.async_copy(
        dpp_h.at[pl.ds(yg * _WP, PWW)], dpp_v, sem))
    for c in range(3):
        cps.append(pltpu.async_copy(
            hsvp_h.at[pl.ds(c * (_HP * _WP) + yg * _WP, PWW)],
            hsvp_s.at[pl.ds(c * PWW, PWW)], sem))
    for c in range(3):
        cps.append(pltpu.async_copy(
            xy1_h.at[pl.ds(c * (_H * _W) + yg * _W, _BLK * _W)],
            xyzg_s.at[pl.ds(c * (_BLK * _W), _BLK * _W)], sem))
    cps.append(pltpu.async_copy(
        dgt_h.at[pl.ds(yg * _W, _BLK * _W)], dgt_v, sem))
    for c in range(3):
        cps.append(pltpu.async_copy(
            hsv_h.at[pl.ds(c * (_H * _W) + yg * _W, _BLK * _W)],
            hsvg_s.at[pl.ds(c * (_BLK * _W), _BLK * _W)], sem))
    cps.append(pltpu.async_copy(
        msk_h.at[pl.ds(yg * _W, _BLK * _W)], msk_v, sem))
    for cp in cps:
        cp.wait()

    def pre_pred(j, carry):
        off = j * _L
        d = dpp_v[pl.ds(off, _L)] * _SX
        for c in range(3):
            sl = pl.ds(c * PWW + off, _L)
            xyzp_s[sl] = xyzp_s[sl] * d
            hsvp_s[sl] = hsvp_s[sl] * _SH
        return carry
    lax.fori_loop(0, PWW // _L, pre_pred, 0)

    def pre_gt(j, carry):
        off = j * _L
        d = dgt_v[pl.ds(off, _L)] * _SX
        for c in range(3):
            sl = pl.ds(c * (_BLK * _W) + off, _L)
            xyzg_s[sl] = xyzg_s[sl] * d
            hsvg_s[sl] = hsvg_s[sl] * _SH
        return carry
    lax.fori_loop(0, _BLK * _W // _L, pre_gt, 0)

    nchunk = _W // _L

    def chunk(j, carry):
        a_acc, a_cnt = carry
        ri = j // nchunk
        xc = j - ri * nchunk
        goff = j * _L
        gsl = pl.ds(goff, _L)
        m = msk_v[gsl]
        gx = [xyzg_s[pl.ds(c * (_BLK * _W) + goff, _L)] for c in range(3)]
        gh = [hsvg_s[pl.ds(c * (_BLK * _W) + goff, _L)] for c in range(3)]
        pbase = ri * _WP + xc * _L
        a = jnp.zeros((_L,), jnp.float32)
        for dy in range(2 * _R + 1):
            for dx in range(2 * _R + 1):
                nb = pbase + dy * _WP + dx
                t = jnp.zeros((_L,), jnp.float32)
                for c in range(3):
                    d = gx[c] - xyzp_s[pl.ds(c * PWW + nb, _L)]
                    t = t + d * d
                for c in range(3):
                    d = gh[c] - hsvp_s[pl.ds(c * PWW + nb, _L)]
                    t = t + d * d
                a = a + jnp.exp(-t)
        return (a_acc + a * m, a_cnt + m)

    acc, cnt = lax.fori_loop(
        0, _BLK * nchunk, chunk,
        (jnp.zeros((_L,), jnp.float32), jnp.zeros((_L,), jnp.float32)))

    psum_st[...] = acc
    cnt_st[...] = cnt
    pltpu.sync_copy(psum_st, psum_h.at[pl.ds(wid * _L, _L)])
    pltpu.sync_copy(cnt_st, cnt_h.at[pl.ds(wid * _L, _L)])


def _tc_body(xy1_ref, dgt_ref, msk_ref, hsv_ref,
             xy1p_ref, dpp_ref, hsvp_ref,
             psum_ref, cnt_ref):
    H, W = dgt_ref.shape[1], dgt_ref.shape[2]
    dgt = dgt_ref[0]
    dpp = dpp_ref[0]
    gx = [xy1_ref[0, c] * dgt * _SX for c in range(3)]
    gh = [hsv_ref[0, c] * _SH for c in range(3)]
    px = [xy1p_ref[0, c] * dpp * _SX for c in range(3)]
    ph = [hsvp_ref[0, c] * _SH for c in range(3)]
    G = (gx[0] * gx[0] + gx[1] * gx[1]) + (gx[2] * gx[2] + gh[0] * gh[0]) \
        + (gh[1] * gh[1] + gh[2] * gh[2])
    P = (px[0] * px[0] + px[1] * px[1]) + (px[2] * px[2] + ph[0] * ph[0]) \
        + (ph[1] * ph[1] + ph[2] * ph[2])
    gd = [g * 2.0 for g in gx]
    hd = [g * 2.0 for g in gh]
    total = jnp.zeros((H, W), dtype=jnp.float32)
    for dy in range(2 * _R + 1):
        for dx in range(2 * _R + 1):
            u = G + P[dy:dy + H, dx:dx + W]
            for c in range(3):
                u = u - gd[c] * px[c][dy:dy + H, dx:dx + W]
            for c in range(3):
                u = u - hd[c] * ph[c][dy:dy + H, dx:dx + W]
            total = total + jnp.exp(-u)
    msk = msk_ref[0]
    psum_ref[0, 0, :] = jnp.full((128,), jnp.sum(total * msk), jnp.float32)
    cnt_ref[0, 0, :] = jnp.full((128,), jnp.sum(msk), jnp.float32)


def kernel(depth_pred, depth_gt, mask_gt, xy1_grid, hsv):
    B, _, H, W = depth_pred.shape
    r = _R
    padhw = ((0, 0), (r, r), (r, _WP - _W - r))
    pad3 = ((0, 0), (0, 0), (r, r), (r, _WP - _W - r))
    dgt = depth_gt[:, 0]
    msk = mask_gt[:, 0].astype(jnp.float32)
    dpp = jnp.pad(depth_pred[:, 0], padhw, constant_values=_PAD)
    xy1p = jnp.pad(xy1_grid, pad3, constant_values=1.0)
    hsvp = jnp.pad(hsv, pad3, constant_values=_PAD)
    xy1p_s3, dpp_s3, hsvp_s3 = xy1p[_SC_B], dpp[_SC_B], hsvp[_SC_B]
    xy1p, dpp, hsvp = xy1p[:_SC_B], dpp[:_SC_B], hsvp[:_SC_B]

    mesh = plsc.VectorSubcoreMesh(core_axis_name="c", subcore_axis_name="s")
    sc_fn = pl.kernel(
        _sc_body,
        out_type=[
            jax.ShapeDtypeStruct((_NW * _L,), jnp.float32),
            jax.ShapeDtypeStruct((_NW * _L,), jnp.float32),
        ],
        mesh=mesh,
        scratch_types=[
            pltpu.VMEM((3 * _PW * _WP,), jnp.float32),
            pltpu.VMEM((3 * _PW * _WP,), jnp.float32),
            pltpu.VMEM((_PW * _WP,), jnp.float32),
            pltpu.VMEM((3 * _BLK * _W,), jnp.float32),
            pltpu.VMEM((3 * _BLK * _W,), jnp.float32),
            pltpu.VMEM((_BLK * _W,), jnp.float32),
            pltpu.VMEM((_BLK * _W,), jnp.float32),
            pltpu.VMEM((_L,), jnp.float32),
            pltpu.VMEM((_L,), jnp.float32),
            pltpu.SemaphoreType.DMA,
        ],
    )
    psum_sc, cnt_sc = sc_fn(
        xy1_grid[_SC_B].reshape(-1), dgt[_SC_B].reshape(-1),
        msk[_SC_B].reshape(-1), hsv[_SC_B].reshape(-1),
        xy1p_s3.reshape(-1), dpp_s3.reshape(-1), hsvp_s3.reshape(-1))

    b3 = lambda b: (b, 0, 0, 0)
    b2 = lambda b: (b, 0, 0)
    psum_tc, cnt_tc = pl.pallas_call(
        _tc_body,
        grid=(_SC_B,),
        in_specs=[
            pl.BlockSpec((1, 3, H, W), b3),
            pl.BlockSpec((1, H, W), b2),
            pl.BlockSpec((1, H, W), b2),
            pl.BlockSpec((1, 3, H, W), b3),
            pl.BlockSpec((1, 3, _HP, _WP), b3),
            pl.BlockSpec((1, _HP, _WP), b2),
            pl.BlockSpec((1, 3, _HP, _WP), b3),
        ],
        out_specs=[
            pl.BlockSpec((1, 1, 128), lambda b: (b, 0, 0)),
            pl.BlockSpec((1, 1, 128), lambda b: (b, 0, 0)),
        ],
        out_shape=[
            jax.ShapeDtypeStruct((_SC_B, 1, 128), jnp.float32),
            jax.ShapeDtypeStruct((_SC_B, 1, 128), jnp.float32),
        ],
    )(xy1_grid, dgt, msk, hsv, xy1p, dpp, hsvp)

    psum = jnp.sum(psum_sc) + jnp.sum(psum_tc[:, 0, 0])
    n_valid = jnp.sum(cnt_sc) + jnp.sum(cnt_tc[:, 0, 0])
    inp = psum / (n_valid * float((2 * _R + 1) ** 2) + 1e-8)
    return 1.0 - inp

# --- scband reference (transcript-rebuilt; emitter-appended) ---
"""Pipeline reference for scband-c3-dloss-29772713296415 (READ-ONLY COPY).

The authoritative reference and input builder live on the scoring server;
editing this copy changes nothing except your own understanding.
"""

import jax, jax.numpy as jnp
import numpy as np


def setup_inputs(seed: int = 0) -> dict:
    key = jax.random.key(seed)
    k1, k2, k3, k4, k5 = jax.random.split(key, 5)
    B, H, W = 4, 192, 640
    depth_pred = jax.random.uniform(k1, (B, 1, H, W), dtype=jnp.float32) * 80.0 + 0.5
    depth_gt = jax.random.uniform(k2, (B, 1, H, W), dtype=jnp.float32) * 80.0 + 0.5
    mask_gt = jax.random.randint(k3, (B, 1, H, W), 0, 2).astype(bool)
    xy1_grid = jax.random.uniform(k4, (B, 3, H, W), dtype=jnp.float32) * 2.0 - 1.0
    xy1_grid = xy1_grid.at[:, 2:3].set(1.0)  # homogeneous z=1 row of K^-1 [u,v,1]
    hsv = jax.random.uniform(k5, (B, 3, H, W), dtype=jnp.float32)
    return {"depth_pred": depth_pred, "depth_gt": depth_gt, "mask_gt": mask_gt,
            "xy1_grid": xy1_grid, "hsv": hsv}


def reference(depth_pred, depth_gt, mask_gt, xy1_grid, hsv):
    # Continuous-3D (C3D) loss: unproject depth grids to point clouds
    # (xyz = xy1 * depth, as in load_pc3d), then for every valid (masked)
    # gt point compute the exp-kernel inner product with predicted points
    # inside a (2r+1)x(2r+1) pixel neighborhood (PtSampleInGrid semantics),
    # using xyz and hsv features with length scales ell (parse_opts defaults:
    # ell_values_min = [0.05, 0.1] for keys ['xyz','hsv'], neighbor_range=2).
    r = 2
    ell_xyz = 0.05
    ell_hsv = 0.1
    xyz_pred = xy1_grid * depth_pred  # [B,3,H,W]
    xyz_gt = xy1_grid * depth_gt      # [B,3,H,W]
    B, _, H, W = xyz_pred.shape
    pad = ((0, 0), (0, 0), (r, r), (r, r))
    # pad with a huge value so out-of-image neighbors contribute ~exp(-inf)=0
    xyz_p = jnp.pad(xyz_pred, pad, constant_values=1e4)
    hsv_p = jnp.pad(hsv, pad, constant_values=1e4)
    total = jnp.zeros((B, H, W), dtype=jnp.float32)
    for dy in range(2 * r + 1):
        for dx in range(2 * r + 1):
            xs = jax.lax.dynamic_slice(xyz_p, (0, 0, dy, dx), (B, 3, H, W))
            hs = jax.lax.dynamic_slice(hsv_p, (0, 0, dy, dx), (B, 3, H, W))
            d2 = jnp.sum((xyz_gt - xs) ** 2, axis=1)
            h2 = jnp.sum((hsv - hs) ** 2, axis=1)
            k_geo = jnp.exp(-d2 / (2.0 * ell_xyz ** 2))
            k_hsv = jnp.exp(-h2 / (2.0 * ell_hsv ** 2))
            total = total + k_geo * k_hsv
    m = mask_gt.astype(jnp.float32)[:, 0]  # ragged valid-point mask
    n_valid = jnp.sum(m)
    inp = jnp.sum(total * m) / (n_valid * float((2 * r + 1) ** 2) + 1e-8)
    loss = 1.0 - inp
    return loss

if __name__ == "__main__":
    import jax
    _d = setup_inputs()
    print(jax.jit(kernel)(*tuple(_d.values())))

</pallas_src>

<mosaic_0001>
#map = affine_map<(d0, d1) -> (0)>
module attributes {stable_mosaic.version = 14 : i64} {
  func.func @_sc_body(%arg0: i32, %arg1: i32, %arg2: memref<368640xf32, #tpu.memory_space<hbm>>, %arg3: memref<122880xf32, #tpu.memory_space<hbm>>, %arg4: memref<122880xf32, #tpu.memory_space<hbm>>, %arg5: memref<368640xf32, #tpu.memory_space<hbm>>, %arg6: memref<385728xf32, #tpu.memory_space<hbm>>, %arg7: memref<128576xf32, #tpu.memory_space<hbm>>, %arg8: memref<385728xf32, #tpu.memory_space<hbm>>, %arg9: memref<512xf32, #tpu.memory_space<hbm>>, %arg10: memref<512xf32, #tpu.memory_space<hbm>>, %arg11: memref<19680xf32, #tpu.memory_space<vmem>>, %arg12: memref<19680xf32, #tpu.memory_space<vmem>>, %arg13: memref<6560xf32, #tpu.memory_space<vmem>>, %arg14: memref<11520xf32, #tpu.memory_space<vmem>>, %arg15: memref<11520xf32, #tpu.memory_space<vmem>>, %arg16: memref<3840xf32, #tpu.memory_space<vmem>>, %arg17: memref<3840xf32, #tpu.memory_space<vmem>>, %arg18: memref<16xf32, #tpu.memory_space<vmem>>, %arg19: memref<16xf32, #tpu.memory_space<vmem>>, %arg20: memref<!tpu.dma_semaphore, #tpu.memory_space<semaphore_mem>>) attributes {dimension_semantics = [#tpu.dimension_semantics<core_parallel>, #tpu.dimension_semantics<subcore_parallel>], iteration_bounds = array<i64: 2, 16>, scalar_prefetch = 0 : i64, scratch_operands = 10 : i64, tpu.core_type = #tpu.core_type<sc_vector_subcore>, window_params = [{transform_indices = #map}, {transform_indices = #map}, {transform_indices = #map}, {transform_indices = #map}, {transform_indices = #map}, {transform_indices = #map}, {transform_indices = #map}, {transform_indices = #map}, {transform_indices = #map}]} {
    %mul3A = arith.constant 2 : i32
    %mul3A_0 = arith.muli %arg1, %mul3A : i32
    %add3A = arith.addi %mul3A_0, %arg0 : i32
    %mul3A_1 = arith.constant 6 : i32
    %mul3A_2 = arith.muli %add3A, %mul3A_1 : i32
    %mul3A_3 = arith.constant 656 : i32
    %mul3A_4 = arith.muli %mul3A_2, %mul3A_3 : i32
    %add3A_5 = arith.constant 0 : i32
    %add3A_6 = arith.addi %add3A_5, %mul3A_4 : i32
    %dma_start3A = arith.constant 0 : i32
    %dma_start3A_7 = tpu.memref_slice %arg11[%dma_start3A] : memref<19680xf32, #tpu.memory_space<vmem>> -> memref<6560xf32, #tpu.memory_space<vmem>>
    %dma_start3A_8 = tpu.memref_slice %arg6[%add3A_6] : memref<385728xf32, #tpu.memory_space<hbm>> -> memref<6560xf32, #tpu.memory_space<hbm>>
    %dma_start3A_9 = arith.constant 0 : i32
    %dma_start3A_10 = tpu.memref_slice %arg11[%dma_start3A_9] : memref<19680xf32, #tpu.memory_space<vmem>> -> memref<6560xf32, #tpu.memory_space<vmem>>
    %dma_start3A_11 = tpu.memref_slice %arg6[%add3A_6] : memref<385728xf32, #tpu.memory_space<hbm>> -> memref<6560xf32, #tpu.memory_space<hbm>>
    tpu.enqueue_dma source(%dma_start3A_11 : memref<6560xf32, #tpu.memory_space<hbm>>) target(%dma_start3A_10 : memref<6560xf32, #tpu.memory_space<vmem>>) target_semaphore(%arg20 : memref<!tpu.dma_semaphore, #tpu.memory_space<semaphore_mem>>)
    %mul3A_12 = arith.constant 656 : i32
    %mul3A_13 = arith.muli %mul3A_2, %mul3A_12 : i32
    %add3A_14 = arith.constant 128576 : i32
    %add3A_15 = arith.addi %add3A_14, %mul3A_13 : i32
    %dma_start3A_16 = arith.constant 6560 : i32
    %dma_start3A_17 = tpu.memref_slice %arg11[%dma_start3A_16] : memref<19680xf32, #tpu.memory_space<vmem>> -> memref<6560xf32, #tpu.memory_space<vmem>>
    %dma_start3A_18 = tpu.memref_slice %arg6[%add3A_15] : memref<385728xf32, #tpu.memory_space<hbm>> -> memref<6560xf32, #tpu.memory_space<hbm>>
    %dma_start3A_19 = arith.constant 6560 : i32
    %dma_start3A_20 = tpu.memref_slice %arg11[%dma_start3A_19] : memref<19680xf32, #tpu.memory_space<vmem>> -> memref<6560xf32, #tpu.memory_space<vmem>>
    %dma_start3A_21 = tpu.memref_slice %arg6[%add3A_15] : memref<385728xf32, #tpu.memory_space<hbm>> -> memref<6560xf32, #tpu.memory_space<hbm>>
    tpu.enqueue_dma source(%dma_start3A_21 : memref<6560xf32, #tpu.memory_space<hbm>>) target(%dma_start3A_20 : memref<6560xf32, #tpu.memory_space<vmem>>) target_semaphore(%arg20 : memref<!tpu.dma_semaphore, #tpu.memory_space<semaphore_mem>>)
    %mul3A_22 = arith.constant 656 : i32
    %mul3A_23 = arith.muli %mul3A_2, %mul3A_22 : i32
    %add3A_24 = arith.constant 257152 : i32
    %add3A_25 = arith.addi %add3A_24, %mul3A_23 : i32
    %dma_start3A_26 = arith.constant 13120 : i32
    %dma_start3A_27 = tpu.memref_slice %arg11[%dma_start3A_26] : memref<19680xf32, #tpu.memory_space<vmem>> -> memref<6560xf32, #tpu.memory_space<vmem>>
    %dma_start3A_28 = tpu.memref_slice %arg6[%add3A_25] : memref<385728xf32, #tpu.memory_space<hbm>> -> memref<6560xf32, #tpu.memory_space<hbm>>
    %dma_start3A_29 = arith.constant 13120 : i32
    %dma_start3A_30 = tpu.memref_slice %arg11[%dma_start3A_29] : memref<19680xf32, #tpu.memory_space<vmem>> -> memref<6560xf32, #tpu.memory_space<vmem>>
    %dma_start3A_31 = tpu.memref_slice %arg6[%add3A_25] : memref<385728xf32, #tpu.memory_space<hbm>> -> memref<6560xf32, #tpu.memory_space<hbm>>
    tpu.enqueue_dma source(%dma_start3A_31 : memref<6560xf32, #tpu.memory_space<hbm>>) target(%dma_start3A_30 : memref<6560xf32, #tpu.memory_space<vmem>>) target_semaphore(%arg20 : memref<!tpu.dma_semaphore, #tpu.memory_space<semaphore_mem>>)
    %mul3A_32 = arith.constant 656 : i32
    %mul3A_33 = arith.muli %mul3A_2, %mul3A_32 : i32
    %dma_start3A_34 = tpu.memref_slice %arg7[%mul3A_33] : memref<128576xf32, #tpu.memory_space<hbm>> -> memref<6560xf32, #tpu.memory_space<hbm>>
    %dma_start3A_35 = tpu.memref_slice %arg7[%mul3A_33] : memref<128576xf32, #tpu.memory_space<hbm>> -> memref<6560xf32, #tpu.memory_space<hbm>>
    tpu.enqueue_dma source(%dma_start3A_35 : memref<6560xf32, #tpu.memory_space<hbm>>) target(%arg13 : memref<6560xf32, #tpu.memory_space<vmem>>) target_semaphore(%arg20 : memref<!tpu.dma_semaphore, #tpu.memory_space<semaphore_mem>>)
    %mul3A_36 = arith.constant 656 : i32
    %mul3A_37 = arith.muli %mul3A_2, %mul3A_36 : i32
    %add3A_38 = arith.constant 0 : i32
    %add3A_39 = arith.addi %add3A_38, %mul3A_37 : i32
    %dma_start3A_40 = arith.constant 0 : i32
    %dma_start3A_41 = tpu.memref_slice %arg12[%dma_start3A_40] : memref<19680xf32, #tpu.memory_space<vmem>> -> memref<6560xf32, #tpu.memory_space<vmem>>
    %dma_start3A_42 = tpu.memref_slice %arg8[%add3A_39] : memref<385728xf32, #tpu.memory_space<hbm>> -> memref<6560xf32, #tpu.memory_space<hbm>>
    %dma_start3A_43 = arith.constant 0 : i32
    %dma_start3A_44 = tpu.memref_slice %arg12[%dma_start3A_43] : memref<19680xf32, #tpu.memory_space<vmem>> -> memref<6560xf32, #tpu.memory_space<vmem>>
    %dma_start3A_45 = tpu.memref_slice %arg8[%add3A_39] : memref<385728xf32, #tpu.memory_space<hbm>> -> memref<6560xf32, #tpu.memory_space<hbm>>
    tpu.enqueue_dma source(%dma_start3A_45 : memref<6560xf32, #tpu.memory_space<hbm>>) target(%dma_start3A_44 : memref<6560xf32, #tpu.memory_space<vmem>>) target_semaphore(%arg20 : memref<!tpu.dma_semaphore, #tpu.memory_space<semaphore_mem>>)
    %mul3A_46 = arith.constant 656 : i32
    %mul3A_47 = arith.muli %mul3A_2, %mul3A_46 : i32
    %add3A_48 = arith.constant 128576 : i32
    %add3A_49 = arith.addi %add3A_48, %mul3A_47 : i32
    %dma_start3A_50 = arith.constant 6560 : i32
    %dma_start3A_51 = tpu.memref_slice %arg12[%dma_start3A_50] : memref<19680xf32, #tpu.memory_space<vmem>> -> memref<6560xf32, #tpu.memory_space<vmem>>
    %dma_start3A_52 = tpu.memref_slice %arg8[%add3A_49] : memref<385728xf32, #tpu.memory_space<hbm>> -> memref<6560xf32, #tpu.memory_space<hbm>>
    %dma_start3A_53 = arith.constant 6560 : i32
    %dma_start3A_54 = tpu.memref_slice %arg12[%dma_start3A_53] : memref<19680xf32, #tpu.memory_space<vmem>> -> memref<6560xf32, #tpu.memory_space<vmem>>
    %dma_start3A_55 = tpu.memref_slice %arg8[%add3A_49] : memref<385728xf32, #tpu.memory_space<hbm>> -> memref<6560xf32, #tpu.memory_space<hbm>>
    tpu.enqueue_dma source(%dma_start3A_55 : memref<6560xf32, #tpu.memory_space<hbm>>) target(%dma_start3A_54 : memref<6560xf32, #tpu.memory_space<vmem>>) target_semaphore(%arg20 : memref<!tpu.dma_semaphore, #tpu.memory_space<semaphore_mem>>)
    %mul3A_56 = arith.constant 656 : i32
    %mul3A_57 = arith.muli %mul3A_2, %mul3A_56 : i32
    %add3A_58 = arith.constant 257152 : i32
    %add3A_59 = arith.addi %add3A_58, %mul3A_57 : i32
    %dma_start3A_60 = arith.constant 13120 : i32
    %dma_start3A_61 = tpu.memref_slice %arg12[%dma_start3A_60] : memref<19680xf32, #tpu.memory_space<vmem>> -> memref<6560xf32, #tpu.memory_space<vmem>>
    %dma_start3A_62 = tpu.memref_slice %arg8[%add3A_59] : memref<385728xf32, #tpu.memory_space<hbm>> -> memref<6560xf32, #tpu.memory_space<hbm>>
    %dma_start3A_63 = arith.constant 13120 : i32
    %dma_start3A_64 = tpu.memref_slice %arg12[%dma_start3A_63] : memref<19680xf32, #tpu.memory_space<vmem>> -> memref<6560xf32, #tpu.memory_space<vmem>>
    %dma_start3A_65 = tpu.memref_slice %arg8[%add3A_59] : memref<385728xf32, #tpu.memory_space<hbm>> -> memref<6560xf32, #tpu.memory_space<hbm>>
    tpu.enqueue_dma source(%dma_start3A_65 : memref<6560xf32, #tpu.memory_space<hbm>>) target(%dma_start3A_64 : memref<6560xf32, #tpu.memory_space<vmem>>) target_semaphore(%arg20 : memref<!tpu.dma_semaphore, #tpu.memory_space<semaphore_mem>>)
    %mul3A_66 = arith.constant 640 : i32
    %mul3A_67 = arith.muli %mul3A_2, %mul3A_66 : i32
    %add3A_68 = arith.constant 0 : i32
    %add3A_69 = arith.addi %add3A_68, %mul3A_67 : i32
    %dma_start3A_70 = arith.constant 0 : i32
    %dma_start3A_71 = tpu.memref_slice %arg14[%dma_start3A_70] : memref<11520xf32, #tpu.memory_space<vmem>> -> memref<3840xf32, #tpu.memory_space<vmem>>
    %dma_start3A_72 = tpu.memref_slice %arg2[%add3A_69] : memref<368640xf32, #tpu.memory_space<hbm>> -> memref<3840xf32, #tpu.memory_space<hbm>>
    %dma_start3A_73 = arith.constant 0 : i32
    %dma_start3A_74 = tpu.memref_slice %arg14[%dma_start3A_73] : memref<11520xf32, #tpu.memory_space<vmem>> -> memref<3840xf32, #tpu.memory_space<vmem>>
    %dma_start3A_75 = tpu.memref_slice %arg2[%add3A_69] : memref<368640xf32, #tpu.memory_space<hbm>> -> memref<3840xf32, #tpu.memory_space<hbm>>
    tpu.enqueue_dma source(%dma_start3A_75 : memref<3840xf32, #tpu.memory_space<hbm>>) target(%dma_start3A_74 : memref<3840xf32, #tpu.memory_space<vmem>>) target_semaphore(%arg20 : memref<!tpu.dma_semaphore, #tpu.memory_space<semaphore_mem>>)
    %mul3A_76 = arith.constant 640 : i32
    %mul3A_77 = arith.muli %mul3A_2, %mul3A_76 : i32
    %add3A_78 = arith.constant 122880 : i32
    %add3A_79 = arith.addi %add3A_78, %mul3A_77 : i32
    %dma_start3A_80 = arith.constant 3840 : i32
    %dma_start3A_81 = tpu.memref_slice %arg14[%dma_start3A_80] : memref<11520xf32, #tpu.memory_space<vmem>> -> memref<3840xf32, #tpu.memory_space<vmem>>
    %dma_start3A_82 = tpu.memref_slice %arg2[%add3A_79] : memref<368640xf32, #tpu.memory_space<hbm>> -> memref<3840xf32, #tpu.memory_space<hbm>>
    %dma_start3A_83 = arith.constant 3840 : i32
    %dma_start3A_84 = tpu.memref_slice %arg14[%dma_start3A_83] : memref<11520xf32, #tpu.memory_space<vmem>> -> memref<3840xf32, #tpu.memory_space<vmem>>
    %dma_start3A_85 = tpu.memref_slice %arg2[%add3A_79] : memref<368640xf32, #tpu.memory_space<hbm>> -> memref<3840xf32, #tpu.memory_space<hbm>>
    tpu.enqueue_dma source(%dma_start3A_85 : memref<3840xf32, #tpu.memory_space<hbm>>) target(%dma_start3A_84 : memref<3840xf32, #tpu.memory_space<vmem>>) target_semaphore(%arg20 : memref<!tpu.dma_semaphore, #tpu.memory_space<semaphore_mem>>)
    %mul3A_86 = arith.constant 640 : i32
    %mul3A_87 = arith.muli %mul3A_2, %mul3A_86 : i32
    %add3A_88 = arith.constant 245760 : i32
    %add3A_89 = arith.addi %add3A_88, %mul3A_87 : i32
    %dma_start3A_90 = arith.constant 7680 : i32
    %dma_start3A_91 = tpu.memref_slice %arg14[%dma_start3A_90] : memref<11520xf32, #tpu.memory_space<vmem>> -> memref<3840xf32, #tpu.memory_space<vmem>>
    %dma_start3A_92 = tpu.memref_slice %arg2[%add3A_89] : memref<368640xf32, #tpu.memory_space<hbm>> -> memref<3840xf32, #tpu.memory_space<hbm>>
    %dma_start3A_93 = arith.constant 7680 : i32
    %dma_start3A_94 = tpu.memref_slice %arg14[%dma_start3A_93] : memref<11520xf32, #tpu.memory_space<vmem>> -> memref<3840xf32, #tpu.memory_space<vmem>>
    %dma_start3A_95 = tpu.memref_slice %arg2[%add3A_89] : memref<368640xf32, #tpu.memory_space<hbm>> -> memref<3840xf32, #tpu.memory_space<hbm>>
    tpu.enqueue_dma source(%dma_start3A_95 : memref<3840xf32, #tpu.memory_space<hbm>>) target(%dma_start3A_94 : memref<3840xf32, #tpu.memory_space<vmem>>) target_semaphore(%arg20 : memref<!tpu.dma_semaphore, #tpu.memory_space<semaphore_mem>>)
    %mul3A_96 = arith.constant 640 : i32
    %mul3A_97 = arith.muli %mul3A_2, %mul3A_96 : i32
    %dma_start3A_98 = tpu.memref_slice %arg3[%mul3A_97] : memref<122880xf32, #tpu.memory_space<hbm>> -> memref<3840xf32, #tpu.memory_space<hbm>>
    %dma_start3A_99 = tpu.memref_slice %arg3[%mul3A_97] : memref<122880xf32, #tpu.memory_space<hbm>> -> memref<3840xf32, #tpu.memory_space<hbm>>
    tpu.enqueue_dma source(%dma_start3A_99 : memref<3840xf32, #tpu.memory_space<hbm>>) target(%arg16 : memref<3840xf32, #tpu.memory_space<vmem>>) target_semaphore(%arg20 : memref<!tpu.dma_semaphore, #tpu.memory_space<semaphore_mem>>)
    %mul3A_100 = arith.constant 640 : i32
    %mul3A_101 = arith.muli %mul3A_2, %mul3A_100 : i32
    %add3A_102 = arith.constant 0 : i32
    %add3A_103 = arith.addi %add3A_102, %mul3A_101 : i32
    %dma_start3A_104 = arith.constant 0 : i32
    %dma_start3A_105 = tpu.memref_slice %arg15[%dma_start3A_104] : memref<11520xf32, #tpu.memory_space<vmem>> -> memref<3840xf32, #tpu.memory_space<vmem>>
    %dma_start3A_106 = tpu.memref_slice %arg5[%add3A_103] : memref<368640xf32, #tpu.memory_space<hbm>> -> memref<3840xf32, #tpu.memory_space<hbm>>
    %dma_start3A_107 = arith.constant 0 : i32
    %dma_start3A_108 = tpu.memref_slice %arg15[%dma_start3A_107] : memref<11520xf32, #tpu.memory_space<vmem>> -> memref<3840xf32, #tpu.memory_space<vmem>>
    %dma_start3A_109 = tpu.memref_slice %arg5[%add3A_103] : memref<368640xf32, #tpu.memory_space<hbm>> -> memref<3840xf32, #tpu.memory_space<hbm>>
    tpu.enqueue_dma source(%dma_start3A_109 : memref<3840xf32, #tpu.memory_space<hbm>>) target(%dma_start3A_108 : memref<3840xf32, #tpu.memory_space<vmem>>) target_semaphore(%arg20 : memref<!tpu.dma_semaphore, #tpu.memory_space<semaphore_mem>>)
    %mul3A_110 = arith.constant 640 : i32
    %mul3A_111 = arith.muli %mul3A_2, %mul3A_110 : i32
    %add3A_112 = arith.constant 122880 : i32
    %add3A_113 = arith.addi %add3A_112, %mul3A_111 : i32
    %dma_start3A_114 = arith.constant 3840 : i32
    %dma_start3A_115 = tpu.memref_slice %arg15[%dma_start3A_114] : memref<11520xf32, #tpu.memory_space<vmem>> -> memref<3840xf32, #tpu.memory_space<vmem>>
    %dma_start3A_116 = tpu.memref_slice %arg5[%add3A_113] : memref<368640xf32, #tpu.memory_space<hbm>> -> memref<3840xf32, #tpu.memory_space<hbm>>
    %dma_start3A_117 = arith.constant 3840 : i32
    %dma_start3A_118 = tpu.memref_slice %arg15[%dma_start3A_117] : memref<11520xf32, #tpu.memory_space<vmem>> -> memref<3840xf32, #tpu.memory_space<vmem>>
    %dma_start3A_119 = tpu.memref_slice %arg5[%add3A_113] : memref<368640xf32, #tpu.memory_space<hbm>> -> memref<3840xf32, #tpu.memory_space<hbm>>
    tpu.enqueue_dma source(%dma_start3A_119 : memref<3840xf32, #tpu.memory_space<hbm>>) target(%dma_start3A_118 : memref<3840xf32, #tpu.memory_space<vmem>>) target_semaphore(%arg20 : memref<!tpu.dma_semaphore, #tpu.memory_space<semaphore_mem>>)
    %mul3A_120 = arith.constant 640 : i32
    %mul3A_121 = arith.muli %mul3A_2, %mul3A_120 : i32
    %add3A_122 = arith.constant 245760 : i32
    %add3A_123 = arith.addi %add3A_122, %mul3A_121 : i32
    %dma_start3A_124 = arith.constant 7680 : i32
    %dma_start3A_125 = tpu.memref_slice %arg15[%dma_start3A_124] : memref<11520xf32, #tpu.memory_space<vmem>> -> memref<3840xf32, #tpu.memory_space<vmem>>
    %dma_start3A_126 = tpu.memref_slice %arg5[%add3A_123] : memref<368640xf32, #tpu.memory_space<hbm>> -> memref<3840xf32, #tpu.memory_space<hbm>>
    %dma_start3A_127 = arith.constant 7680 : i32
    %dma_start3A_128 = tpu.memref_slice %arg15[%dma_start3A_127] : memref<11520xf32, #tpu.memory_space<vmem>> -> memref<3840xf32, #tpu.memory_space<vmem>>
    %dma_start3A_129 = tpu.memref_slice %arg5[%add3A_123] : memref<368640xf32, #tpu.memory_space<hbm>> -> memref<3840xf32, #tpu.memory_space<hbm>>
    tpu.enqueue_dma source(%dma_start3A_129 : memref<3840xf32, #tpu.memory_space<hbm>>) target(%dma_start3A_128 : memref<3840xf32, #tpu.memory_space<vmem>>) target_semaphore(%arg20 : memref<!tpu.dma_semaphore, #tpu.memory_space<semaphore_mem>>)
    %mul3A_130 = arith.constant 640 : i32
    %mul3A_131 = arith.muli %mul3A_2, %mul3A_130 : i32
    %dma_start3A_132 = tpu.memref_slice %arg4[%mul3A_131] : memref<122880xf32, #tpu.memory_space<hbm>> -> memref<3840xf32, #tpu.memory_space<hbm>>
    %dma_start3A_133 = tpu.memref_slice %arg4[%mul3A_131] : memref<122880xf32, #tpu.memory_space<hbm>> -> memref<3840xf32, #tpu.memory_space<hbm>>
    tpu.enqueue_dma source(%dma_start3A_133 : memref<3840xf32, #tpu.memory_space<hbm>>) target(%arg17 : memref<3840xf32, #tpu.memory_space<vmem>>) target_semaphore(%arg20 : memref<!tpu.dma_semaphore, #tpu.memory_space<semaphore_mem>>)
    %dma_wait3A = arith.constant 0 : i32
    %dma_wait3A_134 = tpu.memref_slice %arg11[%dma_wait3A] : memref<19680xf32, #tpu.memory_space<vmem>> -> memref<6560xf32, #tpu.memory_space<vmem>>
    %dma_wait3A_135 = tpu.memref_slice %arg6[%add3A_6] : memref<385728xf32, #tpu.memory_space<hbm>> -> memref<6560xf32, #tpu.memory_space<hbm>>
    %dma_wait3A_136 = arith.constant 0 : i32
    %dma_wait3A_137 = tpu.memref_slice %arg11[%dma_wait3A_136] : memref<19680xf32, #tpu.memory_space<vmem>> -> memref<6560xf32, #tpu.memory_space<vmem>>
    %dma_wait3A_138 = tpu.memref_slice %arg6[%add3A_6] : memref<385728xf32, #tpu.memory_space<hbm>> -> memref<6560xf32, #tpu.memory_space<hbm>>
    tpu.wait_dma2 semaphore(%arg20 : memref<!tpu.dma_semaphore, #tpu.memory_space<semaphore_mem>>) src(%dma_wait3A_138 : memref<6560xf32, #tpu.memory_space<hbm>>) dst(%dma_wait3A_137 : memref<6560xf32, #tpu.memory_space<vmem>>)
    %dma_wait3A_139 = arith.constant 6560 : i32
    %dma_wait3A_140 = tpu.memref_slice %arg11[%dma_wait3A_139] : memref<19680xf32, #tpu.memory_space<vmem>> -> memref<6560xf32, #tpu.memory_space<vmem>>
    %dma_wait3A_141 = tpu.memref_slice %arg6[%add3A_15] : memref<385728xf32, #tpu.memory_space<hbm>> -> memref<6560xf32, #tpu.memory_space<hbm>>
    %dma_wait3A_142 = arith.constant 6560 : i32
    %dma_wait3A_143 = tpu.memref_slice %arg11[%dma_wait3A_142] : memref<19680xf32, #tpu.memory_space<vmem>> -> memref<6560xf32, #tpu.memory_space<vmem>>
    %dma_wait3A_144 = tpu.memref_slice %arg6[%add3A_15] : memref<385728xf32, #tpu.memory_space<hbm>> -> memref<6560xf32, #tpu.memory_space<hbm>>
    tpu.wait_dma2 semaphore(%arg20 : memref<!tpu.dma_semaphore, #tpu.memory_space<semaphore_mem>>) src(%dma_wait3A_144 : memref<6560xf32, #tpu.memory_space<hbm>>) dst(%dma_wait3A_143 : memref<6560xf32, #tpu.memory_space<vmem>>)
    %dma_wait3A_145 = arith.constant 13120 : i32
    %dma_wait3A_146 = tpu.memref_slice %arg11[%dma_wait3A_145] : memref<19680xf32, #tpu.memory_space<vmem>> -> memref<6560xf32, #tpu.memory_space<vmem>>
    %dma_wait3A_147 = tpu.memref_slice %arg6[%add3A_25] : memref<385728xf32, #tpu.memory_space<hbm>> -> memref<6560xf32, #tpu.memory_space<hbm>>
    %dma_wait3A_148 = arith.constant 13120 : i32
    %dma_wait3A_149 = tpu.memref_slice %arg11[%dma_wait3A_148] : memref<19680xf32, #tpu.memory_space<vmem>> -> memref<6560xf32, #tpu.memory_space<vmem>>
    %dma_wait3A_150 = tpu.memref_slice %arg6[%add3A_25] : memref<385728xf32, #tpu.memory_space<hbm>> -> memref<6560xf32, #tpu.memory_space<hbm>>
    tpu.wait_dma2 semaphore(%arg20 : memref<!tpu.dma_semaphore, #tpu.memory_space<semaphore_mem>>) src(%dma_wait3A_150 : memref<6560xf32, #tpu.memory_space<hbm>>) dst(%dma_wait3A_149 : memref<6560xf32, #tpu.memory_space<vmem>>)
    %dma_wait3A_151 = tpu.memref_slice %arg7[%mul3A_33] : memref<128576xf32, #tpu.memory_space<hbm>> -> memref<6560xf32, #tpu.memory_space<hbm>>
    %dma_wait3A_152 = tpu.memref_slice %arg7[%mul3A_33] : memref<128576xf32, #tpu.memory_space<hbm>> -> memref<6560xf32, #tpu.memory_space<hbm>>
    tpu.wait_dma2 semaphore(%arg20 : memref<!tpu.dma_semaphore, #tpu.memory_space<semaphore_mem>>) src(%dma_wait3A_152 : memref<6560xf32, #tpu.memory_space<hbm>>) dst(%arg13 : memref<6560xf32, #tpu.memory_space<vmem>>)
    %dma_wait3A_153 = arith.constant 0 : i32
    %dma_wait3A_154 = tpu.memref_slice %arg12[%dma_wait3A_153] : memref<19680xf32, #tpu.memory_space<vmem>> -> memref<6560xf32, #tpu.memory_space<vmem>>
    %dma_wait3A_155 = tpu.memref_slice %arg8[%add3A_39] : memref<385728xf32, #tpu.memory_space<hbm>> -> memref<6560xf32, #tpu.memory_space<hbm>>
    %dma_wait3A_156 = arith.constant 0 : i32
    %dma_wait3A_157 = tpu.memref_slice %arg12[%dma_wait3A_156] : memref<19680xf32, #tpu.memory_space<vmem>> -> memref<6560xf32, #tpu.memory_space<vmem>>
    %dma_wait3A_158 = tpu.memref_slice %arg8[%add3A_39] : memref<385728xf32, #tpu.memory_space<hbm>> -> memref<6560xf32, #tpu.memory_space<hbm>>
    tpu.wait_dma2 semaphore(%arg20 : memref<!tpu.dma_semaphore, #tpu.memory_space<semaphore_mem>>) src(%dma_wait3A_158 : memref<6560xf32, #tpu.memory_space<hbm>>) dst(%dma_wait3A_157 : memref<6560xf32, #tpu.memory_space<vmem>>)
    %dma_wait3A_159 = arith.constant 6560 : i32
    %dma_wait3A_160 = tpu.memref_slice %arg12[%dma_wait3A_159] : memref<19680xf32, #tpu.memory_space<vmem>> -> memref<6560xf32, #tpu.memory_space<vmem>>
    %dma_wait3A_161 = tpu.memref_slice %arg8[%add3A_49] : memref<385728xf32, #tpu.memory_space<hbm>> -> memref<6560xf32, #tpu.memory_space<hbm>>
    %dma_wait3A_162 = arith.constant 6560 : i32
    %dma_wait3A_163 = tpu.memref_slice %arg12[%dma_wait3A_162] : memref<19680xf32, #tpu.memory_space<vmem>> -> memref<6560xf32, #tpu.memory_space<vmem>>
    %dma_wait3A_164 = tpu.memref_slice %arg8[%add3A_49] : memref<385728xf32, #tpu.memory_space<hbm>> -> memref<6560xf32, #tpu.memory_space<hbm>>
    tpu.wait_dma2 semaphore(%arg20 : memref<!tpu.dma_semaphore, #tpu.memory_space<semaphore_mem>>) src(%dma_wait3A_164 : memref<6560xf32, #tpu.memory_space<hbm>>) dst(%dma_wait3A_163 : memref<6560xf32, #tpu.memory_space<vmem>>)
    %dma_wait3A_165 = arith.constant 13120 : i32
    %dma_wait3A_166 = tpu.memref_slice %arg12[%dma_wait3A_165] : memref<19680xf32, #tpu.memory_space<vmem>> -> memref<6560xf32, #tpu.memory_space<vmem>>
    %dma_wait3A_167 = tpu.memref_slice %arg8[%add3A_59] : memref<385728xf32, #tpu.memory_space<hbm>> -> memref<6560xf32, #tpu.memory_space<hbm>>
    %dma_wait3A_168 = arith.constant 13120 : i32
    %dma_wait3A_169 = tpu.memref_slice %arg12[%dma_wait3A_168] : memref<19680xf32, #tpu.memory_space<vmem>> -> memref<6560xf32, #tpu.memory_space<vmem>>
    %dma_wait3A_170 = tpu.memref_slice %arg8[%add3A_59] : memref<385728xf32, #tpu.memory_space<hbm>> -> memref<6560xf32, #tpu.memory_space<hbm>>
    tpu.wait_dma2 semaphore(%arg20 : memref<!tpu.dma_semaphore, #tpu.memory_space<semaphore_mem>>) src(%dma_wait3A_170 : memref<6560xf32, #tpu.memory_space<hbm>>) dst(%dma_wait3A_169 : memref<6560xf32, #tpu.memory_space<vmem>>)
    %dma_wait3A_171 = arith.constant 0 : i32
    %dma_wait3A_172 = tpu.memref_slice %arg14[%dma_wait3A_171] : memref<11520xf32, #tpu.memory_space<vmem>> -> memref<3840xf32, #tpu.memory_space<vmem>>
    %dma_wait3A_173 = tpu.memref_slice %arg2[%add3A_69] : memref<368640xf32, #tpu.memory_space<hbm>> -> memref<3840xf32, #tpu.memory_space<hbm>>
    %dma_wait3A_174 = arith.constant 0 : i32
    %dma_wait3A_175 = tpu.memref_slice %arg14[%dma_wait3A_174] : memref<11520xf32, #tpu.memory_space<vmem>> -> memref<3840xf32, #tpu.memory_space<vmem>>
    %dma_wait3A_176 = tpu.memref_slice %arg2[%add3A_69] : memref<368640xf32, #tpu.memory_space<hbm>> -> memref<3840xf32, #tpu.memory_space<hbm>>
    tpu.wait_dma2 semaphore(%arg20 : memref<!tpu.dma_semaphore, #tpu.memory_space<semaphore_mem>>) src(%dma_wait3A_176 : memref<3840xf32, #tpu.memory_space<hbm>>) dst(%dma_wait3A_175 : memref<3840xf32, #tpu.memory_space<vmem>>)
    %dma_wait3A_177 = arith.constant 3840 : i32
    %dma_wait3A_178 = tpu.memref_slice %arg14[%dma_wait3A_177] : memref<11520xf32, #tpu.memory_space<vmem>> -> memref<3840xf32, #tpu.memory_space<vmem>>
    %dma_wait3A_179 = tpu.memref_slice %arg2[%add3A_79] : memref<368640xf32, #tpu.memory_space<hbm>> -> memref<3840xf32, #tpu.memory_space<hbm>>
    %dma_wait3A_180 = arith.constant 3840 : i32
    %dma_wait3A_181 = tpu.memref_slice %arg14[%dma_wait3A_180] : memref<11520xf32, #tpu.memory_space<vmem>> -> memref<3840xf32, #tpu.memory_space<vmem>>
    %dma_wait3A_182 = tpu.memref_slice %arg2[%add3A_79] : memref<368640xf32, #tpu.memory_space<hbm>> -> memref<3840xf32, #tpu.memory_space<hbm>>
    tpu.wait_dma2 semaphore(%arg20 : memref<!tpu.dma_semaphore, #tpu.memory_space<semaphore_mem>>) src(%dma_wait3A_182 : memref<3840xf32, #tpu.memory_space<hbm>>) dst(%dma_wait3A_181 : memref<3840xf32, #tpu.memory_space<vmem>>)
    %dma_wait3A_183 = arith.constant 7680 : i32
    %dma_wait3A_184 = tpu.memref_slice %arg14[%dma_wait3A_183] : memref<11520xf32, #tpu.memory_space<vmem>> -> memref<3840xf32, #tpu.memory_space<vmem>>
    %dma_wait3A_185 = tpu.memref_slice %arg2[%add3A_89] : memref<368640xf32, #tpu.memory_space<hbm>> -> memref<3840xf32, #tpu.memory_space<hbm>>
    %dma_wait3A_186 = arith.constant 7680 : i32
    %dma_wait3A_187 = tpu.memref_slice %arg14[%dma_wait3A_186] : memref<11520xf32, #tpu.memory_space<vmem>> -> memref<3840xf32, #tpu.memory_space<vmem>>
    %dma_wait3A_188 = tpu.memref_slice %arg2[%add3A_89] : memref<368640xf32, #tpu.memory_space<hbm>> -> memref<3840xf32, #tpu.memory_space<hbm>>
    tpu.wait_dma2 semaphore(%arg20 : memref<!tpu.dma_semaphore, #tpu.memory_space<semaphore_mem>>) src(%dma_wait3A_188 : memref<3840xf32, #tpu.memory_space<hbm>>) dst(%dma_wait3A_187 : memref<3840xf32, #tpu.memory_space<vmem>>)
    %dma_wait3A_189 = tpu.memref_slice %arg3[%mul3A_97] : memref<122880xf32, #tpu.memory_space<hbm>> -> memref<3840xf32, #tpu.memory_space<hbm>>
    %dma_wait3A_190 = tpu.memref_slice %arg3[%mul3A_97] : memref<122880xf32, #tpu.memory_space<hbm>> -> memref<3840xf32, #tpu.memory_space<hbm>>
    tpu.wait_dma2 semaphore(%arg20 : memref<!tpu.dma_semaphore, #tpu.memory_space<semaphore_mem>>) src(%dma_wait3A_190 : memref<3840xf32, #tpu.memory_space<hbm>>) dst(%arg16 : memref<3840xf32, #tpu.memory_space<vmem>>)
    %dma_wait3A_191 = arith.constant 0 : i32
    %dma_wait3A_192 = tpu.memref_slice %arg15[%dma_wait3A_191] : memref<11520xf32, #tpu.memory_space<vmem>> -> memref<3840xf32, #tpu.memory_space<vmem>>
    %dma_wait3A_193 = tpu.memref_slice %arg5[%add3A_103] : memref<368640xf32, #tpu.memory_space<hbm>> -> memref<3840xf32, #tpu.memory_space<hbm>>
    %dma_wait3A_194 = arith.constant 0 : i32
    %dma_wait3A_195 = tpu.memref_slice %arg15[%dma_wait3A_194] : memref<11520xf32, #tpu.memory_space<vmem>> -> memref<3840xf32, #tpu.memory_space<vmem>>
    %dma_wait3A_196 = tpu.memref_slice %arg5[%add3A_103] : memref<368640xf32, #tpu.memory_space<hbm>> -> memref<3840xf32, #tpu.memory_space<hbm>>
    tpu.wait_dma2 semaphore(%arg20 : memref<!tpu.dma_semaphore, #tpu.memory_space<semaphore_mem>>) src(%dma_wait3A_196 : memref<3840xf32, #tpu.memory_space<hbm>>) dst(%dma_wait3A_195 : memref<3840xf32, #tpu.memory_space<vmem>>)
    %dma_wait3A_197 = arith.constant 3840 : i32
    %dma_wait3A_198 = tpu.memref_slice %arg15[%dma_wait3A_197] : memref<11520xf32, #tpu.memory_space<vmem>> -> memref<3840xf32, #tpu.memory_space<vmem>>
    %dma_wait3A_199 = tpu.memref_slice %arg5[%add3A_113] : memref<368640xf32, #tpu.memory_space<hbm>> -> memref<3840xf32, #tpu.memory_space<hbm>>
    %dma_wait3A_200 = arith.constant 3840 : i32
    %dma_wait3A_201 = tpu.memref_slice %arg15[%dma_wait3A_200] : memref<11520xf32, #tpu.memory_space<vmem>> -> memref<3840xf32, #tpu.memory_space<vmem>>
    %dma_wait3A_202 = tpu.memref_slice %arg5[%add3A_113] : memref<368640xf32, #tpu.memory_space<hbm>> -> memref<3840xf32, #tpu.memory_space<hbm>>
    tpu.wait_dma2 semaphore(%arg20 : memref<!tpu.dma_semaphore, #tpu.memory_space<semaphore_mem>>) src(%dma_wait3A_202 : memref<3840xf32, #tpu.memory_space<hbm>>) dst(%dma_wait3A_201 : memref<3840xf32, #tpu.memory_space<vmem>>)
    %dma_wait3A_203 = arith.constant 7680 : i32
    %dma_wait3A_204 = tpu.memref_slice %arg15[%dma_wait3A_203] : memref<11520xf32, #tpu.memory_space<vmem>> -> memref<3840xf32, #tpu.memory_space<vmem>>
    %dma_wait3A_205 = tpu.memref_slice %arg5[%add3A_123] : memref<368640xf32, #tpu.memory_space<hbm>> -> memref<3840xf32, #tpu.memory_space<hbm>>
    %dma_wait3A_206 = arith.constant 7680 : i32
    %dma_wait3A_207 = tpu.memref_slice %arg15[%dma_wait3A_206] : memref<11520xf32, #tpu.memory_space<vmem>> -> memref<3840xf32, #tpu.memory_space<vmem>>
    %dma_wait3A_208 = tpu.memref_slice %arg5[%add3A_123] : memref<368640xf32, #tpu.memory_space<hbm>> -> memref<3840xf32, #tpu.memory_space<hbm>>
    tpu.wait_dma2 semaphore(%arg20 : memref<!tpu.dma_semaphore, #tpu.memory_space<semaphore_mem>>) src(%dma_wait3A_208 : memref<3840xf32, #tpu.memory_space<hbm>>) dst(%dma_wait3A_207 : memref<3840xf32, #tpu.memory_space<vmem>>)
    %dma_wait3A_209 = tpu.memref_slice %arg4[%mul3A_131] : memref<122880xf32, #tpu.memory_space<hbm>> -> memref<3840xf32, #tpu.memory_space<hbm>>
    %dma_wait3A_210 = tpu.memref_slice %arg4[%mul3A_131] : memref<122880xf32, #tpu.memory_space<hbm>> -> memref<3840xf32, #tpu.memory_space<hbm>>
    tpu.wait_dma2 semaphore(%arg20 : memref<!tpu.dma_semaphore, #tpu.memory_space<semaphore_mem>>) src(%dma_wait3A_210 : memref<3840xf32, #tpu.memory_space<hbm>>) dst(%arg17 : memref<3840xf32, #tpu.memory_space<vmem>>)
    %scan3A = arith.constant 0 : i32
    %scan3A_211 = arith.constant 0 : i32
    %scan3A_212 = arith.constant 410 : i32
    %scan3A_213 = arith.addi %scan3A_211, %scan3A_212 : i32
    %scan3A_214 = arith.constant 1 : i32
    scf.for %scan3A_242 = %scan3A_211 to %scan3A_213 step %scan3A_214  : i32 {
      %mul3A_243 = arith.constant 16 : i32
      %mul3A_244 = arith.muli %scan3A_242, %mul3A_243 : i32
      %get3A = arith.index_cast %mul3A_244 : i32 to index
      %get3A_245 = tpu.vector_load %arg13[%get3A] {strides = array<i32>} : memref<6560xf32, #tpu.memory_space<vmem>>, vector<16xf32>,
      %get3A_246 = vector.shape_cast %get3A_245 : vector<16xf32> to vector<16xf32>
      %mul3A_247 = arith.constant 14.1421356 : f32
      %mul3A_248 = vector.broadcast %mul3A_247 : f32 to vector<16xf32>
      %mul3A_249 = arith.mulf %get3A_246, %mul3A_248 : vector<16xf32>
      %add3A_250 = arith.constant 0 : i32
      %add3A_251 = arith.addi %add3A_250, %mul3A_244 : i32
      %get3A_252 = arith.index_cast %add3A_251 : i32 to index
      %get3A_253 = tpu.vector_load %arg11[%get3A_252] {strides = array<i32>} : memref<19680xf32, #tpu.memory_space<vmem>>, vector<16xf32>,
      %get3A_254 = vector.shape_cast %get3A_253 : vector<16xf32> to vector<16xf32>
      %mul3A_255 = arith.mulf %get3A_254, %mul3A_249 : vector<16xf32>
      %swap3A_256 = arith.index_cast %add3A_251 : i32 to index
      %swap3A_257 = tpu.vector_load %arg11[%swap3A_256] {strides = array<i32>} : memref<19680xf32, #tpu.memory_space<vmem>>, vector<16xf32>,
      %swap3A_258 = vector.shape_cast %swap3A_257 : vector<16xf32> to vector<16xf32>
      %swap3A_259 = vector.shape_cast %mul3A_255 : vector<16xf32> to vector<16xf32>
      tpu.vector_store %arg11[%swap3A_256], %swap3A_259 {strides = array<i32>} : memref<19680xf32, #tpu.memory_space<vmem>>, vector<16xf32>,
      %get3A_260 = arith.index_cast %add3A_251 : i32 to index
      %get3A_261 = tpu.vector_load %arg12[%get3A_260] {strides = array<i32>} : memref<19680xf32, #tpu.memory_space<vmem>>, vector<16xf32>,
      %get3A_262 = vector.shape_cast %get3A_261 : vector<16xf32> to vector<16xf32>
      %mul3A_263 = arith.constant 7.07106781 : f32
      %mul3A_264 = vector.broadcast %mul3A_263 : f32 to vector<16xf32>
      %mul3A_265 = arith.mulf %get3A_262, %mul3A_264 : vector<16xf32>
      %swap3A_266 = arith.index_cast %add3A_251 : i32 to index
      %swap3A_267 = tpu.vector_load %arg12[%swap3A_266] {strides = array<i32>} : memref<19680xf32, #tpu.memory_space<vmem>>, vector<16xf32>,
      %swap3A_268 = vector.shape_cast %swap3A_267 : vector<16xf32> to vector<16xf32>
      %swap3A_269 = vector.shape_cast %mul3A_265 : vector<16xf32> to vector<16xf32>
      tpu.vector_store %arg12[%swap3A_266], %swap3A_269 {strides = array<i32>} : memref<19680xf32, #tpu.memory_space<vmem>>, vector<16xf32>,
      %add3A_270 = arith.constant 6560 : i32
      %add3A_271 = arith.addi %add3A_270, %mul3A_244 : i32
      %get3A_272 = arith.index_cast %add3A_271 : i32 to index
      %get3A_273 = tpu.vector_load %arg11[%get3A_272] {strides = array<i32>} : memref<19680xf32, #tpu.memory_space<vmem>>, vector<16xf32>,
      %get3A_274 = vector.shape_cast %get3A_273 : vector<16xf32> to vector<16xf32>
      %mul3A_275 = arith.mulf %get3A_274, %mul3A_249 : vector<16xf32>
      %swap3A_276 = arith.index_cast %add3A_271 : i32 to index
      %swap3A_277 = tpu.vector_load %arg11[%swap3A_276] {strides = array<i32>} : memref<19680xf32, #tpu.memory_space<vmem>>, vector<16xf32>,
      %swap3A_278 = vector.shape_cast %swap3A_277 : vector<16xf32> to vector<16xf32>
      %swap3A_279 = vector.shape_cast %mul3A_275 : vector<16xf32> to vector<16xf32>
      tpu.vector_store %arg11[%swap3A_276], %swap3A_279 {strides = array<i32>} : memref<19680xf32, #tpu.memory_space<vmem>>, vector<16xf32>,
      %get3A_280 = arith.index_cast %add3A_271 : i32 to index
      %get3A_281 = tpu.vector_load %arg12[%get3A_280] {strides = array<i32>} : memref<19680xf32, #tpu.memory_space<vmem>>, vector<16xf32>,
      %get3A_282 = vector.shape_cast %get3A_281 : vector<16xf32> to vector<16xf32>
      %mul3A_283 = arith.constant 7.07106781 : f32
      %mul3A_284 = vector.broadcast %mul3A_283 : f32 to vector<16xf32>
      %mul3A_285 = arith.mulf %get3A_282, %mul3A_284 : vector<16xf32>
      %swap3A_286 = arith.index_cast %add3A_271 : i32 to index
      %swap3A_287 = tpu.vector_load %arg12[%swap3A_286] {strides = array<i32>} : memref<19680xf32, #tpu.memory_space<vmem>>, vector<16xf32>,
      %swap3A_288 = vector.shape_cast %swap3A_287 : vector<16xf32> to vector<16xf32>
      %swap3A_289 = vector.shape_cast %mul3A_285 : vector<16xf32> to vector<16xf32>
      tpu.vector_store %arg12[%swap3A_286], %swap3A_289 {strides = array<i32>} : memref<19680xf32, #tpu.memory_space<vmem>>, vector<16xf32>,
      %add3A_290 = arith.constant 13120 : i32
      %add3A_291 = arith.addi %add3A_290, %mul3A_244 : i32
      %get3A_292 = arith.index_cast %add3A_291 : i32 to index
      %get3A_293 = tpu.vector_load %arg11[%get3A_292] {strides = array<i32>} : memref<19680xf32, #tpu.memory_space<vmem>>, vector<16xf32>,
      %get3A_294 = vector.shape_cast %get3A_293 : vector<16xf32> to vector<16xf32>
      %mul3A_295 = arith.mulf %get3A_294, %mul3A_249 : vector<16xf32>
      %swap3A_296 = arith.index_cast %add3A_291 : i32 to index
      %swap3A_297 = tpu.vector_load %arg11[%swap3A_296] {strides = array<i32>} : memref<19680xf32, #tpu.memory_space<vmem>>, vector<16xf32>,
      %swap3A_298 = vector.shape_cast %swap3A_297 : vector<16xf32> to vector<16xf32>
      %swap3A_299 = vector.shape_cast %mul3A_295 : vector<16xf32> to vector<16xf32>
      tpu.vector_store %arg11[%swap3A_296], %swap3A_299 {strides = array<i32>} : memref<19680xf32, #tpu.memory_space<vmem>>, vector<16xf32>,
      %get3A_300 = arith.index_cast %add3A_291 : i32 to index
      %get3A_301 = tpu.vector_load %arg12[%get3A_300] {strides = array<i32>} : memref<19680xf32, #tpu.memory_space<vmem>>, vector<16xf32>,
      %get3A_302 = vector.shape_cast %get3A_301 : vector<16xf32> to vector<16xf32>
      %mul3A_303 = arith.constant 7.07106781 : f32
      %mul3A_304 = vector.broadcast %mul3A_303 : f32 to vector<16xf32>
      %mul3A_305 = arith.mulf %get3A_302, %mul3A_304 : vector<16xf32>
      %swap3A_306 = arith.index_cast %add3A_291 : i32 to index
      %swap3A_307 = tpu.vector_load %arg12[%swap3A_306] {strides = array<i32>} : memref<19680xf32, #tpu.memory_space<vmem>>, vector<16xf32>,
      %swap3A_308 = vector.shape_cast %swap3A_307 : vector<16xf32> to vector<16xf32>
      %swap3A_309 = vector.shape_cast %mul3A_305 : vector<16xf32> to vector<16xf32>
      tpu.vector_store %arg12[%swap3A_306], %swap3A_309 {strides = array<i32>} : memref<19680xf32, #tpu.memory_space<vmem>>, vector<16xf32>,
    }
    %scan3A_215 = arith.constant 410 : i32
    %scan3A_216 = arith.constant 0 : i32
    %scan3A_217 = arith.constant 0 : i32
    %scan3A_218 = arith.constant 240 : i32
    %scan3A_219 = arith.addi %scan3A_217, %scan3A_218 : i32
    %scan3A_220 = arith.constant 1 : i32
    scf.for %scan3A_242 = %scan3A_217 to %scan3A_219 step %scan3A_220  : i32 {
      %mul3A_243 = arith.constant 16 : i32
      %mul3A_244 = arith.muli %scan3A_242, %mul3A_243 : i32
      %get3A = arith.index_cast %mul3A_244 : i32 to index
      %get3A_245 = tpu.vector_load %arg16[%get3A] {strides = array<i32>} : memref<3840xf32, #tpu.memory_space<vmem>>, vector<16xf32>,
      %get3A_246 = vector.shape_cast %get3A_245 : vector<16xf32> to vector<16xf32>
      %mul3A_247 = arith.constant 14.1421356 : f32
      %mul3A_248 = vector.broadcast %mul3A_247 : f32 to vector<16xf32>
      %mul3A_249 = arith.mulf %get3A_246, %mul3A_248 : vector<16xf32>
      %add3A_250 = arith.constant 0 : i32
      %add3A_251 = arith.addi %add3A_250, %mul3A_244 : i32
      %get3A_252 = arith.index_cast %add3A_251 : i32 to index
      %get3A_253 = tpu.vector_load %arg14[%get3A_252] {strides = array<i32>} : memref<11520xf32, #tpu.memory_space<vmem>>, vector<16xf32>,
      %get3A_254 = vector.shape_cast %get3A_253 : vector<16xf32> to vector<16xf32>
      %mul3A_255 = arith.mulf %get3A_254, %mul3A_249 : vector<16xf32>
      %swap3A_256 = arith.index_cast %add3A_251 : i32 to index
      %swap3A_257 = tpu.vector_load %arg14[%swap3A_256] {strides = array<i32>} : memref<11520xf32, #tpu.memory_space<vmem>>, vector<16xf32>,
      %swap3A_258 = vector.shape_cast %swap3A_257 : vector<16xf32> to vector<16xf32>
      %swap3A_259 = vector.shape_cast %mul3A_255 : vector<16xf32> to vector<16xf32>
      tpu.vector_store %arg14[%swap3A_256], %swap3A_259 {strides = array<i32>} : memref<11520xf32, #tpu.memory_space<vmem>>, vector<16xf32>,
      %get3A_260 = arith.index_cast %add3A_251 : i32 to index
      %get3A_261 = tpu.vector_load %arg15[%get3A_260] {strides = array<i32>} : memref<11520xf32, #tpu.memory_space<vmem>>, vector<16xf32>,
      %get3A_262 = vector.shape_cast %get3A_261 : vector<16xf32> to vector<16xf32>
      %mul3A_263 = arith.constant 7.07106781 : f32
      %mul3A_264 = vector.broadcast %mul3A_263 : f32 to vector<16xf32>
      %mul3A_265 = arith.mulf %get3A_262, %mul3A_264 : vector<16xf32>
      %swap3A_266 = arith.index_cast %add3A_251 : i32 to index
      %swap3A_267 = tpu.vector_load %arg15[%swap3A_266] {strides = array<i32>} : memref<11520xf32, #tpu.memory_space<vmem>>, vector<16xf32>,
      %swap3A_268 = vector.shape_cast %swap3A_267 : vector<16xf32> to vector<16xf32>
      %swap3A_269 = vector.shape_cast %mul3A_265 : vector<16xf32> to vector<16xf32>
      tpu.vector_store %arg15[%swap3A_266], %swap3A_269 {strides = array<i32>} : memref<11520xf32, #tpu.memory_space<vmem>>, vector<16xf32>,
      %add3A_270 = arith.constant 3840 : i32
      %add3A_271 = arith.addi %add3A_270, %mul3A_244 : i32
      %get3A_272 = arith.index_cast %add3A_271 : i32 to index
      %get3A_273 = tpu.vector_load %arg14[%get3A_272] {strides = array<i32>} : memref<11520xf32, #tpu.memory_space<vmem>>, vector<16xf32>,
      %get3A_274 = vector.shape_cast %get3A_273 : vector<16xf32> to vector<16xf32>
      %mul3A_275 = arith.mulf %get3A_274, %mul3A_249 : vector<16xf32>
      %swap3A_276 = arith.index_cast %add3A_271 : i32 to index
      %swap3A_277 = tpu.vector_load %arg14[%swap3A_276] {strides = array<i32>} : memref<11520xf32, #tpu.memory_space<vmem>>, vector<16xf32>,
      %swap3A_278 = vector.shape_cast %swap3A_277 : vector<16xf32> to vector<16xf32>
      %swap3A_279 = vector.shape_cast %mul3A_275 : vector<16xf32> to vector<16xf32>
      tpu.vector_store %arg14[%swap3A_276], %swap3A_279 {strides = array<i32>} : memref<11520xf32, #tpu.memory_space<vmem>>, vector<16xf32>,
      %get3A_280 = arith.index_cast %add3A_271 : i32 to index
      %get3A_281 = tpu.vector_load %arg15[%get3A_280] {strides = array<i32>} : memref<11520xf32, #tpu.memory_space<vmem>>, vector<16xf32>,
      %get3A_282 = vector.shape_cast %get3A_281 : vector<16xf32> to vector<16xf32>
      %mul3A_283 = arith.constant 7.07106781 : f32
      %mul3A_284 = vector.broadcast %mul3A_283 : f32 to vector<16xf32>
      %mul3A_285 = arith.mulf %get3A_282, %mul3A_284 : vector<16xf32>
      %swap3A_286 = arith.index_cast %add3A_271 : i32 to index
      %swap3A_287 = tpu.vector_load %arg15[%swap3A_286] {strides = array<i32>} : memref<11520xf32, #tpu.memory_space<vmem>>, vector<16xf32>,
      %swap3A_288 = vector.shape_cast %swap3A_287 : vector<16xf32> to vector<16xf32>
      %swap3A_289 = vector.shape_cast %mul3A_285 : vector<16xf32> to vector<16xf32>
      tpu.vector_store %arg15[%swap3A_286], %swap3A_289 {strides = array<i32>} : memref<11520xf32, #tpu.memory_space<vmem>>, vector<16xf32>,
      %add3A_290 = arith.constant 7680 : i32
      %add3A_291 = arith.addi %add3A_290, %mul3A_244 : i32
      %get3A_292 = arith.index_cast %add3A_291 : i32 to index
      %get3A_293 = tpu.vector_load %arg14[%get3A_292] {strides = array<i32>} : memref<11520xf32, #tpu.memory_space<vmem>>, vector<16xf32>,
      %get3A_294 = vector.shape_cast %get3A_293 : vector<16xf32> to vector<16xf32>
      %mul3A_295 = arith.mulf %get3A_294, %mul3A_249 : vector<16xf32>
      %swap3A_296 = arith.index_cast %add3A_291 : i32 to index
      %swap3A_297 = tpu.vector_load %arg14[%swap3A_296] {strides = array<i32>} : memref<11520xf32, #tpu.memory_space<vmem>>, vector<16xf32>,
      %swap3A_298 = vector.shape_cast %swap3A_297 : vector<16xf32> to vector<16xf32>
      %swap3A_299 = vector.shape_cast %mul3A_295 : vector<16xf32> to vector<16xf32>
      tpu.vector_store %arg14[%swap3A_296], %swap3A_299 {strides = array<i32>} : memref<11520xf32, #tpu.memory_space<vmem>>, vector<16xf32>,
      %get3A_300 = arith.index_cast %add3A_291 : i32 to index
      %get3A_301 = tpu.vector_load %arg15[%get3A_300] {strides = array<i32>} : memref<11520xf32, #tpu.memory_space<vmem>>, vector<16xf32>,
      %get3A_302 = vector.shape_cast %get3A_301 : vector<16xf32> to vector<16xf32>
      %mul3A_303 = arith.constant 7.07106781 : f32
      %mul3A_304 = vector.broadcast %mul3A_303 : f32 to vector<16xf32>
      %mul3A_305 = arith.mulf %get3A_302, %mul3A_304 : vector<16xf32>
      %swap3A_306 = arith.index_cast %add3A_291 : i32 to index
      %swap3A_307 = tpu.vector_load %arg15[%swap3A_306] {strides = array<i32>} : memref<11520xf32, #tpu.memory_space<vmem>>, vector<16xf32>,
      %swap3A_308 = vector.shape_cast %swap3A_307 : vector<16xf32> to vector<16xf32>
      %swap3A_309 = vector.shape_cast %mul3A_305 : vector<16xf32> to vector<16xf32>
      tpu.vector_store %arg15[%swap3A_306], %swap3A_309 {strides = array<i32>} : memref<11520xf32, #tpu.memory_space<vmem>>, vector<16xf32>,
    }
    %scan3A_221 = arith.constant 240 : i32
    %broadcast_in_dim3A = arith.constant 0.000000e+00 : f32
    %broadcast_in_dim3A_222 = vector.broadcast %broadcast_in_dim3A : f32 to vector<16xf32>
    %broadcast_in_dim3A_223 = arith.constant 0.000000e+00 : f32
    %broadcast_in_dim3A_224 = vector.broadcast %broadcast_in_dim3A_223 : f32 to vector<16xf32>
    %scan3A_225 = arith.constant 0 : i32
    %scan3A_226 = arith.constant 240 : i32
    %scan3A_227 = arith.addi %scan3A_225, %scan3A_226 : i32
    %scan3A_228 = arith.constant 1 : i32
    %scan3A_229:2 = scf.for %scan3A_242 = %scan3A_225 to %scan3A_227 step %scan3A_228 iter_args(%scan3A_243 = %broadcast_in_dim3A_222, %scan3A_244 = %broadcast_in_dim3A_224) -> (vector<16xf32>, vector<16xf32>)  : i32 {
      %jit3A = arith.constant 40 : i32
      %div3A = arith.divsi %scan3A_242, %jit3A : i32
      %sign3A = arith.constant 0 : i32
      %sign3A_245 = arith.cmpi sgt, %scan3A_242, %sign3A : i32
      %sign3A_246 = arith.extui %sign3A_245 : i1 to i32
      %sign3A_247 = arith.constant 0 : i32
      %sign3A_248 = arith.cmpi slt, %scan3A_242, %sign3A_247 : i32
      %sign3A_249 = arith.extui %sign3A_248 : i1 to i32
      %sign3A_250 = arith.subi %sign3A_246, %sign3A_249 : i32
      %sign3A_251 = arith.constant 0 : i32
      %sign3A_252 = arith.cmpi sgt, %jit3A, %sign3A_251 : i32
      %sign3A_253 = arith.extui %sign3A_252 : i1 to i32
      %sign3A_254 = arith.constant 0 : i32
      %sign3A_255 = arith.cmpi slt, %jit3A, %sign3A_254 : i32
      %sign3A_256 = arith.extui %sign3A_255 : i1 to i32
      %sign3A_257 = arith.subi %sign3A_253, %sign3A_256 : i32
      %ne3A = arith.cmpi ne, %sign3A_250, %sign3A_257 : i32
      %rem3A = arith.remsi %scan3A_242, %jit3A : i32
      %ne3A_258 = arith.constant 0 : i32
      %ne3A_259 = arith.cmpi ne, %rem3A, %ne3A_258 : i32
      %and3A = arith.andi %ne3A, %ne3A_259 : i1
      %sub3A = arith.constant 1 : i32
      %sub3A_260 = arith.subi %div3A, %sub3A : i32
      %select_n3A = arith.select %and3A, %sub3A_260, %div3A : i32
      %mul3A_261 = arith.constant 40 : i32
      %mul3A_262 = arith.muli %select_n3A, %mul3A_261 : i32
      %sub3A_263 = arith.subi %scan3A_242, %mul3A_262 : i32
      %mul3A_264 = arith.constant 16 : i32
      %mul3A_265 = arith.muli %scan3A_242, %mul3A_264 : i32
      %get3A = arith.index_cast %mul3A_265 : i32 to index
      %get3A_266 = tpu.vector_load %arg17[%get3A] {strides = array<i32>} : memref<3840xf32, #tpu.memory_space<vmem>>, vector<16xf32>,
      %get3A_267 = vector.shape_cast %get3A_266 : vector<16xf32> to vector<16xf32>
      %add3A_268 = arith.constant 0 : i32
      %add3A_269 = arith.addi %add3A_268, %mul3A_265 : i32
      %get3A_270 = arith.index_cast %add3A_269 : i32 to index
      %get3A_271 = tpu.vector_load %arg14[%get3A_270] {strides = array<i32>} : memref<11520xf32, #tpu.memory_space<vmem>>, vector<16xf32>,
      %get3A_272 = vector.shape_cast %get3A_271 : vector<16xf32> to vector<16xf32>
      %add3A_273 = arith.constant 3840 : i32
      %add3A_274 = arith.addi %add3A_273, %mul3A_265 : i32
      %get3A_275 = arith.index_cast %add3A_274 : i32 to index
      %get3A_276 = tpu.vector_load %arg14[%get3A_275] {strides = array<i32>} : memref<11520xf32, #tpu.memory_space<vmem>>, vector<16xf32>,
      %get3A_277 = vector.shape_cast %get3A_276 : vector<16xf32> to vector<16xf32>
      %add3A_278 = arith.constant 7680 : i32
      %add3A_279 = arith.addi %add3A_278, %mul3A_265 : i32
      %get3A_280 = arith.index_cast %add3A_279 : i32 to index
      %get3A_281 = tpu.vector_load %arg14[%get3A_280] {strides = array<i32>} : memref<11520xf32, #tpu.memory_space<vmem>>, vector<16xf32>,
      %get3A_282 = vector.shape_cast %get3A_281 : vector<16xf32> to vector<16xf32>
      %add3A_283 = arith.constant 0 : i32
      %add3A_284 = arith.addi %add3A_283, %mul3A_265 : i32
      %get3A_285 = arith.index_cast %add3A_284 : i32 to index
      %get3A_286 = tpu.vector_load %arg15[%get3A_285] {strides = array<i32>} : memref<11520xf32, #tpu.memory_space<vmem>>, vector<16xf32>,
      %get3A_287 = vector.shape_cast %get3A_286 : vector<16xf32> to vector<16xf32>
      %add3A_288 = arith.constant 3840 : i32
      %add3A_289 = arith.addi %add3A_288, %mul3A_265 : i32
      %get3A_290 = arith.index_cast %add3A_289 : i32 to index
      %get3A_291 = tpu.vector_load %arg15[%get3A_290] {strides = array<i32>} : memref<11520xf32, #tpu.memory_space<vmem>>, vector<16xf32>,
      %get3A_292 = vector.shape_cast %get3A_291 : vector<16xf32> to vector<16xf32>
      %add3A_293 = arith.constant 7680 : i32
      %add3A_294 = arith.addi %add3A_293, %mul3A_265 : i32
      %get3A_295 = arith.index_cast %add3A_294 : i32 to index
      %get3A_296 = tpu.vector_load %arg15[%get3A_295] {strides = array<i32>} : memref<11520xf32, #tpu.memory_space<vmem>>, vector<16xf32>,
      %get3A_297 = vector.shape_cast %get3A_296 : vector<16xf32> to vector<16xf32>
      %mul3A_298 = arith.constant 656 : i32
      %mul3A_299 = arith.muli %select_n3A, %mul3A_298 : i32
      %mul3A_300 = arith.constant 16 : i32
      %mul3A_301 = arith.muli %sub3A_263, %mul3A_300 : i32
      %add3A_302 = arith.addi %mul3A_299, %mul3A_301 : i32
      %broadcast_in_dim3A_303 = arith.constant 0.000000e+00 : f32
      %broadcast_in_dim3A_304 = vector.broadcast %broadcast_in_dim3A_303 : f32 to vector<16xf32>
      %add3A_305 = arith.constant 0 : i32
      %add3A_306 = arith.addi %add3A_302, %add3A_305 : i32
      %add3A_307 = arith.constant 0 : i32
      %add3A_308 = arith.addi %add3A_306, %add3A_307 : i32
      %broadcast_in_dim3A_309 = arith.constant 0.000000e+00 : f32
      %broadcast_in_dim3A_310 = vector.broadcast %broadcast_in_dim3A_309 : f32 to vector<16xf32>
      %add3A_311 = arith.constant 0 : i32
      %add3A_312 = arith.addi %add3A_311, %add3A_308 : i32
      %get3A_313 = arith.index_cast %add3A_312 : i32 to index
      %get3A_314 = tpu.vector_load %arg11[%get3A_313] {strides = array<i32>} : memref<19680xf32, #tpu.memory_space<vmem>>, vector<16xf32>,
      %get3A_315 = vector.shape_cast %get3A_314 : vector<16xf32> to vector<16xf32>
      %sub3A_316 = arith.subf %get3A_272, %get3A_315 : vector<16xf32>
      %mul3A_317 = arith.mulf %sub3A_316, %sub3A_316 : vector<16xf32>
      %add3A_318 = arith.addf %broadcast_in_dim3A_310, %mul3A_317 : vector<16xf32>
      %add3A_319 = arith.constant 6560 : i32
      %add3A_320 = arith.addi %add3A_319, %add3A_308 : i32
      %get3A_321 = arith.index_cast %add3A_320 : i32 to index
      %get3A_322 = tpu.vector_load %arg11[%get3A_321] {strides = array<i32>} : memref<19680xf32, #tpu.memory_space<vmem>>, vector<16xf32>,
      %get3A_323 = vector.shape_cast %get3A_322 : vector<16xf32> to vector<16xf32>
      %sub3A_324 = arith.subf %get3A_277, %get3A_323 : vector<16xf32>
      %mul3A_325 = arith.mulf %sub3A_324, %sub3A_324 : vector<16xf32>
      %add3A_326 = arith.addf %add3A_318, %mul3A_325 : vector<16xf32>
      %add3A_327 = arith.constant 13120 : i32
      %add3A_328 = arith.addi %add3A_327, %add3A_308 : i32
      %get3A_329 = arith.index_cast %add3A_328 : i32 to index
      %get3A_330 = tpu.vector_load %arg11[%get3A_329] {strides = array<i32>} : memref<19680xf32, #tpu.memory_space<vmem>>, vector<16xf32>,
      %get3A_331 = vector.shape_cast %get3A_330 : vector<16xf32> to vector<16xf32>
      %sub3A_332 = arith.subf %get3A_282, %get3A_331 : vector<16xf32>
      %mul3A_333 = arith.mulf %sub3A_332, %sub3A_332 : vector<16xf32>
      %add3A_334 = arith.addf %add3A_326, %mul3A_333 : vector<16xf32>
      %add3A_335 = arith.constant 0 : i32
      %add3A_336 = arith.addi %add3A_335, %add3A_308 : i32
      %get3A_337 = arith.index_cast %add3A_336 : i32 to index
      %get3A_338 = tpu.vector_load %arg12[%get3A_337] {strides = array<i32>} : memref<19680xf32, #tpu.memory_space<vmem>>, vector<16xf32>,
      %get3A_339 = vector.shape_cast %get3A_338 : vector<16xf32> to vector<16xf32>
      %sub3A_340 = arith.subf %get3A_287, %get3A_339 : vector<16xf32>
      %mul3A_341 = arith.mulf %sub3A_340, %sub3A_340 : vector<16xf32>
      %add3A_342 = arith.addf %add3A_334, %mul3A_341 : vector<16xf32>
      %add3A_343 = arith.constant 6560 : i32
      %add3A_344 = arith.addi %add3A_343, %add3A_308 : i32
      %get3A_345 = arith.index_cast %add3A_344 : i32 to index
      %get3A_346 = tpu.vector_load %arg12[%get3A_345] {strides = array<i32>} : memref<19680xf32, #tpu.memory_space<vmem>>, vector<16xf32>,
      %get3A_347 = vector.shape_cast %get3A_346 : vector<16xf32> to vector<16xf32>
      %sub3A_348 = arith.subf %get3A_292, %get3A_347 : vector<16xf32>
      %mul3A_349 = arith.mulf %sub3A_348, %sub3A_348 : vector<16xf32>
      %add3A_350 = arith.addf %add3A_342, %mul3A_349 : vector<16xf32>
      %add3A_351 = arith.constant 13120 : i32
      %add3A_352 = arith.addi %add3A_351, %add3A_308 : i32
      %get3A_353 = arith.index_cast %add3A_352 : i32 to index
      %get3A_354 = tpu.vector_load %arg12[%get3A_353] {strides = array<i32>} : memref<19680xf32, #tpu.memory_space<vmem>>, vector<16xf32>,
      %get3A_355 = vector.shape_cast %get3A_354 : vector<16xf32> to vector<16xf32>
      %sub3A_356 = arith.subf %get3A_297, %get3A_355 : vector<16xf32>
      %mul3A_357 = arith.mulf %sub3A_356, %sub3A_356 : vector<16xf32>
      %add3A_358 = arith.addf %add3A_350, %mul3A_357 : vector<16xf32>
      %neg3A = arith.constant 0.000000e+00 : f32
      %neg3A_359 = vector.broadcast %neg3A : f32 to vector<16xf32>
      %neg3A_360 = arith.subf %neg3A_359, %add3A_358 : vector<16xf32>
      %exp3A = math.exp %neg3A_360 : vector<16xf32>
      %add3A_361 = arith.addf %broadcast_in_dim3A_304, %exp3A : vector<16xf32>
      %add3A_362 = arith.constant 0 : i32
      %add3A_363 = arith.addi %add3A_302, %add3A_362 : i32
      %add3A_364 = arith.constant 1 : i32
      %add3A_365 = arith.addi %add3A_363, %add3A_364 : i32
      %broadcast_in_dim3A_366 = arith.constant 0.000000e+00 : f32
      %broadcast_in_dim3A_367 = vector.broadcast %broadcast_in_dim3A_366 : f32 to vector<16xf32>
      %add3A_368 = arith.constant 0 : i32
      %add3A_369 = arith.addi %add3A_368, %add3A_365 : i32
      %get3A_370 = arith.index_cast %add3A_369 : i32 to index
      %get3A_371 = tpu.vector_load %arg11[%get3A_370] {strides = array<i32>} : memref<19680xf32, #tpu.memory_space<vmem>>, vector<16xf32>,
      %get3A_372 = vector.shape_cast %get3A_371 : vector<16xf32> to vector<16xf32>
      %sub3A_373 = arith.subf %get3A_272, %get3A_372 : vector<16xf32>
      %mul3A_374 = arith.mulf %sub3A_373, %sub3A_373 : vector<16xf32>
      %add3A_375 = arith.addf %broadcast_in_dim3A_367, %mul3A_374 : vector<16xf32>
      %add3A_376 = arith.constant 6560 : i32
      %add3A_377 = arith.addi %add3A_376, %add3A_365 : i32
      %get3A_378 = arith.index_cast %add3A_377 : i32 to index
      %get3A_379 = tpu.vector_load %arg11[%get3A_378] {strides = array<i32>} : memref<19680xf32, #tpu.memory_space<vmem>>, vector<16xf32>,
      %get3A_380 = vector.shape_cast %get3A_379 : vector<16xf32> to vector<16xf32>
      %sub3A_381 = arith.subf %get3A_277, %get3A_380 : vector<16xf32>
      %mul3A_382 = arith.mulf %sub3A_381, %sub3A_381 : vector<16xf32>
      %add3A_383 = arith.addf %add3A_375, %mul3A_382 : vector<16xf32>
      %add3A_384 = arith.constant 13120 : i32
      %add3A_385 = arith.addi %add3A_384, %add3A_365 : i32
      %get3A_386 = arith.index_cast %add3A_385 : i32 to index
      %get3A_387 = tpu.vector_load %arg11[%get3A_386] {strides = array<i32>} : memref<19680xf32, #tpu.memory_space<vmem>>, vector<16xf32>,
      %get3A_388 = vector.shape_cast %get3A_387 : vector<16xf32> to vector<16xf32>
      %sub3A_389 = arith.subf %get3A_282, %get3A_388 : vector<16xf32>
      %mul3A_390 = arith.mulf %sub3A_389, %sub3A_389 : vector<16xf32>
      %add3A_391 = arith.addf %add3A_383, %mul3A_390 : vector<16xf32>
      %add3A_392 = arith.constant 0 : i32
      %add3A_393 = arith.addi %add3A_392, %add3A_365 : i32
      %get3A_394 = arith.index_cast %add3A_393 : i32 to index
      %get3A_395 = tpu.vector_load %arg12[%get3A_394] {strides = array<i32>} : memref<19680xf32, #tpu.memory_space<vmem>>, vector<16xf32>,
      %get3A_396 = vector.shape_cast %get3A_395 : vector<16xf32> to vector<16xf32>
      %sub3A_397 = arith.subf %get3A_287, %get3A_396 : vector<16xf32>
      %mul3A_398 = arith.mulf %sub3A_397, %sub3A_397 : vector<16xf32>
      %add3A_399 = arith.addf %add3A_391, %mul3A_398 : vector<16xf32>
      %add3A_400 = arith.constant 6560 : i32
      %add3A_401 = arith.addi %add3A_400, %add3A_365 : i32
      %get3A_402 = arith.index_cast %add3A_401 : i32 to index
      %get3A_403 = tpu.vector_load %arg12[%get3A_402] {strides = array<i32>} : memref<19680xf32, #tpu.memory_space<vmem>>, vector<16xf32>,
      %get3A_404 = vector.shape_cast %get3A_403 : vector<16xf32> to vector<16xf32>
      %sub3A_405 = arith.subf %get3A_292, %get3A_404 : vector<16xf32>
      %mul3A_406 = arith.mulf %sub3A_405, %sub3A_405 : vector<16xf32>
      %add3A_407 = arith.addf %add3A_399, %mul3A_406 : vector<16xf32>
      %add3A_408 = arith.constant 13120 : i32
      %add3A_409 = arith.addi %add3A_408, %add3A_365 : i32
      %get3A_410 = arith.index_cast %add3A_409 : i32 to index
      %get3A_411 = tpu.vector_load %arg12[%get3A_410] {strides = array<i32>} : memref<19680xf32, #tpu.memory_space<vmem>>, vector<16xf32>,
      %get3A_412 = vector.shape_cast %get3A_411 : vector<16xf32> to vector<16xf32>
      %sub3A_413 = arith.subf %get3A_297, %get3A_412 : vector<16xf32>
      %mul3A_414 = arith.mulf %sub3A_413, %sub3A_413 : vector<16xf32>
      %add3A_415 = arith.addf %add3A_407, %mul3A_414 : vector<16xf32>
      %neg3A_416 = arith.constant 0.000000e+00 : f32
      %neg3A_417 = vector.broadcast %neg3A_416 : f32 to vector<16xf32>
      %neg3A_418 = arith.subf %neg3A_417, %add3A_415 : vector<16xf32>
      %exp3A_419 = math.exp %neg3A_418 : vector<16xf32>
      %add3A_420 = arith.addf %add3A_361, %exp3A_419 : vector<16xf32>
      %add3A_421 = arith.constant 0 : i32
      %add3A_422 = arith.addi %add3A_302, %add3A_421 : i32
      %add3A_423 = arith.constant 2 : i32
      %add3A_424 = arith.addi %add3A_422, %add3A_423 : i32
      %broadcast_in_dim3A_425 = arith.constant 0.000000e+00 : f32
      %broadcast_in_dim3A_426 = vector.broadcast %broadcast_in_dim3A_425 : f32 to vector<16xf32>
      %add3A_427 = arith.constant 0 : i32
      %add3A_428 = arith.addi %add3A_427, %add3A_424 : i32
      %get3A_429 = arith.index_cast %add3A_428 : i32 to index
      %get3A_430 = tpu.vector_load %arg11[%get3A_429] {strides = array<i32>} : memref<19680xf32, #tpu.memory_space<vmem>>, vector<16xf32>,
      %get3A_431 = vector.shape_cast %get3A_430 : vector<16xf32> to vector<16xf32>
      %sub3A_432 = arith.subf %get3A_272, %get3A_431 : vector<16xf32>
      %mul3A_433 = arith.mulf %sub3A_432, %sub3A_432 : vector<16xf32>
      %add3A_434 = arith.addf %broadcast_in_dim3A_426, %mul3A_433 : vector<16xf32>
      %add3A_435 = arith.constant 6560 : i32
      %add3A_436 = arith.addi %add3A_435, %add3A_424 : i32
      %get3A_437 = arith.index_cast %add3A_436 : i32 to index
      %get3A_438 = tpu.vector_load %arg11[%get3A_437] {strides = array<i32>} : memref<19680xf32, #tpu.memory_space<vmem>>, vector<16xf32>,
      %get3A_439 = vector.shape_cast %get3A_438 : vector<16xf32> to vector<16xf32>
      %sub3A_440 = arith.subf %get3A_277, %get3A_439 : vector<16xf32>
      %mul3A_441 = arith.mulf %sub3A_440, %sub3A_440 : vector<16xf32>
      %add3A_442 = arith.addf %add3A_434, %mul3A_441 : vector<16xf32>
      %add3A_443 = arith.constant 13120 : i32
      %add3A_444 = arith.addi %add3A_443, %add3A_424 : i32
      %get3A_445 = arith.index_cast %add3A_444 : i32 to index
      %get3A_446 = tpu.vector_load %arg11[%get3A_445] {strides = array<i32>} : memref<19680xf32, #tpu.memory_space<vmem>>, vector<16xf32>,
      %get3A_447 = vector.shape_cast %get3A_446 : vector<16xf32> to vector<16xf32>
      %sub3A_448 = arith.subf %get3A_282, %get3A_447 : vector<16xf32>
      %mul3A_449 = arith.mulf %sub3A_448, %sub3A_448 : vector<16xf32>
      %add3A_450 = arith.addf %add3A_442, %mul3A_449 : vector<16xf32>
      %add3A_451 = arith.constant 0 : i32
      %add3A_452 = arith.addi %add3A_451, %add3A_424 : i32
      %get3A_453 = arith.index_cast %add3A_452 : i32 to index
      %get3A_454 = tpu.vector_load %arg12[%get3A_453] {strides = array<i32>} : memref<19680xf32, #tpu.memory_space<vmem>>, vector<16xf32>,
      %get3A_455 = vector.shape_cast %get3A_454 : vector<16xf32> to vector<16xf32>
      %sub3A_456 = arith.subf %get3A_287, %get3A_455 : vector<16xf32>
      %mul3A_457 = arith.mulf %sub3A_456, %sub3A_456 : vector<16xf32>
      %add3A_458 = arith.addf %add3A_450, %mul3A_457 : vector<16xf32>
      %add3A_459 = arith.constant 6560 : i32
      %add3A_460 = arith.addi %add3A_459, %add3A_424 : i32
      %get3A_461 = arith.index_cast %add3A_460 : i32 to index
      %get3A_462 = tpu.vector_load %arg12[%get3A_461] {strides = array<i32>} : memref<19680xf32, #tpu.memory_space<vmem>>, vector<16xf32>,
      %get3A_463 = vector.shape_cast %get3A_462 : vector<16xf32> to vector<16xf32>
      %sub3A_464 = arith.subf %get3A_292, %get3A_463 : vector<16xf32>
      %mul3A_465 = arith.mulf %sub3A_464, %sub3A_464 : vector<16xf32>
      %add3A_466 = arith.addf %add3A_458, %mul3A_465 : vector<16xf32>
      %add3A_467 = arith.constant 13120 : i32
      %add3A_468 = arith.addi %add3A_467, %add3A_424 : i32
      %get3A_469 = arith.index_cast %add3A_468 : i32 to index
      %get3A_470 = tpu.vector_load %arg12[%get3A_469] {strides = array<i32>} : memref<19680xf32, #tpu.memory_space<vmem>>, vector<16xf32>,
      %get3A_471 = vector.shape_cast %get3A_470 : vector<16xf32> to vector<16xf32>
      %sub3A_472 = arith.subf %get3A_297, %get3A_471 : vector<16xf32>
      %mul3A_473 = arith.mulf %sub3A_472, %sub3A_472 : vector<16xf32>
      %add3A_474 = arith.addf %add3A_466, %mul3A_473 : vector<16xf32>
      %neg3A_475 = arith.constant 0.000000e+00 : f32
      %neg3A_476 = vector.broadcast %neg3A_475 : f32 to vector<16xf32>
      %neg3A_477 = arith.subf %neg3A_476, %add3A_474 : vector<16xf32>
      %exp3A_478 = math.exp %neg3A_477 : vector<16xf32>
      %add3A_479 = arith.addf %add3A_420, %exp3A_478 : vector<16xf32>
      %add3A_480 = arith.constant 0 : i32
      %add3A_481 = arith.addi %add3A_302, %add3A_480 : i32
      %add3A_482 = arith.constant 3 : i32
      %add3A_483 = arith.addi %add3A_481, %add3A_482 : i32
      %broadcast_in_dim3A_484 = arith.constant 0.000000e+00 : f32
      %broadcast_in_dim3A_485 = vector.broadcast %broadcast_in_dim3A_484 : f32 to vector<16xf32>
      %add3A_486 = arith.constant 0 : i32
      %add3A_487 = arith.addi %add3A_486, %add3A_483 : i32
      %get3A_488 = arith.index_cast %add3A_487 : i32 to index
      %get3A_489 = tpu.vector_load %arg11[%get3A_488] {strides = array<i32>} : memref<19680xf32, #tpu.memory_space<vmem>>, vector<16xf32>,
      %get3A_490 = vector.shape_cast %get3A_489 : vector<16xf32> to vector<16xf32>
      %sub3A_491 = arith.subf %get3A_272, %get3A_490 : vector<16xf32>
      %mul3A_492 = arith.mulf %sub3A_491, %sub3A_491 : vector<16xf32>
      %add3A_493 = arith.addf %broadcast_in_dim3A_485, %mul3A_492 : vector<16xf32>
      %add3A_494 = arith.constant 6560 : i32
      %add3A_495 = arith.addi %add3A_494, %add3A_483 : i32
      %get3A_496 = arith.index_cast %add3A_495 : i32 to index
      %get3A_497 = tpu.vector_load %arg11[%get3A_496] {strides = array<i32>} : memref<19680xf32, #tpu.memory_space<vmem>>, vector<16xf32>,
      %get3A_498 = vector.shape_cast %get3A_497 : vector<16xf32> to vector<16xf32>
      %sub3A_499 = arith.subf %get3A_277, %get3A_498 : vector<16xf32>
      %mul3A_500 = arith.mulf %sub3A_499, %sub3A_499 : vector<16xf32>
      %add3A_501 = arith.addf %add3A_493, %mul3A_500 : vector<16xf32>
      %add3A_502 = arith.constant 13120 : i32
      %add3A_503 = arith.addi %add3A_502, %add3A_483 : i32
      %get3A_504 = arith.index_cast %add3A_503 : i32 to index
      %get3A_505 = tpu.vector_load %arg11[%get3A_504] {strides = array<i32>} : memref<19680xf32, #tpu.memory_space<vmem>>, vector<16xf32>,
      %get3A_506 = vector.shape_cast %get3A_505 : vector<16xf32> to vector<16xf32>
      %sub3A_507 = arith.subf %get3A_282, %get3A_506 : vector<16xf32>
      %mul3A_508 = arith.mulf %sub3A_507, %sub3A_507 : vector<16xf32>
      %add3A_509 = arith.addf %add3A_501, %mul3A_508 : vector<16xf32>
      %add3A_510 = arith.constant 0 : i32
      %add3A_511 = arith.addi %add3A_510, %add3A_483 : i32
      %get3A_512 = arith.index_cast %add3A_511 : i32 to index
      %get3A_513 = tpu.vector_load %arg12[%get3A_512] {strides = array<i32>} : memref<19680xf32, #tpu.memory_space<vmem>>, vector<16xf32>,
      %get3A_514 = vector.shape_cast %get3A_513 : vector<16xf32> to vector<16xf32>
      %sub3A_515 = arith.subf %get3A_287, %get3A_514 : vector<16xf32>
      %mul3A_516 = arith.mulf %sub3A_515, %sub3A_515 : vector<16xf32>
      %add3A_517 = arith.addf %add3A_509, %mul3A_516 : vector<16xf32>
      %add3A_518 = arith.constant 6560 : i32
      %add3A_519 = arith.addi %add3A_518, %add3A_483 : i32
      %get3A_520 = arith.index_cast %add3A_519 : i32 to index
      %get3A_521 = tpu.vector_load %arg12[%get3A_520] {strides = array<i32>} : memref<19680xf32, #tpu.memory_space<vmem>>, vector<16xf32>,
      %get3A_522 = vector.shape_cast %get3A_521 : vector<16xf32> to vector<16xf32>
      %sub3A_523 = arith.subf %get3A_292, %get3A_522 : vector<16xf32>
      %mul3A_524 = arith.mulf %sub3A_523, %sub3A_523 : vector<16xf32>
      %add3A_525 = arith.addf %add3A_517, %mul3A_524 : vector<16xf32>
      %add3A_526 = arith.constant 13120 : i32
      %add3A_527 = arith.addi %add3A_526, %add3A_483 : i32
      %get3A_528 = arith.index_cast %add3A_527 : i32 to index
      %get3A_529 = tpu.vector_load %arg12[%get3A_528] {strides = array<i32>} : memref<19680xf32, #tpu.memory_space<vmem>>, vector<16xf32>,
      %get3A_530 = vector.shape_cast %get3A_529 : vector<16xf32> to vector<16xf32>
      %sub3A_531 = arith.subf %get3A_297, %get3A_530 : vector<16xf32>
      %mul3A_532 = arith.mulf %sub3A_531, %sub3A_531 : vector<16xf32>
      %add3A_533 = arith.addf %add3A_525, %mul3A_532 : vector<16xf32>
      %neg3A_534 = arith.constant 0.000000e+00 : f32
      %neg3A_535 = vector.broadcast %neg3A_534 : f32 to vector<16xf32>
      %neg3A_536 = arith.subf %neg3A_535, %add3A_533 : vector<16xf32>
      %exp3A_537 = math.exp %neg3A_536 : vector<16xf32>
      %add3A_538 = arith.addf %add3A_479, %exp3A_537 : vector<16xf32>
      %add3A_539 = arith.constant 0 : i32
      %add3A_540 = arith.addi %add3A_302, %add3A_539 : i32
      %add3A_541 = arith.constant 4 : i32
      %add3A_542 = arith.addi %add3A_540, %add3A_541 : i32
      %broadcast_in_dim3A_543 = arith.constant 0.000000e+00 : f32
      %broadcast_in_dim3A_544 = vector.broadcast %broadcast_in_dim3A_543 : f32 to vector<16xf32>
      %add3A_545 = arith.constant 0 : i32
      %add3A_546 = arith.addi %add3A_545, %add3A_542 : i32
      %get3A_547 = arith.index_cast %add3A_546 : i32 to index
      %get3A_548 = tpu.vector_load %arg11[%get3A_547] {strides = array<i32>} : memref<19680xf32, #tpu.memory_space<vmem>>, vector<16xf32>,
      %get3A_549 = vector.shape_cast %get3A_548 : vector<16xf32> to vector<16xf32>
      %sub3A_550 = arith.subf %get3A_272, %get3A_549 : vector<16xf32>
      %mul3A_551 = arith.mulf %sub3A_550, %sub3A_550 : vector<16xf32>
      %add3A_552 = arith.addf %broadcast_in_dim3A_544, %mul3A_551 : vector<16xf32>
      %add3A_553 = arith.constant 6560 : i32
      %add3A_554 = arith.addi %add3A_553, %add3A_542 : i32
      %get3A_555 = arith.index_cast %add3A_554 : i32 to index
      %get3A_556 = tpu.vector_load %arg11[%get3A_555] {strides = array<i32>} : memref<19680xf32, #tpu.memory_space<vmem>>, vector<16xf32>,
      %get3A_557 = vector.shape_cast %get3A_556 : vector<16xf32> to vector<16xf32>
      %sub3A_558 = arith.subf %get3A_277, %get3A_557 : vector<16xf32>
      %mul3A_559 = arith.mulf %sub3A_558, %sub3A_558 : vector<16xf32>
      %add3A_560 = arith.addf %add3A_552, %mul3A_559 : vector<16xf32>
      %add3A_561 = arith.constant 13120 : i32
      %add3A_562 = arith.addi %add3A_561, %add3A_542 : i32
      %get3A_563 = arith.index_cast %add3A_562 : i32 to index
      %get3A_564 = tpu.vector_load %arg11[%get3A_563] {strides = array<i32>} : memref<19680xf32, #tpu.memory_space<vmem>>, vector<16xf32>,
      %get3A_565 = vector.shape_cast %get3A_564 : vector<16xf32> to vector<16xf32>
      %sub3A_566 = arith.subf %get3A_282, %get3A_565 : vector<16xf32>
      %mul3A_567 = arith.mulf %sub3A_566, %sub3A_566 : vector<16xf32>
      %add3A_568 = arith.addf %add3A_560, %mul3A_567 : vector<16xf32>
      %add3A_569 = arith.constant 0 : i32
      %add3A_570 = arith.addi %add3A_569, %add3A_542 : i32
      %get3A_571 = arith.index_cast %add3A_570 : i32 to index
      %get3A_572 = tpu.vector_load %arg12[%get3A_571] {strides = array<i32>} : memref<19680xf32, #tpu.memory_space<vmem>>, vector<16xf32>,
      %get3A_573 = vector.shape_cast %get3A_572 : vector<16xf32> to vector<16xf32>
      %sub3A_574 = arith.subf %get3A_287, %get3A_573 : vector<16xf32>
      %mul3A_575 = arith.mulf %sub3A_574, %sub3A_574 : vector<16xf32>
      %add3A_576 = arith.addf %add3A_568, %mul3A_575 : vector<16xf32>
      %add3A_577 = arith.constant 6560 : i32
      %add3A_578 = arith.addi %add3A_577, %add3A_542 : i32
      %get3A_579 = arith.index_cast %add3A_578 : i32 to index
      %get3A_580 = tpu.vector_load %arg12[%get3A_579] {strides = array<i32>} : memref<19680xf32, #tpu.memory_space<vmem>>, vector<16xf32>,
      %get3A_581 = vector.shape_cast %get3A_580 : vector<16xf32> to vector<16xf32>
      %sub3A_582 = arith.subf %get3A_292, %get3A_581 : vector<16xf32>
      %mul3A_583 = arith.mulf %sub3A_582, %sub3A_582 : vector<16xf32>
      %add3A_584 = arith.addf %add3A_576, %mul3A_583 : vector<16xf32>
      %add3A_585 = arith.constant 13120 : i32
      %add3A_586 = arith.addi %add3A_585, %add3A_542 : i32
      %get3A_587 = arith.index_cast %add3A_586 : i32 to index
      %get3A_588 = tpu.vector_load %arg12[%get3A_587] {strides = array<i32>} : memref<19680xf32, #tpu.memory_space<vmem>>, vector<16xf32>,
      %get3A_589 = vector.shape_cast %get3A_588 : vector<16xf32> to vector<16xf32>
      %sub3A_590 = arith.subf %get3A_297, %get3A_589 : vector<16xf32>
      %mul3A_591 = arith.mulf %sub3A_590, %sub3A_590 : vector<16xf32>
      %add3A_592 = arith.addf %add3A_584, %mul3A_591 : vector<16xf32>
      %neg3A_593 = arith.constant 0.000000e+00 : f32
      %neg3A_594 = vector.broadcast %neg3A_593 : f32 to vector<16xf32>
      %neg3A_595 = arith.subf %neg3A_594, %add3A_592 : vector<16xf32>
      %exp3A_596 = math.exp %neg3A_595 : vector<16xf32>
      %add3A_597 = arith.addf %add3A_538, %exp3A_596 : vector<16xf32>
      %add3A_598 = arith.constant 656 : i32
      %add3A_599 = arith.addi %add3A_302, %add3A_598 : i32
      %add3A_600 = arith.constant 0 : i32
      %add3A_601 = arith.addi %add3A_599, %add3A_600 : i32
      %broadcast_in_dim3A_602 = arith.constant 0.000000e+00 : f32
      %broadcast_in_dim3A_603 = vector.broadcast %broadcast_in_dim3A_602 : f32 to vector<16xf32>
      %add3A_604 = arith.constant 0 : i32
      %add3A_605 = arith.addi %add3A_604, %add3A_601 : i32
      %get3A_606 = arith.index_cast %add3A_605 : i32 to index
      %get3A_607 = tpu.vector_load %arg11[%get3A_606] {strides = array<i32>} : memref<19680xf32, #tpu.memory_space<vmem>>, vector<16xf32>,
      %get3A_608 = vector.shape_cast %get3A_607 : vector<16xf32> to vector<16xf32>
      %sub3A_609 = arith.subf %get3A_272, %get3A_608 : vector<16xf32>
      %mul3A_610 = arith.mulf %sub3A_609, %sub3A_609 : vector<16xf32>
      %add3A_611 = arith.addf %broadcast_in_dim3A_603, %mul3A_610 : vector<16xf32>
      %add3A_612 = arith.constant 6560 : i32
      %add3A_613 = arith.addi %add3A_612, %add3A_601 : i32
      %get3A_614 = arith.index_cast %add3A_613 : i32 to index
      %get3A_615 = tpu.vector_load %arg11[%get3A_614] {strides = array<i32>} : memref<19680xf32, #tpu.memory_space<vmem>>, vector<16xf32>,
      %get3A_616 = vector.shape_cast %get3A_615 : vector<16xf32> to vector<16xf32>
      %sub3A_617 = arith.subf %get3A_277, %get3A_616 : vector<16xf32>
      %mul3A_618 = arith.mulf %sub3A_617, %sub3A_617 : vector<16xf32>
      %add3A_619 = arith.addf %add3A_611, %mul3A_618 : vector<16xf32>
      %add3A_620 = arith.constant 13120 : i32
      %add3A_621 = arith.addi %add3A_620, %add3A_601 : i32
      %get3A_622 = arith.index_cast %add3A_621 : i32 to index
      %get3A_623 = tpu.vector_load %arg11[%get3A_622] {strides = array<i32>} : memref<19680xf32, #tpu.memory_space<vmem>>, vector<16xf32>,
      %get3A_624 = vector.shape_cast %get3A_623 : vector<16xf32> to vector<16xf32>
      %sub3A_625 = arith.subf %get3A_282, %get3A_624 : vector<16xf32>
      %mul3A_626 = arith.mulf %sub3A_625, %sub3A_625 : vector<16xf32>
      %add3A_627 = arith.addf %add3A_619, %mul3A_626 : vector<16xf32>
      %add3A_628 = arith.constant 0 : i32
      %add3A_629 = arith.addi %add3A_628, %add3A_601 : i32
      %get3A_630 = arith.index_cast %add3A_629 : i32 to index
      %get3A_631 = tpu.vector_load %arg12[%get3A_630] {strides = array<i32>} : memref<19680xf32, #tpu.memory_space<vmem>>, vector<16xf32>,
      %get3A_632 = vector.shape_cast %get3A_631 : vector<16xf32> to vector<16xf32>
      %sub3A_633 = arith.subf %get3A_287, %get3A_632 : vector<16xf32>
      %mul3A_634 = arith.mulf %sub3A_633, %sub3A_633 : vector<16xf32>
      %add3A_635 = arith.addf %add3A_627, %mul3A_634 : vector<16xf32>
      %add3A_636 = arith.constant 6560 : i32
      %add3A_637 = arith.addi %add3A_636, %add3A_601 : i32
      %get3A_638 = arith.index_cast %add3A_637 : i32 to index
      %get3A_639 = tpu.vector_load %arg12[%get3A_638] {strides = array<i32>} : memref<19680xf32, #tpu.memory_space<vmem>>, vector<16xf32>,
      %get3A_640 = vector.shape_cast %get3A_639 : vector<16xf32> to vector<16xf32>
      %sub3A_641 = arith.subf %get3A_292, %get3A_640 : vector<16xf32>
      %mul3A_642 = arith.mulf %sub3A_641, %sub3A_641 : vector<16xf32>
      %add3A_643 = arith.addf %add3A_635, %mul3A_642 : vector<16xf32>
      %add3A_644 = arith.constant 13120 : i32
      %add3A_645 = arith.addi %add3A_644, %add3A_601 : i32
      %get3A_646 = arith.index_cast %add3A_645 : i32 to index
      %get3A_647 = tpu.vector_load %arg12[%get3A_646] {strides = array<i32>} : memref<19680xf32, #tpu.memory_space<vmem>>, vector<16xf32>,
      %get3A_648 = vector.shape_cast %get3A_647 : vector<16xf32> to vector<16xf32>
      %sub3A_649 = arith.subf %get3A_297, %get3A_648 : vector<16xf32>
      %mul3A_650 = arith.mulf %sub3A_649, %sub3A_649 : vector<16xf32>
      %add3A_651 = arith.addf %add3A_643, %mul3A_650 : vector<16xf32>
      %neg3A_652 = arith.constant 0.000000e+00 : f32
      %neg3A_653 = vector.broadcast %neg3A_652 : f32 to vector<16xf32>
      %neg3A_654 = arith.subf %neg3A_653, %add3A_651 : vector<16xf32>
      %exp3A_655 = math.exp %neg3A_654 : vector<16xf32>
      %add3A_656 = arith.addf %add3A_597, %exp3A_655 : vector<16xf32>
      %add3A_657 = arith.constant 656 : i32
      %add3A_658 = arith.addi %add3A_302, %add3A_657 : i32
      %add3A_659 = arith.constant 1 : i32
      %add3A_660 = arith.addi %add3A_658, %add3A_659 : i32
      %broadcast_in_dim3A_661 = arith.constant 0.000000e+00 : f32
      %broadcast_in_dim3A_662 = vector.broadcast %broadcast_in_dim3A_661 : f32 to vector<16xf32>
      %add3A_663 = arith.constant 0 : i32
      %add3A_664 = arith.addi %add3A_663, %add3A_660 : i32
      %get3A_665 = arith.index_cast %add3A_664 : i32 to index
      %get3A_666 = tpu.vector_load %arg11[%get3A_665] {strides = array<i32>} : memref<19680xf32, #tpu.memory_space<vmem>>, vector<16xf32>,
      %get3A_667 = vector.shape_cast %get3A_666 : vector<16xf32> to vector<16xf32>
      %sub3A_668 = arith.subf %get3A_272, %get3A_667 : vector<16xf32>
      %mul3A_669 = arith.mulf %sub3A_668, %sub3A_668 : vector<16xf32>
      %add3A_670 = arith.addf %broadcast_in_dim3A_662, %mul3A_669 : vector<16xf32>
      %add3A_671 = arith.constant 6560 : i32
      %add3A_672 = arith.addi %add3A_671, %add3A_660 : i32
      %get3A_673 = arith.index_cast %add3A_672 : i32 to index
      %get3A_674 = tpu.vector_load %arg11[%get3A_673] {strides = array<i32>} : memref<19680xf32, #tpu.memory_space<vmem>>, vector<16xf32>,
      %get3A_675 = vector.shape_cast %get3A_674 : vector<16xf32> to vector<16xf32>
      %sub3A_676 = arith.subf %get3A_277, %get3A_675 : vector<16xf32>
      %mul3A_677 = arith.mulf %sub3A_676, %sub3A_676 : vector<16xf32>
      %add3A_678 = arith.addf %add3A_670, %mul3A_677 : vector<16xf32>
      %add3A_679 = arith.constant 13120 : i32
      %add3A_680 = arith.addi %add3A_679, %add3A_660 : i32
      %get3A_681 = arith.index_cast %add3A_680 : i32 to index
      %get3A_682 = tpu.vector_load %arg11[%get3A_681] {strides = array<i32>} : memref<19680xf32, #tpu.memory_space<vmem>>, vector<16xf32>,
      %get3A_683 = vector.shape_cast %get3A_682 : vector<16xf32> to vector<16xf32>
      %sub3A_684 = arith.subf %get3A_282, %get3A_683 : vector<16xf32>
      %mul3A_685 = arith.mulf %sub3A_684, %sub3A_684 : vector<16xf32>
      %add3A_686 = arith.addf %add3A_678, %mul3A_685 : vector<16xf32>
      %add3A_687 = arith.constant 0 : i32
      %add3A_688 = arith.addi %add3A_687, %add3A_660 : i32
      %get3A_689 = arith.index_cast %add3A_688 : i32 to index
      %get3A_690 = tpu.vector_load %arg12[%get3A_689] {strides = array<i32>} : memref<19680xf32, #tpu.memory_space<vmem>>, vector<16xf32>,
      %get3A_691 = vector.shape_cast %get3A_690 : vector<16xf32> to vector<16xf32>
      %sub3A_692 = arith.subf %get3A_287, %get3A_691 : vector<16xf32>
      %mul3A_693 = arith.mulf %sub3A_692, %sub3A_692 : vector<16xf32>
      %add3A_694 = arith.addf %add3A_686, %mul3A_693 : vector<16xf32>
      %add3A_695 = arith.constant 6560 : i32
      %add3A_696 = arith.addi %add3A_695, %add3A_660 : i32
      %get3A_697 = arith.index_cast %add3A_696 : i32 to index
      %get3A_698 = tpu.vector_load %arg12[%get3A_697] {strides = array<i32>} : memref<19680xf32, #tpu.memory_space<vmem>>, vector<16xf32>,
      %get3A_699 = vector.shape_cast %get3A_698 : vector<16xf32> to vector<16xf32>
      %sub3A_700 = arith.subf %get3A_292, %get3A_699 : vector<16xf32>
      %mul3A_701 = arith.mulf %sub3A_700, %sub3A_700 : vector<16xf32>
      %add3A_702 = arith.addf %add3A_694, %mul3A_701 : vector<16xf32>
      %add3A_703 = arith.constant 13120 : i32
      %add3A_704 = arith.addi %add3A_703, %add3A_660 : i32
      %get3A_705 = arith.index_cast %add3A_704 : i32 to index
      %get3A_706 = tpu.vector_load %arg12[%get3A_705] {strides = array<i32>} : memref<19680xf32, #tpu.memory_space<vmem>>, vector<16xf32>,
      %get3A_707 = vector.shape_cast %get3A_706 : vector<16xf32> to vector<16xf32>
      %sub3A_708 = arith.subf %get3A_297, %get3A_707 : vector<16xf32>
      %mul3A_709 = arith.mulf %sub3A_708, %sub3A_708 : vector<16xf32>
      %add3A_710 = arith.addf %add3A_702, %mul3A_709 : vector<16xf32>
      %neg3A_711 = arith.constant 0.000000e+00 : f32
      %neg3A_712 = vector.broadcast %neg3A_711 : f32 to vector<16xf32>
      %neg3A_713 = arith.subf %neg3A_712, %add3A_710 : vector<16xf32>
      %exp3A_714 = math.exp %neg3A_713 : vector<16xf32>
      %add3A_715 = arith.addf %add3A_656, %exp3A_714 : vector<16xf32>
      %add3A_716 = arith.constant 656 : i32
      %add3A_717 = arith.addi %add3A_302, %add3A_716 : i32
      %add3A_718 = arith.constant 2 : i32
      %add3A_719 = arith.addi %add3A_717, %add3A_718 : i32
      %broadcast_in_dim3A_720 = arith.constant 0.000000e+00 : f32
      %broadcast_in_dim3A_721 = vector.broadcast %broadcast_in_dim3A_720 : f32 to vector<16xf32>
      %add3A_722 = arith.constant 0 : i32
      %add3A_723 = arith.addi %add3A_722, %add3A_719 : i32
      %get3A_724 = arith.index_cast %add3A_723 : i32 to index
      %get3A_725 = tpu.vector_load %arg11[%get3A_724] {strides = array<i32>} : memref<19680xf32, #tpu.memory_space<vmem>>, vector<16xf32>,
      %get3A_726 = vector.shape_cast %get3A_725 : vector<16xf32> to vector<16xf32>
      %sub3A_727 = arith.subf %get3A_272, %get3A_726 : vector<16xf32>
      %mul3A_728 = arith.mulf %sub3A_727, %sub3A_727 : vector<16xf32>
      %add3A_729 = arith.addf %broadcast_in_dim3A_721, %mul3A_728 : vector<16xf32>
      %add3A_730 = arith.constant 6560 : i32
      %add3A_731 = arith.addi %add3A_730, %add3A_719 : i32
      %get3A_732 = arith.index_cast %add3A_731 : i32 to index
      %get3A_733 = tpu.vector_load %arg11[%get3A_732] {strides = array<i32>} : memref<19680xf32, #tpu.memory_space<vmem>>, vector<16xf32>,
      %get3A_734 = vector.shape_cast %get3A_733 : vector<16xf32> to vector<16xf32>
      %sub3A_735 = arith.subf %get3A_277, %get3A_734 : vector<16xf32>
      %mul3A_736 = arith.mulf %sub3A_735, %sub3A_735 : vector<16xf32>
      %add3A_737 = arith.addf %add3A_729, %mul3A_736 : vector<16xf32>
      %add3A_738 = arith.constant 13120 : i32
      %add3A_739 = arith.addi %add3A_738, %add3A_719 : i32
      %get3A_740 = arith.index_cast %add3A_739 : i32 to index
      %get3A_741 = tpu.vector_load %arg11[%get3A_740] {strides = array<i32>} : memref<19680xf32, #tpu.memory_space<vmem>>, vector<16xf32>,
      %get3A_742 = vector.shape_cast %get3A_741 : vector<16xf32> to vector<16xf32>
      %sub3A_743 = arith.subf %get3A_282, %get3A_742 : vector<16xf32>
      %mul3A_744 = arith.mulf %sub3A_743, %sub3A_743 : vector<16xf32>
      %add3A_745 = arith.addf %add3A_737, %mul3A_744 : vector<16xf32>
      %add3A_746 = arith.constant 0 : i32
      %add3A_747 = arith.addi %add3A_746, %add3A_719 : i32
      %get3A_748 = arith.index_cast %add3A_747 : i32 to index
      %get3A_749 = tpu.vector_load %arg12[%get3A_748] {strides = array<i32>} : memref<19680xf32, #tpu.memory_space<vmem>>, vector<16xf32>,
      %get3A_750 = vector.shape_cast %get3A_749 : vector<16xf32> to vector<16xf32>
      %sub3A_751 = arith.subf %get3A_287, %get3A_750 : vector<16xf32>
      %mul3A_752 = arith.mulf %sub3A_751, %sub3A_751 : vector<16xf32>
      %add3A_753 = arith.addf %add3A_745, %mul3A_752 : vector<16xf32>
      %add3A_754 = arith.constant 6560 : i32
      %add3A_755 = arith.addi %add3A_754, %add3A_719 : i32
      %get3A_756 = arith.index_cast %add3A_755 : i32 to index
      %get3A_757 = tpu.vector_load %arg12[%get3A_756] {strides = array<i32>} : memref<19680xf32, #tpu.memory_space<vmem>>, vector<16xf32>,
      %get3A_758 = vector.shape_cast %get3A_757 : vector<16xf32> to vector<16xf32>
      %sub3A_759 = arith.subf %get3A_292, %get3A_758 : vector<16xf32>
      %mul3A_760 = arith.mulf %sub3A_759, %sub3A_759 : vector<16xf32>
      %add3A_761 = arith.addf %add3A_753, %mul3A_760 : vector<16xf32>
      %add3A_762 = arith.constant 13120 : i32
      %add3A_763 = arith.addi %add3A_762, %add3A_719 : i32
      %get3A_764 = arith.index_cast %add3A_763 : i32 to index
      %get3A_765 = tpu.vector_load %arg12[%get3A_764] {strides = array<i32>} : memref<19680xf32, #tpu.memory_space<vmem>>, vector<16xf32>,
      %get3A_766 = vector.shape_cast %get3A_765 : vector<16xf32> to vector<16xf32>
      %sub3A_767 = arith.subf %get3A_297, %get3A_766 : vector<16xf32>
      %mul3A_768 = arith.mulf %sub3A_767, %sub3A_767 : vector<16xf32>
      %add3A_769 = arith.addf %add3A_761, %mul3A_768 : vector<16xf32>
      %neg3A_770 = arith.constant 0.000000e+00 : f32
      %neg3A_771 = vector.broadcast %neg3A_770 : f32 to vector<16xf32>
      %neg3A_772 = arith.subf %neg3A_771, %add3A_769 : vector<16xf32>
      %exp3A_773 = math.exp %neg3A_772 : vector<16xf32>
      %add3A_774 = arith.addf %add3A_715, %exp3A_773 : vector<16xf32>
      %add3A_775 = arith.constant 656 : i32
      %add3A_776 = arith.addi %add3A_302, %add3A_775 : i32
      %add3A_777 = arith.constant 3 : i32
      %add3A_778 = arith.addi %add3A_776, %add3A_777 : i32
      %broadcast_in_dim3A_779 = arith.constant 0.000000e+00 : f32
      %broadcast_in_dim3A_780 = vector.broadcast %broadcast_in_dim3A_779 : f32 to vector<16xf32>
      %add3A_781 = arith.constant 0 : i32
      %add3A_782 = arith.addi %add3A_781, %add3A_778 : i32
      %get3A_783 = arith.index_cast %add3A_782 : i32 to index
      %get3A_784 = tpu.vector_load %arg11[%get3A_783] {strides = array<i32>} : memref<19680xf32, #tpu.memory_space<vmem>>, vector<16xf32>,
      %get3A_785 = vector.shape_cast %get3A_784 : vector<16xf32> to vector<16xf32>
      %sub3A_786 = arith.subf %get3A_272, %get3A_785 : vector<16xf32>
      %mul3A_787 = arith.mulf %sub3A_786, %sub3A_786 : vector<16xf32>
      %add3A_788 = arith.addf %broadcast_in_dim3A_780, %mul3A_787 : vector<16xf32>
      %add3A_789 = arith.constant 6560 : i32
      %add3A_790 = arith.addi %add3A_789, %add3A_778 : i32
      %get3A_791 = arith.index_cast %add3A_790 : i32 to index
      %get3A_792 = tpu.vector_load %arg11[%get3A_791] {strides = array<i32>} : memref<19680xf32, #tpu.memory_space<vmem>>, vector<16xf32>,
      %get3A_793 = vector.shape_cast %get3A_792 : vector<16xf32> to vector<16xf32>
      %sub3A_794 = arith.subf %get3A_277, %get3A_793 : vector<16xf32>
      %mul3A_795 = arith.mulf %sub3A_794, %sub3A_794 : vector<16xf32>
      %add3A_796 = arith.addf %add3A_788, %mul3A_795 : vector<16xf32>
      %add3A_797 = arith.constant 13120 : i32
      %add3A_798 = arith.addi %add3A_797, %add3A_778 : i32
      %get3A_799 = arith.index_cast %add3A_798 : i32 to index
      %get3A_800 = tpu.vector_load %arg11[%get3A_799] {strides = array<i32>} : memref<19680xf32, #tpu.memory_space<vmem>>, vector<16xf32>,
      %get3A_801 = vector.shape_cast %get3A_800 : vector<16xf32> to vector<16xf32>
      %sub3A_802 = arith.subf %get3A_282, %get3A_801 : vector<16xf32>
      %mul3A_803 = arith.mulf %sub3A_802, %sub3A_802 : vector<16xf32>
      %add3A_804 = arith.addf %add3A_796, %mul3A_803 : vector<16xf32>
      %add3A_805 = arith.constant 0 : i32
      %add3A_806 = arith.addi %add3A_805, %add3A_778 : i32
      %get3A_807 = arith.index_cast %add3A_806 : i32 to index
      %get3A_808 = tpu.vector_load %arg12[%get3A_807] {strides = array<i32>} : memref<19680xf32, #tpu.memory_space<vmem>>, vector<16xf32>,
      %get3A_809 = vector.shape_cast %get3A_808 : vector<16xf32> to vector<16xf32>
      %sub3A_810 = arith.subf %get3A_287, %get3A_809 : vector<16xf32>
      %mul3A_811 = arith.mulf %sub3A_810, %sub3A_810 : vector<16xf32>
      %add3A_812 = arith.addf %add3A_804, %mul3A_811 : vector<16xf32>
      %add3A_813 = arith.constant 6560 : i32
      %add3A_814 = arith.addi %add3A_813, %add3A_778 : i32
      %get3A_815 = arith.index_cast %add3A_814 : i32 to index
      %get3A_816 = tpu.vector_load %arg12[%get3A_815] {strides = array<i32>} : memref<19680xf32, #tpu.memory_space<vmem>>, vector<16xf32>,
      %get3A_817 = vector.shape_cast %get3A_816 : vector<16xf32> to vector<16xf32>
      %sub3A_818 = arith.subf %get3A_292, %get3A_817 : vector<16xf32>
      %mul3A_819 = arith.mulf %sub3A_818, %sub3A_818 : vector<16xf32>
      %add3A_820 = arith.addf %add3A_812, %mul3A_819 : vector<16xf32>
      %add3A_821 = arith.constant 13120 : i32
      %add3A_822 = arith.addi %add3A_821, %add3A_778 : i32
      %get3A_823 = arith.index_cast %add3A_822 : i32 to index
      %get3A_824 = tpu.vector_load %arg12[%get3A_823] {strides = array<i32>} : memref<19680xf32, #tpu.memory_space<vmem>>, vector<16xf32>,
      %get3A_825 = vector.shape_cast %get3A_824 : vector<16xf32> to vector<16xf32>
      %sub3A_826 = arith.subf %get3A_297, %get3A_825 : vector<16xf32>
      %mul3A_827 = arith.mulf %sub3A_826, %sub3A_826 : vector<16xf32>
      %add3A_828 = arith.addf %add3A_820, %mul3A_827 : vector<16xf32>
      %neg3A_829 = arith.constant 0.000000e+00 : f32
      %neg3A_830 = vector.broadcast %neg3A_829 : f32 to vector<16xf32>
      %neg3A_831 = arith.subf %neg3A_830, %add3A_828 : vector<16xf32>
      %exp3A_832 = math.exp %neg3A_831 : vector<16xf32>
      %add3A_833 = arith.addf %add3A_774, %exp3A_832 : vector<16xf32>
      %add3A_834 = arith.constant 656 : i32
      %add3A_835 = arith.addi %add3A_302, %add3A_834 : i32
      %add3A_836 = arith.constant 4 : i32
      %add3A_837 = arith.addi %add3A_835, %add3A_836 : i32
      %broadcast_in_dim3A_838 = arith.constant 0.000000e+00 : f32
      %broadcast_in_dim3A_839 = vector.broadcast %broadcast_in_dim3A_838 : f32 to vector<16xf32>
      %add3A_840 = arith.constant 0 : i32
      %add3A_841 = arith.addi %add3A_840, %add3A_837 : i32
      %get3A_842 = arith.index_cast %add3A_841 : i32 to index
      %get3A_843 = tpu.vector_load %arg11[%get3A_842] {strides = array<i32>} : memref<19680xf32, #tpu.memory_space<vmem>>, vector<16xf32>,
      %get3A_844 = vector.shape_cast %get3A_843 : vector<16xf32> to vector<16xf32>
      %sub3A_845 = arith.subf %get3A_272, %get3A_844 : vector<16xf32>
      %mul3A_846 = arith.mulf %sub3A_845, %sub3A_845 : vector<16xf32>
      %add3A_847 = arith.addf %broadcast_in_dim3A_839, %mul3A_846 : vector<16xf32>
      %add3A_848 = arith.constant 6560 : i32
      %add3A_849 = arith.addi %add3A_848, %add3A_837 : i32
      %get3A_850 = arith.index_cast %add3A_849 : i32 to index
      %get3A_851 = tpu.vector_load %arg11[%get3A_850] {strides = array<i32>} : memref<19680xf32, #tpu.memory_space<vmem>>, vector<16xf32>,
      %get3A_852 = vector.shape_cast %get3A_851 : vector<16xf32> to vector<16xf32>
      %sub3A_853 = arith.subf %get3A_277, %get3A_852 : vector<16xf32>
      %mul3A_854 = arith.mulf %sub3A_853, %sub3A_853 : vector<16xf32>
      %add3A_855 = arith.addf %add3A_847, %mul3A_854 : vector<16xf32>
      %add3A_856 = arith.constant 13120 : i32
      %add3A_857 = arith.addi %add3A_856, %add3A_837 : i32
      %get3A_858 = arith.index_cast %add3A_857 : i32 to index
      %get3A_859 = tpu.vector_load %arg11[%get3A_858] {strides = array<i32>} : memref<19680xf32, #tpu.memory_space<vmem>>, vector<16xf32>,
      %get3A_860 = vector.shape_cast %get3A_859 : vector<16xf32> to vector<16xf32>
      %sub3A_861 = arith.subf %get3A_282, %get3A_860 : vector<16xf32>
      %mul3A_862 = arith.mulf %sub3A_861, %sub3A_861 : vector<16xf32>
      %add3A_863 = arith.addf %add3A_855, %mul3A_862 : vector<16xf32>
      %add3A_864 = arith.constant 0 : i32
      %add3A_865 = arith.addi %add3A_864, %add3A_837 : i32
      %get3A_866 = arith.index_cast %add3A_865 : i32 to index
      %get3A_867 = tpu.vector_load %arg12[%get3A_866] {strides = array<i32>} : memref<19680xf32, #tpu.memory_space<vmem>>, vector<16xf32>,
      %get3A_868 = vector.shape_cast %get3A_867 : vector<16xf32> to vector<16xf32>
      %sub3A_869 = arith.subf %get3A_287, %get3A_868 : vector<16xf32>
      %mul3A_870 = arith.mulf %sub3A_869, %sub3A_869 : vector<16xf32>
      %add3A_871 = arith.addf %add3A_863, %mul3A_870 : vector<16xf32>
      %add3A_872 = arith.constant 6560 : i32
      %add3A_873 = arith.addi %add3A_872, %add3A_837 : i32
      %get3A_874 = arith.index_cast %add3A_873 : i32 to index
      %get3A_875 = tpu.vector_load %arg12[%get3A_874] {strides = array<i32>} : memref<19680xf32, #tpu.memory_space<vmem>>, vector<16xf32>,
      %get3A_876 = vector.shape_cast %get3A_875 : vector<16xf32> to vector<16xf32>
      %sub3A_877 = arith.subf %get3A_292, %get3A_876 : vector<16xf32>
      %mul3A_878 = arith.mulf %sub3A_877, %sub3A_877 : vector<16xf32>
      %add3A_879 = arith.addf %add3A_871, %mul3A_878 : vector<16xf32>
      %add3A_880 = arith.constant 13120 : i32
      %add3A_881 = arith.addi %add3A_880, %add3A_837 : i32
      %get3A_882 = arith.index_cast %add3A_881 : i32 to index
      %get3A_883 = tpu.vector_load %arg12[%get3A_882] {strides = array<i32>} : memref<19680xf32, #tpu.memory_space<vmem>>, vector<16xf32>,
      %get3A_884 = vector.shape_cast %get3A_883 : vector<16xf32> to vector<16xf32>
      %sub3A_885 = arith.subf %get3A_297, %get3A_884 : vector<16xf32>
      %mul3A_886 = arith.mulf %sub3A_885, %sub3A_885 : vector<16xf32>
      %add3A_887 = arith.addf %add3A_879, %mul3A_886 : vector<16xf32>
      %neg3A_888 = arith.constant 0.000000e+00 : f32
      %neg3A_889 = vector.broadcast %neg3A_888 : f32 to vector<16xf32>
      %neg3A_890 = arith.subf %neg3A_889, %add3A_887 : vector<16xf32>
      %exp3A_891 = math.exp %neg3A_890 : vector<16xf32>
      %add3A_892 = arith.addf %add3A_833, %exp3A_891 : vector<16xf32>
      %add3A_893 = arith.constant 1312 : i32
      %add3A_894 = arith.addi %add3A_302, %add3A_893 : i32
      %add3A_895 = arith.constant 0 : i32
      %add3A_896 = arith.addi %add3A_894, %add3A_895 : i32
      %broadcast_in_dim3A_897 = arith.constant 0.000000e+00 : f32
      %broadcast_in_dim3A_898 = vector.broadcast %broadcast_in_dim3A_897 : f32 to vector<16xf32>
      %add3A_899 = arith.constant 0 : i32
      %add3A_900 = arith.addi %add3A_899, %add3A_896 : i32
      %get3A_901 = arith.index_cast %add3A_900 : i32 to index
      %get3A_902 = tpu.vector_load %arg11[%get3A_901] {strides = array<i32>} : memref<19680xf32, #tpu.memory_space<vmem>>, vector<16xf32>,
      %get3A_903 = vector.shape_cast %get3A_902 : vector<16xf32> to vector<16xf32>
      %sub3A_904 = arith.subf %get3A_272, %get3A_903 : vector<16xf32>
      %mul3A_905 = arith.mulf %sub3A_904, %sub3A_904 : vector<16xf32>
      %add3A_906 = arith.addf %broadcast_in_dim3A_898, %mul3A_905 : vector<16xf32>
      %add3A_907 = arith.constant 6560 : i32
      %add3A_908 = arith.addi %add3A_907, %add3A_896 : i32
      %get3A_909 = arith.index_cast %add3A_908 : i32 to index
      %get3A_910 = tpu.vector_load %arg11[%get3A_909] {strides = array<i32>} : memref<19680xf32, #tpu.memory_space<vmem>>, vector<16xf32>,
      %get3A_911 = vector.shape_cast %get3A_910 : vector<16xf32> to vector<16xf32>
      %sub3A_912 = arith.subf %get3A_277, %get3A_911 : vector<16xf32>
      %mul3A_913 = arith.mulf %sub3A_912, %sub3A_912 : vector<16xf32>
      %add3A_914 = arith.addf %add3A_906, %mul3A_913 : vector<16xf32>
      %add3A_915 = arith.constant 13120 : i32
      %add3A_916 = arith.addi %add3A_915, %add3A_896 : i32
      %get3A_917 = arith.index_cast %add3A_916 : i32 to index
      %get3A_918 = tpu.vector_load %arg11[%get3A_917] {strides = array<i32>} : memref<19680xf32, #tpu.memory_space<vmem>>, vector<16xf32>,
      %get3A_919 = vector.shape_cast %get3A_918 : vector<16xf32> to vector<16xf32>
      %sub3A_920 = arith.subf %get3A_282, %get3A_919 : vector<16xf32>
      %mul3A_921 = arith.mulf %sub3A_920, %sub3A_920 : vector<16xf32>
      %add3A_922 = arith.addf %add3A_914, %mul3A_921 : vector<16xf32>
      %add3A_923 = arith.constant 0 : i32
      %add3A_924 = arith.addi %add3A_923, %add3A_896 : i32
      %get3A_925 = arith.index_cast %add3A_924 : i32 to index
      %get3A_926 = tpu.vector_load %arg12[%get3A_925] {strides = array<i32>} : memref<19680xf32, #tpu.memory_space<vmem>>, vector<16xf32>,
      %get3A_927 = vector.shape_cast %get3A_926 : vector<16xf32> to vector<16xf32>
      %sub3A_928 = arith.subf %get3A_287, %get3A_927 : vector<16xf32>
      %mul3A_929 = arith.mulf %sub3A_928, %sub3A_928 : vector<16xf32>
      %add3A_930 = arith.addf %add3A_922, %mul3A_929 : vector<16xf32>
      %add3A_931 = arith.constant 6560 : i32
      %add3A_932 = arith.addi %add3A_931, %add3A_896 : i32
      %get3A_933 = arith.index_cast %add3A_932 : i32 to index
      %get3A_934 = tpu.vector_load %arg12[%get3A_933] {strides = array<i32>} : memref<19680xf32, #tpu.memory_space<vmem>>, vector<16xf32>,
      %get3A_935 = vector.shape_cast %get3A_934 : vector<16xf32> to vector<16xf32>
      %sub3A_936 = arith.subf %get3A_292, %get3A_935 : vector<16xf32>
      %mul3A_937 = arith.mulf %sub3A_936, %sub3A_936 : vector<16xf32>
      %add3A_938 = arith.addf %add3A_930, %mul3A_937 : vector<16xf32>
      %add3A_939 = arith.constant 13120 : i32
      %add3A_940 = arith.addi %add3A_939, %add3A_896 : i32
      %get3A_941 = arith.index_cast %add3A_940 : i32 to index
      %get3A_942 = tpu.vector_load %arg12[%get3A_941] {strides = array<i32>} : memref<19680xf32, #tpu.memory_space<vmem>>, vector<16xf32>,
      %get3A_943 = vector.shape_cast %get3A_942 : vector<16xf32> to vector<16xf32>
      %sub3A_944 = arith.subf %get3A_297, %get3A_943 : vector<16xf32>
      %mul3A_945 = arith.mulf %sub3A_944, %sub3A_944 : vector<16xf32>
      %add3A_946 = arith.addf %add3A_938, %mul3A_945 : vector<16xf32>
      %neg3A_947 = arith.constant 0.000000e+00 : f32
      %neg3A_948 = vector.broadcast %neg3A_947 : f32 to vector<16xf32>
      %neg3A_949 = arith.subf %neg3A_948, %add3A_946 : vector<16xf32>
      %exp3A_950 = math.exp %neg3A_949 : vector<16xf32>
      %add3A_951 = arith.addf %add3A_892, %exp3A_950 : vector<16xf32>
      %add3A_952 = arith.constant 1312 : i32
      %add3A_953 = arith.addi %add3A_302, %add3A_952 : i32
      %add3A_954 = arith.constant 1 : i32
      %add3A_955 = arith.addi %add3A_953, %add3A_954 : i32
      %broadcast_in_dim3A_956 = arith.constant 0.000000e+00 : f32
      %broadcast_in_dim3A_957 = vector.broadcast %broadcast_in_dim3A_956 : f32 to vector<16xf32>
      %add3A_958 = arith.constant 0 : i32
      %add3A_959 = arith.addi %add3A_958, %add3A_955 : i32
      %get3A_960 = arith.index_cast %add3A_959 : i32 to index
      %get3A_961 = tpu.vector_load %arg11[%get3A_960] {strides = array<i32>} : memref<19680xf32, #tpu.memory_space<vmem>>, vector<16xf32>,
      %get3A_962 = vector.shape_cast %get3A_961 : vector<16xf32> to vector<16xf32>
      %sub3A_963 = arith.subf %get3A_272, %get3A_962 : vector<16xf32>
      %mul3A_964 = arith.mulf %sub3A_963, %sub3A_963 : vector<16xf32>
      %add3A_965 = arith.addf %broadcast_in_dim3A_957, %mul3A_964 : vector<16xf32>
      %add3A_966 = arith.constant 6560 : i32
      %add3A_967 = arith.addi %add3A_966, %add3A_955 : i32
      %get3A_968 = arith.index_cast %add3A_967 : i32 to index
      %get3A_969 = tpu.vector_load %arg11[%get3A_968] {strides = array<i32>} : memref<19680xf32, #tpu.memory_space<vmem>>, vector<16xf32>,
      %get3A_970 = vector.shape_cast %get3A_969 : vector<16xf32> to vector<16xf32>
      %sub3A_971 = arith.subf %get3A_277, %get3A_970 : vector<16xf32>
      %mul3A_972 = arith.mulf %sub3A_971, %sub3A_971 : vector<16xf32>
      %add3A_973 = arith.addf %add3A_965, %mul3A_972 : vector<16xf32>
      %add3A_974 = arith.constant 13120 : i32
      %add3A_975 = arith.addi %add3A_974, %add3A_955 : i32
      %get3A_976 = arith.index_cast %add3A_975 : i32 to index
      %get3A_977 = tpu.vector_load %arg11[%get3A_976] {strides = array<i32>} : memref<19680xf32, #tpu.memory_space<vmem>>, vector<16xf32>,
      %get3A_978 = vector.shape_cast %get3A_977 : vector<16xf32> to vector<16xf32>
      %sub3A_979 = arith.subf %get3A_282, %get3A_978 : vector<16xf32>
      %mul3A_980 = arith.mulf %sub3A_979, %sub3A_979 : vector<16xf32>
      %add3A_981 = arith.addf %add3A_973, %mul3A_980 : vector<16xf32>
      %add3A_982 = arith.constant 0 : i32
      %add3A_983 = arith.addi %add3A_982, %add3A_955 : i32
      %get3A_984 = arith.index_cast %add3A_983 : i32 to index
      %get3A_985 = tpu.vector_load %arg12[%get3A_984] {strides = array<i32>} : memref<19680xf32, #tpu.memory_space<vmem>>, vector<16xf32>,
      %get3A_986 = vector.shape_cast %get3A_985 : vector<16xf32> to vector<16xf32>
      %sub3A_987 = arith.subf %get3A_287, %get3A_986 : vector<16xf32>
      %mul3A_988 = arith.mulf %sub3A_987, %sub3A_987 : vector<16xf32>
      %add3A_989 = arith.addf %add3A_981, %mul3A_988 : vector<16xf32>
      %add3A_990 = arith.constant 6560 : i32
      %add3A_991 = arith.addi %add3A_990, %add3A_955 : i32
      %get3A_992 = arith.index_cast %add3A_991 : i32 to index
      %get3A_993 = tpu.vector_load %arg12[%get3A_992] {strides = array<i32>} : memref<19680xf32, #tpu.memory_space<vmem>>, vector<16xf32>,
      %get3A_994 = vector.shape_cast %get3A_993 : vector<16xf32> to vector<16xf32>
      %sub3A_995 = arith.subf %get3A_292, %get3A_994 : vector<16xf32>
      %mul3A_996 = arith.mulf %sub3A_995, %sub3A_995 : vector<16xf32>
      %add3A_997 = arith.addf %add3A_989, %mul3A_996 : vector<16xf32>
      %add3A_998 = arith.constant 13120 : i32
      %add3A_999 = arith.addi %add3A_998, %add3A_955 : i32
      %get3A_1000 = arith.index_cast %add3A_999 : i32 to index
      %get3A_1001 = tpu.vector_load %arg12[%get3A_1000] {strides = array<i32>} : memref<19680xf32, #tpu.memory_space<vmem>>, vector<16xf32>,
      %get3A_1002 = vector.shape_cast %get3A_1001 : vector<16xf32> to vector<16xf32>
      %sub3A_1003 = arith.subf %get3A_297, %get3A_1002 : vector<16xf32>
      %mul3A_1004 = arith.mulf %sub3A_1003, %sub3A_1003 : vector<16xf32>
      %add3A_1005 = arith.addf %add3A_997, %mul3A_1004 : vector<16xf32>
      %neg3A_1006 = arith.constant 0.000000e+00 : f32
      %neg3A_1007 = vector.broadcast %neg3A_1006 : f32 to vector<16xf32>
      %neg3A_1008 = arith.subf %neg3A_1007, %add3A_1005 : vector<16xf32>
      %exp3A_1009 = math.exp %neg3A_1008 : vector<16xf32>
      %add3A_1010 = arith.addf %add3A_951, %exp3A_1009 : vector<16xf32>
      %add3A_1011 = arith.constant 1312 : i32
      %add3A_1012 = arith.addi %add3A_302, %add3A_1011 : i32
      %add3A_1013 = arith.constant 2 : i32
      %add3A_1014 = arith.addi %add3A_1012, %add3A_1013 : i32
      %broadcast_in_dim3A_1015 = arith.constant 0.000000e+00 : f32
      %broadcast_in_dim3A_1016 = vector.broadcast %broadcast_in_dim3A_1015 : f32 to vector<16xf32>
      %add3A_1017 = arith.constant 0 : i32
      %add3A_1018 = arith.addi %add3A_1017, %add3A_1014 : i32
      %get3A_1019 = arith.index_cast %add3A_1018 : i32 to index
      %get3A_1020 = tpu.vector_load %arg11[%get3A_1019] {strides = array<i32>} : memref<19680xf32, #tpu.memory_space<vmem>>, vector<16xf32>,
      %get3A_1021 = vector.shape_cast %get3A_1020 : vector<16xf32> to vector<16xf32>
      %sub3A_1022 = arith.subf %get3A_272, %get3A_1021 : vector<16xf32>
      %mul3A_1023 = arith.mulf %sub3A_1022, %sub3A_1022 : vector<16xf32>
      %add3A_1024 = arith.addf %broadcast_in_dim3A_1016, %mul3A_1023 : vector<16xf32>
      %add3A_1025 = arith.constant 6560 : i32
      %add3A_1026 = arith.addi %add3A_1025, %add3A_1014 : i32
      %get3A_1027 = arith.index_cast %add3A_1026 : i32 to index
      %get3A_1028 = tpu.vector_load %arg11[%get3A_1027] {strides = array<i32>} : memref<19680xf32, #tpu.memory_space<vmem>>, vector<16xf32>,
      %get3A_1029 = vector.shape_cast %get3A_1028 : vector<16xf32> to vector<16xf32>
      %sub3A_1030 = arith.subf %get3A_277, %get3A_1029 : vector<16xf32>
      %mul3A_1031 = arith.mulf %sub3A_1030, %sub3A_1030 : vector<16xf32>
      %add3A_1032 = arith.addf %add3A_1024, %mul3A_1031 : vector<16xf32>
      %add3A_1033 = arith.constant 13120 : i32
      %add3A_1034 = arith.addi %add3A_1033, %add3A_1014 : i32
      %get3A_1035 = arith.index_cast %add3A_1034 : i32 to index
      %get3A_1036 = tpu.vector_load %arg11[%get3A_1035] {strides = array<i32>} : memref<19680xf32, #tpu.memory_space<vmem>>, vector<16xf32>,
      %get3A_1037 = vector.shape_cast %get3A_1036 : vector<16xf32> to vector<16xf32>
      %sub3A_1038 = arith.subf %get3A_282, %get3A_1037 : vector<16xf32>
      %mul3A_1039 = arith.mulf %sub3A_1038, %sub3A_1038 : vector<16xf32>
      %add3A_1040 = arith.addf %add3A_1032, %mul3A_1039 : vector<16xf32>
      %add3A_1041 = arith.constant 0 : i32
      %add3A_1042 = arith.addi %add3A_1041, %add3A_1014 : i32
      %get3A_1043 = arith.index_cast %add3A_1042 : i32 to index
      %get3A_1044 = tpu.vector_load %arg12[%get3A_1043] {strides = array<i32>} : memref<19680xf32, #tpu.memory_space<vmem>>, vector<16xf32>,
      %get3A_1045 = vector.shape_cast %get3A_1044 : vector<16xf32> to vector<16xf32>
      %sub3A_1046 = arith.subf %get3A_287, %get3A_1045 : vector<16xf32>
      %mul3A_1047 = arith.mulf %sub3A_1046, %sub3A_1046 : vector<16xf32>
      %add3A_1048 = arith.addf %add3A_1040, %mul3A_1047 : vector<16xf32>
      %add3A_1049 = arith.constant 6560 : i32
      %add3A_1050 = arith.addi %add3A_1049, %add3A_1014 : i32
      %get3A_1051 = arith.index_cast %add3A_1050 : i32 to index
      %get3A_1052 = tpu.vector_load %arg12[%get3A_1051] {strides = array<i32>} : memref<19680xf32, #tpu.memory_space<vmem>>, vector<16xf32>,
      %get3A_1053 = vector.shape_cast %get3A_1052 : vector<16xf32> to vector<16xf32>
      %sub3A_1054 = arith.subf %get3A_292, %get3A_1053 : vector<16xf32>
      %mul3A_1055 = arith.mulf %sub3A_1054, %sub3A_1054 : vector<16xf32>
      %add3A_1056 = arith.addf %add3A_1048, %mul3A_1055 : vector<16xf32>
      %add3A_1057 = arith.constant 13120 : i32
      %add3A_1058 = arith.addi %add3A_1057, %add3A_1014 : i32
      %get3A_1059 = arith.index_cast %add3A_1058 : i32 to index
      %get3A_1060 = tpu.vector_load %arg12[%get3A_1059] {strides = array<i32>} : memref<19680xf32, #tpu.memory_space<vmem>>, vector<16xf32>,
      %get3A_1061 = vector.shape_cast %get3A_1060 : vector<16xf32> to vector<16xf32>
      %sub3A_1062 = arith.subf %get3A_297, %get3A_1061 : vector<16xf32>
      %mul3A_1063 = arith.mulf %sub3A_1062, %sub3A_1062 : vector<16xf32>
      %add3A_1064 = arith.addf %add3A_1056, %mul3A_1063 : vector<16xf32>
      %neg3A_1065 = arith.constant 0.000000e+00 : f32
      %neg3A_1066 = vector.broadcast %neg3A_1065 : f32 to vector<16xf32>
      %neg3A_1067 = arith.subf %neg3A_1066, %add3A_1064 : vector<16xf32>
      %exp3A_1068 = math.exp %neg3A_1067 : vector<16xf32>
      %add3A_1069 = arith.addf %add3A_1010, %exp3A_1068 : vector<16xf32>
      %add3A_1070 = arith.constant 1312 : i32
      %add3A_1071 = arith.addi %add3A_302, %add3A_1070 : i32
      %add3A_1072 = arith.constant 3 : i32
      %add3A_1073 = arith.addi %add3A_1071, %add3A_1072 : i32
      %broadcast_in_dim3A_1074 = arith.constant 0.000000e+00 : f32
      %broadcast_in_dim3A_1075 = vector.broadcast %broadcast_in_dim3A_1074 : f32 to vector<16xf32>
      %add3A_1076 = arith.constant 0 : i32
      %add3A_1077 = arith.addi %add3A_1076, %add3A_1073 : i32
      %get3A_1078 = arith.index_cast %add3A_1077 : i32 to index
      %get3A_1079 = tpu.vector_load %arg11[%get3A_1078] {strides = array<i32>} : memref<19680xf32, #tpu.memory_space<vmem>>, vector<16xf32>,
      %get3A_1080 = vector.shape_cast %get3A_1079 : vector<16xf32> to vector<16xf32>
      %sub3A_1081 = arith.subf %get3A_272, %get3A_1080 : vector<16xf32>
      %mul3A_1082 = arith.mulf %sub3A_1081, %sub3A_1081 : vector<16xf32>
      %add3A_1083 = arith.addf %broadcast_in_dim3A_1075, %mul3A_1082 : vector<16xf32>
      %add3A_1084 = arith.constant 6560 : i32
      %add3A_1085 = arith.addi %add3A_1084, %add3A_1073 : i32
      %get3A_1086 = arith.index_cast %add3A_1085 : i32 to index
      %get3A_1087 = tpu.vector_load %arg11[%get3A_1086] {strides = array<i32>} : memref<19680xf32, #tpu.memory_space<vmem>>, vector<16xf32>,
      %get3A_1088 = vector.shape_cast %get3A_1087 : vector<16xf32> to vector<16xf32>
      %sub3A_1089 = arith.subf %get3A_277, %get3A_1088 : vector<16xf32>
      %mul3A_1090 = arith.mulf %sub3A_1089, %sub3A_1089 : vector<16xf32>
      %add3A_1091 = arith.addf %add3A_1083, %mul3A_1090 : vector<16xf32>
      %add3A_1092 = arith.constant 13120 : i32
      %add3A_1093 = arith.addi %add3A_1092, %add3A_1073 : i32
      %get3A_1094 = arith.index_cast %add3A_1093 : i32 to index
      %get3A_1095 = tpu.vector_load %arg11[%get3A_1094] {strides = array<i32>} : memref<19680xf32, #tpu.memory_space<vmem>>, vector<16xf32>,
      %get3A_1096 = vector.shape_cast %get3A_1095 : vector<16xf32> to vector<16xf32>
      %sub3A_1097 = arith.subf %get3A_282, %get3A_1096 : vector<16xf32>
      %mul3A_1098 = arith.mulf %sub3A_1097, %sub3A_1097 : vector<16xf32>
      %add3A_1099 = arith.addf %add3A_1091, %mul3A_1098 : vector<16xf32>
      %add3A_1100 = arith.constant 0 : i32
      %add3A_1101 = arith.addi %add3A_1100, %add3A_1073 : i32
      %get3A_1102 = arith.index_cast %add3A_1101 : i32 to index
      %get3A_1103 = tpu.vector_load %arg12[%get3A_1102] {strides = array<i32>} : memref<19680xf32, #tpu.memory_space<vmem>>, vector<16xf32>,
      %get3A_1104 = vector.shape_cast %get3A_1103 : vector<16xf32> to vector<16xf32>
      %sub3A_1105 = arith.subf %get3A_287, %get3A_1104 : vector<16xf32>
      %mul3A_1106 = arith.mulf %sub3A_1105, %sub3A_1105 : vector<16xf32>
      %add3A_1107 = arith.addf %add3A_1099, %mul3A_1106 : vector<16xf32>
      %add3A_1108 = arith.constant 6560 : i32
      %add3A_1109 = arith.addi %add3A_1108, %add3A_1073 : i32
      %get3A_1110 = arith.index_cast %add3A_1109 : i32 to index
      %get3A_1111 = tpu.vector_load %arg12[%get3A_1110] {strides = array<i32>} : memref<19680xf32, #tpu.memory_space<vmem>>, vector<16xf32>,
      %get3A_1112 = vector.shape_cast %get3A_1111 : vector<16xf32> to vector<16xf32>
      %sub3A_1113 = arith.subf %get3A_292, %get3A_1112 : vector<16xf32>
      %mul3A_1114 = arith.mulf %sub3A_1113, %sub3A_1113 : vector<16xf32>
      %add3A_1115 = arith.addf %add3A_1107, %mul3A_1114 : vector<16xf32>
      %add3A_1116 = arith.constant 13120 : i32
      %add3A_1117 = arith.addi %add3A_1116, %add3A_1073 : i32
      %get3A_1118 = arith.index_cast %add3A_1117 : i32 to index
      %get3A_1119 = tpu.vector_load %arg12[%get3A_1118] {strides = array<i32>} : memref<19680xf32, #tpu.memory_space<vmem>>, vector<16xf32>,
      %get3A_1120 = vector.shape_cast %get3A_1119 : vector<16xf32> to vector<16xf32>
      %sub3A_1121 = arith.subf %get3A_297, %get3A_1120 : vector<16xf32>
      %mul3A_1122 = arith.mulf %sub3A_1121, %sub3A_1121 : vector<16xf32>
      %add3A_1123 = arith.addf %add3A_1115, %mul3A_1122 : vector<16xf32>
      %neg3A_1124 = arith.constant 0.000000e+00 : f32
      %neg3A_1125 = vector.broadcast %neg3A_1124 : f32 to vector<16xf32>
      %neg3A_1126 = arith.subf %neg3A_1125, %add3A_1123 : vector<16xf32>
      %exp3A_1127 = math.exp %neg3A_1126 : vector<16xf32>
      %add3A_1128 = arith.addf %add3A_1069, %exp3A_1127 : vector<16xf32>
      %add3A_1129 = arith.constant 1312 : i32
      %add3A_1130 = arith.addi %add3A_302, %add3A_1129 : i32
      %add3A_1131 = arith.constant 4 : i32
      %add3A_1132 = arith.addi %add3A_1130, %add3A_1131 : i32
      %broadcast_in_dim3A_1133 = arith.constant 0.000000e+00 : f32
      %broadcast_in_dim3A_1134 = vector.broadcast %broadcast_in_dim3A_1133 : f32 to vector<16xf32>
      %add3A_1135 = arith.constant 0 : i32
      %add3A_1136 = arith.addi %add3A_1135, %add3A_1132 : i32
      %get3A_1137 = arith.index_cast %add3A_1136 : i32 to index
      %get3A_1138 = tpu.vector_load %arg11[%get3A_1137] {strides = array<i32>} : memref<19680xf32, #tpu.memory_space<vmem>>, vector<16xf32>,
      %get3A_1139 = vector.shape_cast %get3A_1138 : vector<16xf32> to vector<16xf32>
      %sub3A_1140 = arith.subf %get3A_272, %get3A_1139 : vector<16xf32>
      %mul3A_1141 = arith.mulf %sub3A_1140, %sub3A_1140 : vector<16xf32>
      %add3A_1142 = arith.addf %broadcast_in_dim3A_1134, %mul3A_1141 : vector<16xf32>
      %add3A_1143 = arith.constant 6560 : i32
      %add3A_1144 = arith.addi %add3A_1143, %add3A_1132 : i32
      %get3A_1145 = arith.index_cast %add3A_1144 : i32 to index
      %get3A_1146 = tpu.vector_load %arg11[%get3A_1145] {strides = array<i32>} : memref<19680xf32, #tpu.memory_space<vmem>>, vector<16xf32>,
      %get3A_1147 = vector.shape_cast %get3A_1146 : vector<16xf32> to vector<16xf32>
      %sub3A_1148 = arith.subf %get3A_277, %get3A_1147 : vector<16xf32>
      %mul3A_1149 = arith.mulf %sub3A_1148, %sub3A_1148 : vector<16xf32>
      %add3A_1150 = arith.addf %add3A_1142, %mul3A_1149 : vector<16xf32>
      %add3A_1151 = arith.constant 13120 : i32
      %add3A_1152 = arith.addi %add3A_1151, %add3A_1132 : i32
      %get3A_1153 = arith.index_cast %add3A_1152 : i32 to index
      %get3A_1154 = tpu.vector_load %arg11[%get3A_1153] {strides = array<i32>} : memref<19680xf32, #tpu.memory_space<vmem>>, vector<16xf32>,
      %get3A_1155 = vector.shape_cast %get3A_1154 : vector<16xf32> to vector<16xf32>
      %sub3A_1156 = arith.subf %get3A_282, %get3A_1155 : vector<16xf32>
      %mul3A_1157 = arith.mulf %sub3A_1156, %sub3A_1156 : vector<16xf32>
      %add3A_1158 = arith.addf %add3A_1150, %mul3A_1157 : vector<16xf32>
      %add3A_1159 = arith.constant 0 : i32
      %add3A_1160 = arith.addi %add3A_1159, %add3A_1132 : i32
      %get3A_1161 = arith.index_cast %add3A_1160 : i32 to index
      %get3A_1162 = tpu.vector_load %arg12[%get3A_1161] {strides = array<i32>} : memref<19680xf32, #tpu.memory_space<vmem>>, vector<16xf32>,
      %get3A_1163 = vector.shape_cast %get3A_1162 : vector<16xf32> to vector<16xf32>
      %sub3A_1164 = arith.subf %get3A_287, %get3A_1163 : vector<16xf32>
      %mul3A_1165 = arith.mulf %sub3A_1164, %sub3A_1164 : vector<16xf32>
      %add3A_1166 = arith.addf %add3A_1158, %mul3A_1165 : vector<16xf32>
      %add3A_1167 = arith.constant 6560 : i32
      %add3A_1168 = arith.addi %add3A_1167, %add3A_1132 : i32
      %get3A_1169 = arith.index_cast %add3A_1168 : i32 to index
      %get3A_1170 = tpu.vector_load %arg12[%get3A_1169] {strides = array<i32>} : memref<19680xf32, #tpu.memory_space<vmem>>, vector<16xf32>,
      %get3A_1171 = vector.shape_cast %get3A_1170 : vector<16xf32> to vector<16xf32>
      %sub3A_1172 = arith.subf %get3A_292, %get3A_1171 : vector<16xf32>
      %mul3A_1173 = arith.mulf %sub3A_1172, %sub3A_1172 : vector<16xf32>
      %add3A_1174 = arith.addf %add3A_1166, %mul3A_1173 : vector<16xf32>
      %add3A_1175 = arith.constant 13120 : i32
      %add3A_1176 = arith.addi %add3A_1175, %add3A_1132 : i32
      %get3A_1177 = arith.index_cast %add3A_1176 : i32 to index
      %get3A_1178 = tpu.vector_load %arg12[%get3A_1177] {strides = array<i32>} : memref<19680xf32, #tpu.memory_space<vmem>>, vector<16xf32>,
      %get3A_1179 = vector.shape_cast %get3A_1178 : vector<16xf32> to vector<16xf32>
      %sub3A_1180 = arith.subf %get3A_297, %get3A_1179 : vector<16xf32>
      %mul3A_1181 = arith.mulf %sub3A_1180, %sub3A_1180 : vector<16xf32>
      %add3A_1182 = arith.addf %add3A_1174, %mul3A_1181 : vector<16xf32>
      %neg3A_1183 = arith.constant 0.000000e+00 : f32
      %neg3A_1184 = vector.broadcast %neg3A_1183 : f32 to vector<16xf32>
      %neg3A_1185 = arith.subf %neg3A_1184, %add3A_1182 : vector<16xf32>
      %exp3A_1186 = math.exp %neg3A_1185 : vector<16xf32>
      %add3A_1187 = arith.addf %add3A_1128, %exp3A_1186 : vector<16xf32>
      %add3A_1188 = arith.constant 1968 : i32
      %add3A_1189 = arith.addi %add3A_302, %add3A_1188 : i32
      %add3A_1190 = arith.constant 0 : i32
      %add3A_1191 = arith.addi %add3A_1189, %add3A_1190 : i32
      %broadcast_in_dim3A_1192 = arith.constant 0.000000e+00 : f32
      %broadcast_in_dim3A_1193 = vector.broadcast %broadcast_in_dim3A_1192 : f32 to vector<16xf32>
      %add3A_1194 = arith.constant 0 : i32
      %add3A_1195 = arith.addi %add3A_1194, %add3A_1191 : i32
      %get3A_1196 = arith.index_cast %add3A_1195 : i32 to index
      %get3A_1197 = tpu.vector_load %arg11[%get3A_1196] {strides = array<i32>} : memref<19680xf32, #tpu.memory_space<vmem>>, vector<16xf32>,
      %get3A_1198 = vector.shape_cast %get3A_1197 : vector<16xf32> to vector<16xf32>
      %sub3A_1199 = arith.subf %get3A_272, %get3A_1198 : vector<16xf32>
      %mul3A_1200 = arith.mulf %sub3A_1199, %sub3A_1199 : vector<16xf32>
      %add3A_1201 = arith.addf %broadcast_in_dim3A_1193, %mul3A_1200 : vector<16xf32>
      %add3A_1202 = arith.constant 6560 : i32
      %add3A_1203 = arith.addi %add3A_1202, %add3A_1191 : i32
      %get3A_1204 = arith.index_cast %add3A_1203 : i32 to index
      %get3A_1205 = tpu.vector_load %arg11[%get3A_1204] {strides = array<i32>} : memref<19680xf32, #tpu.memory_space<vmem>>, vector<16xf32>,
      %get3A_1206 = vector.shape_cast %get3A_1205 : vector<16xf32> to vector<16xf32>
      %sub3A_1207 = arith.subf %get3A_277, %get3A_1206 : vector<16xf32>
      %mul3A_1208 = arith.mulf %sub3A_1207, %sub3A_1207 : vector<16xf32>
      %add3A_1209 = arith.addf %add3A_1201, %mul3A_1208 : vector<16xf32>
      %add3A_1210 = arith.constant 13120 : i32
      %add3A_1211 = arith.addi %add3A_1210, %add3A_1191 : i32
      %get3A_1212 = arith.index_cast %add3A_1211 : i32 to index
      %get3A_1213 = tpu.vector_load %arg11[%get3A_1212] {strides = array<i32>} : memref<19680xf32, #tpu.memory_space<vmem>>, vector<16xf32>,
      %get3A_1214 = vector.shape_cast %get3A_1213 : vector<16xf32> to vector<16xf32>
      %sub3A_1215 = arith.subf %get3A_282, %get3A_1214 : vector<16xf32>
      %mul3A_1216 = arith.mulf %sub3A_1215, %sub3A_1215 : vector<16xf32>
      %add3A_1217 = arith.addf %add3A_1209, %mul3A_1216 : vector<16xf32>
      %add3A_1218 = arith.constant 0 : i32
      %add3A_1219 = arith.addi %add3A_1218, %add3A_1191 : i32
      %get3A_1220 = arith.index_cast %add3A_1219 : i32 to index
      %get3A_1221 = tpu.vector_load %arg12[%get3A_1220] {strides = array<i32>} : memref<19680xf32, #tpu.memory_space<vmem>>, vector<16xf32>,
      %get3A_1222 = vector.shape_cast %get3A_1221 : vector<16xf32> to vector<16xf32>
      %sub3A_1223 = arith.subf %get3A_287, %get3A_1222 : vector<16xf32>
      %mul3A_1224 = arith.mulf %sub3A_1223, %sub3A_1223 : vector<16xf32>
      %add3A_1225 = arith.addf %add3A_1217, %mul3A_1224 : vector<16xf32>
      %add3A_1226 = arith.constant 6560 : i32
      %add3A_1227 = arith.addi %add3A_1226, %add3A_1191 : i32
      %get3A_1228 = arith.index_cast %add3A_1227 : i32 to index
      %get3A_1229 = tpu.vector_load %arg12[%get3A_1228] {strides = array<i32>} : memref<19680xf32, #tpu.memory_space<vmem>>, vector<16xf32>,
      %get3A_1230 = vector.shape_cast %get3A_1229 : vector<16xf32> to vector<16xf32>
      %sub3A_1231 = arith.subf %get3A_292, %get3A_1230 : vector<16xf32>
      %mul3A_1232 = arith.mulf %sub3A_1231, %sub3A_1231 : vector<16xf32>
      %add3A_1233 = arith.addf %add3A_1225, %mul3A_1232 : vector<16xf32>
      %add3A_1234 = arith.constant 13120 : i32
      %add3A_1235 = arith.addi %add3A_1234, %add3A_1191 : i32
      %get3A_1236 = arith.index_cast %add3A_1235 : i32 to index
      %get3A_1237 = tpu.vector_load %arg12[%get3A_1236] {strides = array<i32>} : memref<19680xf32, #tpu.memory_space<vmem>>, vector<16xf32>,
      %get3A_1238 = vector.shape_cast %get3A_1237 : vector<16xf32> to vector<16xf32>
      %sub3A_1239 = arith.subf %get3A_297, %get3A_1238 : vector<16xf32>
      %mul3A_1240 = arith.mulf %sub3A_1239, %sub3A_1239 : vector<16xf32>
      %add3A_1241 = arith.addf %add3A_1233, %mul3A_1240 : vector<16xf32>
      %neg3A_1242 = arith.constant 0.000000e+00 : f32
      %neg3A_1243 = vector.broadcast %neg3A_1242 : f32 to vector<16xf32>
      %neg3A_1244 = arith.subf %neg3A_1243, %add3A_1241 : vector<16xf32>
      %exp3A_1245 = math.exp %neg3A_1244 : vector<16xf32>
      %add3A_1246 = arith.addf %add3A_1187, %exp3A_1245 : vector<16xf32>
      %add3A_1247 = arith.constant 1968 : i32
      %add3A_1248 = arith.addi %add3A_302, %add3A_1247 : i32
      %add3A_1249 = arith.constant 1 : i32
      %add3A_1250 = arith.addi %add3A_1248, %add3A_1249 : i32
      %broadcast_in_dim3A_1251 = arith.constant 0.000000e+00 : f32
      %broadcast_in_dim3A_1252 = vector.broadcast %broadcast_in_dim3A_1251 : f32 to vector<16xf32>
      %add3A_1253 = arith.constant 0 : i32
      %add3A_1254 = arith.addi %add3A_1253, %add3A_1250 : i32
      %get3A_1255 = arith.index_cast %add3A_1254 : i32 to index
      %get3A_1256 = tpu.vector_load %arg11[%get3A_1255] {strides = array<i32>} : memref<19680xf32, #tpu.memory_space<vmem>>, vector<16xf32>,
      %get3A_1257 = vector.shape_cast %get3A_1256 : vector<16xf32> to vector<16xf32>
      %sub3A_1258 = arith.subf %get3A_272, %get3A_1257 : vector<16xf32>
      %mul3A_1259 = arith.mulf %sub3A_1258, %sub3A_1258 : vector<16xf32>
      %add3A_1260 = arith.addf %broadcast_in_dim3A_1252, %mul3A_1259 : vector<16xf32>
      %add3A_1261 = arith.constant 6560 : i32
      %add3A_1262 = arith.addi %add3A_1261, %add3A_1250 : i32
      %get3A_1263 = arith.index_cast %add3A_1262 : i32 to index
      %get3A_1264 = tpu.vector_load %arg11[%get3A_1263] {strides = array<i32>} : memref<19680xf32, #tpu.memory_space<vmem>>, vector<16xf32>,
      %get3A_1265 = vector.shape_cast %get3A_1264 : vector<16xf32> to vector<16xf32>
      %sub3A_1266 = arith.subf %get3A_277, %get3A_1265 : vector<16xf32>
      %mul3A_1267 = arith.mulf %sub3A_1266, %sub3A_1266 : vector<16xf32>
      %add3A_1268 = arith.addf %add3A_1260, %mul3A_1267 : vector<16xf32>
      %add3A_1269 = arith.constant 13120 : i32
      %add3A_1270 = arith.addi %add3A_1269, %add3A_1250 : i32
      %get3A_1271 = arith.index_cast %add3A_1270 : i32 to index
      %get3A_1272 = tpu.vector_load %arg11[%get3A_1271] {strides = array<i32>} : memref<19680xf32, #tpu.memory_space<vmem>>, vector<16xf32>,
      %get3A_1273 = vector.shape_cast %get3A_1272 : vector<16xf32> to vector<16xf32>
      %sub3A_1274 = arith.subf %get3A_282, %get3A_1273 : vector<16xf32>
      %mul3A_1275 = arith.mulf %sub3A_1274, %sub3A_1274 : vector<16xf32>
      %add3A_1276 = arith.addf %add3A_1268, %mul3A_1275 : vector<16xf32>
      %add3A_1277 = arith.constant 0 : i32
      %add3A_1278 = arith.addi %add3A_1277, %add3A_1250 : i32
      %get3A_1279 = arith.index_cast %add3A_1278 : i32 to index
      %get3A_1280 = tpu.vector_load %arg12[%get3A_1279] {strides = array<i32>} : memref<19680xf32, #tpu.memory_space<vmem>>, vector<16xf32>,
      %get3A_1281 = vector.shape_cast %get3A_1280 : vector<16xf32> to vector<16xf32>
      %sub3A_1282 = arith.subf %get3A_287, %get3A_1281 : vector<16xf32>
      %mul3A_1283 = arith.mulf %sub3A_1282, %sub3A_1282 : vector<16xf32>
      %add3A_1284 = arith.addf %add3A_1276, %mul3A_1283 : vector<16xf32>
      %add3A_1285 = arith.constant 6560 : i32
      %add3A_1286 = arith.addi %add3A_1285, %add3A_1250 : i32
      %get3A_1287 = arith.index_cast %add3A_1286 : i32 to index
      %get3A_1288 = tpu.vector_load %arg12[%get3A_1287] {strides = array<i32>} : memref<19680xf32, #tpu.memory_space<vmem>>, vector<16xf32>,
      %get3A_1289 = vector.shape_cast %get3A_1288 : vector<16xf32> to vector<16xf32>
      %sub3A_1290 = arith.subf %get3A_292, %get3A_1289 : vector<16xf32>
      %mul3A_1291 = arith.mulf %sub3A_1290, %sub3A_1290 : vector<16xf32>
      %add3A_1292 = arith.addf %add3A_1284, %mul3A_1291 : vector<16xf32>
      %add3A_1293 = arith.constant 13120 : i32
      %add3A_1294 = arith.addi %add3A_1293, %add3A_1250 : i32
      %get3A_1295 = arith.index_cast %add3A_1294 : i32 to index
      %get3A_1296 = tpu.vector_load %arg12[%get3A_1295] {strides = array<i32>} : memref<19680xf32, #tpu.memory_space<vmem>>, vector<16xf32>,
      %get3A_1297 = vector.shape_cast %get3A_1296 : vector<16xf32> to vector<16xf32>
      %sub3A_1298 = arith.subf %get3A_297, %get3A_1297 : vector<16xf32>
      %mul3A_1299 = arith.mulf %sub3A_1298, %sub3A_1298 : vector<16xf32>
      %add3A_1300 = arith.addf %add3A_1292, %mul3A_1299 : vector<16xf32>
      %neg3A_1301 = arith.constant 0.000000e+00 : f32
      %neg3A_1302 = vector.broadcast %neg3A_1301 : f32 to vector<16xf32>
      %neg3A_1303 = arith.subf %neg3A_1302, %add3A_1300 : vector<16xf32>
      %exp3A_1304 = math.exp %neg3A_1303 : vector<16xf32>
      %add3A_1305 = arith.addf %add3A_1246, %exp3A_1304 : vector<16xf32>
      %add3A_1306 = arith.constant 1968 : i32
      %add3A_1307 = arith.addi %add3A_302, %add3A_1306 : i32
      %add3A_1308 = arith.constant 2 : i32
      %add3A_1309 = arith.addi %add3A_1307, %add3A_1308 : i32
      %broadcast_in_dim3A_1310 = arith.constant 0.000000e+00 : f32
      %broadcast_in_dim3A_1311 = vector.broadcast %broadcast_in_dim3A_1310 : f32 to vector<16xf32>
      %add3A_1312 = arith.constant 0 : i32
      %add3A_1313 = arith.addi %add3A_1312, %add3A_1309 : i32
      %get3A_1314 = arith.index_cast %add3A_1313 : i32 to index
      %get3A_1315 = tpu.vector_load %arg11[%get3A_1314] {strides = array<i32>} : memref<19680xf32, #tpu.memory_space<vmem>>, vector<16xf32>,
      %get3A_1316 = vector.shape_cast %get3A_1315 : vector<16xf32> to vector<16xf32>
      %sub3A_1317 = arith.subf %get3A_272, %get3A_1316 : vector<16xf32>
      %mul3A_1318 = arith.mulf %sub3A_1317, %sub3A_1317 : vector<16xf32>
      %add3A_1319 = arith.addf %broadcast_in_dim3A_1311, %mul3A_1318 : vector<16xf32>
      %add3A_1320 = arith.constant 6560 : i32
      %add3A_1321 = arith.addi %add3A_1320, %add3A_1309 : i32
      %get3A_1322 = arith.index_cast %add3A_1321 : i32 to index
      %get3A_1323 = tpu.vector_load %arg11[%get3A_1322] {strides = array<i32>} : memref<19680xf32, #tpu.memory_space<vmem>>, vector<16xf32>,
      %get3A_1324 = vector.shape_cast %get3A_1323 : vector<16xf32> to vector<16xf32>
      %sub3A_1325 = arith.subf %get3A_277, %get3A_1324 : vector<16xf32>
      %mul3A_1326 = arith.mulf %sub3A_1325, %sub3A_1325 : vector<16xf32>
      %add3A_1327 = arith.addf %add3A_1319, %mul3A_1326 : vector<16xf32>
      %add3A_1328 = arith.constant 13120 : i32
      %add3A_1329 = arith.addi %add3A_1328, %add3A_1309 : i32
      %get3A_1330 = arith.index_cast %add3A_1329 : i32 to index
      %get3A_1331 = tpu.vector_load %arg11[%get3A_1330] {strides = array<i32>} : memref<19680xf32, #tpu.memory_space<vmem>>, vector<16xf32>,
      %get3A_1332 = vector.shape_cast %get3A_1331 : vector<16xf32> to vector<16xf32>
      %sub3A_1333 = arith.subf %get3A_282, %get3A_1332 : vector<16xf32>
      %mul3A_1334 = arith.mulf %sub3A_1333, %sub3A_1333 : vector<16xf32>
      %add3A_1335 = arith.addf %add3A_1327, %mul3A_1334 : vector<16xf32>
      %add3A_1336 = arith.constant 0 : i32
      %add3A_1337 = arith.addi %add3A_1336, %add3A_1309 : i32
      %get3A_1338 = arith.index_cast %add3A_1337 : i32 to index
      %get3A_1339 = tpu.vector_load %arg12[%get3A_1338] {strides = array<i32>} : memref<19680xf32, #tpu.memory_space<vmem>>, vector<16xf32>,
      %get3A_1340 = vector.shape_cast %get3A_1339 : vector<16xf32> to vector<16xf32>
      %sub3A_1341 = arith.subf %get3A_287, %get3A_1340 : vector<16xf32>
      %mul3A_1342 = arith.mulf %sub3A_1341, %sub3A_1341 : vector<16xf32>
      %add3A_1343 = arith.addf %add3A_1335, %mul3A_1342 : vector<16xf32>
      %add3A_1344 = arith.constant 6560 : i32
      %add3A_1345 = arith.addi %add3A_1344, %add3A_1309 : i32
      %get3A_1346 = arith.index_cast %add3A_1345 : i32 to index
      %get3A_1347 = tpu.vector_load %arg12[%get3A_1346] {strides = array<i32>} : memref<19680xf32, #tpu.memory_space<vmem>>, vector<16xf32>,
      %get3A_1348 = vector.shape_cast %get3A_1347 : vector<16xf32> to vector<16xf32>
      %sub3A_1349 = arith.subf %get3A_292, %get3A_1348 : vector<16xf32>
      %mul3A_1350 = arith.mulf %sub3A_1349, %sub3A_1349 : vector<16xf32>
      %add3A_1351 = arith.addf %add3A_1343, %mul3A_1350 : vector<16xf32>
      %add3A_1352 = arith.constant 13120 : i32
      %add3A_1353 = arith.addi %add3A_1352, %add3A_1309 : i32
      %get3A_1354 = arith.index_cast %add3A_1353 : i32 to index
      %get3A_1355 = tpu.vector_load %arg12[%get3A_1354] {strides = array<i32>} : memref<19680xf32, #tpu.memory_space<vmem>>, vector<16xf32>,
      %get3A_1356 = vector.shape_cast %get3A_1355 : vector<16xf32> to vector<16xf32>
      %sub3A_1357 = arith.subf %get3A_297, %get3A_1356 : vector<16xf32>
      %mul3A_1358 = arith.mulf %sub3A_1357, %sub3A_1357 : vector<16xf32>
      %add3A_1359 = arith.addf %add3A_1351, %mul3A_1358 : vector<16xf32>
      %neg3A_1360 = arith.constant 0.000000e+00 : f32
      %neg3A_1361 = vector.broadcast %neg3A_1360 : f32 to vector<16xf32>
      %neg3A_1362 = arith.subf %neg3A_1361, %add3A_1359 : vector<16xf32>
      %exp3A_1363 = math.exp %neg3A_1362 : vector<16xf32>
      %add3A_1364 = arith.addf %add3A_1305, %exp3A_1363 : vector<16xf32>
      %add3A_1365 = arith.constant 1968 : i32
      %add3A_1366 = arith.addi %add3A_302, %add3A_1365 : i32
      %add3A_1367 = arith.constant 3 : i32
      %add3A_1368 = arith.addi %add3A_1366, %add3A_1367 : i32
      %broadcast_in_dim3A_1369 = arith.constant 0.000000e+00 : f32
      %broadcast_in_dim3A_1370 = vector.broadcast %broadcast_in_dim3A_1369 : f32 to vector<16xf32>
      %add3A_1371 = arith.constant 0 : i32
      %add3A_1372 = arith.addi %add3A_1371, %add3A_1368 : i32
      %get3A_1373 = arith.index_cast %add3A_1372 : i32 to index
      %get3A_1374 = tpu.vector_load %arg11[%get3A_1373] {strides = array<i32>} : memref<19680xf32, #tpu.memory_space<vmem>>, vector<16xf32>,
      %get3A_1375 = vector.shape_cast %get3A_1374 : vector<16xf32> to vector<16xf32>
      %sub3A_1376 = arith.subf %get3A_272, %get3A_1375 : vector<16xf32>
      %mul3A_1377 = arith.mulf %sub3A_1376, %sub3A_1376 : vector<16xf32>
      %add3A_1378 = arith.addf %broadcast_in_dim3A_1370, %mul3A_1377 : vector<16xf32>
      %add3A_1379 = arith.constant 6560 : i32
      %add3A_1380 = arith.addi %add3A_1379, %add3A_1368 : i32
      %get3A_1381 = arith.index_cast %add3A_1380 : i32 to index
      %get3A_1382 = tpu.vector_load %arg11[%get3A_1381] {strides = array<i32>} : memref<19680xf32, #tpu.memory_space<vmem>>, vector<16xf32>,
      %get3A_1383 = vector.shape_cast %get3A_1382 : vector<16xf32> to vector<16xf32>
      %sub3A_1384 = arith.subf %get3A_277, %get3A_1383 : vector<16xf32>
      %mul3A_1385 = arith.mulf %sub3A_1384, %sub3A_1384 : vector<16xf32>
      %add3A_1386 = arith.addf %add3A_1378, %mul3A_1385 : vector<16xf32>
      %add3A_1387 = arith.constant 13120 : i32
      %add3A_1388 = arith.addi %add3A_1387, %add3A_1368 : i32
      %get3A_1389 = arith.index_cast %add3A_1388 : i32 to index
      %get3A_1390 = tpu.vector_load %arg11[%get3A_1389] {strides = array<i32>} : memref<19680xf32, #tpu.memory_space<vmem>>, vector<16xf32>,
      %get3A_1391 = vector.shape_cast %get3A_1390 : vector<16xf32> to vector<16xf32>
      %sub3A_1392 = arith.subf %get3A_282, %get3A_1391 : vector<16xf32>
      %mul3A_1393 = arith.mulf %sub3A_1392, %sub3A_1392 : vector<16xf32>
      %add3A_1394 = arith.addf %add3A_1386, %mul3A_1393 : vector<16xf32>
      %add3A_1395 = arith.constant 0 : i32
      %add3A_1396 = arith.addi %add3A_1395, %add3A_1368 : i32
      %get3A_1397 = arith.index_cast %add3A_1396 : i32 to index
      %get3A_1398 = tpu.vector_load %arg12[%get3A_1397] {strides = array<i32>} : memref<19680xf32, #tpu.memory_space<vmem>>, vector<16xf32>,
      %get3A_1399 = vector.shape_cast %get3A_1398 : vector<16xf32> to vector<16xf32>
      %sub3A_1400 = arith.subf %get3A_287, %get3A_1399 : vector<16xf32>
      %mul3A_1401 = arith.mulf %sub3A_1400, %sub3A_1400 : vector<16xf32>
      %add3A_1402 = arith.addf %add3A_1394, %mul3A_1401 : vector<16xf32>
      %add3A_1403 = arith.constant 6560 : i32
      %add3A_1404 = arith.addi %add3A_1403, %add3A_1368 : i32
      %get3A_1405 = arith.index_cast %add3A_1404 : i32 to index
      %get3A_1406 = tpu.vector_load %arg12[%get3A_1405] {strides = array<i32>} : memref<19680xf32, #tpu.memory_space<vmem>>, vector<16xf32>,
      %get3A_1407 = vector.shape_cast %get3A_1406 : vector<16xf32> to vector<16xf32>
      %sub3A_1408 = arith.subf %get3A_292, %get3A_1407 : vector<16xf32>
      %mul3A_1409 = arith.mulf %sub3A_1408, %sub3A_1408 : vector<16xf32>
      %add3A_1410 = arith.addf %add3A_1402, %mul3A_1409 : vector<16xf32>
      %add3A_1411 = arith.constant 13120 : i32
      %add3A_1412 = arith.addi %add3A_1411, %add3A_1368 : i32
      %get3A_1413 = arith.index_cast %add3A_1412 : i32 to index
      %get3A_1414 = tpu.vector_load %arg12[%get3A_1413] {strides = array<i32>} : memref<19680xf32, #tpu.memory_space<vmem>>, vector<16xf32>,
      %get3A_1415 = vector.shape_cast %get3A_1414 : vector<16xf32> to vector<16xf32>
      %sub3A_1416 = arith.subf %get3A_297, %get3A_1415 : vector<16xf32>
      %mul3A_1417 = arith.mulf %sub3A_1416, %sub3A_1416 : vector<16xf32>
      %add3A_1418 = arith.addf %add3A_1410, %mul3A_1417 : vector<16xf32>
      %neg3A_1419 = arith.constant 0.000000e+00 : f32
      %neg3A_1420 = vector.broadcast %neg3A_1419 : f32 to vector<16xf32>
      %neg3A_1421 = arith.subf %neg3A_1420, %add3A_1418 : vector<16xf32>
      %exp3A_1422 = math.exp %neg3A_1421 : vector<16xf32>
      %add3A_1423 = arith.addf %add3A_1364, %exp3A_1422 : vector<16xf32>
      %add3A_1424 = arith.constant 1968 : i32
      %add3A_1425 = arith.addi %add3A_302, %add3A_1424 : i32
      %add3A_1426 = arith.constant 4 : i32
      %add3A_1427 = arith.addi %add3A_1425, %add3A_1426 : i32
      %broadcast_in_dim3A_1428 = arith.constant 0.000000e+00 : f32
      %broadcast_in_dim3A_1429 = vector.broadcast %broadcast_in_dim3A_1428 : f32 to vector<16xf32>
      %add3A_1430 = arith.constant 0 : i32
      %add3A_1431 = arith.addi %add3A_1430, %add3A_1427 : i32
      %get3A_1432 = arith.index_cast %add3A_1431 : i32 to index
      %get3A_1433 = tpu.vector_load %arg11[%get3A_1432] {strides = array<i32>} : memref<19680xf32, #tpu.memory_space<vmem>>, vector<16xf32>,
      %get3A_1434 = vector.shape_cast %get3A_1433 : vector<16xf32> to vector<16xf32>
      %sub3A_1435 = arith.subf %get3A_272, %get3A_1434 : vector<16xf32>
      %mul3A_1436 = arith.mulf %sub3A_1435, %sub3A_1435 : vector<16xf32>
      %add3A_1437 = arith.addf %broadcast_in_dim3A_1429, %mul3A_1436 : vector<16xf32>
      %add3A_1438 = arith.constant 6560 : i32
      %add3A_1439 = arith.addi %add3A_1438, %add3A_1427 : i32
      %get3A_1440 = arith.index_cast %add3A_1439 : i32 to index
      %get3A_1441 = tpu.vector_load %arg11[%get3A_1440] {strides = array<i32>} : memref<19680xf32, #tpu.memory_space<vmem>>, vector<16xf32>,
      %get3A_1442 = vector.shape_cast %get3A_1441 : vector<16xf32> to vector<16xf32>
      %sub3A_1443 = arith.subf %get3A_277, %get3A_1442 : vector<16xf32>
      %mul3A_1444 = arith.mulf %sub3A_1443, %sub3A_1443 : vector<16xf32>
      %add3A_1445 = arith.addf %add3A_1437, %mul3A_1444 : vector<16xf32>
      %add3A_1446 = arith.constant 13120 : i32
      %add3A_1447 = arith.addi %add3A_1446, %add3A_1427 : i32
      %get3A_1448 = arith.index_cast %add3A_1447 : i32 to index
      %get3A_1449 = tpu.vector_load %arg11[%get3A_1448] {strides = array<i32>} : memref<19680xf32, #tpu.memory_space<vmem>>, vector<16xf32>,
      %get3A_1450 = vector.shape_cast %get3A_1449 : vector<16xf32> to vector<16xf32>
      %sub3A_1451 = arith.subf %get3A_282, %get3A_1450 : vector<16xf32>
      %mul3A_1452 = arith.mulf %sub3A_1451, %sub3A_1451 : vector<16xf32>
      %add3A_1453 = arith.addf %add3A_1445, %mul3A_1452 : vector<16xf32>
      %add3A_1454 = arith.constant 0 : i32
      %add3A_1455 = arith.addi %add3A_1454, %add3A_1427 : i32
      %get3A_1456 = arith.index_cast %add3A_1455 : i32 to index
      %get3A_1457 = tpu.vector_load %arg12[%get3A_1456] {strides = array<i32>} : memref<19680xf32, #tpu.memory_space<vmem>>, vector<16xf32>,
      %get3A_1458 = vector.shape_cast %get3A_1457 : vector<16xf32> to vector<16xf32>
      %sub3A_1459 = arith.subf %get3A_287, %get3A_1458 : vector<16xf32>
      %mul3A_1460 = arith.mulf %sub3A_1459, %sub3A_1459 : vector<16xf32>
      %add3A_1461 = arith.addf %add3A_1453, %mul3A_1460 : vector<16xf32>
      %add3A_1462 = arith.constant 6560 : i32
      %add3A_1463 = arith.addi %add3A_1462, %add3A_1427 : i32
      %get3A_1464 = arith.index_cast %add3A_1463 : i32 to index
      %get3A_1465 = tpu.vector_load %arg12[%get3A_1464] {strides = array<i32>} : memref<19680xf32, #tpu.memory_space<vmem>>, vector<16xf32>,
      %get3A_1466 = vector.shape_cast %get3A_1465 : vector<16xf32> to vector<16xf32>
      %sub3A_1467 = arith.subf %get3A_292, %get3A_1466 : vector<16xf32>
      %mul3A_1468 = arith.mulf %sub3A_1467, %sub3A_1467 : vector<16xf32>
      %add3A_1469 = arith.addf %add3A_1461, %mul3A_1468 : vector<16xf32>
      %add3A_1470 = arith.constant 13120 : i32
      %add3A_1471 = arith.addi %add3A_1470, %add3A_1427 : i32
      %get3A_1472 = arith.index_cast %add3A_1471 : i32 to index
      %get3A_1473 = tpu.vector_load %arg12[%get3A_1472] {strides = array<i32>} : memref<19680xf32, #tpu.memory_space<vmem>>, vector<16xf32>,
      %get3A_1474 = vector.shape_cast %get3A_1473 : vector<16xf32> to vector<16xf32>
      %sub3A_1475 = arith.subf %get3A_297, %get3A_1474 : vector<16xf32>
      %mul3A_1476 = arith.mulf %sub3A_1475, %sub3A_1475 : vector<16xf32>
      %add3A_1477 = arith.addf %add3A_1469, %mul3A_1476 : vector<16xf32>
      %neg3A_1478 = arith.constant 0.000000e+00 : f32
      %neg3A_1479 = vector.broadcast %neg3A_1478 : f32 to vector<16xf32>
      %neg3A_1480 = arith.subf %neg3A_1479, %add3A_1477 : vector<16xf32>
      %exp3A_1481 = math.exp %neg3A_1480 : vector<16xf32>
      %add3A_1482 = arith.addf %add3A_1423, %exp3A_1481 : vector<16xf32>
      %add3A_1483 = arith.constant 2624 : i32
      %add3A_1484 = arith.addi %add3A_302, %add3A_1483 : i32
      %add3A_1485 = arith.constant 0 : i32
      %add3A_1486 = arith.addi %add3A_1484, %add3A_1485 : i32
      %broadcast_in_dim3A_1487 = arith.constant 0.000000e+00 : f32
      %broadcast_in_dim3A_1488 = vector.broadcast %broadcast_in_dim3A_1487 : f32 to vector<16xf32>
      %add3A_1489 = arith.constant 0 : i32
      %add3A_1490 = arith.addi %add3A_1489, %add3A_1486 : i32
      %get3A_1491 = arith.index_cast %add3A_1490 : i32 to index
      %get3A_1492 = tpu.vector_load %arg11[%get3A_1491] {strides = array<i32>} : memref<19680xf32, #tpu.memory_space<vmem>>, vector<16xf32>,
      %get3A_1493 = vector.shape_cast %get3A_1492 : vector<16xf32> to vector<16xf32>
      %sub3A_1494 = arith.subf %get3A_272, %get3A_1493 : vector<16xf32>
      %mul3A_1495 = arith.mulf %sub3A_1494, %sub3A_1494 : vector<16xf32>
      %add3A_1496 = arith.addf %broadcast_in_dim3A_1488, %mul3A_1495 : vector<16xf32>
      %add3A_1497 = arith.constant 6560 : i32
      %add3A_1498 = arith.addi %add3A_1497, %add3A_1486 : i32
      %get3A_1499 = arith.index_cast %add3A_1498 : i32 to index
      %get3A_1500 = tpu.vector_load %arg11[%get3A_1499] {strides = array<i32>} : memref<19680xf32, #tpu.memory_space<vmem>>, vector<16xf32>,
      %get3A_1501 = vector.shape_cast %get3A_1500 : vector<16xf32> to vector<16xf32>
      %sub3A_1502 = arith.subf %get3A_277, %get3A_1501 : vector<16xf32>
      %mul3A_1503 = arith.mulf %sub3A_1502, %sub3A_1502 : vector<16xf32>
      %add3A_1504 = arith.addf %add3A_1496, %mul3A_1503 : vector<16xf32>
      %add3A_1505 = arith.constant 13120 : i32
      %add3A_1506 = arith.addi %add3A_1505, %add3A_1486 : i32
      %get3A_1507 = arith.index_cast %add3A_1506 : i32 to index
      %get3A_1508 = tpu.vector_load %arg11[%get3A_1507] {strides = array<i32>} : memref<19680xf32, #tpu.memory_space<vmem>>, vector<16xf32>,
      %get3A_1509 = vector.shape_cast %get3A_1508 : vector<16xf32> to vector<16xf32>
      %sub3A_1510 = arith.subf %get3A_282, %get3A_1509 : vector<16xf32>
      %mul3A_1511 = arith.mulf %sub3A_1510, %sub3A_1510 : vector<16xf32>
      %add3A_1512 = arith.addf %add3A_1504, %mul3A_1511 : vector<16xf32>
      %add3A_1513 = arith.constant 0 : i32
      %add3A_1514 = arith.addi %add3A_1513, %add3A_1486 : i32
      %get3A_1515 = arith.index_cast %add3A_1514 : i32 to index
      %get3A_1516 = tpu.vector_load %arg12[%get3A_1515] {strides = array<i32>} : memref<19680xf32, #tpu.memory_space<vmem>>, vector<16xf32>,
      %get3A_1517 = vector.shape_cast %get3A_1516 : vector<16xf32> to vector<16xf32>
      %sub3A_1518 = arith.subf %get3A_287, %get3A_1517 : vector<16xf32>
      %mul3A_1519 = arith.mulf %sub3A_1518, %sub3A_1518 : vector<16xf32>
      %add3A_1520 = arith.addf %add3A_1512, %mul3A_1519 : vector<16xf32>
      %add3A_1521 = arith.constant 6560 : i32
      %add3A_1522 = arith.addi %add3A_1521, %add3A_1486 : i32
      %get3A_1523 = arith.index_cast %add3A_1522 : i32 to index
      %get3A_1524 = tpu.vector_load %arg12[%get3A_1523] {strides = array<i32>} : memref<19680xf32, #tpu.memory_space<vmem>>, vector<16xf32>,
      %get3A_1525 = vector.shape_cast %get3A_1524 : vector<16xf32> to vector<16xf32>
      %sub3A_1526 = arith.subf %get3A_292, %get3A_1525 : vector<16xf32>
      %mul3A_1527 = arith.mulf %sub3A_1526, %sub3A_1526 : vector<16xf32>
      %add3A_1528 = arith.addf %add3A_1520, %mul3A_1527 : vector<16xf32>
      %add3A_1529 = arith.constant 13120 : i32
      %add3A_1530 = arith.addi %add3A_1529, %add3A_1486 : i32
      %get3A_1531 = arith.index_cast %add3A_1530 : i32 to index
      %get3A_1532 = tpu.vector_load %arg12[%get3A_1531] {strides = array<i32>} : memref<19680xf32, #tpu.memory_space<vmem>>, vector<16xf32>,
      %get3A_1533 = vector.shape_cast %get3A_1532 : vector<16xf32> to vector<16xf32>
      %sub3A_1534 = arith.subf %get3A_297, %get3A_1533 : vector<16xf32>
      %mul3A_1535 = arith.mulf %sub3A_1534, %sub3A_1534 : vector<16xf32>
      %add3A_1536 = arith.addf %add3A_1528, %mul3A_1535 : vector<16xf32>
      %neg3A_1537 = arith.constant 0.000000e+00 : f32
      %neg3A_1538 = vector.broadcast %neg3A_1537 : f32 to vector<16xf32>
      %neg3A_1539 = arith.subf %neg3A_1538, %add3A_1536 : vector<16xf32>
      %exp3A_1540 = math.exp %neg3A_1539 : vector<16xf32>
      %add3A_1541 = arith.addf %add3A_1482, %exp3A_1540 : vector<16xf32>
      %add3A_1542 = arith.constant 2624 : i32
      %add3A_1543 = arith.addi %add3A_302, %add3A_1542 : i32
      %add3A_1544 = arith.constant 1 : i32
      %add3A_1545 = arith.addi %add3A_1543, %add3A_1544 : i32
      %broadcast_in_dim3A_1546 = arith.constant 0.000000e+00 : f32
      %broadcast_in_dim3A_1547 = vector.broadcast %broadcast_in_dim3A_1546 : f32 to vector<16xf32>
      %add3A_1548 = arith.constant 0 : i32
      %add3A_1549 = arith.addi %add3A_1548, %add3A_1545 : i32
      %get3A_1550 = arith.index_cast %add3A_1549 : i32 to index
      %get3A_1551 = tpu.vector_load %arg11[%get3A_1550] {strides = array<i32>} : memref<19680xf32, #tpu.memory_space<vmem>>, vector<16xf32>,
      %get3A_1552 = vector.shape_cast %get3A_1551 : vector<16xf32> to vector<16xf32>
      %sub3A_1553 = arith.subf %get3A_272, %get3A_1552 : vector<16xf32>
      %mul3A_1554 = arith.mulf %sub3A_1553, %sub3A_1553 : vector<16xf32>
      %add3A_1555 = arith.addf %broadcast_in_dim3A_1547, %mul3A_1554 : vector<16xf32>
      %add3A_1556 = arith.constant 6560 : i32
      %add3A_1557 = arith.addi %add3A_1556, %add3A_1545 : i32
      %get3A_1558 = arith.index_cast %add3A_1557 : i32 to index
      %get3A_1559 = tpu.vector_load %arg11[%get3A_1558] {strides = array<i32>} : memref<19680xf32, #tpu.memory_space<vmem>>, vector<16xf32>,
      %get3A_1560 = vector.shape_cast %get3A_1559 : vector<16xf32> to vector<16xf32>
      %sub3A_1561 = arith.subf %get3A_277, %get3A_1560 : vector<16xf32>
      %mul3A_1562 = arith.mulf %sub3A_1561, %sub3A_1561 : vector<16xf32>
      %add3A_1563 = arith.addf %add3A_1555, %mul3A_1562 : vector<16xf32>
      %add3A_1564 = arith.constant 13120 : i32
      %add3A_1565 = arith.addi %add3A_1564, %add3A_1545 : i32
      %get3A_1566 = arith.index_cast %add3A_1565 : i32 to index
      %get3A_1567 = tpu.vector_load %arg11[%get3A_1566] {strides = array<i32>} : memref<19680xf32, #tpu.memory_space<vmem>>, vector<16xf32>,
      %get3A_1568 = vector.shape_cast %get3A_1567 : vector<16xf32> to vector<16xf32>
      %sub3A_1569 = arith.subf %get3A_282, %get3A_1568 : vector<16xf32>
      %mul3A_1570 = arith.mulf %sub3A_1569, %sub3A_1569 : vector<16xf32>
      %add3A_1571 = arith.addf %add3A_1563, %mul3A_1570 : vector<16xf32>
      %add3A_1572 = arith.constant 0 : i32
      %add3A_1573 = arith.addi %add3A_1572, %add3A_1545 : i32
      %get3A_1574 = arith.index_cast %add3A_1573 : i32 to index
      %get3A_1575 = tpu.vector_load %arg12[%get3A_1574] {strides = array<i32>} : memref<19680xf32, #tpu.memory_space<vmem>>, vector<16xf32>,
      %get3A_1576 = vector.shape_cast %get3A_1575 : vector<16xf32> to vector<16xf32>
      %sub3A_1577 = arith.subf %get3A_287, %get3A_1576 : vector<16xf32>
      %mul3A_1578 = arith.mulf %sub3A_1577, %sub3A_1577 : vector<16xf32>
      %add3A_1579 = arith.addf %add3A_1571, %mul3A_1578 : vector<16xf32>
      %add3A_1580 = arith.constant 6560 : i32
      %add3A_1581 = arith.addi %add3A_1580, %add3A_1545 : i32
      %get3A_1582 = arith.index_cast %add3A_1581 : i32 to index
      %get3A_1583 = tpu.vector_load %arg12[%get3A_1582] {strides = array<i32>} : memref<19680xf32, #tpu.memory_space<vmem>>, vector<16xf32>,
      %get3A_1584 = vector.shape_cast %get3A_1583 : vector<16xf32> to vector<16xf32>
      %sub3A_1585 = arith.subf %get3A_292, %get3A_1584 : vector<16xf32>
      %mul3A_1586 = arith.mulf %sub3A_1585, %sub3A_1585 : vector<16xf32>
      %add3A_1587 = arith.addf %add3A_1579, %mul3A_1586 : vector<16xf32>
      %add3A_1588 = arith.constant 13120 : i32
      %add3A_1589 = arith.addi %add3A_1588, %add3A_1545 : i32
      %get3A_1590 = arith.index_cast %add3A_1589 : i32 to index
      %get3A_1591 = tpu.vector_load %arg12[%get3A_1590] {strides = array<i32>} : memref<19680xf32, #tpu.memory_space<vmem>>, vector<16xf32>,
      %get3A_1592 = vector.shape_cast %get3A_1591 : vector<16xf32> to vector<16xf32>
      %sub3A_1593 = arith.subf %get3A_297, %get3A_1592 : vector<16xf32>
      %mul3A_1594 = arith.mulf %sub3A_1593, %sub3A_1593 : vector<16xf32>
      %add3A_1595 = arith.addf %add3A_1587, %mul3A_1594 : vector<16xf32>
      %neg3A_1596 = arith.constant 0.000000e+00 : f32
      %neg3A_1597 = vector.broadcast %neg3A_1596 : f32 to vector<16xf32>
      %neg3A_1598 = arith.subf %neg3A_1597, %add3A_1595 : vector<16xf32>
      %exp3A_1599 = math.exp %neg3A_1598 : vector<16xf32>
      %add3A_1600 = arith.addf %add3A_1541, %exp3A_1599 : vector<16xf32>
      %add3A_1601 = arith.constant 2624 : i32
      %add3A_1602 = arith.addi %add3A_302, %add3A_1601 : i32
      %add3A_1603 = arith.constant 2 : i32
      %add3A_1604 = arith.addi %add3A_1602, %add3A_1603 : i32
      %broadcast_in_dim3A_1605 = arith.constant 0.000000e+00 : f32
      %broadcast_in_dim3A_1606 = vector.broadcast %broadcast_in_dim3A_1605 : f32 to vector<16xf32>
      %add3A_1607 = arith.constant 0 : i32
      %add3A_1608 = arith.addi %add3A_1607, %add3A_1604 : i32
      %get3A_1609 = arith.index_cast %add3A_1608 : i32 to index
      %get3A_1610 = tpu.vector_load %arg11[%get3A_1609] {strides = array<i32>} : memref<19680xf32, #tpu.memory_space<vmem>>, vector<16xf32>,
      %get3A_1611 = vector.shape_cast %get3A_1610 : vector<16xf32> to vector<16xf32>
      %sub3A_1612 = arith.subf %get3A_272, %get3A_1611 : vector<16xf32>
      %mul3A_1613 = arith.mulf %sub3A_1612, %sub3A_1612 : vector<16xf32>
      %add3A_1614 = arith.addf %broadcast_in_dim3A_1606, %mul3A_1613 : vector<16xf32>
      %add3A_1615 = arith.constant 6560 : i32
      %add3A_1616 = arith.addi %add3A_1615, %add3A_1604 : i32
      %get3A_1617 = arith.index_cast %add3A_1616 : i32 to index
      %get3A_1618 = tpu.vector_load %arg11[%get3A_1617] {strides = array<i32>} : memref<19680xf32, #tpu.memory_space<vmem>>, vector<16xf32>,
      %get3A_1619 = vector.shape_cast %get3A_1618 : vector<16xf32> to vector<16xf32>
      %sub3A_1620 = arith.subf %get3A_277, %get3A_1619 : vector<16xf32>
      %mul3A_1621 = arith.mulf %sub3A_1620, %sub3A_1620 : vector<16xf32>
      %add3A_1622 = arith.addf %add3A_1614, %mul3A_1621 : vector<16xf32>
      %add3A_1623 = arith.constant 13120 : i32
      %add3A_1624 = arith.addi %add3A_1623, %add3A_1604 : i32
      %get3A_1625 = arith.index_cast %add3A_1624 : i32 to index
      %get3A_1626 = tpu.vector_load %arg11[%get3A_1625] {strides = array<i32>} : memref<19680xf32, #tpu.memory_space<vmem>>, vector<16xf32>,
      %get3A_1627 = vector.shape_cast %get3A_1626 : vector<16xf32> to vector<16xf32>
      %sub3A_1628 = arith.subf %get3A_282, %get3A_1627 : vector<16xf32>
      %mul3A_1629 = arith.mulf %sub3A_1628, %sub3A_1628 : vector<16xf32>
      %add3A_1630 = arith.addf %add3A_1622, %mul3A_1629 : vector<16xf32>
      %add3A_1631 = arith.constant 0 : i32
      %add3A_1632 = arith.addi %add3A_1631, %add3A_1604 : i32
      %get3A_1633 = arith.index_cast %add3A_1632 : i32 to index
      %get3A_1634 = tpu.vector_load %arg12[%get3A_1633] {strides = array<i32>} : memref<19680xf32, #tpu.memory_space<vmem>>, vector<16xf32>,
      %get3A_1635 = vector.shape_cast %get3A_1634 : vector<16xf32> to vector<16xf32>
      %sub3A_1636 = arith.subf %get3A_287, %get3A_1635 : vector<16xf32>
      %mul3A_1637 = arith.mulf %sub3A_1636, %sub3A_1636 : vector<16xf32>
      %add3A_1638 = arith.addf %add3A_1630, %mul3A_1637 : vector<16xf32>
      %add3A_1639 = arith.constant 6560 : i32
      %add3A_1640 = arith.addi %add3A_1639, %add3A_1604 : i32
      %get3A_1641 = arith.index_cast %add3A_1640 : i32 to index
      %get3A_1642 = tpu.vector_load %arg12[%get3A_1641] {strides = array<i32>} : memref<19680xf32, #tpu.memory_space<vmem>>, vector<16xf32>,
      %get3A_1643 = vector.shape_cast %get3A_1642 : vector<16xf32> to vector<16xf32>
      %sub3A_1644 = arith.subf %get3A_292, %get3A_1643 : vector<16xf32>
      %mul3A_1645 = arith.mulf %sub3A_1644, %sub3A_1644 : vector<16xf32>
      %add3A_1646 = arith.addf %add3A_1638, %mul3A_1645 : vector<16xf32>
      %add3A_1647 = arith.constant 13120 : i32
      %add3A_1648 = arith.addi %add3A_1647, %add3A_1604 : i32
      %get3A_1649 = arith.index_cast %add3A_1648 : i32 to index
      %get3A_1650 = tpu.vector_load %arg12[%get3A_1649] {strides = array<i32>} : memref<19680xf32, #tpu.memory_space<vmem>>, vector<16xf32>,
      %get3A_1651 = vector.shape_cast %get3A_1650 : vector<16xf32> to vector<16xf32>
      %sub3A_1652 = arith.subf %get3A_297, %get3A_1651 : vector<16xf32>
      %mul3A_1653 = arith.mulf %sub3A_1652, %sub3A_1652 : vector<16xf32>
      %add3A_1654 = arith.addf %add3A_1646, %mul3A_1653 : vector<16xf32>
      %neg3A_1655 = arith.constant 0.000000e+00 : f32
      %neg3A_1656 = vector.broadcast %neg3A_1655 : f32 to vector<16xf32>
      %neg3A_1657 = arith.subf %neg3A_1656, %add3A_1654 : vector<16xf32>
      %exp3A_1658 = math.exp %neg3A_1657 : vector<16xf32>
      %add3A_1659 = arith.addf %add3A_1600, %exp3A_1658 : vector<16xf32>
      %add3A_1660 = arith.constant 2624 : i32
      %add3A_1661 = arith.addi %add3A_302, %add3A_1660 : i32
      %add3A_1662 = arith.constant 3 : i32
      %add3A_1663 = arith.addi %add3A_1661, %add3A_1662 : i32
      %broadcast_in_dim3A_1664 = arith.constant 0.000000e+00 : f32
      %broadcast_in_dim3A_1665 = vector.broadcast %broadcast_in_dim3A_1664 : f32 to vector<16xf32>
      %add3A_1666 = arith.constant 0 : i32
      %add3A_1667 = arith.addi %add3A_1666, %add3A_1663 : i32
      %get3A_1668 = arith.index_cast %add3A_1667 : i32 to index
      %get3A_1669 = tpu.vector_load %arg11[%get3A_1668] {strides = array<i32>} : memref<19680xf32, #tpu.memory_space<vmem>>, vector<16xf32>,
      %get3A_1670 = vector.shape_cast %get3A_1669 : vector<16xf32> to vector<16xf32>
      %sub3A_1671 = arith.subf %get3A_272, %get3A_1670 : vector<16xf32>
      %mul3A_1672 = arith.mulf %sub3A_1671, %sub3A_1671 : vector<16xf32>
      %add3A_1673 = arith.addf %broadcast_in_dim3A_1665, %mul3A_1672 : vector<16xf32>
      %add3A_1674 = arith.constant 6560 : i32
      %add3A_1675 = arith.addi %add3A_1674, %add3A_1663 : i32
      %get3A_1676 = arith.index_cast %add3A_1675 : i32 to index
      %get3A_1677 = tpu.vector_load %arg11[%get3A_1676] {strides = array<i32>} : memref<19680xf32, #tpu.memory_space<vmem>>, vector<16xf32>,
      %get3A_1678 = vector.shape_cast %get3A_1677 : vector<16xf32> to vector<16xf32>
      %sub3A_1679 = arith.subf %get3A_277, %get3A_1678 : vector<16xf32>
      %mul3A_1680 = arith.mulf %sub3A_1679, %sub3A_1679 : vector<16xf32>
      %add3A_1681 = arith.addf %add3A_1673, %mul3A_1680 : vector<16xf32>
      %add3A_1682 = arith.constant 13120 : i32
      %add3A_1683 = arith.addi %add3A_1682, %add3A_1663 : i32
      %get3A_1684 = arith.index_cast %add3A_1683 : i32 to index
      %get3A_1685 = tpu.vector_load %arg11[%get3A_1684] {strides = array<i32>} : memref<19680xf32, #tpu.memory_space<vmem>>, vector<16xf32>,
      %get3A_1686 = vector.shape_cast %get3A_1685 : vector<16xf32> to vector<16xf32>
      %sub3A_1687 = arith.subf %get3A_282, %get3A_1686 : vector<16xf32>
      %mul3A_1688 = arith.mulf %sub3A_1687, %sub3A_1687 : vector<16xf32>
      %add3A_1689 = arith.addf %add3A_1681, %mul3A_1688 : vector<16xf32>
      %add3A_1690 = arith.constant 0 : i32
      %add3A_1691 = arith.addi %add3A_1690, %add3A_1663 : i32
      %get3A_1692 = arith.index_cast %add3A_1691 : i32 to index
      %get3A_1693 = tpu.vector_load %arg12[%get3A_1692] {strides = array<i32>} : memref<19680xf32, #tpu.memory_space<vmem>>, vector<16xf32>,
      %get3A_1694 = vector.shape_cast %get3A_1693 : vector<16xf32> to vector<16xf32>
      %sub3A_1695 = arith.subf %get3A_287, %get3A_1694 : vector<16xf32>
      %mul3A_1696 = arith.mulf %sub3A_1695, %sub3A_1695 : vector<16xf32>
      %add3A_1697 = arith.addf %add3A_1689, %mul3A_1696 : vector<16xf32>
      %add3A_1698 = arith.constant 6560 : i32
      %add3A_1699 = arith.addi %add3A_1698, %add3A_1663 : i32
      %get3A_1700 = arith.index_cast %add3A_1699 : i32 to index
      %get3A_1701 = tpu.vector_load %arg12[%get3A_1700] {strides = array<i32>} : memref<19680xf32, #tpu.memory_space<vmem>>, vector<16xf32>,
      %get3A_1702 = vector.shape_cast %get3A_1701 : vector<16xf32> to vector<16xf32>
      %sub3A_1703 = arith.subf %get3A_292, %get3A_1702 : vector<16xf32>
      %mul3A_1704 = arith.mulf %sub3A_1703, %sub3A_1703 : vector<16xf32>
      %add3A_1705 = arith.addf %add3A_1697, %mul3A_1704 : vector<16xf32>
      %add3A_1706 = arith.constant 13120 : i32
      %add3A_1707 = arith.addi %add3A_1706, %add3A_1663 : i32
      %get3A_1708 = arith.index_cast %add3A_1707 : i32 to index
      %get3A_1709 = tpu.vector_load %arg12[%get3A_1708] {strides = array<i32>} : memref<19680xf32, #tpu.memory_space<vmem>>, vector<16xf32>,
      %get3A_1710 = vector.shape_cast %get3A_1709 : vector<16xf32> to vector<16xf32>
      %sub3A_1711 = arith.subf %get3A_297, %get3A_1710 : vector<16xf32>
      %mul3A_1712 = arith.mulf %sub3A_1711, %sub3A_1711 : vector<16xf32>
      %add3A_1713 = arith.addf %add3A_1705, %mul3A_1712 : vector<16xf32>
      %neg3A_1714 = arith.constant 0.000000e+00 : f32
      %neg3A_1715 = vector.broadcast %neg3A_1714 : f32 to vector<16xf32>
      %neg3A_1716 = arith.subf %neg3A_1715, %add3A_1713 : vector<16xf32>
      %exp3A_1717 = math.exp %neg3A_1716 : vector<16xf32>
      %add3A_1718 = arith.addf %add3A_1659, %exp3A_1717 : vector<16xf32>
      %add3A_1719 = arith.constant 2624 : i32
      %add3A_1720 = arith.addi %add3A_302, %add3A_1719 : i32
      %add3A_1721 = arith.constant 4 : i32
      %add3A_1722 = arith.addi %add3A_1720, %add3A_1721 : i32
      %broadcast_in_dim3A_1723 = arith.constant 0.000000e+00 : f32
      %broadcast_in_dim3A_1724 = vector.broadcast %broadcast_in_dim3A_1723 : f32 to vector<16xf32>
      %add3A_1725 = arith.constant 0 : i32
      %add3A_1726 = arith.addi %add3A_1725, %add3A_1722 : i32
      %get3A_1727 = arith.index_cast %add3A_1726 : i32 to index
      %get3A_1728 = tpu.vector_load %arg11[%get3A_1727] {strides = array<i32>} : memref<19680xf32, #tpu.memory_space<vmem>>, vector<16xf32>,
      %get3A_1729 = vector.shape_cast %get3A_1728 : vector<16xf32> to vector<16xf32>
      %sub3A_1730 = arith.subf %get3A_272, %get3A_1729 : vector<16xf32>
      %mul3A_1731 = arith.mulf %sub3A_1730, %sub3A_1730 : vector<16xf32>
      %add3A_1732 = arith.addf %broadcast_in_dim3A_1724, %mul3A_1731 : vector<16xf32>
      %add3A_1733 = arith.constant 6560 : i32
      %add3A_1734 = arith.addi %add3A_1733, %add3A_1722 : i32
      %get3A_1735 = arith.index_cast %add3A_1734 : i32 to index
      %get3A_1736 = tpu.vector_load %arg11[%get3A_1735] {strides = array<i32>} : memref<19680xf32, #tpu.memory_space<vmem>>, vector<16xf32>,
      %get3A_1737 = vector.shape_cast %get3A_1736 : vector<16xf32> to vector<16xf32>
      %sub3A_1738 = arith.subf %get3A_277, %get3A_1737 : vector<16xf32>
      %mul3A_1739 = arith.mulf %sub3A_1738, %sub3A_1738 : vector<16xf32>
      %add3A_1740 = arith.addf %add3A_1732, %mul3A_1739 : vector<16xf32>
      %add3A_1741 = arith.constant 13120 : i32
      %add3A_1742 = arith.addi %add3A_1741, %add3A_1722 : i32
      %get3A_1743 = arith.index_cast %add3A_1742 : i32 to index
      %get3A_1744 = tpu.vector_load %arg11[%get3A_1743] {strides = array<i32>} : memref<19680xf32, #tpu.memory_space<vmem>>, vector<16xf32>,
      %get3A_1745 = vector.shape_cast %get3A_1744 : vector<16xf32> to vector<16xf32>
      %sub3A_1746 = arith.subf %get3A_282, %get3A_1745 : vector<16xf32>
      %mul3A_1747 = arith.mulf %sub3A_1746, %sub3A_1746 : vector<16xf32>
      %add3A_1748 = arith.addf %add3A_1740, %mul3A_1747 : vector<16xf32>
      %add3A_1749 = arith.constant 0 : i32
      %add3A_1750 = arith.addi %add3A_1749, %add3A_1722 : i32
      %get3A_1751 = arith.index_cast %add3A_1750 : i32 to index
      %get3A_1752 = tpu.vector_load %arg12[%get3A_1751] {strides = array<i32>} : memref<19680xf32, #tpu.memory_space<vmem>>, vector<16xf32>,
      %get3A_1753 = vector.shape_cast %get3A_1752 : vector<16xf32> to vector<16xf32>
      %sub3A_1754 = arith.subf %get3A_287, %get3A_1753 : vector<16xf32>
      %mul3A_1755 = arith.mulf %sub3A_1754, %sub3A_1754 : vector<16xf32>
      %add3A_1756 = arith.addf %add3A_1748, %mul3A_1755 : vector<16xf32>
      %add3A_1757 = arith.constant 6560 : i32
      %add3A_1758 = arith.addi %add3A_1757, %add3A_1722 : i32
      %get3A_1759 = arith.index_cast %add3A_1758 : i32 to index
      %get3A_1760 = tpu.vector_load %arg12[%get3A_1759] {strides = array<i32>} : memref<19680xf32, #tpu.memory_space<vmem>>, vector<16xf32>,
      %get3A_1761 = vector.shape_cast %get3A_1760 : vector<16xf32> to vector<16xf32>
      %sub3A_1762 = arith.subf %get3A_292, %get3A_1761 : vector<16xf32>
      %mul3A_1763 = arith.mulf %sub3A_1762, %sub3A_1762 : vector<16xf32>
      %add3A_1764 = arith.addf %add3A_1756, %mul3A_1763 : vector<16xf32>
      %add3A_1765 = arith.constant 13120 : i32
      %add3A_1766 = arith.addi %add3A_1765, %add3A_1722 : i32
      %get3A_1767 = arith.index_cast %add3A_1766 : i32 to index
      %get3A_1768 = tpu.vector_load %arg12[%get3A_1767] {strides = array<i32>} : memref<19680xf32, #tpu.memory_space<vmem>>, vector<16xf32>,
      %get3A_1769 = vector.shape_cast %get3A_1768 : vector<16xf32> to vector<16xf32>
      %sub3A_1770 = arith.subf %get3A_297, %get3A_1769 : vector<16xf32>
      %mul3A_1771 = arith.mulf %sub3A_1770, %sub3A_1770 : vector<16xf32>
      %add3A_1772 = arith.addf %add3A_1764, %mul3A_1771 : vector<16xf32>
      %neg3A_1773 = arith.constant 0.000000e+00 : f32
      %neg3A_1774 = vector.broadcast %neg3A_1773 : f32 to vector<16xf32>
      %neg3A_1775 = arith.subf %neg3A_1774, %add3A_1772 : vector<16xf32>
      %exp3A_1776 = math.exp %neg3A_1775 : vector<16xf32>
      %add3A_1777 = arith.addf %add3A_1718, %exp3A_1776 : vector<16xf32>
      %mul3A_1778 = arith.mulf %add3A_1777, %get3A_267 : vector<16xf32>
      %add3A_1779 = arith.addf %scan3A_243, %mul3A_1778 : vector<16xf32>
      %add3A_1780 = arith.addf %scan3A_244, %get3A_267 : vector<16xf32>
      scf.yield %add3A_1779, %add3A_1780 : vector<16xf32>, vector<16xf32>
    }
    %scan3A_230 = arith.constant 240 : i32
    %swap3A = arith.constant 0 : index
    %swap3A_231 = tpu.vector_load %arg18[%swap3A] {strides = array<i32>} : memref<16xf32, #tpu.memory_space<vmem>>, vector<16xf32>,
    %swap3A_232 = vector.shape_cast %swap3A_231 : vector<16xf32> to vector<16xf32>
    %swap3A_233 = vector.shape_cast %scan3A_229#0 : vector<16xf32> to vector<16xf32>
    tpu.vector_store %arg18[%swap3A], %swap3A_233 {strides = array<i32>} : memref<16xf32, #tpu.memory_space<vmem>>, vector<16xf32>,
    %swap3A_234 = arith.constant 0 : index
    %swap3A_235 = tpu.vector_load %arg19[%swap3A_234] {strides = array<i32>} : memref<16xf32, #tpu.memory_space<vmem>>, vector<16xf32>,
    %swap3A_236 = vector.shape_cast %swap3A_235 : vector<16xf32> to vector<16xf32>
    %swap3A_237 = vector.shape_cast %scan3A_229#1 : vector<16xf32> to vector<16xf32>
    tpu.vector_store %arg19[%swap3A_234], %swap3A_237 {strides = array<i32>} : memref<16xf32, #tpu.memory_space<vmem>>, vector<16xf32>,
    %mul3A_238 = arith.constant 16 : i32
    %mul3A_239 = arith.muli %add3A, %mul3A_238 : i32
    "tpu.region"() ({
      %run_scoped3A = tpu.sem_alloc : memref<!tpu.dma_semaphore, #tpu.memory_space<semaphore_mem>>
      %dma_start3A_242 = tpu.memref_slice %arg9[%mul3A_239] : memref<512xf32, #tpu.memory_space<hbm>> -> memref<16xf32, #tpu.memory_space<hbm>>
      %dma_start3A_243 = tpu.memref_slice %arg9[%mul3A_239] : memref<512xf32, #tpu.memory_space<hbm>> -> memref<16xf32, #tpu.memory_space<hbm>>
      tpu.enqueue_dma source(%arg18 : memref<16xf32, #tpu.memory_space<vmem>>) target(%dma_start3A_243 : memref<16xf32, #tpu.memory_space<hbm>>) target_semaphore(%run_scoped3A : memref<!tpu.dma_semaphore, #tpu.memory_space<semaphore_mem>>)
      %dma_wait3A_244 = tpu.memref_slice %arg9[%mul3A_239] : memref<512xf32, #tpu.memory_space<hbm>> -> memref<16xf32, #tpu.memory_space<hbm>>
      %dma_wait3A_245 = tpu.memref_slice %arg9[%mul3A_239] : memref<512xf32, #tpu.memory_space<hbm>> -> memref<16xf32, #tpu.memory_space<hbm>>
      tpu.wait_dma2 semaphore(%run_scoped3A : memref<!tpu.dma_semaphore, #tpu.memory_space<semaphore_mem>>) src(%arg18 : memref<16xf32, #tpu.memory_space<vmem>>) dst(%dma_wait3A_245 : memref<16xf32, #tpu.memory_space<hbm>>)
      tpu.yield
    }) : () -> ()
    %mul3A_240 = arith.constant 16 : i32
    %mul3A_241 = arith.muli %add3A, %mul3A_240 : i32
    "tpu.region"() ({
      %run_scoped3A = tpu.sem_alloc : memref<!tpu.dma_semaphore, #tpu.memory_space<semaphore_mem>>
      %dma_start3A_242 = tpu.memref_slice %arg10[%mul3A_241] : memref<512xf32, #tpu.memory_space<hbm>> -> memref<16xf32, #tpu.memory_space<hbm>>
      %dma_start3A_243 = tpu.memref_slice %arg10[%mul3A_241] : memref<512xf32, #tpu.memory_space<hbm>> -> memref<16xf32, #tpu.memory_space<hbm>>
      tpu.enqueue_dma source(%arg19 : memref<16xf32, #tpu.memory_space<vmem>>) target(%dma_start3A_243 : memref<16xf32, #tpu.memory_space<hbm>>) target_semaphore(%run_scoped3A : memref<!tpu.dma_semaphore, #tpu.memory_space<semaphore_mem>>)
      %dma_wait3A_244 = tpu.memref_slice %arg10[%mul3A_241] : memref<512xf32, #tpu.memory_space<hbm>> -> memref<16xf32, #tpu.memory_space<hbm>>
      %dma_wait3A_245 = tpu.memref_slice %arg10[%mul3A_241] : memref<512xf32, #tpu.memory_space<hbm>> -> memref<16xf32, #tpu.memory_space<hbm>>
      tpu.wait_dma2 semaphore(%run_scoped3A : memref<!tpu.dma_semaphore, #tpu.memory_space<semaphore_mem>>) src(%arg19 : memref<16xf32, #tpu.memory_space<vmem>>) dst(%dma_wait3A_245 : memref<16xf32, #tpu.memory_space<hbm>>)
      tpu.yield
    }) : () -> ()
    return
  }
}

module attributes {stable_mosaic.version = 14 : i64} {
  func.func @_tc_body(%arg0: i32, %arg1: memref<1x3x192x640xf32, #tpu.memory_space<vmem>>, %arg2: memref<1x192x640xf32, #tpu.memory_space<vmem>>, %arg3: memref<1x192x640xf32, #tpu.memory_space<vmem>>, %arg4: memref<1x3x192x640xf32, #tpu.memory_space<vmem>>, %arg5: memref<1x3x196x656xf32, #tpu.memory_space<vmem>>, %arg6: memref<1x196x656xf32, #tpu.memory_space<vmem>>, %arg7: memref<1x3x196x656xf32, #tpu.memory_space<vmem>>, %arg8: memref<1x1x128xf32, #tpu.memory_space<vmem>>, %arg9: memref<1x1x128xf32, #tpu.memory_space<vmem>>) attributes {dimension_semantics = [#tpu.dimension_semantics<arbitrary>], iteration_bounds = array<i64: 3>, scalar_prefetch = 0 : i64, scratch_operands = 0 : i64, tpu.core_type = #tpu.core_type<tc>, window_params = [{transform_indices = @transform_0, window_bounds = array<i64: 1, 3, 192, 640>}, {transform_indices = @transform_1, window_bounds = array<i64: 1, 192, 640>}, {transform_indices = @transform_2, window_bounds = array<i64: 1, 192, 640>}, {transform_indices = @transform_3, window_bounds = array<i64: 1, 3, 192, 640>}, {transform_indices = @transform_4, window_bounds = array<i64: 1, 3, 196, 656>}, {transform_indices = @transform_5, window_bounds = array<i64: 1, 196, 656>}, {transform_indices = @transform_6, window_bounds = array<i64: 1, 3, 196, 656>}, {transform_indices = @transform_7, window_bounds = array<i64: 1, 1, 128>}, {transform_indices = @transform_8, window_bounds = array<i64: 1, 1, 128>}]} {
    %get3A = arith.constant 0 : index
    %get3A_0 = arith.constant 0 : index
    %get3A_1 = arith.constant 0 : index
    %get3A_2 = vector.load %arg2[%get3A, %get3A_0, %get3A_1] : memref<1x192x640xf32, #tpu.memory_space<vmem>>, vector<1x192x640xf32>
    %get3A_3 = vector.shape_cast %get3A_2 : vector<1x192x640xf32> to vector<192x640xf32>
    %get3A_4 = arith.constant 0 : index
    %get3A_5 = arith.constant 0 : index
    %get3A_6 = arith.constant 0 : index
    %get3A_7 = vector.load %arg6[%get3A_4, %get3A_5, %get3A_6] : memref<1x196x656xf32, #tpu.memory_space<vmem>>, vector<1x196x656xf32>
    %get3A_8 = vector.shape_cast %get3A_7 : vector<1x196x656xf32> to vector<196x656xf32>
    %get3A_9 = arith.constant 0 : index
    %get3A_10 = arith.constant 0 : index
    %get3A_11 = arith.constant 0 : index
    %get3A_12 = arith.constant 0 : index
    %get3A_13 = vector.load %arg1[%get3A_9, %get3A_10, %get3A_11, %get3A_12] : memref<1x3x192x640xf32, #tpu.memory_space<vmem>>, vector<1x1x192x640xf32>
    %get3A_14 = vector.shape_cast %get3A_13 : vector<1x1x192x640xf32> to vector<192x640xf32>
    %mul3A = arith.mulf %get3A_14, %get3A_3 : vector<192x640xf32>
    %mul3A_15 = arith.constant 14.1421356 : f32
    %mul3A_16 = vector.broadcast %mul3A_15 : f32 to vector<192x640xf32>
    %mul3A_17 = arith.mulf %mul3A, %mul3A_16 : vector<192x640xf32>
    %get3A_18 = arith.constant 0 : index
    %get3A_19 = arith.constant 1 : index
    %get3A_20 = arith.constant 0 : index
    %get3A_21 = arith.constant 0 : index
    %get3A_22 = vector.load %arg1[%get3A_18, %get3A_19, %get3A_20, %get3A_21] : memref<1x3x192x640xf32, #tpu.memory_space<vmem>>, vector<1x1x192x640xf32>
    %get3A_23 = vector.shape_cast %get3A_22 : vector<1x1x192x640xf32> to vector<192x640xf32>
    %mul3A_24 = arith.mulf %get3A_23, %get3A_3 : vector<192x640xf32>
    %mul3A_25 = arith.constant 14.1421356 : f32
    %mul3A_26 = vector.broadcast %mul3A_25 : f32 to vector<192x640xf32>
    %mul3A_27 = arith.mulf %mul3A_24, %mul3A_26 : vector<192x640xf32>
    %get3A_28 = arith.constant 0 : index
    %get3A_29 = arith.constant 2 : index
    %get3A_30 = arith.constant 0 : index
    %get3A_31 = arith.constant 0 : index
    %get3A_32 = vector.load %arg1[%get3A_28, %get3A_29, %get3A_30, %get3A_31] : memref<1x3x192x640xf32, #tpu.memory_space<vmem>>, vector<1x1x192x640xf32>
    %get3A_33 = vector.shape_cast %get3A_32 : vector<1x1x192x640xf32> to vector<192x640xf32>
    %mul3A_34 = arith.mulf %get3A_33, %get3A_3 : vector<192x640xf32>
    %mul3A_35 = arith.constant 14.1421356 : f32
    %mul3A_36 = vector.broadcast %mul3A_35 : f32 to vector<192x640xf32>
    %mul3A_37 = arith.mulf %mul3A_34, %mul3A_36 : vector<192x640xf32>
    %get3A_38 = arith.constant 0 : index
    %get3A_39 = arith.constant 0 : index
    %get3A_40 = arith.constant 0 : index
    %get3A_41 = arith.constant 0 : index
    %get3A_42 = vector.load %arg4[%get3A_38, %get3A_39, %get3A_40, %get3A_41] : memref<1x3x192x640xf32, #tpu.memory_space<vmem>>, vector<1x1x192x640xf32>
    %get3A_43 = vector.shape_cast %get3A_42 : vector<1x1x192x640xf32> to vector<192x640xf32>
    %mul3A_44 = arith.constant 7.07106781 : f32
    %mul3A_45 = vector.broadcast %mul3A_44 : f32 to vector<192x640xf32>
    %mul3A_46 = arith.mulf %get3A_43, %mul3A_45 : vector<192x640xf32>
    %get3A_47 = arith.constant 0 : index
    %get3A_48 = arith.constant 1 : index
    %get3A_49 = arith.constant 0 : index
    %get3A_50 = arith.constant 0 : index
    %get3A_51 = vector.load %arg4[%get3A_47, %get3A_48, %get3A_49, %get3A_50] : memref<1x3x192x640xf32, #tpu.memory_space<vmem>>, vector<1x1x192x640xf32>
    %get3A_52 = vector.shape_cast %get3A_51 : vector<1x1x192x640xf32> to vector<192x640xf32>
    %mul3A_53 = arith.constant 7.07106781 : f32
    %mul3A_54 = vector.broadcast %mul3A_53 : f32 to vector<192x640xf32>
    %mul3A_55 = arith.mulf %get3A_52, %mul3A_54 : vector<192x640xf32>
    %get3A_56 = arith.constant 0 : index
    %get3A_57 = arith.constant 2 : index
    %get3A_58 = arith.constant 0 : index
    %get3A_59 = arith.constant 0 : index
    %get3A_60 = vector.load %arg4[%get3A_56, %get3A_57, %get3A_58, %get3A_59] : memref<1x3x192x640xf32, #tpu.memory_space<vmem>>, vector<1x1x192x640xf32>
    %get3A_61 = vector.shape_cast %get3A_60 : vector<1x1x192x640xf32> to vector<192x640xf32>
    %mul3A_62 = arith.constant 7.07106781 : f32
    %mul3A_63 = vector.broadcast %mul3A_62 : f32 to vector<192x640xf32>
    %mul3A_64 = arith.mulf %get3A_61, %mul3A_63 : vector<192x640xf32>
    %get3A_65 = arith.constant 0 : index
    %get3A_66 = arith.constant 0 : index
    %get3A_67 = arith.constant 0 : index
    %get3A_68 = arith.constant 0 : index
    %get3A_69 = vector.load %arg5[%get3A_65, %get3A_66, %get3A_67, %get3A_68] : memref<1x3x196x656xf32, #tpu.memory_space<vmem>>, vector<1x1x196x656xf32>
    %get3A_70 = vector.shape_cast %get3A_69 : vector<1x1x196x656xf32> to vector<196x656xf32>
    %mul3A_71 = arith.mulf %get3A_70, %get3A_8 : vector<196x656xf32>
    %mul3A_72 = arith.constant 14.1421356 : f32
    %mul3A_73 = vector.broadcast %mul3A_72 : f32 to vector<196x656xf32>
    %mul3A_74 = arith.mulf %mul3A_71, %mul3A_73 : vector<196x656xf32>
    %get3A_75 = arith.constant 0 : index
    %get3A_76 = arith.constant 1 : index
    %get3A_77 = arith.constant 0 : index
    %get3A_78 = arith.constant 0 : index
    %get3A_79 = vector.load %arg5[%get3A_75, %get3A_76, %get3A_77, %get3A_78] : memref<1x3x196x656xf32, #tpu.memory_space<vmem>>, vector<1x1x196x656xf32>
    %get3A_80 = vector.shape_cast %get3A_79 : vector<1x1x196x656xf32> to vector<196x656xf32>
    %mul3A_81 = arith.mulf %get3A_80, %get3A_8 : vector<196x656xf32>
    %mul3A_82 = arith.constant 14.1421356 : f32
    %mul3A_83 = vector.broadcast %mul3A_82 : f32 to vector<196x656xf32>
    %mul3A_84 = arith.mulf %mul3A_81, %mul3A_83 : vector<196x656xf32>
    %get3A_85 = arith.constant 0 : index
    %get3A_86 = arith.constant 2 : index
    %get3A_87 = arith.constant 0 : index
    %get3A_88 = arith.constant 0 : index
    %get3A_89 = vector.load %arg5[%get3A_85, %get3A_86, %get3A_87, %get3A_88] : memref<1x3x196x656xf32, #tpu.memory_space<vmem>>, vector<1x1x196x656xf32>
    %get3A_90 = vector.shape_cast %get3A_89 : vector<1x1x196x656xf32> to vector<196x656xf32>
    %mul3A_91 = arith.mulf %get3A_90, %get3A_8 : vector<196x656xf32>
    %mul3A_92 = arith.constant 14.1421356 : f32
    %mul3A_93 = vector.broadcast %mul3A_92 : f32 to vector<196x656xf32>
    %mul3A_94 = arith.mulf %mul3A_91, %mul3A_93 : vector<196x656xf32>
    %get3A_95 = arith.constant 0 : index
    %get3A_96 = arith.constant 0 : index
    %get3A_97 = arith.constant 0 : index
    %get3A_98 = arith.constant 0 : index
    %get3A_99 = vector.load %arg7[%get3A_95, %get3A_96, %get3A_97, %get3A_98] : memref<1x3x196x656xf32, #tpu.memory_space<vmem>>, vector<1x1x196x656xf32>
    %get3A_100 = vector.shape_cast %get3A_99 : vector<1x1x196x656xf32> to vector<196x656xf32>
    %mul3A_101 = arith.constant 7.07106781 : f32
    %mul3A_102 = vector.broadcast %mul3A_101 : f32 to vector<196x656xf32>
    %mul3A_103 = arith.mulf %get3A_100, %mul3A_102 : vector<196x656xf32>
    %get3A_104 = arith.constant 0 : index
    %get3A_105 = arith.constant 1 : index
    %get3A_106 = arith.constant 0 : index
    %get3A_107 = arith.constant 0 : index
    %get3A_108 = vector.load %arg7[%get3A_104, %get3A_105, %get3A_106, %get3A_107] : memref<1x3x196x656xf32, #tpu.memory_space<vmem>>, vector<1x1x196x656xf32>
    %get3A_109 = vector.shape_cast %get3A_108 : vector<1x1x196x656xf32> to vector<196x656xf32>
    %mul3A_110 = arith.constant 7.07106781 : f32
    %mul3A_111 = vector.broadcast %mul3A_110 : f32 to vector<196x656xf32>
    %mul3A_112 = arith.mulf %get3A_109, %mul3A_111 : vector<196x656xf32>
    %get3A_113 = arith.constant 0 : index
    %get3A_114 = arith.constant 2 : index
    %get3A_115 = arith.constant 0 : index
    %get3A_116 = arith.constant 0 : index
    %get3A_117 = vector.load %arg7[%get3A_113, %get3A_114, %get3A_115, %get3A_116] : memref<1x3x196x656xf32, #tpu.memory_space<vmem>>, vector<1x1x196x656xf32>
    %get3A_118 = vector.shape_cast %get3A_117 : vector<1x1x196x656xf32> to vector<196x656xf32>
    %mul3A_119 = arith.constant 7.07106781 : f32
    %mul3A_120 = vector.broadcast %mul3A_119 : f32 to vector<196x656xf32>
    %mul3A_121 = arith.mulf %get3A_118, %mul3A_120 : vector<196x656xf32>
    %mul3A_122 = arith.mulf %mul3A_17, %mul3A_17 : vector<192x640xf32>
    %mul3A_123 = arith.mulf %mul3A_27, %mul3A_27 : vector<192x640xf32>
    %add3A = arith.addf %mul3A_122, %mul3A_123 : vector<192x640xf32>
    %mul3A_124 = arith.mulf %mul3A_37, %mul3A_37 : vector<192x640xf32>
    %mul3A_125 = arith.mulf %mul3A_46, %mul3A_46 : vector<192x640xf32>
    %add3A_126 = arith.addf %mul3A_124, %mul3A_125 : vector<192x640xf32>
    %add3A_127 = arith.addf %add3A, %add3A_126 : vector<192x640xf32>
    %mul3A_128 = arith.mulf %mul3A_55, %mul3A_55 : vector<192x640xf32>
    %mul3A_129 = arith.mulf %mul3A_64, %mul3A_64 : vector<192x640xf32>
    %add3A_130 = arith.addf %mul3A_128, %mul3A_129 : vector<192x640xf32>
    %add3A_131 = arith.addf %add3A_127, %add3A_130 : vector<192x640xf32>
    %mul3A_132 = arith.mulf %mul3A_74, %mul3A_74 : vector<196x656xf32>
    %mul3A_133 = arith.mulf %mul3A_84, %mul3A_84 : vector<196x656xf32>
    %add3A_134 = arith.addf %mul3A_132, %mul3A_133 : vector<196x656xf32>
    %mul3A_135 = arith.mulf %mul3A_94, %mul3A_94 : vector<196x656xf32>
    %mul3A_136 = arith.mulf %mul3A_103, %mul3A_103 : vector<196x656xf32>
    %add3A_137 = arith.addf %mul3A_135, %mul3A_136 : vector<196x656xf32>
    %add3A_138 = arith.addf %add3A_134, %add3A_137 : vector<196x656xf32>
    %mul3A_139 = arith.mulf %mul3A_112, %mul3A_112 : vector<196x656xf32>
    %mul3A_140 = arith.mulf %mul3A_121, %mul3A_121 : vector<196x656xf32>
    %add3A_141 = arith.addf %mul3A_139, %mul3A_140 : vector<196x656xf32>
    %add3A_142 = arith.addf %add3A_138, %add3A_141 : vector<196x656xf32>
    %mul3A_143 = arith.constant 2.000000e+00 : f32
    %mul3A_144 = vector.broadcast %mul3A_143 : f32 to vector<192x640xf32>
    %mul3A_145 = arith.mulf %mul3A_17, %mul3A_144 : vector<192x640xf32>
    %mul3A_146 = arith.constant 2.000000e+00 : f32
    %mul3A_147 = vector.broadcast %mul3A_146 : f32 to vector<192x640xf32>
    %mul3A_148 = arith.mulf %mul3A_27, %mul3A_147 : vector<192x640xf32>
    %mul3A_149 = arith.constant 2.000000e+00 : f32
    %mul3A_150 = vector.broadcast %mul3A_149 : f32 to vector<192x640xf32>
    %mul3A_151 = arith.mulf %mul3A_37, %mul3A_150 : vector<192x640xf32>
    %mul3A_152 = arith.constant 2.000000e+00 : f32
    %mul3A_153 = vector.broadcast %mul3A_152 : f32 to vector<192x640xf32>
    %mul3A_154 = arith.mulf %mul3A_46, %mul3A_153 : vector<192x640xf32>
    %mul3A_155 = arith.constant 2.000000e+00 : f32
    %mul3A_156 = vector.broadcast %mul3A_155 : f32 to vector<192x640xf32>
    %mul3A_157 = arith.mulf %mul3A_55, %mul3A_156 : vector<192x640xf32>
    %mul3A_158 = arith.constant 2.000000e+00 : f32
    %mul3A_159 = vector.broadcast %mul3A_158 : f32 to vector<192x640xf32>
    %mul3A_160 = arith.mulf %mul3A_64, %mul3A_159 : vector<192x640xf32>
    %broadcast_in_dim3A = arith.constant 0.000000e+00 : f32
    %broadcast_in_dim3A_161 = vector.broadcast %broadcast_in_dim3A : f32 to vector<192x640xf32>
    %slice3A = vector.extract_strided_slice %add3A_142 {offsets = [0, 0], sizes = [192, 640], strides = [1, 1]} : vector<196x656xf32> to vector<192x640xf32>
    %add3A_162 = arith.addf %add3A_131, %slice3A : vector<192x640xf32>
    %slice3A_163 = vector.extract_strided_slice %mul3A_74 {offsets = [0, 0], sizes = [192, 640], strides = [1, 1]} : vector<196x656xf32> to vector<192x640xf32>
    %mul3A_164 = arith.mulf %mul3A_145, %slice3A_163 : vector<192x640xf32>
    %sub3A = arith.subf %add3A_162, %mul3A_164 : vector<192x640xf32>
    %slice3A_165 = vector.extract_strided_slice %mul3A_84 {offsets = [0, 0], sizes = [192, 640], strides = [1, 1]} : vector<196x656xf32> to vector<192x640xf32>
    %mul3A_166 = arith.mulf %mul3A_148, %slice3A_165 : vector<192x640xf32>
    %sub3A_167 = arith.subf %sub3A, %mul3A_166 : vector<192x640xf32>
    %slice3A_168 = vector.extract_strided_slice %mul3A_94 {offsets = [0, 0], sizes = [192, 640], strides = [1, 1]} : vector<196x656xf32> to vector<192x640xf32>
    %mul3A_169 = arith.mulf %mul3A_151, %slice3A_168 : vector<192x640xf32>
    %sub3A_170 = arith.subf %sub3A_167, %mul3A_169 : vector<192x640xf32>
    %slice3A_171 = vector.extract_strided_slice %mul3A_103 {offsets = [0, 0], sizes = [192, 640], strides = [1, 1]} : vector<196x656xf32> to vector<192x640xf32>
    %mul3A_172 = arith.mulf %mul3A_154, %slice3A_171 : vector<192x640xf32>
    %sub3A_173 = arith.subf %sub3A_170, %mul3A_172 : vector<192x640xf32>
    %slice3A_174 = vector.extract_strided_slice %mul3A_112 {offsets = [0, 0], sizes = [192, 640], strides = [1, 1]} : vector<196x656xf32> to vector<192x640xf32>
    %mul3A_175 = arith.mulf %mul3A_157, %slice3A_174 : vector<192x640xf32>
    %sub3A_176 = arith.subf %sub3A_173, %mul3A_175 : vector<192x640xf32>
    %slice3A_177 = vector.extract_strided_slice %mul3A_121 {offsets = [0, 0], sizes = [192, 640], strides = [1, 1]} : vector<196x656xf32> to vector<192x640xf32>
    %mul3A_178 = arith.mulf %mul3A_160, %slice3A_177 : vector<192x640xf32>
    %sub3A_179 = arith.subf %sub3A_176, %mul3A_178 : vector<192x640xf32>
    %neg3A = arith.constant 0.000000e+00 : f32
    %neg3A_180 = vector.broadcast %neg3A : f32 to vector<192x640xf32>
    %neg3A_181 = arith.subf %neg3A_180, %sub3A_179 : vector<192x640xf32>
    %exp3A = math.exp %neg3A_181 : vector<192x640xf32>
    %add3A_182 = arith.addf %broadcast_in_dim3A_161, %exp3A : vector<192x640xf32>
    %slice3A_183 = vector.extract_strided_slice %add3A_142 {offsets = [0, 1], sizes = [192, 640], strides = [1, 1]} : vector<196x656xf32> to vector<192x640xf32>
    %add3A_184 = arith.addf %add3A_131, %slice3A_183 : vector<192x640xf32>
    %slice3A_185 = vector.extract_strided_slice %mul3A_74 {offsets = [0, 1], sizes = [192, 640], strides = [1, 1]} : vector<196x656xf32> to vector<192x640xf32>
    %mul3A_186 = arith.mulf %mul3A_145, %slice3A_185 : vector<192x640xf32>
    %sub3A_187 = arith.subf %add3A_184, %mul3A_186 : vector<192x640xf32>
    %slice3A_188 = vector.extract_strided_slice %mul3A_84 {offsets = [0, 1], sizes = [192, 640], strides = [1, 1]} : vector<196x656xf32> to vector<192x640xf32>
    %mul3A_189 = arith.mulf %mul3A_148, %slice3A_188 : vector<192x640xf32>
    %sub3A_190 = arith.subf %sub3A_187, %mul3A_189 : vector<192x640xf32>
    %slice3A_191 = vector.extract_strided_slice %mul3A_94 {offsets = [0, 1], sizes = [192, 640], strides = [1, 1]} : vector<196x656xf32> to vector<192x640xf32>
    %mul3A_192 = arith.mulf %mul3A_151, %slice3A_191 : vector<192x640xf32>
    %sub3A_193 = arith.subf %sub3A_190, %mul3A_192 : vector<192x640xf32>
    %slice3A_194 = vector.extract_strided_slice %mul3A_103 {offsets = [0, 1], sizes = [192, 640], strides = [1, 1]} : vector<196x656xf32> to vector<192x640xf32>
    %mul3A_195 = arith.mulf %mul3A_154, %slice3A_194 : vector<192x640xf32>
    %sub3A_196 = arith.subf %sub3A_193, %mul3A_195 : vector<192x640xf32>
    %slice3A_197 = vector.extract_strided_slice %mul3A_112 {offsets = [0, 1], sizes = [192, 640], strides = [1, 1]} : vector<196x656xf32> to vector<192x640xf32>
    %mul3A_198 = arith.mulf %mul3A_157, %slice3A_197 : vector<192x640xf32>
    %sub3A_199 = arith.subf %sub3A_196, %mul3A_198 : vector<192x640xf32>
    %slice3A_200 = vector.extract_strided_slice %mul3A_121 {offsets = [0, 1], sizes = [192, 640], strides = [1, 1]} : vector<196x656xf32> to vector<192x640xf32>
    %mul3A_201 = arith.mulf %mul3A_160, %slice3A_200 : vector<192x640xf32>
    %sub3A_202 = arith.subf %sub3A_199, %mul3A_201 : vector<192x640xf32>
    %neg3A_203 = arith.constant 0.000000e+00 : f32
    %neg3A_204 = vector.broadcast %neg3A_203 : f32 to vector<192x640xf32>
    %neg3A_205 = arith.subf %neg3A_204, %sub3A_202 : vector<192x640xf32>
    %exp3A_206 = math.exp %neg3A_205 : vector<192x640xf32>
    %add3A_207 = arith.addf %add3A_182, %exp3A_206 : vector<192x640xf32>
    %slice3A_208 = vector.extract_strided_slice %add3A_142 {offsets = [0, 2], sizes = [192, 640], strides = [1, 1]} : vector<196x656xf32> to vector<192x640xf32>
    %add3A_209 = arith.addf %add3A_131, %slice3A_208 : vector<192x640xf32>
    %slice3A_210 = vector.extract_strided_slice %mul3A_74 {offsets = [0, 2], sizes = [192, 640], strides = [1, 1]} : vector<196x656xf32> to vector<192x640xf32>
    %mul3A_211 = arith.mulf %mul3A_145, %slice3A_210 : vector<192x640xf32>
    %sub3A_212 = arith.subf %add3A_209, %mul3A_211 : vector<192x640xf32>
    %slice3A_213 = vector.extract_strided_slice %mul3A_84 {offsets = [0, 2], sizes = [192, 640], strides = [1, 1]} : vector<196x656xf32> to vector<192x640xf32>
    %mul3A_214 = arith.mulf %mul3A_148, %slice3A_213 : vector<192x640xf32>
    %sub3A_215 = arith.subf %sub3A_212, %mul3A_214 : vector<192x640xf32>
    %slice3A_216 = vector.extract_strided_slice %mul3A_94 {offsets = [0, 2], sizes = [192, 640], strides = [1, 1]} : vector<196x656xf32> to vector<192x640xf32>
    %mul3A_217 = arith.mulf %mul3A_151, %slice3A_216 : vector<192x640xf32>
    %sub3A_218 = arith.subf %sub3A_215, %mul3A_217 : vector<192x640xf32>
    %slice3A_219 = vector.extract_strided_slice %mul3A_103 {offsets = [0, 2], sizes = [192, 640], strides = [1, 1]} : vector<196x656xf32> to vector<192x640xf32>
    %mul3A_220 = arith.mulf %mul3A_154, %slice3A_219 : vector<192x640xf32>
    %sub3A_221 = arith.subf %sub3A_218, %mul3A_220 : vector<192x640xf32>
    %slice3A_222 = vector.extract_strided_slice %mul3A_112 {offsets = [0, 2], sizes = [192, 640], strides = [1, 1]} : vector<196x656xf32> to vector<192x640xf32>
    %mul3A_223 = arith.mulf %mul3A_157, %slice3A_222 : vector<192x640xf32>
    %sub3A_224 = arith.subf %sub3A_221, %mul3A_223 : vector<192x640xf32>
    %slice3A_225 = vector.extract_strided_slice %mul3A_121 {offsets = [0, 2], sizes = [192, 640], strides = [1, 1]} : vector<196x656xf32> to vector<192x640xf32>
    %mul3A_226 = arith.mulf %mul3A_160, %slice3A_225 : vector<192x640xf32>
    %sub3A_227 = arith.subf %sub3A_224, %mul3A_226 : vector<192x640xf32>
    %neg3A_228 = arith.constant 0.000000e+00 : f32
    %neg3A_229 = vector.broadcast %neg3A_228 : f32 to vector<192x640xf32>
    %neg3A_230 = arith.subf %neg3A_229, %sub3A_227 : vector<192x640xf32>
    %exp3A_231 = math.exp %neg3A_230 : vector<192x640xf32>
    %add3A_232 = arith.addf %add3A_207, %exp3A_231 : vector<192x640xf32>
    %slice3A_233 = vector.extract_strided_slice %add3A_142 {offsets = [0, 3], sizes = [192, 640], strides = [1, 1]} : vector<196x656xf32> to vector<192x640xf32>
    %add3A_234 = arith.addf %add3A_131, %slice3A_233 : vector<192x640xf32>
    %slice3A_235 = vector.extract_strided_slice %mul3A_74 {offsets = [0, 3], sizes = [192, 640], strides = [1, 1]} : vector<196x656xf32> to vector<192x640xf32>
    %mul3A_236 = arith.mulf %mul3A_145, %slice3A_235 : vector<192x640xf32>
    %sub3A_237 = arith.subf %add3A_234, %mul3A_236 : vector<192x640xf32>
    %slice3A_238 = vector.extract_strided_slice %mul3A_84 {offsets = [0, 3], sizes = [192, 640], strides = [1, 1]} : vector<196x656xf32> to vector<192x640xf32>
    %mul3A_239 = arith.mulf %mul3A_148, %slice3A_238 : vector<192x640xf32>
    %sub3A_240 = arith.subf %sub3A_237, %mul3A_239 : vector<192x640xf32>
    %slice3A_241 = vector.extract_strided_slice %mul3A_94 {offsets = [0, 3], sizes = [192, 640], strides = [1, 1]} : vector<196x656xf32> to vector<192x640xf32>
    %mul3A_242 = arith.mulf %mul3A_151, %slice3A_241 : vector<192x640xf32>
    %sub3A_243 = arith.subf %sub3A_240, %mul3A_242 : vector<192x640xf32>
    %slice3A_244 = vector.extract_strided_slice %mul3A_103 {offsets = [0, 3], sizes = [192, 640], strides = [1, 1]} : vector<196x656xf32> to vector<192x640xf32>
    %mul3A_245 = arith.mulf %mul3A_154, %slice3A_244 : vector<192x640xf32>
    %sub3A_246 = arith.subf %sub3A_243, %mul3A_245 : vector<192x640xf32>
    %slice3A_247 = vector.extract_strided_slice %mul3A_112 {offsets = [0, 3], sizes = [192, 640], strides = [1, 1]} : vector<196x656xf32> to vector<192x640xf32>
    %mul3A_248 = arith.mulf %mul3A_157, %slice3A_247 : vector<192x640xf32>
    %sub3A_249 = arith.subf %sub3A_246, %mul3A_248 : vector<192x640xf32>
    %slice3A_250 = vector.extract_strided_slice %mul3A_121 {offsets = [0, 3], sizes = [192, 640], strides = [1, 1]} : vector<196x656xf32> to vector<192x640xf32>
    %mul3A_251 = arith.mulf %mul3A_160, %slice3A_250 : vector<192x640xf32>
    %sub3A_252 = arith.subf %sub3A_249, %mul3A_251 : vector<192x640xf32>
    %neg3A_253 = arith.constant 0.000000e+00 : f32
    %neg3A_254 = vector.broadcast %neg3A_253 : f32 to vector<192x640xf32>
    %neg3A_255 = arith.subf %neg3A_254, %sub3A_252 : vector<192x640xf32>
    %exp3A_256 = math.exp %neg3A_255 : vector<192x640xf32>
    %add3A_257 = arith.addf %add3A_232, %exp3A_256 : vector<192x640xf32>
    %slice3A_258 = vector.extract_strided_slice %add3A_142 {offsets = [0, 4], sizes = [192, 640], strides = [1, 1]} : vector<196x656xf32> to vector<192x640xf32>
    %add3A_259 = arith.addf %add3A_131, %slice3A_258 : vector<192x640xf32>
    %slice3A_260 = vector.extract_strided_slice %mul3A_74 {offsets = [0, 4], sizes = [192, 640], strides = [1, 1]} : vector<196x656xf32> to vector<192x640xf32>
    %mul3A_261 = arith.mulf %mul3A_145, %slice3A_260 : vector<192x640xf32>
    %sub3A_262 = arith.subf %add3A_259, %mul3A_261 : vector<192x640xf32>
    %slice3A_263 = vector.extract_strided_slice %mul3A_84 {offsets = [0, 4], sizes = [192, 640], strides = [1, 1]} : vector<196x656xf32> to vector<192x640xf32>
    %mul3A_264 = arith.mulf %mul3A_148, %slice3A_263 : vector<192x640xf32>
    %sub3A_265 = arith.subf %sub3A_262, %mul3A_264 : vector<192x640xf32>
    %slice3A_266 = vector.extract_strided_slice %mul3A_94 {offsets = [0, 4], sizes = [192, 640], strides = [1, 1]} : vector<196x656xf32> to vector<192x640xf32>
    %mul3A_267 = arith.mulf %mul3A_151, %slice3A_266 : vector<192x640xf32>
    %sub3A_268 = arith.subf %sub3A_265, %mul3A_267 : vector<192x640xf32>
    %slice3A_269 = vector.extract_strided_slice %mul3A_103 {offsets = [0, 4], sizes = [192, 640], strides = [1, 1]} : vector<196x656xf32> to vector<192x640xf32>
    %mul3A_270 = arith.mulf %mul3A_154, %slice3A_269 : vector<192x640xf32>
    %sub3A_271 = arith.subf %sub3A_268, %mul3A_270 : vector<192x640xf32>
    %slice3A_272 = vector.extract_strided_slice %mul3A_112 {offsets = [0, 4], sizes = [192, 640], strides = [1, 1]} : vector<196x656xf32> to vector<192x640xf32>
    %mul3A_273 = arith.mulf %mul3A_157, %slice3A_272 : vector<192x640xf32>
    %sub3A_274 = arith.subf %sub3A_271, %mul3A_273 : vector<192x640xf32>
    %slice3A_275 = vector.extract_strided_slice %mul3A_121 {offsets = [0, 4], sizes = [192, 640], strides = [1, 1]} : vector<196x656xf32> to vector<192x640xf32>
    %mul3A_276 = arith.mulf %mul3A_160, %slice3A_275 : vector<192x640xf32>
    %sub3A_277 = arith.subf %sub3A_274, %mul3A_276 : vector<192x640xf32>
    %neg3A_278 = arith.constant 0.000000e+00 : f32
    %neg3A_279 = vector.broadcast %neg3A_278 : f32 to vector<192x640xf32>
    %neg3A_280 = arith.subf %neg3A_279, %sub3A_277 : vector<192x640xf32>
    %exp3A_281 = math.exp %neg3A_280 : vector<192x640xf32>
    %add3A_282 = arith.addf %add3A_257, %exp3A_281 : vector<192x640xf32>
    %slice3A_283 = vector.extract_strided_slice %add3A_142 {offsets = [1, 0], sizes = [192, 640], strides = [1, 1]} : vector<196x656xf32> to vector<192x640xf32>
    %add3A_284 = arith.addf %add3A_131, %slice3A_283 : vector<192x640xf32>
    %slice3A_285 = vector.extract_strided_slice %mul3A_74 {offsets = [1, 0], sizes = [192, 640], strides = [1, 1]} : vector<196x656xf32> to vector<192x640xf32>
    %mul3A_286 = arith.mulf %mul3A_145, %slice3A_285 : vector<192x640xf32>
    %sub3A_287 = arith.subf %add3A_284, %mul3A_286 : vector<192x640xf32>
    %slice3A_288 = vector.extract_strided_slice %mul3A_84 {offsets = [1, 0], sizes = [192, 640], strides = [1, 1]} : vector<196x656xf32> to vector<192x640xf32>
    %mul3A_289 = arith.mulf %mul3A_148, %slice3A_288 : vector<192x640xf32>
    %sub3A_290 = arith.subf %sub3A_287, %mul3A_289 : vector<192x640xf32>
    %slice3A_291 = vector.extract_strided_slice %mul3A_94 {offsets = [1, 0], sizes = [192, 640], strides = [1, 1]} : vector<196x656xf32> to vector<192x640xf32>
    %mul3A_292 = arith.mulf %mul3A_151, %slice3A_291 : vector<192x640xf32>
    %sub3A_293 = arith.subf %sub3A_290, %mul3A_292 : vector<192x640xf32>
    %slice3A_294 = vector.extract_strided_slice %mul3A_103 {offsets = [1, 0], sizes = [192, 640], strides = [1, 1]} : vector<196x656xf32> to vector<192x640xf32>
    %mul3A_295 = arith.mulf %mul3A_154, %slice3A_294 : vector<192x640xf32>
    %sub3A_296 = arith.subf %sub3A_293, %mul3A_295 : vector<192x640xf32>
    %slice3A_297 = vector.extract_strided_slice %mul3A_112 {offsets = [1, 0], sizes = [192, 640], strides = [1, 1]} : vector<196x656xf32> to vector<192x640xf32>
    %mul3A_298 = arith.mulf %mul3A_157, %slice3A_297 : vector<192x640xf32>
    %sub3A_299 = arith.subf %sub3A_296, %mul3A_298 : vector<192x640xf32>
    %slice3A_300 = vector.extract_strided_slice %mul3A_121 {offsets = [1, 0], sizes = [192, 640], strides = [1, 1]} : vector<196x656xf32> to vector<192x640xf32>
    %mul3A_301 = arith.mulf %mul3A_160, %slice3A_300 : vector<192x640xf32>
    %sub3A_302 = arith.subf %sub3A_299, %mul3A_301 : vector<192x640xf32>
    %neg3A_303 = arith.constant 0.000000e+00 : f32
    %neg3A_304 = vector.broadcast %neg3A_303 : f32 to vector<192x640xf32>
    %neg3A_305 = arith.subf %neg3A_304, %sub3A_302 : vector<192x640xf32>
    %exp3A_306 = math.exp %neg3A_305 : vector<192x640xf32>
    %add3A_307 = arith.addf %add3A_282, %exp3A_306 : vector<192x640xf32>
    %slice3A_308 = vector.extract_strided_slice %add3A_142 {offsets = [1, 1], sizes = [192, 640], strides = [1, 1]} : vector<196x656xf32> to vector<192x640xf32>
    %add3A_309 = arith.addf %add3A_131, %slice3A_308 : vector<192x640xf32>
    %slice3A_310 = vector.extract_strided_slice %mul3A_74 {offsets = [1, 1], sizes = [192, 640], strides = [1, 1]} : vector<196x656xf32> to vector<192x640xf32>
    %mul3A_311 = arith.mulf %mul3A_145, %slice3A_310 : vector<192x640xf32>
    %sub3A_312 = arith.subf %add3A_309, %mul3A_311 : vector<192x640xf32>
    %slice3A_313 = vector.extract_strided_slice %mul3A_84 {offsets = [1, 1], sizes = [192, 640], strides = [1, 1]} : vector<196x656xf32> to vector<192x640xf32>
    %mul3A_314 = arith.mulf %mul3A_148, %slice3A_313 : vector<192x640xf32>
    %sub3A_315 = arith.subf %sub3A_312, %mul3A_314 : vector<192x640xf32>
    %slice3A_316 = vector.extract_strided_slice %mul3A_94 {offsets = [1, 1], sizes = [192, 640], strides = [1, 1]} : vector<196x656xf32> to vector<192x640xf32>
    %mul3A_317 = arith.mulf %mul3A_151, %slice3A_316 : vector<192x640xf32>
    %sub3A_318 = arith.subf %sub3A_315, %mul3A_317 : vector<192x640xf32>
    %slice3A_319 = vector.extract_strided_slice %mul3A_103 {offsets = [1, 1], sizes = [192, 640], strides = [1, 1]} : vector<196x656xf32> to vector<192x640xf32>
    %mul3A_320 = arith.mulf %mul3A_154, %slice3A_319 : vector<192x640xf32>
    %sub3A_321 = arith.subf %sub3A_318, %mul3A_320 : vector<192x640xf32>
    %slice3A_322 = vector.extract_strided_slice %mul3A_112 {offsets = [1, 1], sizes = [192, 640], strides = [1, 1]} : vector<196x656xf32> to vector<192x640xf32>
    %mul3A_323 = arith.mulf %mul3A_157, %slice3A_322 : vector<192x640xf32>
    %sub3A_324 = arith.subf %sub3A_321, %mul3A_323 : vector<192x640xf32>
    %slice3A_325 = vector.extract_strided_slice %mul3A_121 {offsets = [1, 1], sizes = [192, 640], strides = [1, 1]} : vector<196x656xf32> to vector<192x640xf32>
    %mul3A_326 = arith.mulf %mul3A_160, %slice3A_325 : vector<192x640xf32>
    %sub3A_327 = arith.subf %sub3A_324, %mul3A_326 : vector<192x640xf32>
    %neg3A_328 = arith.constant 0.000000e+00 : f32
    %neg3A_329 = vector.broadcast %neg3A_328 : f32 to vector<192x640xf32>
    %neg3A_330 = arith.subf %neg3A_329, %sub3A_327 : vector<192x640xf32>
    %exp3A_331 = math.exp %neg3A_330 : vector<192x640xf32>
    %add3A_332 = arith.addf %add3A_307, %exp3A_331 : vector<192x640xf32>
    %slice3A_333 = vector.extract_strided_slice %add3A_142 {offsets = [1, 2], sizes = [192, 640], strides = [1, 1]} : vector<196x656xf32> to vector<192x640xf32>
    %add3A_334 = arith.addf %add3A_131, %slice3A_333 : vector<192x640xf32>
    %slice3A_335 = vector.extract_strided_slice %mul3A_74 {offsets = [1, 2], sizes = [192, 640], strides = [1, 1]} : vector<196x656xf32> to vector<192x640xf32>
    %mul3A_336 = arith.mulf %mul3A_145, %slice3A_335 : vector<192x640xf32>
    %sub3A_337 = arith.subf %add3A_334, %mul3A_336 : vector<192x640xf32>
    %slice3A_338 = vector.extract_strided_slice %mul3A_84 {offsets = [1, 2], sizes = [192, 640], strides = [1, 1]} : vector<196x656xf32> to vector<192x640xf32>
    %mul3A_339 = arith.mulf %mul3A_148, %slice3A_338 : vector<192x640xf32>
    %sub3A_340 = arith.subf %sub3A_337, %mul3A_339 : vector<192x640xf32>
    %slice3A_341 = vector.extract_strided_slice %mul3A_94 {offsets = [1, 2], sizes = [192, 640], strides = [1, 1]} : vector<196x656xf32> to vector<192x640xf32>
    %mul3A_342 = arith.mulf %mul3A_151, %slice3A_341 : vector<192x640xf32>
    %sub3A_343 = arith.subf %sub3A_340, %mul3A_342 : vector<192x640xf32>
    %slice3A_344 = vector.extract_strided_slice %mul3A_103 {offsets = [1, 2], sizes = [192, 640], strides = [1, 1]} : vector<196x656xf32> to vector<192x640xf32>
    %mul3A_345 = arith.mulf %mul3A_154, %slice3A_344 : vector<192x640xf32>
    %sub3A_346 = arith.subf %sub3A_343, %mul3A_345 : vector<192x640xf32>
    %slice3A_347 = vector.extract_strided_slice %mul3A_112 {offsets = [1, 2], sizes = [192, 640], strides = [1, 1]} : vector<196x656xf32> to vector<192x640xf32>
    %mul3A_348 = arith.mulf %mul3A_157, %slice3A_347 : vector<192x640xf32>
    %sub3A_349 = arith.subf %sub3A_346, %mul3A_348 : vector<192x640xf32>
    %slice3A_350 = vector.extract_strided_slice %mul3A_121 {offsets = [1, 2], sizes = [192, 640], strides = [1, 1]} : vector<196x656xf32> to vector<192x640xf32>
    %mul3A_351 = arith.mulf %mul3A_160, %slice3A_350 : vector<192x640xf32>
    %sub3A_352 = arith.subf %sub3A_349, %mul3A_351 : vector<192x640xf32>
    %neg3A_353 = arith.constant 0.000000e+00 : f32
    %neg3A_354 = vector.broadcast %neg3A_353 : f32 to vector<192x640xf32>
    %neg3A_355 = arith.subf %neg3A_354, %sub3A_352 : vector<192x640xf32>
    %exp3A_356 = math.exp %neg3A_355 : vector<192x640xf32>
    %add3A_357 = arith.addf %add3A_332, %exp3A_356 : vector<192x640xf32>
    %slice3A_358 = vector.extract_strided_slice %add3A_142 {offsets = [1, 3], sizes = [192, 640], strides = [1, 1]} : vector<196x656xf32> to vector<192x640xf32>
    %add3A_359 = arith.addf %add3A_131, %slice3A_358 : vector<192x640xf32>
    %slice3A_360 = vector.extract_strided_slice %mul3A_74 {offsets = [1, 3], sizes = [192, 640], strides = [1, 1]} : vector<196x656xf32> to vector<192x640xf32>
    %mul3A_361 = arith.mulf %mul3A_145, %slice3A_360 : vector<192x640xf32>
    %sub3A_362 = arith.subf %add3A_359, %mul3A_361 : vector<192x640xf32>
    %slice3A_363 = vector.extract_strided_slice %mul3A_84 {offsets = [1, 3], sizes = [192, 640], strides = [1, 1]} : vector<196x656xf32> to vector<192x640xf32>
    %mul3A_364 = arith.mulf %mul3A_148, %slice3A_363 : vector<192x640xf32>
    %sub3A_365 = arith.subf %sub3A_362, %mul3A_364 : vector<192x640xf32>
    %slice3A_366 = vector.extract_strided_slice %mul3A_94 {offsets = [1, 3], sizes = [192, 640], strides = [1, 1]} : vector<196x656xf32> to vector<192x640xf32>
    %mul3A_367 = arith.mulf %mul3A_151, %slice3A_366 : vector<192x640xf32>
    %sub3A_368 = arith.subf %sub3A_365, %mul3A_367 : vector<192x640xf32>
    %slice3A_369 = vector.extract_strided_slice %mul3A_103 {offsets = [1, 3], sizes = [192, 640], strides = [1, 1]} : vector<196x656xf32> to vector<192x640xf32>
    %mul3A_370 = arith.mulf %mul3A_154, %slice3A_369 : vector<192x640xf32>
    %sub3A_371 = arith.subf %sub3A_368, %mul3A_370 : vector<192x640xf32>
    %slice3A_372 = vector.extract_strided_slice %mul3A_112 {offsets = [1, 3], sizes = [192, 640], strides = [1, 1]} : vector<196x656xf32> to vector<192x640xf32>
    %mul3A_373 = arith.mulf %mul3A_157, %slice3A_372 : vector<192x640xf32>
    %sub3A_374 = arith.subf %sub3A_371, %mul3A_373 : vector<192x640xf32>
    %slice3A_375 = vector.extract_strided_slice %mul3A_121 {offsets = [1, 3], sizes = [192, 640], strides = [1, 1]} : vector<196x656xf32> to vector<192x640xf32>
    %mul3A_376 = arith.mulf %mul3A_160, %slice3A_375 : vector<192x640xf32>
    %sub3A_377 = arith.subf %sub3A_374, %mul3A_376 : vector<192x640xf32>
    %neg3A_378 = arith.constant 0.000000e+00 : f32
    %neg3A_379 = vector.broadcast %neg3A_378 : f32 to vector<192x640xf32>
    %neg3A_380 = arith.subf %neg3A_379, %sub3A_377 : vector<192x640xf32>
    %exp3A_381 = math.exp %neg3A_380 : vector<192x640xf32>
    %add3A_382 = arith.addf %add3A_357, %exp3A_381 : vector<192x640xf32>
    %slice3A_383 = vector.extract_strided_slice %add3A_142 {offsets = [1, 4], sizes = [192, 640], strides = [1, 1]} : vector<196x656xf32> to vector<192x640xf32>
    %add3A_384 = arith.addf %add3A_131, %slice3A_383 : vector<192x640xf32>
    %slice3A_385 = vector.extract_strided_slice %mul3A_74 {offsets = [1, 4], sizes = [192, 640], strides = [1, 1]} : vector<196x656xf32> to vector<192x640xf32>
    %mul3A_386 = arith.mulf %mul3A_145, %slice3A_385 : vector<192x640xf32>
    %sub3A_387 = arith.subf %add3A_384, %mul3A_386 : vector<192x640xf32>
    %slice3A_388 = vector.extract_strided_slice %mul3A_84 {offsets = [1, 4], sizes = [192, 640], strides = [1, 1]} : vector<196x656xf32> to vector<192x640xf32>
    %mul3A_389 = arith.mulf %mul3A_148, %slice3A_388 : vector<192x640xf32>
    %sub3A_390 = arith.subf %sub3A_387, %mul3A_389 : vector<192x640xf32>
    %slice3A_391 = vector.extract_strided_slice %mul3A_94 {offsets = [1, 4], sizes = [192, 640], strides = [1, 1]} : vector<196x656xf32> to vector<192x640xf32>
    %mul3A_392 = arith.mulf %mul3A_151, %slice3A_391 : vector<192x640xf32>
    %sub3A_393 = arith.subf %sub3A_390, %mul3A_392 : vector<192x640xf32>
    %slice3A_394 = vector.extract_strided_slice %mul3A_103 {offsets = [1, 4], sizes = [192, 640], strides = [1, 1]} : vector<196x656xf32> to vector<192x640xf32>
    %mul3A_395 = arith.mulf %mul3A_154, %slice3A_394 : vector<192x640xf32>
    %sub3A_396 = arith.subf %sub3A_393, %mul3A_395 : vector<192x640xf32>
    %slice3A_397 = vector.extract_strided_slice %mul3A_112 {offsets = [1, 4], sizes = [192, 640], strides = [1, 1]} : vector<196x656xf32> to vector<192x640xf32>
    %mul3A_398 = arith.mulf %mul3A_157, %slice3A_397 : vector<192x640xf32>
    %sub3A_399 = arith.subf %sub3A_396, %mul3A_398 : vector<192x640xf32>
    %slice3A_400 = vector.extract_strided_slice %mul3A_121 {offsets = [1, 4], sizes = [192, 640], strides = [1, 1]} : vector<196x656xf32> to vector<192x640xf32>
    %mul3A_401 = arith.mulf %mul3A_160, %slice3A_400 : vector<192x640xf32>
    %sub3A_402 = arith.subf %sub3A_399, %mul3A_401 : vector<192x640xf32>
    %neg3A_403 = arith.constant 0.000000e+00 : f32
    %neg3A_404 = vector.broadcast %neg3A_403 : f32 to vector<192x640xf32>
    %neg3A_405 = arith.subf %neg3A_404, %sub3A_402 : vector<192x640xf32>
    %exp3A_406 = math.exp %neg3A_405 : vector<192x640xf32>
    %add3A_407 = arith.addf %add3A_382, %exp3A_406 : vector<192x640xf32>
    %slice3A_408 = vector.extract_strided_slice %add3A_142 {offsets = [2, 0], sizes = [192, 640], strides = [1, 1]} : vector<196x656xf32> to vector<192x640xf32>
    %add3A_409 = arith.addf %add3A_131, %slice3A_408 : vector<192x640xf32>
    %slice3A_410 = vector.extract_strided_slice %mul3A_74 {offsets = [2, 0], sizes = [192, 640], strides = [1, 1]} : vector<196x656xf32> to vector<192x640xf32>
    %mul3A_411 = arith.mulf %mul3A_145, %slice3A_410 : vector<192x640xf32>
    %sub3A_412 = arith.subf %add3A_409, %mul3A_411 : vector<192x640xf32>
    %slice3A_413 = vector.extract_strided_slice %mul3A_84 {offsets = [2, 0], sizes = [192, 640], strides = [1, 1]} : vector<196x656xf32> to vector<192x640xf32>
    %mul3A_414 = arith.mulf %mul3A_148, %slice3A_413 : vector<192x640xf32>
    %sub3A_415 = arith.subf %sub3A_412, %mul3A_414 : vector<192x640xf32>
    %slice3A_416 = vector.extract_strided_slice %mul3A_94 {offsets = [2, 0], sizes = [192, 640], strides = [1, 1]} : vector<196x656xf32> to vector<192x640xf32>
    %mul3A_417 = arith.mulf %mul3A_151, %slice3A_416 : vector<192x640xf32>
    %sub3A_418 = arith.subf %sub3A_415, %mul3A_417 : vector<192x640xf32>
    %slice3A_419 = vector.extract_strided_slice %mul3A_103 {offsets = [2, 0], sizes = [192, 640], strides = [1, 1]} : vector<196x656xf32> to vector<192x640xf32>
    %mul3A_420 = arith.mulf %mul3A_154, %slice3A_419 : vector<192x640xf32>
    %sub3A_421 = arith.subf %sub3A_418, %mul3A_420 : vector<192x640xf32>
    %slice3A_422 = vector.extract_strided_slice %mul3A_112 {offsets = [2, 0], sizes = [192, 640], strides = [1, 1]} : vector<196x656xf32> to vector<192x640xf32>
    %mul3A_423 = arith.mulf %mul3A_157, %slice3A_422 : vector<192x640xf32>
    %sub3A_424 = arith.subf %sub3A_421, %mul3A_423 : vector<192x640xf32>
    %slice3A_425 = vector.extract_strided_slice %mul3A_121 {offsets = [2, 0], sizes = [192, 640], strides = [1, 1]} : vector<196x656xf32> to vector<192x640xf32>
    %mul3A_426 = arith.mulf %mul3A_160, %slice3A_425 : vector<192x640xf32>
    %sub3A_427 = arith.subf %sub3A_424, %mul3A_426 : vector<192x640xf32>
    %neg3A_428 = arith.constant 0.000000e+00 : f32
    %neg3A_429 = vector.broadcast %neg3A_428 : f32 to vector<192x640xf32>
    %neg3A_430 = arith.subf %neg3A_429, %sub3A_427 : vector<192x640xf32>
    %exp3A_431 = math.exp %neg3A_430 : vector<192x640xf32>
    %add3A_432 = arith.addf %add3A_407, %exp3A_431 : vector<192x640xf32>
    %slice3A_433 = vector.extract_strided_slice %add3A_142 {offsets = [2, 1], sizes = [192, 640], strides = [1, 1]} : vector<196x656xf32> to vector<192x640xf32>
    %add3A_434 = arith.addf %add3A_131, %slice3A_433 : vector<192x640xf32>
    %slice3A_435 = vector.extract_strided_slice %mul3A_74 {offsets = [2, 1], sizes = [192, 640], strides = [1, 1]} : vector<196x656xf32> to vector<192x640xf32>
    %mul3A_436 = arith.mulf %mul3A_145, %slice3A_435 : vector<192x640xf32>
    %sub3A_437 = arith.subf %add3A_434, %mul3A_436 : vector<192x640xf32>
    %slice3A_438 = vector.extract_strided_slice %mul3A_84 {offsets = [2, 1], sizes = [192, 640], strides = [1, 1]} : vector<196x656xf32> to vector<192x640xf32>
    %mul3A_439 = arith.mulf %mul3A_148, %slice3A_438 : vector<192x640xf32>
    %sub3A_440 = arith.subf %sub3A_437, %mul3A_439 : vector<192x640xf32>
    %slice3A_441 = vector.extract_strided_slice %mul3A_94 {offsets = [2, 1], sizes = [192, 640], strides = [1, 1]} : vector<196x656xf32> to vector<192x640xf32>
    %mul3A_442 = arith.mulf %mul3A_151, %slice3A_441 : vector<192x640xf32>
    %sub3A_443 = arith.subf %sub3A_440, %mul3A_442 : vector<192x640xf32>
    %slice3A_444 = vector.extract_strided_slice %mul3A_103 {offsets = [2, 1], sizes = [192, 640], strides = [1, 1]} : vector<196x656xf32> to vector<192x640xf32>
    %mul3A_445 = arith.mulf %mul3A_154, %slice3A_444 : vector<192x640xf32>
    %sub3A_446 = arith.subf %sub3A_443, %mul3A_445 : vector<192x640xf32>
    %slice3A_447 = vector.extract_strided_slice %mul3A_112 {offsets = [2, 1], sizes = [192, 640], strides = [1, 1]} : vector<196x656xf32> to vector<192x640xf32>
    %mul3A_448 = arith.mulf %mul3A_157, %slice3A_447 : vector<192x640xf32>
    %sub3A_449 = arith.subf %sub3A_446, %mul3A_448 : vector<192x640xf32>
    %slice3A_450 = vector.extract_strided_slice %mul3A_121 {offsets = [2, 1], sizes = [192, 640], strides = [1, 1]} : vector<196x656xf32> to vector<192x640xf32>
    %mul3A_451 = arith.mulf %mul3A_160, %slice3A_450 : vector<192x640xf32>
    %sub3A_452 = arith.subf %sub3A_449, %mul3A_451 : vector<192x640xf32>
    %neg3A_453 = arith.constant 0.000000e+00 : f32
    %neg3A_454 = vector.broadcast %neg3A_453 : f32 to vector<192x640xf32>
    %neg3A_455 = arith.subf %neg3A_454, %sub3A_452 : vector<192x640xf32>
    %exp3A_456 = math.exp %neg3A_455 : vector<192x640xf32>
    %add3A_457 = arith.addf %add3A_432, %exp3A_456 : vector<192x640xf32>
    %slice3A_458 = vector.extract_strided_slice %add3A_142 {offsets = [2, 2], sizes = [192, 640], strides = [1, 1]} : vector<196x656xf32> to vector<192x640xf32>
    %add3A_459 = arith.addf %add3A_131, %slice3A_458 : vector<192x640xf32>
    %slice3A_460 = vector.extract_strided_slice %mul3A_74 {offsets = [2, 2], sizes = [192, 640], strides = [1, 1]} : vector<196x656xf32> to vector<192x640xf32>
    %mul3A_461 = arith.mulf %mul3A_145, %slice3A_460 : vector<192x640xf32>
    %sub3A_462 = arith.subf %add3A_459, %mul3A_461 : vector<192x640xf32>
    %slice3A_463 = vector.extract_strided_slice %mul3A_84 {offsets = [2, 2], sizes = [192, 640], strides = [1, 1]} : vector<196x656xf32> to vector<192x640xf32>
    %mul3A_464 = arith.mulf %mul3A_148, %slice3A_463 : vector<192x640xf32>
    %sub3A_465 = arith.subf %sub3A_462, %mul3A_464 : vector<192x640xf32>
    %slice3A_466 = vector.extract_strided_slice %mul3A_94 {offsets = [2, 2], sizes = [192, 640], strides = [1, 1]} : vector<196x656xf32> to vector<192x640xf32>
    %mul3A_467 = arith.mulf %mul3A_151, %slice3A_466 : vector<192x640xf32>
    %sub3A_468 = arith.subf %sub3A_465, %mul3A_467 : vector<192x640xf32>
    %slice3A_469 = vector.extract_strided_slice %mul3A_103 {offsets = [2, 2], sizes = [192, 640], strides = [1, 1]} : vector<196x656xf32> to vector<192x640xf32>
    %mul3A_470 = arith.mulf %mul3A_154, %slice3A_469 : vector<192x640xf32>
    %sub3A_471 = arith.subf %sub3A_468, %mul3A_470 : vector<192x640xf32>
    %slice3A_472 = vector.extract_strided_slice %mul3A_112 {offsets = [2, 2], sizes = [192, 640], strides = [1, 1]} : vector<196x656xf32> to vector<192x640xf32>
    %mul3A_473 = arith.mulf %mul3A_157, %slice3A_472 : vector<192x640xf32>
    %sub3A_474 = arith.subf %sub3A_471, %mul3A_473 : vector<192x640xf32>
    %slice3A_475 = vector.extract_strided_slice %mul3A_121 {offsets = [2, 2], sizes = [192, 640], strides = [1, 1]} : vector<196x656xf32> to vector<192x640xf32>
    %mul3A_476 = arith.mulf %mul3A_160, %slice3A_475 : vector<192x640xf32>
    %sub3A_477 = arith.subf %sub3A_474, %mul3A_476 : vector<192x640xf32>
    %neg3A_478 = arith.constant 0.000000e+00 : f32
    %neg3A_479 = vector.broadcast %neg3A_478 : f32 to vector<192x640xf32>
    %neg3A_480 = arith.subf %neg3A_479, %sub3A_477 : vector<192x640xf32>
    %exp3A_481 = math.exp %neg3A_480 : vector<192x640xf32>
    %add3A_482 = arith.addf %add3A_457, %exp3A_481 : vector<192x640xf32>
    %slice3A_483 = vector.extract_strided_slice %add3A_142 {offsets = [2, 3], sizes = [192, 640], strides = [1, 1]} : vector<196x656xf32> to vector<192x640xf32>
    %add3A_484 = arith.addf %add3A_131, %slice3A_483 : vector<192x640xf32>
    %slice3A_485 = vector.extract_strided_slice %mul3A_74 {offsets = [2, 3], sizes = [192, 640], strides = [1, 1]} : vector<196x656xf32> to vector<192x640xf32>
    %mul3A_486 = arith.mulf %mul3A_145, %slice3A_485 : vector<192x640xf32>
    %sub3A_487 = arith.subf %add3A_484, %mul3A_486 : vector<192x640xf32>
    %slice3A_488 = vector.extract_strided_slice %mul3A_84 {offsets = [2, 3], sizes = [192, 640], strides = [1, 1]} : vector<196x656xf32> to vector<192x640xf32>
    %mul3A_489 = arith.mulf %mul3A_148, %slice3A_488 : vector<192x640xf32>
    %sub3A_490 = arith.subf %sub3A_487, %mul3A_489 : vector<192x640xf32>
    %slice3A_491 = vector.extract_strided_slice %mul3A_94 {offsets = [2, 3], sizes = [192, 640], strides = [1, 1]} : vector<196x656xf32> to vector<192x640xf32>
    %mul3A_492 = arith.mulf %mul3A_151, %slice3A_491 : vector<192x640xf32>
    %sub3A_493 = arith.subf %sub3A_490, %mul3A_492 : vector<192x640xf32>
    %slice3A_494 = vector.extract_strided_slice %mul3A_103 {offsets = [2, 3], sizes = [192, 640], strides = [1, 1]} : vector<196x656xf32> to vector<192x640xf32>
    %mul3A_495 = arith.mulf %mul3A_154, %slice3A_494 : vector<192x640xf32>
    %sub3A_496 = arith.subf %sub3A_493, %mul3A_495 : vector<192x640xf32>
    %slice3A_497 = vector.extract_strided_slice %mul3A_112 {offsets = [2, 3], sizes = [192, 640], strides = [1, 1]} : vector<196x656xf32> to vector<192x640xf32>
    %mul3A_498 = arith.mulf %mul3A_157, %slice3A_497 : vector<192x640xf32>
    %sub3A_499 = arith.subf %sub3A_496, %mul3A_498 : vector<192x640xf32>
    %slice3A_500 = vector.extract_strided_slice %mul3A_121 {offsets = [2, 3], sizes = [192, 640], strides = [1, 1]} : vector<196x656xf32> to vector<192x640xf32>
    %mul3A_501 = arith.mulf %mul3A_160, %slice3A_500 : vector<192x640xf32>
    %sub3A_502 = arith.subf %sub3A_499, %mul3A_501 : vector<192x640xf32>
    %neg3A_503 = arith.constant 0.000000e+00 : f32
    %neg3A_504 = vector.broadcast %neg3A_503 : f32 to vector<192x640xf32>
    %neg3A_505 = arith.subf %neg3A_504, %sub3A_502 : vector<192x640xf32>
    %exp3A_506 = math.exp %neg3A_505 : vector<192x640xf32>
    %add3A_507 = arith.addf %add3A_482, %exp3A_506 : vector<192x640xf32>
    %slice3A_508 = vector.extract_strided_slice %add3A_142 {offsets = [2, 4], sizes = [192, 640], strides = [1, 1]} : vector<196x656xf32> to vector<192x640xf32>
    %add3A_509 = arith.addf %add3A_131, %slice3A_508 : vector<192x640xf32>
    %slice3A_510 = vector.extract_strided_slice %mul3A_74 {offsets = [2, 4], sizes = [192, 640], strides = [1, 1]} : vector<196x656xf32> to vector<192x640xf32>
    %mul3A_511 = arith.mulf %mul3A_145, %slice3A_510 : vector<192x640xf32>
    %sub3A_512 = arith.subf %add3A_509, %mul3A_511 : vector<192x640xf32>
    %slice3A_513 = vector.extract_strided_slice %mul3A_84 {offsets = [2, 4], sizes = [192, 640], strides = [1, 1]} : vector<196x656xf32> to vector<192x640xf32>
    %mul3A_514 = arith.mulf %mul3A_148, %slice3A_513 : vector<192x640xf32>
    %sub3A_515 = arith.subf %sub3A_512, %mul3A_514 : vector<192x640xf32>
    %slice3A_516 = vector.extract_strided_slice %mul3A_94 {offsets = [2, 4], sizes = [192, 640], strides = [1, 1]} : vector<196x656xf32> to vector<192x640xf32>
    %mul3A_517 = arith.mulf %mul3A_151, %slice3A_516 : vector<192x640xf32>
    %sub3A_518 = arith.subf %sub3A_515, %mul3A_517 : vector<192x640xf32>
    %slice3A_519 = vector.extract_strided_slice %mul3A_103 {offsets = [2, 4], sizes = [192, 640], strides = [1, 1]} : vector<196x656xf32> to vector<192x640xf32>
    %mul3A_520 = arith.mulf %mul3A_154, %slice3A_519 : vector<192x640xf32>
    %sub3A_521 = arith.subf %sub3A_518, %mul3A_520 : vector<192x640xf32>
    %slice3A_522 = vector.extract_strided_slice %mul3A_112 {offsets = [2, 4], sizes = [192, 640], strides = [1, 1]} : vector<196x656xf32> to vector<192x640xf32>
    %mul3A_523 = arith.mulf %mul3A_157, %slice3A_522 : vector<192x640xf32>
    %sub3A_524 = arith.subf %sub3A_521, %mul3A_523 : vector<192x640xf32>
    %slice3A_525 = vector.extract_strided_slice %mul3A_121 {offsets = [2, 4], sizes = [192, 640], strides = [1, 1]} : vector<196x656xf32> to vector<192x640xf32>
    %mul3A_526 = arith.mulf %mul3A_160, %slice3A_525 : vector<192x640xf32>
    %sub3A_527 = arith.subf %sub3A_524, %mul3A_526 : vector<192x640xf32>
    %neg3A_528 = arith.constant 0.000000e+00 : f32
    %neg3A_529 = vector.broadcast %neg3A_528 : f32 to vector<192x640xf32>
    %neg3A_530 = arith.subf %neg3A_529, %sub3A_527 : vector<192x640xf32>
    %exp3A_531 = math.exp %neg3A_530 : vector<192x640xf32>
    %add3A_532 = arith.addf %add3A_507, %exp3A_531 : vector<192x640xf32>
    %slice3A_533 = vector.extract_strided_slice %add3A_142 {offsets = [3, 0], sizes = [192, 640], strides = [1, 1]} : vector<196x656xf32> to vector<192x640xf32>
    %add3A_534 = arith.addf %add3A_131, %slice3A_533 : vector<192x640xf32>
    %slice3A_535 = vector.extract_strided_slice %mul3A_74 {offsets = [3, 0], sizes = [192, 640], strides = [1, 1]} : vector<196x656xf32> to vector<192x640xf32>
    %mul3A_536 = arith.mulf %mul3A_145, %slice3A_535 : vector<192x640xf32>
    %sub3A_537 = arith.subf %add3A_534, %mul3A_536 : vector<192x640xf32>
    %slice3A_538 = vector.extract_strided_slice %mul3A_84 {offsets = [3, 0], sizes = [192, 640], strides = [1, 1]} : vector<196x656xf32> to vector<192x640xf32>
    %mul3A_539 = arith.mulf %mul3A_148, %slice3A_538 : vector<192x640xf32>
    %sub3A_540 = arith.subf %sub3A_537, %mul3A_539 : vector<192x640xf32>
    %slice3A_541 = vector.extract_strided_slice %mul3A_94 {offsets = [3, 0], sizes = [192, 640], strides = [1, 1]} : vector<196x656xf32> to vector<192x640xf32>
    %mul3A_542 = arith.mulf %mul3A_151, %slice3A_541 : vector<192x640xf32>
    %sub3A_543 = arith.subf %sub3A_540, %mul3A_542 : vector<192x640xf32>
    %slice3A_544 = vector.extract_strided_slice %mul3A_103 {offsets = [3, 0], sizes = [192, 640], strides = [1, 1]} : vector<196x656xf32> to vector<192x640xf32>
    %mul3A_545 = arith.mulf %mul3A_154, %slice3A_544 : vector<192x640xf32>
    %sub3A_546 = arith.subf %sub3A_543, %mul3A_545 : vector<192x640xf32>
    %slice3A_547 = vector.extract_strided_slice %mul3A_112 {offsets = [3, 0], sizes = [192, 640], strides = [1, 1]} : vector<196x656xf32> to vector<192x640xf32>
    %mul3A_548 = arith.mulf %mul3A_157, %slice3A_547 : vector<192x640xf32>
    %sub3A_549 = arith.subf %sub3A_546, %mul3A_548 : vector<192x640xf32>
    %slice3A_550 = vector.extract_strided_slice %mul3A_121 {offsets = [3, 0], sizes = [192, 640], strides = [1, 1]} : vector<196x656xf32> to vector<192x640xf32>
    %mul3A_551 = arith.mulf %mul3A_160, %slice3A_550 : vector<192x640xf32>
    %sub3A_552 = arith.subf %sub3A_549, %mul3A_551 : vector<192x640xf32>
    %neg3A_553 = arith.constant 0.000000e+00 : f32
    %neg3A_554 = vector.broadcast %neg3A_553 : f32 to vector<192x640xf32>
    %neg3A_555 = arith.subf %neg3A_554, %sub3A_552 : vector<192x640xf32>
    %exp3A_556 = math.exp %neg3A_555 : vector<192x640xf32>
    %add3A_557 = arith.addf %add3A_532, %exp3A_556 : vector<192x640xf32>
    %slice3A_558 = vector.extract_strided_slice %add3A_142 {offsets = [3, 1], sizes = [192, 640], strides = [1, 1]} : vector<196x656xf32> to vector<192x640xf32>
    %add3A_559 = arith.addf %add3A_131, %slice3A_558 : vector<192x640xf32>
    %slice3A_560 = vector.extract_strided_slice %mul3A_74 {offsets = [3, 1], sizes = [192, 640], strides = [1, 1]} : vector<196x656xf32> to vector<192x640xf32>
    %mul3A_561 = arith.mulf %mul3A_145, %slice3A_560 : vector<192x640xf32>
    %sub3A_562 = arith.subf %add3A_559, %mul3A_561 : vector<192x640xf32>
    %slice3A_563 = vector.extract_strided_slice %mul3A_84 {offsets = [3, 1], sizes = [192, 640], strides = [1, 1]} : vector<196x656xf32> to vector<192x640xf32>
    %mul3A_564 = arith.mulf %mul3A_148, %slice3A_563 : vector<192x640xf32>
    %sub3A_565 = arith.subf %sub3A_562, %mul3A_564 : vector<192x640xf32>
    %slice3A_566 = vector.extract_strided_slice %mul3A_94 {offsets = [3, 1], sizes = [192, 640], strides = [1, 1]} : vector<196x656xf32> to vector<192x640xf32>
    %mul3A_567 = arith.mulf %mul3A_151, %slice3A_566 : vector<192x640xf32>
    %sub3A_568 = arith.subf %sub3A_565, %mul3A_567 : vector<192x640xf32>
    %slice3A_569 = vector.extract_strided_slice %mul3A_103 {offsets = [3, 1], sizes = [192, 640], strides = [1, 1]} : vector<196x656xf32> to vector<192x640xf32>
    %mul3A_570 = arith.mulf %mul3A_154, %slice3A_569 : vector<192x640xf32>
    %sub3A_571 = arith.subf %sub3A_568, %mul3A_570 : vector<192x640xf32>
    %slice3A_572 = vector.extract_strided_slice %mul3A_112 {offsets = [3, 1], sizes = [192, 640], strides = [1, 1]} : vector<196x656xf32> to vector<192x640xf32>
    %mul3A_573 = arith.mulf %mul3A_157, %slice3A_572 : vector<192x640xf32>
    %sub3A_574 = arith.subf %sub3A_571, %mul3A_573 : vector<192x640xf32>
    %slice3A_575 = vector.extract_strided_slice %mul3A_121 {offsets = [3, 1], sizes = [192, 640], strides = [1, 1]} : vector<196x656xf32> to vector<192x640xf32>
    %mul3A_576 = arith.mulf %mul3A_160, %slice3A_575 : vector<192x640xf32>
    %sub3A_577 = arith.subf %sub3A_574, %mul3A_576 : vector<192x640xf32>
    %neg3A_578 = arith.constant 0.000000e+00 : f32
    %neg3A_579 = vector.broadcast %neg3A_578 : f32 to vector<192x640xf32>
    %neg3A_580 = arith.subf %neg3A_579, %sub3A_577 : vector<192x640xf32>
    %exp3A_581 = math.exp %neg3A_580 : vector<192x640xf32>
    %add3A_582 = arith.addf %add3A_557, %exp3A_581 : vector<192x640xf32>
    %slice3A_583 = vector.extract_strided_slice %add3A_142 {offsets = [3, 2], sizes = [192, 640], strides = [1, 1]} : vector<196x656xf32> to vector<192x640xf32>
    %add3A_584 = arith.addf %add3A_131, %slice3A_583 : vector<192x640xf32>
    %slice3A_585 = vector.extract_strided_slice %mul3A_74 {offsets = [3, 2], sizes = [192, 640], strides = [1, 1]} : vector<196x656xf32> to vector<192x640xf32>
    %mul3A_586 = arith.mulf %mul3A_145, %slice3A_585 : vector<192x640xf32>
    %sub3A_587 = arith.subf %add3A_584, %mul3A_586 : vector<192x640xf32>
    %slice3A_588 = vector.extract_strided_slice %mul3A_84 {offsets = [3, 2], sizes = [192, 640], strides = [1, 1]} : vector<196x656xf32> to vector<192x640xf32>
    %mul3A_589 = arith.mulf %mul3A_148, %slice3A_588 : vector<192x640xf32>
    %sub3A_590 = arith.subf %sub3A_587, %mul3A_589 : vector<192x640xf32>
    %slice3A_591 = vector.extract_strided_slice %mul3A_94 {offsets = [3, 2], sizes = [192, 640], strides = [1, 1]} : vector<196x656xf32> to vector<192x640xf32>
    %mul3A_592 = arith.mulf %mul3A_151, %slice3A_591 : vector<192x640xf32>
    %sub3A_593 = arith.subf %sub3A_590, %mul3A_592 : vector<192x640xf32>
    %slice3A_594 = vector.extract_strided_slice %mul3A_103 {offsets = [3, 2], sizes = [192, 640], strides = [1, 1]} : vector<196x656xf32> to vector<192x640xf32>
    %mul3A_595 = arith.mulf %mul3A_154, %slice3A_594 : vector<192x640xf32>
    %sub3A_596 = arith.subf %sub3A_593, %mul3A_595 : vector<192x640xf32>
    %slice3A_597 = vector.extract_strided_slice %mul3A_112 {offsets = [3, 2], sizes = [192, 640], strides = [1, 1]} : vector<196x656xf32> to vector<192x640xf32>
    %mul3A_598 = arith.mulf %mul3A_157, %slice3A_597 : vector<192x640xf32>
    %sub3A_599 = arith.subf %sub3A_596, %mul3A_598 : vector<192x640xf32>
    %slice3A_600 = vector.extract_strided_slice %mul3A_121 {offsets = [3, 2], sizes = [192, 640], strides = [1, 1]} : vector<196x656xf32> to vector<192x640xf32>
    %mul3A_601 = arith.mulf %mul3A_160, %slice3A_600 : vector<192x640xf32>
    %sub3A_602 = arith.subf %sub3A_599, %mul3A_601 : vector<192x640xf32>
    %neg3A_603 = arith.constant 0.000000e+00 : f32
    %neg3A_604 = vector.broadcast %neg3A_603 : f32 to vector<192x640xf32>
    %neg3A_605 = arith.subf %neg3A_604, %sub3A_602 : vector<192x640xf32>
    %exp3A_606 = math.exp %neg3A_605 : vector<192x640xf32>
    %add3A_607 = arith.addf %add3A_582, %exp3A_606 : vector<192x640xf32>
    %slice3A_608 = vector.extract_strided_slice %add3A_142 {offsets = [3, 3], sizes = [192, 640], strides = [1, 1]} : vector<196x656xf32> to vector<192x640xf32>
    %add3A_609 = arith.addf %add3A_131, %slice3A_608 : vector<192x640xf32>
    %slice3A_610 = vector.extract_strided_slice %mul3A_74 {offsets = [3, 3], sizes = [192, 640], strides = [1, 1]} : vector<196x656xf32> to vector<192x640xf32>
    %mul3A_611 = arith.mulf %mul3A_145, %slice3A_610 : vector<192x640xf32>
    %sub3A_612 = arith.subf %add3A_609, %mul3A_611 : vector<192x640xf32>
    %slice3A_613 = vector.extract_strided_slice %mul3A_84 {offsets = [3, 3], sizes = [192, 640], strides = [1, 1]} : vector<196x656xf32> to vector<192x640xf32>
    %mul3A_614 = arith.mulf %mul3A_148, %slice3A_613 : vector<192x640xf32>
    %sub3A_615 = arith.subf %sub3A_612, %mul3A_614 : vector<192x640xf32>
    %slice3A_616 = vector.extract_strided_slice %mul3A_94 {offsets = [3, 3], sizes = [192, 640], strides = [1, 1]} : vector<196x656xf32> to vector<192x640xf32>
    %mul3A_617 = arith.mulf %mul3A_151, %slice3A_616 : vector<192x640xf32>
    %sub3A_618 = arith.subf %sub3A_615, %mul3A_617 : vector<192x640xf32>
    %slice3A_619 = vector.extract_strided_slice %mul3A_103 {offsets = [3, 3], sizes = [192, 640], strides = [1, 1]} : vector<196x656xf32> to vector<192x640xf32>
    %mul3A_620 = arith.mulf %mul3A_154, %slice3A_619 : vector<192x640xf32>
    %sub3A_621 = arith.subf %sub3A_618, %mul3A_620 : vector<192x640xf32>
    %slice3A_622 = vector.extract_strided_slice %mul3A_112 {offsets = [3, 3], sizes = [192, 640], strides = [1, 1]} : vector<196x656xf32> to vector<192x640xf32>
    %mul3A_623 = arith.mulf %mul3A_157, %slice3A_622 : vector<192x640xf32>
    %sub3A_624 = arith.subf %sub3A_621, %mul3A_623 : vector<192x640xf32>
    %slice3A_625 = vector.extract_strided_slice %mul3A_121 {offsets = [3, 3], sizes = [192, 640], strides = [1, 1]} : vector<196x656xf32> to vector<192x640xf32>
    %mul3A_626 = arith.mulf %mul3A_160, %slice3A_625 : vector<192x640xf32>
    %sub3A_627 = arith.subf %sub3A_624, %mul3A_626 : vector<192x640xf32>
    %neg3A_628 = arith.constant 0.000000e+00 : f32
    %neg3A_629 = vector.broadcast %neg3A_628 : f32 to vector<192x640xf32>
    %neg3A_630 = arith.subf %neg3A_629, %sub3A_627 : vector<192x640xf32>
    %exp3A_631 = math.exp %neg3A_630 : vector<192x640xf32>
    %add3A_632 = arith.addf %add3A_607, %exp3A_631 : vector<192x640xf32>
    %slice3A_633 = vector.extract_strided_slice %add3A_142 {offsets = [3, 4], sizes = [192, 640], strides = [1, 1]} : vector<196x656xf32> to vector<192x640xf32>
    %add3A_634 = arith.addf %add3A_131, %slice3A_633 : vector<192x640xf32>
    %slice3A_635 = vector.extract_strided_slice %mul3A_74 {offsets = [3, 4], sizes = [192, 640], strides = [1, 1]} : vector<196x656xf32> to vector<192x640xf32>
    %mul3A_636 = arith.mulf %mul3A_145, %slice3A_635 : vector<192x640xf32>
    %sub3A_637 = arith.subf %add3A_634, %mul3A_636 : vector<192x640xf32>
    %slice3A_638 = vector.extract_strided_slice %mul3A_84 {offsets = [3, 4], sizes = [192, 640], strides = [1, 1]} : vector<196x656xf32> to vector<192x640xf32>
    %mul3A_639 = arith.mulf %mul3A_148, %slice3A_638 : vector<192x640xf32>
    %sub3A_640 = arith.subf %sub3A_637, %mul3A_639 : vector<192x640xf32>
    %slice3A_641 = vector.extract_strided_slice %mul3A_94 {offsets = [3, 4], sizes = [192, 640], strides = [1, 1]} : vector<196x656xf32> to vector<192x640xf32>
    %mul3A_642 = arith.mulf %mul3A_151, %slice3A_641 : vector<192x640xf32>
    %sub3A_643 = arith.subf %sub3A_640, %mul3A_642 : vector<192x640xf32>
    %slice3A_644 = vector.extract_strided_slice %mul3A_103 {offsets = [3, 4], sizes = [192, 640], strides = [1, 1]} : vector<196x656xf32> to vector<192x640xf32>
    %mul3A_645 = arith.mulf %mul3A_154, %slice3A_644 : vector<192x640xf32>
    %sub3A_646 = arith.subf %sub3A_643, %mul3A_645 : vector<192x640xf32>
    %slice3A_647 = vector.extract_strided_slice %mul3A_112 {offsets = [3, 4], sizes = [192, 640], strides = [1, 1]} : vector<196x656xf32> to vector<192x640xf32>
    %mul3A_648 = arith.mulf %mul3A_157, %slice3A_647 : vector<192x640xf32>
    %sub3A_649 = arith.subf %sub3A_646, %mul3A_648 : vector<192x640xf32>
    %slice3A_650 = vector.extract_strided_slice %mul3A_121 {offsets = [3, 4], sizes = [192, 640], strides = [1, 1]} : vector<196x656xf32> to vector<192x640xf32>
    %mul3A_651 = arith.mulf %mul3A_160, %slice3A_650 : vector<192x640xf32>
    %sub3A_652 = arith.subf %sub3A_649, %mul3A_651 : vector<192x640xf32>
    %neg3A_653 = arith.constant 0.000000e+00 : f32
    %neg3A_654 = vector.broadcast %neg3A_653 : f32 to vector<192x640xf32>
    %neg3A_655 = arith.subf %neg3A_654, %sub3A_652 : vector<192x640xf32>
    %exp3A_656 = math.exp %neg3A_655 : vector<192x640xf32>
    %add3A_657 = arith.addf %add3A_632, %exp3A_656 : vector<192x640xf32>
    %slice3A_658 = vector.extract_strided_slice %add3A_142 {offsets = [4, 0], sizes = [192, 640], strides = [1, 1]} : vector<196x656xf32> to vector<192x640xf32>
    %add3A_659 = arith.addf %add3A_131, %slice3A_658 : vector<192x640xf32>
    %slice3A_660 = vector.extract_strided_slice %mul3A_74 {offsets = [4, 0], sizes = [192, 640], strides = [1, 1]} : vector<196x656xf32> to vector<192x640xf32>
    %mul3A_661 = arith.mulf %mul3A_145, %slice3A_660 : vector<192x640xf32>
    %sub3A_662 = arith.subf %add3A_659, %mul3A_661 : vector<192x640xf32>
    %slice3A_663 = vector.extract_strided_slice %mul3A_84 {offsets = [4, 0], sizes = [192, 640], strides = [1, 1]} : vector<196x656xf32> to vector<192x640xf32>
    %mul3A_664 = arith.mulf %mul3A_148, %slice3A_663 : vector<192x640xf32>
    %sub3A_665 = arith.subf %sub3A_662, %mul3A_664 : vector<192x640xf32>
    %slice3A_666 = vector.extract_strided_slice %mul3A_94 {offsets = [4, 0], sizes = [192, 640], strides = [1, 1]} : vector<196x656xf32> to vector<192x640xf32>
    %mul3A_667 = arith.mulf %mul3A_151, %slice3A_666 : vector<192x640xf32>
    %sub3A_668 = arith.subf %sub3A_665, %mul3A_667 : vector<192x640xf32>
    %slice3A_669 = vector.extract_strided_slice %mul3A_103 {offsets = [4, 0], sizes = [192, 640], strides = [1, 1]} : vector<196x656xf32> to vector<192x640xf32>
    %mul3A_670 = arith.mulf %mul3A_154, %slice3A_669 : vector<192x640xf32>
    %sub3A_671 = arith.subf %sub3A_668, %mul3A_670 : vector<192x640xf32>
    %slice3A_672 = vector.extract_strided_slice %mul3A_112 {offsets = [4, 0], sizes = [192, 640], strides = [1, 1]} : vector<196x656xf32> to vector<192x640xf32>
    %mul3A_673 = arith.mulf %mul3A_157, %slice3A_672 : vector<192x640xf32>
    %sub3A_674 = arith.subf %sub3A_671, %mul3A_673 : vector<192x640xf32>
    %slice3A_675 = vector.extract_strided_slice %mul3A_121 {offsets = [4, 0], sizes = [192, 640], strides = [1, 1]} : vector<196x656xf32> to vector<192x640xf32>
    %mul3A_676 = arith.mulf %mul3A_160, %slice3A_675 : vector<192x640xf32>
    %sub3A_677 = arith.subf %sub3A_674, %mul3A_676 : vector<192x640xf32>
    %neg3A_678 = arith.constant 0.000000e+00 : f32
    %neg3A_679 = vector.broadcast %neg3A_678 : f32 to vector<192x640xf32>
    %neg3A_680 = arith.subf %neg3A_679, %sub3A_677 : vector<192x640xf32>
    %exp3A_681 = math.exp %neg3A_680 : vector<192x640xf32>
    %add3A_682 = arith.addf %add3A_657, %exp3A_681 : vector<192x640xf32>
    %slice3A_683 = vector.extract_strided_slice %add3A_142 {offsets = [4, 1], sizes = [192, 640], strides = [1, 1]} : vector<196x656xf32> to vector<192x640xf32>
    %add3A_684 = arith.addf %add3A_131, %slice3A_683 : vector<192x640xf32>
    %slice3A_685 = vector.extract_strided_slice %mul3A_74 {offsets = [4, 1], sizes = [192, 640], strides = [1, 1]} : vector<196x656xf32> to vector<192x640xf32>
    %mul3A_686 = arith.mulf %mul3A_145, %slice3A_685 : vector<192x640xf32>
    %sub3A_687 = arith.subf %add3A_684, %mul3A_686 : vector<192x640xf32>
    %slice3A_688 = vector.extract_strided_slice %mul3A_84 {offsets = [4, 1], sizes = [192, 640], strides = [1, 1]} : vector<196x656xf32> to vector<192x640xf32>
    %mul3A_689 = arith.mulf %mul3A_148, %slice3A_688 : vector<192x640xf32>
    %sub3A_690 = arith.subf %sub3A_687, %mul3A_689 : vector<192x640xf32>
    %slice3A_691 = vector.extract_strided_slice %mul3A_94 {offsets = [4, 1], sizes = [192, 640], strides = [1, 1]} : vector<196x656xf32> to vector<192x640xf32>
    %mul3A_692 = arith.mulf %mul3A_151, %slice3A_691 : vector<192x640xf32>
    %sub3A_693 = arith.subf %sub3A_690, %mul3A_692 : vector<192x640xf32>
    %slice3A_694 = vector.extract_strided_slice %mul3A_103 {offsets = [4, 1], sizes = [192, 640], strides = [1, 1]} : vector<196x656xf32> to vector<192x640xf32>
    %mul3A_695 = arith.mulf %mul3A_154, %slice3A_694 : vector<192x640xf32>
    %sub3A_696 = arith.subf %sub3A_693, %mul3A_695 : vector<192x640xf32>
    %slice3A_697 = vector.extract_strided_slice %mul3A_112 {offsets = [4, 1], sizes = [192, 640], strides = [1, 1]} : vector<196x656xf32> to vector<192x640xf32>
    %mul3A_698 = arith.mulf %mul3A_157, %slice3A_697 : vector<192x640xf32>
    %sub3A_699 = arith.subf %sub3A_696, %mul3A_698 : vector<192x640xf32>
    %slice3A_700 = vector.extract_strided_slice %mul3A_121 {offsets = [4, 1], sizes = [192, 640], strides = [1, 1]} : vector<196x656xf32> to vector<192x640xf32>
    %mul3A_701 = arith.mulf %mul3A_160, %slice3A_700 : vector<192x640xf32>
    %sub3A_702 = arith.subf %sub3A_699, %mul3A_701 : vector<192x640xf32>
    %neg3A_703 = arith.constant 0.000000e+00 : f32
    %neg3A_704 = vector.broadcast %neg3A_703 : f32 to vector<192x640xf32>
    %neg3A_705 = arith.subf %neg3A_704, %sub3A_702 : vector<192x640xf32>
    %exp3A_706 = math.exp %neg3A_705 : vector<192x640xf32>
    %add3A_707 = arith.addf %add3A_682, %exp3A_706 : vector<192x640xf32>
    %slice3A_708 = vector.extract_strided_slice %add3A_142 {offsets = [4, 2], sizes = [192, 640], strides = [1, 1]} : vector<196x656xf32> to vector<192x640xf32>
    %add3A_709 = arith.addf %add3A_131, %slice3A_708 : vector<192x640xf32>
    %slice3A_710 = vector.extract_strided_slice %mul3A_74 {offsets = [4, 2], sizes = [192, 640], strides = [1, 1]} : vector<196x656xf32> to vector<192x640xf32>
    %mul3A_711 = arith.mulf %mul3A_145, %slice3A_710 : vector<192x640xf32>
    %sub3A_712 = arith.subf %add3A_709, %mul3A_711 : vector<192x640xf32>
    %slice3A_713 = vector.extract_strided_slice %mul3A_84 {offsets = [4, 2], sizes = [192, 640], strides = [1, 1]} : vector<196x656xf32> to vector<192x640xf32>
    %mul3A_714 = arith.mulf %mul3A_148, %slice3A_713 : vector<192x640xf32>
    %sub3A_715 = arith.subf %sub3A_712, %mul3A_714 : vector<192x640xf32>
    %slice3A_716 = vector.extract_strided_slice %mul3A_94 {offsets = [4, 2], sizes = [192, 640], strides = [1, 1]} : vector<196x656xf32> to vector<192x640xf32>
    %mul3A_717 = arith.mulf %mul3A_151, %slice3A_716 : vector<192x640xf32>
    %sub3A_718 = arith.subf %sub3A_715, %mul3A_717 : vector<192x640xf32>
    %slice3A_719 = vector.extract_strided_slice %mul3A_103 {offsets = [4, 2], sizes = [192, 640], strides = [1, 1]} : vector<196x656xf32> to vector<192x640xf32>
    %mul3A_720 = arith.mulf %mul3A_154, %slice3A_719 : vector<192x640xf32>
    %sub3A_721 = arith.subf %sub3A_718, %mul3A_720 : vector<192x640xf32>
    %slice3A_722 = vector.extract_strided_slice %mul3A_112 {offsets = [4, 2], sizes = [192, 640], strides = [1, 1]} : vector<196x656xf32> to vector<192x640xf32>
    %mul3A_723 = arith.mulf %mul3A_157, %slice3A_722 : vector<192x640xf32>
    %sub3A_724 = arith.subf %sub3A_721, %mul3A_723 : vector<192x640xf32>
    %slice3A_725 = vector.extract_strided_slice %mul3A_121 {offsets = [4, 2], sizes = [192, 640], strides = [1, 1]} : vector<196x656xf32> to vector<192x640xf32>
    %mul3A_726 = arith.mulf %mul3A_160, %slice3A_725 : vector<192x640xf32>
    %sub3A_727 = arith.subf %sub3A_724, %mul3A_726 : vector<192x640xf32>
    %neg3A_728 = arith.constant 0.000000e+00 : f32
    %neg3A_729 = vector.broadcast %neg3A_728 : f32 to vector<192x640xf32>
    %neg3A_730 = arith.subf %neg3A_729, %sub3A_727 : vector<192x640xf32>
    %exp3A_731 = math.exp %neg3A_730 : vector<192x640xf32>
    %add3A_732 = arith.addf %add3A_707, %exp3A_731 : vector<192x640xf32>
    %slice3A_733 = vector.extract_strided_slice %add3A_142 {offsets = [4, 3], sizes = [192, 640], strides = [1, 1]} : vector<196x656xf32> to vector<192x640xf32>
    %add3A_734 = arith.addf %add3A_131, %slice3A_733 : vector<192x640xf32>
    %slice3A_735 = vector.extract_strided_slice %mul3A_74 {offsets = [4, 3], sizes = [192, 640], strides = [1, 1]} : vector<196x656xf32> to vector<192x640xf32>
    %mul3A_736 = arith.mulf %mul3A_145, %slice3A_735 : vector<192x640xf32>
    %sub3A_737 = arith.subf %add3A_734, %mul3A_736 : vector<192x640xf32>
    %slice3A_738 = vector.extract_strided_slice %mul3A_84 {offsets = [4, 3], sizes = [192, 640], strides = [1, 1]} : vector<196x656xf32> to vector<192x640xf32>
    %mul3A_739 = arith.mulf %mul3A_148, %slice3A_738 : vector<192x640xf32>
    %sub3A_740 = arith.subf %sub3A_737, %mul3A_739 : vector<192x640xf32>
    %slice3A_741 = vector.extract_strided_slice %mul3A_94 {offsets = [4, 3], sizes = [192, 640], strides = [1, 1]} : vector<196x656xf32> to vector<192x640xf32>
    %mul3A_742 = arith.mulf %mul3A_151, %slice3A_741 : vector<192x640xf32>
    %sub3A_743 = arith.subf %sub3A_740, %mul3A_742 : vector<192x640xf32>
    %slice3A_744 = vector.extract_strided_slice %mul3A_103 {offsets = [4, 3], sizes = [192, 640], strides = [1, 1]} : vector<196x656xf32> to vector<192x640xf32>
    %mul3A_745 = arith.mulf %mul3A_154, %slice3A_744 : vector<192x640xf32>
    %sub3A_746 = arith.subf %sub3A_743, %mul3A_745 : vector<192x640xf32>
    %slice3A_747 = vector.extract_strided_slice %mul3A_112 {offsets = [4, 3], sizes = [192, 640], strides = [1, 1]} : vector<196x656xf32> to vector<192x640xf32>
    %mul3A_748 = arith.mulf %mul3A_157, %slice3A_747 : vector<192x640xf32>
    %sub3A_749 = arith.subf %sub3A_746, %mul3A_748 : vector<192x640xf32>
    %slice3A_750 = vector.extract_strided_slice %mul3A_121 {offsets = [4, 3], sizes = [192, 640], strides = [1, 1]} : vector<196x656xf32> to vector<192x640xf32>
    %mul3A_751 = arith.mulf %mul3A_160, %slice3A_750 : vector<192x640xf32>
    %sub3A_752 = arith.subf %sub3A_749, %mul3A_751 : vector<192x640xf32>
    %neg3A_753 = arith.constant 0.000000e+00 : f32
    %neg3A_754 = vector.broadcast %neg3A_753 : f32 to vector<192x640xf32>
    %neg3A_755 = arith.subf %neg3A_754, %sub3A_752 : vector<192x640xf32>
    %exp3A_756 = math.exp %neg3A_755 : vector<192x640xf32>
    %add3A_757 = arith.addf %add3A_732, %exp3A_756 : vector<192x640xf32>
    %slice3A_758 = vector.extract_strided_slice %add3A_142 {offsets = [4, 4], sizes = [192, 640], strides = [1, 1]} : vector<196x656xf32> to vector<192x640xf32>
    %add3A_759 = arith.addf %add3A_131, %slice3A_758 : vector<192x640xf32>
    %slice3A_760 = vector.extract_strided_slice %mul3A_74 {offsets = [4, 4], sizes = [192, 640], strides = [1, 1]} : vector<196x656xf32> to vector<192x640xf32>
    %mul3A_761 = arith.mulf %mul3A_145, %slice3A_760 : vector<192x640xf32>
    %sub3A_762 = arith.subf %add3A_759, %mul3A_761 : vector<192x640xf32>
    %slice3A_763 = vector.extract_strided_slice %mul3A_84 {offsets = [4, 4], sizes = [192, 640], strides = [1, 1]} : vector<196x656xf32> to vector<192x640xf32>
    %mul3A_764 = arith.mulf %mul3A_148, %slice3A_763 : vector<192x640xf32>
    %sub3A_765 = arith.subf %sub3A_762, %mul3A_764 : vector<192x640xf32>
    %slice3A_766 = vector.extract_strided_slice %mul3A_94 {offsets = [4, 4], sizes = [192, 640], strides = [1, 1]} : vector<196x656xf32> to vector<192x640xf32>
    %mul3A_767 = arith.mulf %mul3A_151, %slice3A_766 : vector<192x640xf32>
    %sub3A_768 = arith.subf %sub3A_765, %mul3A_767 : vector<192x640xf32>
    %slice3A_769 = vector.extract_strided_slice %mul3A_103 {offsets = [4, 4], sizes = [192, 640], strides = [1, 1]} : vector<196x656xf32> to vector<192x640xf32>
    %mul3A_770 = arith.mulf %mul3A_154, %slice3A_769 : vector<192x640xf32>
    %sub3A_771 = arith.subf %sub3A_768, %mul3A_770 : vector<192x640xf32>
    %slice3A_772 = vector.extract_strided_slice %mul3A_112 {offsets = [4, 4], sizes = [192, 640], strides = [1, 1]} : vector<196x656xf32> to vector<192x640xf32>
    %mul3A_773 = arith.mulf %mul3A_157, %slice3A_772 : vector<192x640xf32>
    %sub3A_774 = arith.subf %sub3A_771, %mul3A_773 : vector<192x640xf32>
    %slice3A_775 = vector.extract_strided_slice %mul3A_121 {offsets = [4, 4], sizes = [192, 640], strides = [1, 1]} : vector<196x656xf32> to vector<192x640xf32>
    %mul3A_776 = arith.mulf %mul3A_160, %slice3A_775 : vector<192x640xf32>
    %sub3A_777 = arith.subf %sub3A_774, %mul3A_776 : vector<192x640xf32>
    %neg3A_778 = arith.constant 0.000000e+00 : f32
    %neg3A_779 = vector.broadcast %neg3A_778 : f32 to vector<192x640xf32>
    %neg3A_780 = arith.subf %neg3A_779, %sub3A_777 : vector<192x640xf32>
    %exp3A_781 = math.exp %neg3A_780 : vector<192x640xf32>
    %add3A_782 = arith.addf %add3A_757, %exp3A_781 : vector<192x640xf32>
    %get3A_783 = arith.constant 0 : index
    %get3A_784 = arith.constant 0 : index
    %get3A_785 = arith.constant 0 : index
    %get3A_786 = vector.load %arg3[%get3A_783, %get3A_784, %get3A_785] : memref<1x192x640xf32, #tpu.memory_space<vmem>>, vector<1x192x640xf32>
    %get3A_787 = vector.shape_cast %get3A_786 : vector<1x192x640xf32> to vector<192x640xf32>
    %mul3A_788 = arith.mulf %add3A_782, %get3A_787 : vector<192x640xf32>
    %reduce_sum3A = vector.shape_cast %mul3A_788 : vector<192x640xf32> to vector<1x192x640xf32>
    %reduce_sum3A_789 = arith.constant dense<0.000000e+00> : vector<1xf32>
    %reduce_sum3A_790 = vector.multi_reduction <add>, %reduce_sum3A, %reduce_sum3A_789 [1, 2] : vector<1x192x640xf32> to vector<1xf32>
    %reduce_sum3A_791 = vector.shape_cast %reduce_sum3A_790 : vector<1xf32> to vector<1x1x1xf32>
    %reduce_sum3A_792 = vector.extract %reduce_sum3A_791[0, 0, 0] : f32 from vector<1x1x1xf32>
    %broadcast_in_dim3A_793 = vector.broadcast %reduce_sum3A_792 : f32 to vector<128xf32>
    %swap3A = arith.constant 0 : index
    %swap3A_794 = arith.constant 0 : index
    %swap3A_795 = arith.constant 0 : index
    %swap3A_796 = vector.load %arg8[%swap3A, %swap3A_794, %swap3A_795] : memref<1x1x128xf32, #tpu.memory_space<vmem>>, vector<1x1x128xf32>
    %swap3A_797 = vector.shape_cast %swap3A_796 : vector<1x1x128xf32> to vector<128xf32>
    %swap3A_798 = vector.shape_cast %broadcast_in_dim3A_793 : vector<128xf32> to vector<1x1x128xf32>
    tpu.vector_store %arg8[%swap3A, %swap3A_794, %swap3A_795], %swap3A_798 {strides = array<i32>} : memref<1x1x128xf32, #tpu.memory_space<vmem>>, vector<1x1x128xf32>,
    %reduce_sum3A_799 = vector.shape_cast %get3A_787 : vector<192x640xf32> to vector<1x192x640xf32>
    %reduce_sum3A_800 = arith.constant dense<0.000000e+00> : vector<1xf32>
    %reduce_sum3A_801 = vector.multi_reduction <add>, %reduce_sum3A_799, %reduce_sum3A_800 [1, 2] : vector<1x192x640xf32> to vector<1xf32>
    %reduce_sum3A_802 = vector.shape_cast %reduce_sum3A_801 : vector<1xf32> to vector<1x1x1xf32>
    %reduce_sum3A_803 = vector.extract %reduce_sum3A_802[0, 0, 0] : f32 from vector<1x1x1xf32>
    %broadcast_in_dim3A_804 = vector.broadcast %reduce_sum3A_803 : f32 to vector<128xf32>
    %swap3A_805 = arith.constant 0 : index
    %swap3A_806 = arith.constant 0 : index
    %swap3A_807 = arith.constant 0 : index
    %swap3A_808 = vector.load %arg9[%swap3A_805, %swap3A_806, %swap3A_807] : memref<1x1x128xf32, #tpu.memory_space<vmem>>, vector<1x1x128xf32>
    %swap3A_809 = vector.shape_cast %swap3A_808 : vector<1x1x128xf32> to vector<128xf32>
    %swap3A_810 = vector.shape_cast %broadcast_in_dim3A_804 : vector<128xf32> to vector<1x1x128xf32>
    tpu.vector_store %arg9[%swap3A_805, %swap3A_806, %swap3A_807], %swap3A_810 {strides = array<i32>} : memref<1x1x128xf32, #tpu.memory_space<vmem>>, vector<1x1x128xf32>,
    return
  }
  func.func @transform_0(%arg0: i32) -> (i32, i32, i32, i32) {
    %c0_i32 = arith.constant 0 : i32
    %c0_i32_0 = arith.constant 0 : i32
    %c0_i32_1 = arith.constant 0 : i32
    %c0_i32_2 = arith.constant 0 : i32
    return %arg0, %c0_i32, %c0_i32_0, %c0_i32_1 : i32, i32, i32, i32
  }
  func.func @transform_1(%arg0: i32) -> (i32, i32, i32) {
    %c0_i32 = arith.constant 0 : i32
    %c0_i32_0 = arith.constant 0 : i32
    %c0_i32_1 = arith.constant 0 : i32
    return %arg0, %c0_i32, %c0_i32_0 : i32, i32, i32
  }
  func.func @transform_2(%arg0: i32) -> (i32, i32, i32) {
    %c0_i32 = arith.constant 0 : i32
    %c0_i32_0 = arith.constant 0 : i32
    %c0_i32_1 = arith.constant 0 : i32
    return %arg0, %c0_i32, %c0_i32_0 : i32, i32, i32
  }
  func.func @transform_3(%arg0: i32) -> (i32, i32, i32, i32) {
    %c0_i32 = arith.constant 0 : i32
    %c0_i32_0 = arith.constant 0 : i32
    %c0_i32_1 = arith.constant 0 : i32
    %c0_i32_2 = arith.constant 0 : i32
    return %arg0, %c0_i32, %c0_i32_0, %c0_i32_1 : i32, i32, i32, i32
  }
  func.func @transform_4(%arg0: i32) -> (i32, i32, i32, i32) {
    %c0_i32 = arith.constant 0 : i32
    %c0_i32_0 = arith.constant 0 : i32
    %c0_i32_1 = arith.constant 0 : i32
    %c0_i32_2 = arith.constant 0 : i32
    return %arg0, %c0_i32, %c0_i32_0, %c0_i32_1 : i32, i32, i32, i32
  }
  func.func @transform_5(%arg0: i32) -> (i32, i32, i32) {
    %c0_i32 = arith.constant 0 : i32
    %c0_i32_0 = arith.constant 0 : i32
    %c0_i32_1 = arith.constant 0 : i32
    return %arg0, %c0_i32, %c0_i32_0 : i32, i32, i32
  }
  func.func @transform_6(%arg0: i32) -> (i32, i32, i32, i32) {
    %c0_i32 = arith.constant 0 : i32
    %c0_i32_0 = arith.constant 0 : i32
    %c0_i32_1 = arith.constant 0 : i32
    %c0_i32_2 = arith.constant 0 : i32
    return %arg0, %c0_i32, %c0_i32_0, %c0_i32_1 : i32, i32, i32, i32
  }
  func.func @transform_7(%arg0: i32) -> (i32, i32, i32) {
    %c0_i32 = arith.constant 0 : i32
    %c0_i32_0 = arith.constant 0 : i32
    %c0_i32_1 = arith.constant 0 : i32
    return %arg0, %c0_i32, %c0_i32_0 : i32, i32, i32
  }
  func.func @transform_8(%arg0: i32) -> (i32, i32, i32) {
    %c0_i32 = arith.constant 0 : i32
    %c0_i32_0 = arith.constant 0 : i32
    %c0_i32_1 = arith.constant 0 : i32
    return %arg0, %c0_i32, %c0_i32_0 : i32, i32, i32
  }
}

</mosaic_0001>

<sc_bundles>
// kernel: kernel.4.cloned.1.call-start
scs
__scs_entry_jumppad:
0x0: {  	(pc) =	sbr.rel $0x88, $3  }
0x1: {  	(tag) =	ssettag $0x0;
	lr =	simm.s32 $0x1  }
0x2: {  	[smem:$0x3F9C] =	sst lr;
	_ =	strace $0xD0000000  }
0x3: {  	_ = 	snop  }
0x4: {  	_ = 	snop  }
0x5: {  	_ = 	snop  }
0x6: {  	_ = 	snop  }
0x7: {  	_ = 	snop  }
__scs_overlays_trampoline_lowered:
0x8: {  	[smem:$0x3FAB] =	sst s0  }
0x9: {  	[smem:$0x3FAC] =	sst s1  }
0xa: {  	[smem:$0x3FAD] =	sst s2  }
0xb: {  	[smem:$0x3FAE] =	sst s3  }
0xc: {  	[smem:$0x3FAF] =	sst s4  }
0xd: {  	[smem:$0x3FB0] =	sst s5  }
0xe: {  	[smem:$0x3FB1] =	sst s6  }
0xf: {  	[smem:$0x3FB2] =	sst s7  }
0x10: {  	[smem:$0x3FB3] =	sst s8  }
0x11: {  	[smem:$0x3FB4] =	sst s9;
	s0 =	simm.s32 @!p0 $0x0  }
0x12: {  	s1 =	sld [smem:$0x3F9A];
	s0 =	simm.s32 @p0 $0x1  }
0x13: {  	[smem:$0x3FB5] =	sst s0;
	s0 =	simm.s32 @!p1 $0x0  }
0x14: {  	s2 =	sld [smem:$0x3F99];
	s0 =	simm.s32 @p1 $0x1  }
0x15: {  	[smem:$0x3FB6] =	sst s0;
	s0 =	simm.s32 @!p2 $0x0  }
0x16: {  	s3 =	sld [smem:$0x3FDB];
	s0 =	simm.s32 @p2 $0x1  }
0x17: {  	s4 =	simm.s32 $0x1BF5;
	[smem:$0x3FB8] =	sst s0  }
0x18: {  	s0 =	sld [smem:$0x3F9B];
	_ =	swait.ge [sflag:s4], $0x0  }
0x19: {  	s7 =	sld [smem:$0x3F9C]  }
0x1a: {  	s8 =	sadd.s32 $0xFFFFE003, lr  }
0x1b: {  	s9 =	sadd.s32 $0xFFFFFEF7, lr;
	s5 =	simm.s32 $0xFFFFFFFF;
	p2 =	slt.u32 s8, $0xFFFFF086  }
0x1c: {  	p1 =	slt.u32 s9, $0xF7A;
	s5 =	simm.s32 @!p2 $0x0  }
0x1d: {  	s5 =	simm.s32 @p1 $0x1;
	p0 =	seq.s32 s7, s2  }
0x1e: {  	s7 =	smul.u32 @!p0 $0xF7A, s2;
	p2 =	seq.s32 @!p0 s5, $0x0  }
0x1f: {  	s9 =	smul.u32 $0xF7A, s1;
	s8 =	simm.s32 @!p0 $0x1BF5;
	p2 =	por !p2, p0  }
0x20: {  	[sflag:s8] =	ssyncset.s32 @!p0 $0xFFFFF086;
	s6 =	sadd.s32 @!p0 s3, s7;
	s7 =	simm.s32 @!p0 $0x108  }
0x21: {  	s3 =	sadd.s32 s3, s9;
	s6 =	sadd.s32 @!p0 $0x88, s6;
	s7 =	simm.s32 @p2 $0x1082  }
0x22: {  	[simem:s7], [sflag:s8] =	dma.local @!p0 [hbm:s6], $0xF7A  }
0x23: {  	s9 =	sor.u32 $0xD0000000, s2;
	s6 =	simm.s32 $0x108;
	_ =	swait.ge @!p0 [sflag:s8], $0x0  }
0x24: {  	s3 =	sadd.s32 $0x88, s3;
	s6 =	simm.s32 @!p1 $0x1082;
	[sflag:s4] =	ssyncset.s32 $0xFFFFF086  }
0x25: {  	[simem:s6], [sflag:s4] =	dma.local [hbm:s3], $0xF7A  }
0x26: {  	[smem:$0x3F9C] =	sst s1;
	(tag) =	ssettag s2;
	_ =	strace s9  }
0x27: {  	s1 =	sld [smem:$0x3FAC]  }
0x28: {  	s2 =	sld [smem:$0x3FAD]  }
0x29: {  	s4 =	sld [smem:$0x3FAF]  }
0x2a: {  	p0 =	seq.s32 s5, $0x0;
	s5 =	sld [smem:$0x3FB0]  }
0x2b: {  	s6 =	sld [smem:$0x3FB1]  }
0x2c: {  	s7 =	sld [smem:$0x3FB2]  }
0x2d: {  	s3 =	simm.s32 $0x108;
	s8 =	sld [smem:$0x3FB3]  }
0x2e: {  	s3 =	simm.s32 @!p0 $0x1082;
	s9 =	sld [smem:$0x3FB4]  }
0x2f: {  	lr =	sadd.s32 s0, s3;
	s0 =	sld [smem:$0x3FAB]  }
0x30: {  	s3 =	sld [smem:$0x3FAE]  }
0x31: {  	[smem:$0x3FB7] =	sst s10  }
0x32: {  	s10 =	sld [smem:$0x3FB5];
	_ =	sdelay $0x3  }
0x33: {  	p0 =	seq.s32 s10, $0x1;
	s10 =	sld [smem:$0x3FB7];
	_ =	sdelay $0x3  }
0x34: {  	[smem:$0x3FB7] =	sst s10  }
0x35: {  	s10 =	sld [smem:$0x3FB6];
	_ =	sdelay $0x3  }
0x36: {  	p1 =	seq.s32 s10, $0x1;
	s10 =	sld [smem:$0x3FB7];
	_ =	sdelay $0x3  }
0x37: {  	[smem:$0x3FB7] =	sst s10  }
0x38: {  	s10 =	sld [smem:$0x3FB8]  }
0x39: {  	_ = 	snop;
	(pc) =	sbr.ind lr, $3  }
0x3a: {  	_ = 	snop  }
0x3b: {  	_ = 	snop  }
0x3c: {  	p2 =	seq.s32 s10, $0x1;
	s10 =	sld [smem:$0x3FB7]  }
0x3d: {  	_ =	shalt  }
0x3e: {  	_ =	shalt  }
0x3f: {  	_ =	shalt  }
0x40: {  	_ =	shalt  }
0x41: {  	_ =	shalt  }
0x42: {  	_ =	shalt  }
0x43: {  	_ =	shalt  }
0x44: {  	_ =	shalt  }
0x45: {  	_ =	shalt  }
0x46: {  	_ =	shalt  }
0x47: {  	_ =	shalt  }
0x48: {  	_ =	shalt  }
0x49: {  	_ =	shalt  }
0x4a: {  	_ =	shalt  }
0x4b: {  	_ =	shalt  }
0x4c: {  	_ =	shalt  }
0x4d: {  	_ =	shalt  }
0x4e: {  	_ =	shalt  }
0x4f: {  	_ =	shalt  }
0x50: {  	_ =	shalt  }
0x51: {  	_ =	shalt  }
0x52: {  	_ =	shalt  }
0x53: {  	_ =	shalt  }
0x54: {  	_ =	shalt  }
0x55: {  	_ =	shalt  }
0x56: {  	_ =	shalt  }
0x57: {  	_ =	shalt  }
0x58: {  	_ =	shalt  }
0x59: {  	_ =	shalt  }
0x5a: {  	_ =	shalt  }
0x5b: {  	_ =	shalt  }
0x5c: {  	_ =	shalt  }
0x5d: {  	_ =	shalt  }
0x5e: {  	_ =	shalt  }
0x5f: {  	_ =	shalt  }
0x60: {  	_ =	shalt  }
0x61: {  	_ =	shalt  }
0x62: {  	_ =	shalt  }
0x63: {  	_ =	shalt  }
0x64: {  	_ =	shalt  }
0x65: {  	_ =	shalt  }
0x66: {  	_ =	shalt  }
0x67: {  	_ =	shalt  }
0x68: {  	_ =	shalt  }
0x69: {  	_ =	shalt  }
0x6a: {  	_ =	shalt  }
0x6b: {  	_ =	shalt  }
0x6c: {  	_ =	shalt  }
0x6d: {  	_ =	shalt  }
0x6e: {  	_ =	shalt  }
0x6f: {  	_ =	shalt  }
0x70: {  	_ =	shalt  }
0x71: {  	_ =	shalt  }
0x72: {  	_ =	shalt  }
0x73: {  	_ =	shalt  }
0x74: {  	_ =	shalt  }
0x75: {  	_ =	shalt  }
0x76: {  	_ =	shalt  }
0x77: {  	_ =	shalt  }
0x78: {  	_ =	shalt  }
0x79: {  	_ =	shalt  }
0x7a: {  	_ =	shalt  }
0x7b: {  	_ =	shalt  }
0x7c: {  	_ =	shalt  }
0x7d: {  	_ =	shalt  }
0x7e: {  	_ =	shalt  }
0x7f: {  	_ =	shalt  }
0x80: {  	_ =	shalt  }
0x81: {  	_ =	shalt  }
0x82: {  	_ =	shalt  }
0x83: {  	_ =	shalt  }
0x84: {  	_ =	shalt  }
0x85: {  	_ =	shalt  }
0x86: {  	_ =	shalt  }
0x87: {  	_ =	shalt  }
.Lfunc_end0:
.L_simem_size_0:
called_computation_lowered:
.L_overlay_start_0:
0x88: {  	s2 =	sld [smem:$0x3FD9]  }
0x89: {  	s3 =	sld [smem:$0x3FFE];
	_ =	sdelay $0x1  }
0x8a: {  	s1 =	srdreg.scid  }
0x8b: {  	s0 =	sand.u32 $0x1, s1  }
0x8c: {  	s16 =	sshll.u32 s0, $0xA;
	s2 =	sadd.s32 s3, s2  }
0x8d: {  	s2 =	sadd.s32 s2, s16  }
0x8e: {  	[smem:$0x3FC3] =	sst s2  }
0x8f: {  	_ = 	snop  }
0x90: {  	(tm) =	ssettm $0x1  }
0x91: {  	s17 =	sld [smem:$0x3FFB];
	_ =	sdelay $0x3  }
0x92: {  	_ =	strace s17  }
0x93: {  	s2 =	sld [smem:$0x3FFC];
	_ =	sdelay $0x3  }
0x94: {  	_ =	strace s2  }
0x95: {  	s2 =	sld [smem:$0x3FFD];
	_ =	sdelay $0x3  }
0x96: {  	_ =	strace s2  }
0x97: {  	_ =	strace $0x8FFFFFFF  }
0x98: {  	s18 =	sld [smem:$0x3FDB];
	_ =	sdelay $0x1  }
0x99: {  	s19 =	simm.s32 $_scs_section_size  }
0x9a: {  	s4 =	simm.s32 $_size__tile_overlayer_lowered;
	s5 =	simm.s32 $_tile_overlayer_lowered  }
0x9b: {  	s22 =	simm.s32 $0x1BFF;
	s21 =	sshll.u32 s5, $0x1;
	s2 =	sadd.s32 s19, s18  }
0x9c: {  	s6 =	simm.s32 $0x0;
	s20 =	sshll.u32 s4, $0x1;
	s4 =	sadd.s32 s21, s2  }
0x9d: {  	[timem:s6], [sflag:s22] =	dma.local [hbm:s4], s20  }
0x9e: {  	_ =	swait.ge [sflag:s22], s20  }
0x9f: {  	s3 =	ssub.s32 $0x0, s20;
	[sflag:s22] =	ssyncset.done $0x0  }
0xa0: {  	[sflag:s22] =	ssyncadd.s32 s3;
	_ =	sdelay $0x1  }
0xa1: {  	s23 =	simm.s32 $0x1B8B  }
0xa2: {  	_ =	swait.ge [sflag:s23], $0x1  }
0xa3: {  	[sflag:s23] =	ssyncset.done $0x0  }
0xa4: {  	s25 =	simm.s32 $0x1B8E;
	s24 =	sld [smem:$0x3FFE];
	[sflag:s23] =	ssyncadd.s32 $0xFFFFFFFF  }
0xa5: {  	s26 =	simm.s32 $execute0_lowered;
	[smem:$0x3FD2] =	sst s25  }
0xa6: {  	s4 =	sshll.u32 s26, $0x1;
	_ =	strace $0x80000046;
	[dreg:$0x1] =	wrdreg $0xFFFFFFFF  }
0xa7: {  	s28 =	simm.s32 $_size_execute0_lowered;
	s2 =	sadd.s32 s2, s4;
	[dreg:$0x0] =	wrdreg $0x0  }
0xa8: {  	s4 =	sshll.u32 s28, $0x1;
	[dreg:$0x2] =	wrdreg s2  }
0xa9: {  	[dreg:$0x3] =	wrdreg s4  }
0xaa: {  	[dreg:$0x4] =	wrdreg $0xC0  }
0xab: {  	_ =	task [dreg:s6], $0x5FFFF  }
0xac: {  	[dreg:$0x1] =	wrdreg $0xFFFFFFFF  }
0xad: {  	[dreg:$0x0] =	wrdreg $0x60  }
0xae: {  	[dreg:$0x2] =	wrdreg s24  }
0xaf: {  	[dreg:$0x3] =	wrdreg $0x9  }
0xb0: {  	_ =	task.clear_ibuf [dreg:s6], $0x4FFFF;
	_ =	strace $0x90000046  }
0xb1: {  	s29 =	simm.s32 $0x9;
	_ =	strace $0x80000048  }
0xb2: {  	_ =	swait.ge [sflag:s29], $0x1  }
0xb3: {  	[sflag:s29] =	ssyncadd.s32 $0xFFFFFFFF  }
0xb4: {  	_ =	strace $0x90000048  }
0xb5: {  	_ =	sfence  }
0xb6: {  	s30 =	sld [smem:$0x0];
	_ =	sdelay $0x2  }
0xb7: {  	s31 =	sshll.u32 s1, $0xD;
	s1 =	sshrl.u32 s1, $0x2  }
0xb8: {  	s3 =	sand.u32 $0x4000, s31;
	s1 =	sadd.s32 s1, s30  }
0xb9: {  	s0 =	sor.u32 s3, s0;
	s1 =	sshll.u32 s1, $0x11  }
0xba: {  	s0 =	sor.u32 s1, s0  }
0xbb: {  	s0 =	sadd.s32 $0x8F2B, s0  }
0xbc: {  	[sflag:s0] =	ssyncadd.remote.s32 $0x1  }
0xbd: {  	_ =	sfence.sel $0xFFFF  }
0xbe: {  	[dreg:$0x0] =	wrdreg $0xFFFFFFFF;
	(pc) =	sbr.abs _section_cstart, $3  }
0xbf: {  	[dreg:$0x1] =	wrdreg $0xFFFFFFFF  }
0xc0: {  	_ =	task.clear_ibuf [dreg:s6], $0x2FFFF;
	_ =	strace $0x9FFFFFFF  }
0xc1: {  	(tm) =	ssettm $0x7FFFFFFF  }
tec
execute0_lowered:
.L_overlay_start_1:
0x0: {  	(tag) =	ssettag $0x1  }
0x1: {  	s0 =	srdreg.scid;
	s1 =	stileid.u32  }
0x2: {  	s2 =	rddreg [dreg:$0x0];
	s12 =	simm.s32 $0x0;
	s0 =	sand.u32 $0x1, s0  }
0x3: {  	s1 =	sshll.u32 s1, $0x1;
	[smem:$0x7FF] =	sst s12;
	s5 =	sadd.s32 $0x24A00, s2  }
0x4: {  	s7 =	sadd.s32 $0x2FE00, s2;
	s8 =	sadd.s32 $0xCE00, s2;
	s1 =	sor.u32 s0, s1  }
0x5: {  	s10 =	sadd.s32 $0x18C00, s2;
	s0 =	ssub.s32 $0x2, s0;
	s3 =	smul.u32 $0xF00, s1  }
0x6: {  	s4 =	smul.u32 $0xF60, s1;
	s1 =	sshll.u32 s1, $0x1;
	s18 =	sshrl.u32 s0, $0x1  }
0x7: {  	_ =	strace $0x80000047;
	s1 =	sadd.s32 s1, s2;
	s0 =	ssub.s32 s0, s18  }
0x8: {  	s3 =	sshrl.u32 s3, $0x3;
	s4 =	sshrl.u32 s4, $0x3;
	s31 =	sadd.s32 $0x3B400, s1  }
0x9: {  	s1 =	sadd.s32 $0x3B200, s1;
	s0 =	smax.u32 s0, $0x1;
	[dreg:$0x11] =	wrdreg s31  }
0xa: {  	s6 =	sadd.s32 s3, s2;
	s9 =	sadd.s32 s4, s2;
	[dreg:$0x12] =	wrdreg s1  }
0xb: {  	s19 =	sadd.s32 $0x3EC8, s4;
	s13 =	sadd.s32 s8, s4;
	[dreg:$0x13] =	wrdreg s0  }
0xc: {  	s11 =	sadd.s32 $0x7D90, s4;
	s4 =	sadd.s32 s10, s4;
	[dreg:$0x2] =	wrdreg s13  }
0xd: {  	s23 =	sadd.s32 $0x3C00, s3;
	s25 =	sadd.s32 s5, s3;
	[dreg:$0x6] =	wrdreg s4  }
0xe: {  	s24 =	sadd.s32 $0x7800, s3;
	s3 =	sadd.s32 s7, s3;
	[dreg:$0x9] =	wrdreg s25  }
0xf: {  	s20 =	sadd.s32 s8, s19;
	[dreg:$0xd] =	wrdreg s3  }
0x10: {  	s8 =	sadd.s32 s8, s11;
	[dreg:$0x3] =	wrdreg s20  }
0x11: {  	s21 =	sadd.s32 $0x5200, s9;
	[dreg:$0x4] =	wrdreg s8  }
0x12: {  	s2 =	sadd.s32 s10, s19;
	[dreg:$0x5] =	wrdreg s21  }
0x13: {  	s22 =	sadd.s32 s10, s11;
	[dreg:$0x7] =	wrdreg s2  }
0x14: {  	s26 =	sadd.s32 s5, s23;
	[dreg:$0x8] =	wrdreg s22  }
0x15: {  	s5 =	sadd.s32 s5, s24;
	[dreg:$0xa] =	wrdreg s26  }
0x16: {  	s28 =	sadd.s32 $0x9200, s6;
	[dreg:$0xb] =	wrdreg s5  }
0x17: {  	s29 =	sadd.s32 s7, s24;
	[dreg:$0xc] =	wrdreg s28  }
0x18: {  	s30 =	sadd.s32 $0x1600, s6;
	[dreg:$0xf] =	wrdreg s29  }
0x19: {  	s2 =	sadd.s32 s7, s23;
	[dreg:$0x10] =	wrdreg s30  }
0x1a: {  	[dreg:$0xe] =	wrdreg s2;
	s2 =	simm.s32 $0x0  }
.LBB2_1:
0x1b: {  	[dreg:$0x14] =	wrdreg s2  }
0x1c: {  	s0 =	rddreg [dreg:$0x2]  }
0x1d: {  	[tilespmem:s12], [sflag:$0x1] =	stream.linear.gather [hbm4b:s0+s12], $0x19A0, $0x38;
	[tilespmem:$0x12D00] =	vst v63  }
0x1e: {  	s2 =	rddreg [dreg:$0x3];
	s1 =	simm.s32 $0x19A0  }
0x1f: {  	[tilespmem:s1], [sflag:$0x1] =	stream.linear.gather [hbm4b:s2+s12], $0x19A0, $0x38;
	[tilespmem:$0x12D00] =	vst v63  }
0x20: {  	s3 =	rddreg [dreg:$0x4];
	s4 =	simm.s32 $0x3340  }
0x21: {  	[tilespmem:s4], [sflag:$0x1] =	stream.linear.gather [hbm4b:s3+s12], $0x19A0, $0x38;
	[tilespmem:$0x12D00] =	vst v63  }
0x22: {  	s5 =	rddreg [dreg:$0x5];
	s6 =	simm.s32 $0x9A00  }
0x23: {  	[tilespmem:s6], [sflag:$0x1] =	stream.linear.gather [hbm4b:s5+s12], $0x19A0, $0x38;
	[tilespmem:$0x12D00] =	vst v63  }
0x24: {  	s7 =	rddreg [dreg:$0x6];
	s8 =	simm.s32 $0x4D00  }
0x25: {  	[tilespmem:s8], [sflag:$0x1] =	stream.linear.gather [hbm4b:s7+s12], $0x19A0, $0x38;
	[tilespmem:$0x12D00] =	vst v63  }
0x26: {  	s9 =	rddreg [dreg:$0x7];
	s10 =	simm.s32 $0x66A0  }
0x27: {  	[tilespmem:s10], [sflag:$0x1] =	stream.linear.gather [hbm4b:s9+s12], $0x19A0, $0x38;
	[tilespmem:$0x12D00] =	vst v63  }
0x28: {  	s11 =	rddreg [dreg:$0x8];
	s13 =	simm.s32 $0x8040  }
0x29: {  	[tilespmem:s13], [sflag:$0x1] =	stream.linear.gather [hbm4b:s11+s12], $0x19A0, $0x38;
	[tilespmem:$0x12D00] =	vst v63  }
0x2a: {  	s14 =	rddreg [dreg:$0x9];
	s15 =	simm.s32 $0xB400  }
0x2b: {  	[tilespmem:s15], [sflag:$0x1] =	stream.linear.gather [hbm4b:s14+s12], $0xF00, $0x38;
	[tilespmem:$0x12D00] =	vst v63  }
0x2c: {  	s16 =	rddreg [dreg:$0xa];
	s17 =	simm.s32 $0xC300  }
0x2d: {  	[tilespmem:s17], [sflag:$0x1] =	stream.linear.gather [hbm4b:s16+s12], $0xF00, $0x38;
	[tilespmem:$0x12D00] =	vst v63  }
0x2e: {  	s18 =	rddreg [dreg:$0xb];
	s19 =	simm.s32 $0xD200  }
0x2f: {  	[tilespmem:s19], [sflag:$0x1] =	stream.linear.gather [hbm4b:s18+s12], $0xF00, $0x38;
	[tilespmem:$0x12D00] =	vst v63  }
0x30: {  	s20 =	rddreg [dreg:$0xc];
	s21 =	simm.s32 $0x10E00  }
0x31: {  	[tilespmem:s21], [sflag:$0x1] =	stream.linear.gather [hbm4b:s20+s12], $0xF00, $0x38;
	[tilespmem:$0x12D00] =	vst v63  }
0x32: {  	s22 =	rddreg [dreg:$0xd];
	s23 =	simm.s32 $0xE100  }
0x33: {  	[tilespmem:s23], [sflag:$0x1] =	stream.linear.gather [hbm4b:s22+s12], $0xF00, $0x38;
	[tilespmem:$0x12D00] =	vst v63  }
0x34: {  	s24 =	rddreg [dreg:$0xe];
	s25 =	simm.s32 $0xF000  }
0x35: {  	[tilespmem:s25], [sflag:$0x1] =	stream.linear.gather [hbm4b:s24+s12], $0xF00, $0x38;
	[tilespmem:$0x12D00] =	vst v63  }
0x36: {  	s26 =	rddreg [dreg:$0xf];
	s28 =	simm.s32 $0xFF00  }
0x37: {  	[tilespmem:s28], [sflag:$0x1] =	stream.linear.gather [hbm4b:s26+s12], $0xF00, $0x38;
	[tilespmem:$0x12D00] =	vst v63  }
0x38: {  	s29 =	rddreg [dreg:$0x10];
	s30 =	simm.s32 $0x11D00;
	s31 =	simm.s32 $0x1  }
0x39: {  	[tilespmem:s30], [sflag:$0x1] =	stream.linear.gather [hbm4b:s29+s12], $0xF00, $0x38;
	[tilespmem:$0x12D00] =	vst v63  }
0x3a: {  	_ =	swait.ge [sflag:s31], $0x19A0  }
0x3b: {  	[sflag:s31] =	ssyncset.done $0x0  }
0x3c: {  	[sflag:s31] =	ssyncadd.s32 $0xFFFFE660  }
0x3d: {  	_ =	swait.ge [sflag:s31], $0x19A0  }
0x3e: {  	[sflag:s31] =	ssyncset.done $0x0  }
0x3f: {  	[sflag:s31] =	ssyncadd.s32 $0xFFFFE660  }
0x40: {  	_ =	swait.ge [sflag:s31], $0x19A0  }
0x41: {  	[sflag:s31] =	ssyncset.done $0x0  }
0x42: {  	[sflag:s31] =	ssyncadd.s32 $0xFFFFE660  }
0x43: {  	_ =	swait.ge [sflag:s31], $0x19A0  }
0x44: {  	[sflag:s31] =	ssyncset.done $0x0  }
0x45: {  	[sflag:s31] =	ssyncadd.s32 $0xFFFFE660  }
0x46: {  	_ =	swait.ge [sflag:s31], $0x19A0  }
0x47: {  	[sflag:s31] =	ssyncset.done $0x0  }
0x48: {  	[sflag:s31] =	ssyncadd.s32 $0xFFFFE660  }
0x49: {  	_ =	swait.ge [sflag:s31], $0x19A0  }
0x4a: {  	[sflag:s31] =	ssyncset.done $0x0  }
0x4b: {  	[sflag:s31] =	ssyncadd.s32 $0xFFFFE660  }
0x4c: {  	_ =	swait.ge [sflag:s31], $0x19A0  }
0x4d: {  	[sflag:s31] =	ssyncset.done $0x0  }
0x4e: {  	[sflag:s31] =	ssyncadd.s32 $0xFFFFE660  }
0x4f: {  	_ =	swait.ge [sflag:s31], $0xF00  }
0x50: {  	[sflag:s31] =	ssyncset.done $0x0  }
0x51: {  	[sflag:s31] =	ssyncadd.s32 $0xFFFFF100  }
0x52: {  	_ =	swait.ge [sflag:s31], $0xF00  }
0x53: {  	[sflag:s31] =	ssyncset.done $0x0  }
0x54: {  	[sflag:s31] =	ssyncadd.s32 $0xFFFFF100  }
0x55: {  	_ =	swait.ge [sflag:s31], $0xF00  }
0x56: {  	[sflag:s31] =	ssyncset.done $0x0  }
0x57: {  	[sflag:s31] =	ssyncadd.s32 $0xFFFFF100  }
0x58: {  	_ =	swait.ge [sflag:s31], $0xF00  }
0x59: {  	[sflag:s31] =	ssyncset.done $0x0  }
0x5a: {  	[sflag:s31] =	ssyncadd.s32 $0xFFFFF100  }
0x5b: {  	_ =	swait.ge [sflag:s31], $0xF00  }
0x5c: {  	[sflag:s31] =	ssyncset.done $0x0  }
0x5d: {  	[sflag:s31] =	ssyncadd.s32 $0xFFFFF100  }
0x5e: {  	_ =	swait.ge [sflag:s31], $0xF00  }
0x5f: {  	[sflag:s31] =	ssyncset.done $0x0  }
0x60: {  	[sflag:s31] =	ssyncadd.s32 $0xFFFFF100  }
0x61: {  	_ =	swait.ge [sflag:s31], $0xF00  }
0x62: {  	[sflag:s31] =	ssyncset.done $0x0  }
0x63: {  	[sflag:s31] =	ssyncadd.s32 $0xFFFFF100  }
0x64: {  	_ =	swait.ge [sflag:s31], $0xF00  }
0x65: {  	[sflag:s31] =	ssyncset.done $0x0  }
0x66: {  	s1 =	simm.s32 $0x0;
	[sflag:s31] =	ssyncadd.s32 $0xFFFFF100  }
0x67: {  	v0 =	vld [tilespmem:s1+$0x9A00];
	_ =	sdelay $0x1  }
0x68: {  	v1 =	vld [tilespmem:s1+$0x0]  }
0x69: {  	v3 =	vld [tilespmem:s1+$0x4D00]  }
0x6a: {  	v4 =	vld [tilespmem:s1+$0x19A0]  }
0x6b: {  	v6 =	vld [tilespmem:s1+$0x66A0];
	v5 =	vmul.f32 $1.414213560e+01, v0  }
0x6c: {  	v7 =	vld [tilespmem:s1+$0x3340]  }
0x6d: {  	s0 =	simm.s32 $0x10;
	v8 =	vld [tilespmem:s1+$0x8040];
	v0 =	vmul.f32 v5, v1  }
0x6e: {  	v2 =	vld [tilespmem:s0+$0x9A00];
	v1 =	vmul.f32 $7.071067810e+00, v3  }
0x6f: {  	v3 =	vmul.f32 v4, v5;
	[tilespmem:s1+$0x0] =	vst v0  }
0x70: {  	v6 =	vmul.f32 $7.071067810e+00, v6;
	v0 =	vld [tilespmem:s0+$0x0];
	[tilespmem:s1+$0x4D00] =	vst v1  }
0x71: {  	v4 =	vmul.f32 v7, v5;
	v1 =	vld [tilespmem:s0+$0x4D00];
	[tilespmem:s1+$0x19A0] =	vst v3  }
0x72: {  	s2 =	simm.s32 $0x80;
	v5 =	vmul.f32 $7.071067810e+00, v8;
	v3 =	vld [tilespmem:s0+$0x19A0];
	[tilespmem:s1+$0x66A0] =	vst v6  }
.LBB2_2:
0x73: {  	p0 =	sne.s32 s2, $0x6640;
	v6 =	vmul.f32 $1.414213560e+01, v2;
	v7 =	vld [tilespmem:s0+$0x66A0];
	[tilespmem:s1+$0x3340] =	vst v4  }
0x74: {  	v4 =	vld [tilespmem:s0+$0x3340];
	[tilespmem:s1+$0x8040] =	vst v5;
	s1 =	smov.u32 s0  }
0x75: {  	s0 =	sshra.s32 s2, $0x2;
	v0 =	vmul.f32 v6, v0;
	v5 =	vld [tilespmem:s1+$0x8040]  }
.Ltmp0:
0x76: {  	v2 =	vld [tilespmem:s0+$0x9A00];
	v1 =	vmul.f32 $7.071067810e+00, v1;
	(pc) =	sbr.rel @p0 .LBB2_2-.Ltmp0, $4  }
0x77: {  	[tilespmem:s1+$0x0] =	vst v0;
	v3 =	vmul.f32 v3, v6  }
0x78: {  	v0 =	vld [tilespmem:s0+$0x0];
	[tilespmem:s1+$0x4D00] =	vst v1;
	v7 =	vmul.f32 $7.071067810e+00, v7  }
0x79: {  	v1 =	vld [tilespmem:s0+$0x4D00];
	[tilespmem:s1+$0x19A0] =	vst v3;
	v4 =	vmul.f32 v4, v6  }
0x7a: {  	s2 =	sadd.s32 $0x40, s2;
	v3 =	vld [tilespmem:s0+$0x19A0];
	[tilespmem:s1+$0x66A0] =	vst v7;
	v5 =	vmul.f32 $7.071067810e+00, v5  }
0x7b: {  	v6 =	vld [tilespmem:s0+$0x66A0];
	[tilespmem:s1+$0x3340] =	vst v4;
	v2 =	vmul.f32 $1.414213560e+01, v2  }
0x7c: {  	v4 =	vld [tilespmem:s0+$0x3340];
	[tilespmem:s1+$0x8040] =	vst v5  }
0x7d: {  	v0 =	vmul.f32 v2, v0;
	v5 =	vld [tilespmem:s0+$0x8040]  }
0x7e: {  	v1 =	vmul.f32 $7.071067810e+00, v1  }
0x7f: {  	[tilespmem:s0+$0x0] =	vst v0;
	v0 =	vmul.f32 v3, v2  }
0x80: {  	[tilespmem:s0+$0x4D00] =	vst v1;
	v1 =	vmul.f32 $7.071067810e+00, v6  }
0x81: {  	[tilespmem:s0+$0x19A0] =	vst v0;
	v0 =	vmul.f32 v4, v2  }
0x82: {  	[tilespmem:s0+$0x66A0] =	vst v1;
	v1 =	vmul.f32 $7.071067810e+00, v5  }
0x83: {  	[tilespmem:s0+$0x3340] =	vst v0  }
0x84: {  	[tilespmem:s0+$0x8040] =	vst v1;
	s0 =	simm.s32 $0x10E00  }
0x85: {  	v0 =	vld [tilespmem:s0+$0x0]  }
0x86: {  	s1 =	simm.s32 $0xB400  }
0x87: {  	v1 =	vld [tilespmem:s1+$0x0];
	_ =	sdelay $0x2  }
0x88: {  	v0 =	vmul.f32 $1.414213560e+01, v0;
	_ =	sdelay $0x1  }
0x89: {  	v1 =	vmul.f32 v0, v1;
	_ =	sdelay $0x1  }
0x8a: {  	s2 =	simm.s32 $0xE100;
	[tilespmem:s1+$0x0] =	vst v1  }
0x8b: {  	v1 =	vld [tilespmem:s2+$0x0];
	_ =	sdelay $0x4  }
0x8c: {  	v1 =	vmul.f32 $7.071067810e+00, v1  }
0x8d: {  	s29 =	simm.s32 $0x0  }
0x8e: {  	s4 =	sand.u32 $0xFF0, s29;
	[tilespmem:s2+$0x0] =	vst v1  }
0x8f: {  	v4 =	vld [tilespmem:s4+$0xD200]  }
0x90: {  	v3 =	vld [tilespmem:s4+$0xF000]  }
0x91: {  	v1 =	vld [tilespmem:s4+$0xFF00]  }
0x92: {  	s3 =	simm.s32 $0x10;
	v2 =	vld [tilespmem:s4+$0xC300]  }
.LBB2_4:
0x93: {  	s0 =	sadd.s32 $0x10, s0;
	s1 =	sadd.s32 $0x10, s1;
	s2 =	sadd.s32 $0x10, s2  }
0x94: {  	p0 =	sne.s32 s3, $0xEF0;
	s5 =	smov.u32 s3;
	s3 =	sadd.s32 $0x10, s3;
	v4 =	vmul.f32 v4, v0  }
0x95: {  	v3 =	vmul.f32 $7.071067810e+00, v3  }
0x96: {  	[tilespmem:s4+$0xD200] =	vst v4;
	v1 =	vmul.f32 $7.071067810e+00, v1  }
0x97: {  	v0 =	vmul.f32 v2, v0;
	[tilespmem:s4+$0xF000] =	vst v3  }
0x98: {  	[tilespmem:s4+$0xFF00] =	vst v1  }
0x99: {  	[tilespmem:s4+$0xC300] =	vst v0  }
0x9a: {  	v0 =	vld [tilespmem:s0+$0x0]  }
0x9b: {  	v1 =	vld [tilespmem:s1+$0x0];
	_ =	sdelay $0x3  }
0x9c: {  	v0 =	vmul.f32 $1.414213560e+01, v0;
	_ =	sdelay $0x1  }
0x9d: {  	v1 =	vmul.f32 v0, v1;
	_ =	sdelay $0x1  }
0x9e: {  	[tilespmem:s1+$0x0] =	vst v1  }
0x9f: {  	v1 =	vld [tilespmem:s2+$0x0];
	_ =	sdelay $0x4  }
0xa0: {  	v1 =	vmul.f32 $7.071067810e+00, v1;
	_ =	sdelay $0x1  }
.Ltmp1:
0xa1: {  	s4 =	sand.u32 $0xFF0, s5;
	[tilespmem:s2+$0x0] =	vst v1;
	(pc) =	sbr.rel @p0 .LBB2_4-.Ltmp1, $4  }
0xa2: {  	v4 =	vld [tilespmem:s4+$0xD200]  }
0xa3: {  	v3 =	vld [tilespmem:s4+$0xF000]  }
0xa4: {  	v1 =	vld [tilespmem:s4+$0xFF00]  }
0xa5: {  	v2 =	vld [tilespmem:s4+$0xC300]  }
0xa6: {  	_ = 	snop  }
0xa7: {  	v4 =	vmul.f32 v4, v0  }
0xa8: {  	v3 =	vmul.f32 $7.071067810e+00, v3  }
0xa9: {  	[tilespmem:s4+$0xD200] =	vst v4;
	v1 =	vmul.f32 $7.071067810e+00, v1  }
0xaa: {  	v35 =	vmul.f32 v2, v0;
	[tilespmem:s4+$0xF000] =	vst v3  }
0xab: {  	s0 =	smulhi.u32 $0xCCCCCCCD, s29;
	s1 =	simm.s32 $0x0;
	[tilespmem:s4+$0xFF00] =	vst v1  }
0xac: {  	s1 =	sand.u32 $0xFF0, s1;
	[tilespmem:s4+$0xC300] =	vst v35  }
0xad: {  	s0 =	sshrl.u32 s0, $0x5;
	v2 =	vld [tilespmem:s1+$0xFF00]  }
0xae: {  	s2 =	sshll.u32 s0, $0x4;
	v7 =	vld [tilespmem:s1+$0xF000]  }
0xaf: {  	s21 =	sshll.u32 s0, $0x6;
	s2 =	sadd.s32 $0x0, s2;
	v11 =	vld [tilespmem:s1+$0xD200]  }
0xb0: {  	s0 =	sadd.s32 $0x0, s21;
	s2 =	sand.u32 $0xFFFFFFF0, s2;
	v61 =	vld [tilespmem:s1+$0xC300]  }
0xb1: {  	s3 =	sadd.s32 $0xF60C, s21;
	s0 =	sadd.s32 $0xF610, s0;
	v16 =	vld [tilespmem:s2+$0x8A80]  }
0xb2: {  	s8 =	sadd.s32 $0x290C, s21;
	s25 =	sshrl.u32 s3, $0x2;
	s15 =	sshra.s32 s0, $0x2;
	v48 =	vld [tilespmem:s2+$0x3D80]  }
0xb3: {  	s8 =	sshrl.u32 s8, $0x2;
	s26 =	sadd.s32 $0x4D00, s25;
	v20 =	vld [tilespmem:s15+$0x4D00]  }
0xb4: {  	s18 =	sadd.s32 $0x4D00, s8;
	v21 =	vld [tilespmem:s26+$0x0]  }
0xb5: {  	s10 =	sadd.s32 $0x8F8C, s21;
	s0 =	sadd.s32 $0x0, s25;
	v41 =	vld [tilespmem:s18+$0x0]  }
0xb6: {  	s12 =	sadd.s32 $0xF604, s21;
	s4 =	sshrl.u32 s10, $0x2;
	s8 =	sadd.s32 $0x0, s8;
	v57 =	vld [tilespmem:s0+$0x0]  }
0xb7: {  	s13 =	sadd.s32 $0x4D00, s4;
	s2 =	sshrl.u32 s12, $0x2;
	v37 =	vld [tilespmem:s8+$0x0]  }
0xb8: {  	v33 =	vld [tilespmem:s13+$0x0];
	s9 =	sadd.s32 $0x4D00, s2  }
0xb9: {  	s1 =	sshrl.u32 s21, $0x2;
	s13 =	sadd.s32 $0x0, s4;
	v15 =	vld [tilespmem:s9+$0x0]  }
0xba: {  	s28 =	sadd.s32 $0x23E4, s1;
	s18 =	sadd.s32 $0x0, s2;
	v38 =	vld [tilespmem:s13+$0x0]  }
0xbb: {  	s5 =	sadd.s32 $0x3D82, s1;
	s11 =	sadd.s32 $0x4D00, s28;
	v39 =	vld [tilespmem:s18+$0x0]  }
0xbc: {  	s7 =	sadd.s32 $0xA44, s1;
	s6 =	sadd.s32 $0x4D00, s5;
	v42 =	vld [tilespmem:s11+$0x0]  }
0xbd: {  	s10 =	sadd.s32 $0x23E2, s1;
	s14 =	sadd.s32 $0x4D00, s7;
	v24 =	vld [tilespmem:s6+$0x0]  }
0xbe: {  	s16 =	sadd.s32 $0x4D00, s10;
	v47 =	vld [tilespmem:s14+$0x0]  }
0xbf: {  	s22 =	sadd.s32 $0x0, s7;
	v53 =	vld [tilespmem:s16+$0x0]  }
0xc0: {  	s24 =	sadd.s32 $0x2904, s21;
	s12 =	sadd.s32 $0x23E0, s1;
	s23 =	sadd.s32 $0x0, s28;
	v0 =	vld [tilespmem:s22+$0x0]  }
0xc1: {  	s3 =	sshrl.u32 s24, $0x2;
	s26 =	sadd.s32 $0x4D00, s12;
	v36 =	vld [tilespmem:s23+$0x0]  }
0xc2: {  	s28 =	sadd.s32 $0x4D00, s3;
	v17 =	vld [tilespmem:s26+$0x0]  }
0xc3: {  	s17 =	sadd.s32 $0x8F84, s21;
	s4 =	sadd.s32 $0xA40, s1;
	s5 =	sadd.s32 $0x0, s5;
	v45 =	vld [tilespmem:s28+$0x0]  }
0xc4: {  	s9 =	sshrl.u32 s17, $0x2;
	s17 =	sadd.s32 $0x4D00, s4;
	v59 =	vld [tilespmem:s5+$0x0]  }
0xc5: {  	s19 =	sadd.s32 $0x4D00, s9;
	v35 =	vld [tilespmem:s17+$0x0]  }
0xc6: {  	s8 =	sadd.s32 $0x3AF2, s1;
	s22 =	sadd.s32 $0x0, s10;
	v22 =	vld [tilespmem:s19+$0x0]  }
0xc7: {  	s23 =	sadd.s32 $0x4D00, s8;
	v43 =	vld [tilespmem:s22+$0x0]  }
0xc8: {  	s28 =	sadd.s32 $0x0, s3;
	v51 =	vld [tilespmem:s23+$0x0]  }
0xc9: {  	s11 =	sadd.s32 $0xA42, s1;
	s9 =	sadd.s32 $0x0, s9;
	v46 =	vld [tilespmem:s28+$0x0]  }
0xca: {  	s7 =	sadd.s32 $0xEBCC, s21;
	s6 =	sadd.s32 $0x3AF4, s1;
	s20 =	sadd.s32 $0x4D00, s11;
	v49 =	vld [tilespmem:s9+$0x0]  }
0xcb: {  	s5 =	sshrl.u32 s7, $0x2;
	s7 =	sadd.s32 $0x2154, s1;
	s25 =	sadd.s32 $0x4D00, s6;
	v44 =	vld [tilespmem:s20+$0x0]  }
0xcc: {  	s16 =	sadd.s32 $0x4D00, s7;
	v14 =	vld [tilespmem:s25+$0x0]  }
0xcd: {  	s19 =	sadd.s32 $0x0, s11;
	v18 =	vld [tilespmem:s16+$0x0]  }
0xce: {  	s18 =	sadd.s32 $0x0, s6;
	v40 =	vld [tilespmem:s19+$0x0]  }
0xcf: {  	s26 =	sadd.s32 $0xEBC4, s21;
	s22 =	sadd.s32 $0x0, s12;
	v50 =	vld [tilespmem:s18+$0x0]  }
0xd0: {  	s10 =	sadd.s32 $0x7B4, s1;
	s3 =	sshrl.u32 s26, $0x2;
	s26 =	sadd.s32 $0x0, s5;
	v55 =	vld [tilespmem:s22+$0x0]  }
0xd1: {  	s28 =	sadd.s32 $0x0, s10;
	v32 =	vld [tilespmem:s26+$0x0]  }
0xd2: {  	s25 =	sadd.s32 $0x4D00, s10;
	v56 =	vld [tilespmem:s28+$0x0]  }
0xd3: {  	s13 =	sadd.s32 $0x2152, s1;
	s11 =	sadd.s32 $0x4D00, s3;
	v25 =	vld [tilespmem:s25+$0x0]  }
0xd4: {  	s16 =	sadd.s32 $0x4D00, s13;
	v52 =	vld [tilespmem:s11+$0x0]  }
0xd5: {  	s19 =	sadd.s32 $0x0, s4;
	v34 =	vld [tilespmem:s16+$0x0]  }
0xd6: {  	s10 =	sadd.s32 $0x0, s7;
	v54 =	vld [tilespmem:s19+$0x0]  }
0xd7: {  	s13 =	sadd.s32 $0x0, s13;
	v58 =	vld [tilespmem:s10+$0x0]  }
0xd8: {  	s14 =	sadd.s32 $0x4D00, s5;
	s5 =	sadd.s32 $0x3864, s1;
	v5 =	vld [tilespmem:s13+$0x0]  }
0xd9: {  	s16 =	sadd.s32 $0x4D00, s5;
	[tilespmem:$0x1FC10] =	vst v38;
	v38 =	vld [tilespmem:s14+$0x0]  }
0xda: {  	s20 =	sadd.s32 $0x854C, s21;
	s19 =	sadd.s32 $0x0, s8;
	v62 =	vld [tilespmem:s16+$0x0]  }
0xdb: {  	[tilespmem:$0x1FB90] =	vst v37;
	s2 =	sshrl.u32 s20, $0x2;
	s5 =	sadd.s32 $0x0, s5;
	v37 =	vld [tilespmem:s19+$0x0]  }
0xdc: {  	v16 =	vsub.f32 v2, v16;
	s20 =	sadd.s32 $0x8544, s21;
	s11 =	sadd.s32 $0x7B2, s1;
	s24 =	sadd.s32 $0x4D00, s2;
	v28 =	vld [tilespmem:s5+$0x0]  }
0xdd: {  	[tilespmem:$0x1FB60] =	vst v39;
	s14 =	sadd.s32 $0x1ECC, s21;
	s4 =	sshrl.u32 s20, $0x2;
	s25 =	sadd.s32 $0x4D00, s11;
	v26 =	vld [tilespmem:s24+$0x0]  }
0xde: {  	[tilespmem:$0x1F880] =	vst v16;
	s9 =	sshrl.u32 s14, $0x2;
	s24 =	sadd.s32 $0x4D00, s4;
	v27 =	vld [tilespmem:s25+$0x0]  }
0xdf: {  	v20 =	vsub.f32 v2, v20;
	s20 =	sadd.s32 $0xE18C, s21;
	[tilespmem:$0x1FC20] =	vst v43;
	s17 =	sadd.s32 $0x4D00, s9;
	v43 =	vld [tilespmem:s24+$0x0]  }
0xe0: {  	[tilespmem:$0x1FC00] =	vst v36;
	s8 =	sshrl.u32 s20, $0x2;
	s22 =	sadd.s32 $0x0, s9;
	v36 =	vld [tilespmem:s17+$0x0]  }
0xe1: {  	[tilespmem:$0x1F890] =	vst v20;
	s25 =	sadd.s32 $0x1EC4, s1;
	s24 =	sadd.s32 $0x4D00, s8;
	v60 =	vld [tilespmem:s22+$0x0]  }
0xe2: {  	s6 =	sadd.s32 $0x3AF0, s1;
	[tilespmem:$0x1FB80] =	vst v0;
	s26 =	sadd.s32 $0x4D00, s25;
	v6 =	vld [tilespmem:s24+$0x0]  }
0xe3: {  	s12 =	sadd.s32 $0x2150, s1;
	s23 =	sadd.s32 $0x4D00, s6;
	s14 =	sadd.s32 $0x1EC4, s21;
	[tilespmem:$0x1FBB0] =	vst v46;
	v13 =	vld [tilespmem:s26+$0x0]  }
0xe4: {  	v20 =	vsub.f32 v2, v21;
	s7 =	sshrl.u32 s14, $0x2;
	s17 =	sadd.s32 $0x4D00, s12;
	[tilespmem:$0x1FBC0] =	vst v54;
	v54 =	vld [tilespmem:s23+$0x0]  }
0xe5: {  	[tilespmem:$0x1FC30] =	vst v49;
	s9 =	sadd.s32 $0x7B0, s1;
	s18 =	sadd.s32 $0x4D00, s7;
	v19 =	vld [tilespmem:s17+$0x0]  }
0xe6: {  	s10 =	sadd.s32 $0x3862, s1;
	[tilespmem:$0x1F8A0] =	vst v20;
	s28 =	sadd.s32 $0x4D00, s9;
	v29 =	vld [tilespmem:s18+$0x0]  }
0xe7: {  	v15 =	vsub.f32 v2, v15;
	s14 =	sadd.s32 $0x4D00, s10;
	[tilespmem:$0x1FC50] =	vst v58;
	v58 =	vld [tilespmem:s28+$0x0]  }
0xe8: {  	[dreg:$0x15] =	wrdreg s25;
	s25 =	sadd.s32 $0x1EC2, s1;
	s22 =	sadd.s32 $0x0, s4;
	[tilespmem:$0x1FC70] =	vst v5;
	v5 =	vld [tilespmem:s14+$0x0]  }
0xe9: {  	[tilespmem:$0x1F8C0] =	vst v15;
	s26 =	sadd.s32 $0x4D00, s25;
	v39 =	vld [tilespmem:s22+$0x0]  }
0xea: {  	[tilespmem:$0x1FBA0] =	vst v40;
	s23 =	sadd.s32 $0x0, s2;
	v10 =	vld [tilespmem:s26+$0x0]  }
0xeb: {  	[tilespmem:$0x1FB70] =	vst v50;
	s2 =	sadd.s32 $0x0, s3;
	v63 =	vld [tilespmem:s23+$0x0]  }
0xec: {  	v21 =	vsub.f32 v2, v24;
	[tilespmem:$0x1FC40] =	vst v55;
	s3 =	sadd.s32 $0x0, s11;
	v46 =	vld [tilespmem:s2+$0x0]  }
0xed: {  	[tilespmem:$0x1FBD0] =	vst v56;
	v14 =	vsub.f32 v2, v14;
	s18 =	sadd.s32 $0x0, s6;
	v4 =	vld [tilespmem:s3+$0x0]  }
0xee: {  	[tilespmem:$0x1F8B0] =	vst v21;
	v21 =	vsub.f32 v2, v51;
	s6 =	sadd.s32 $0x0, s9;
	v23 =	vld [tilespmem:s18+$0x0]  }
0xef: {  	s13 =	sadd.s32 $0x3860, s1;
	s9 =	sadd.s32 $0x0, s12;
	v56 =	vld [tilespmem:s6+$0x0];
	[tilespmem:$0x1F8D0] =	vst v14;
	v14 =	vsub.f32 v2, v38  }
0xf0: {  	s20 =	sadd.s32 $0x0, s7;
	s7 =	sadd.s32 $0x7B04, s21;
	s12 =	sadd.s32 $0x4D00, s13;
	v40 =	vld [tilespmem:s9+$0x0];
	[tilespmem:$0x1F8F0] =	vst v21;
	v21 =	vsub.f32 v2, v52  }
0xf1: {  	s11 =	sadd.s32 $0x7B0C, s21;
	s0 =	sshrl.u32 s7, $0x2;
	s26 =	sadd.s32 $0x0, s10;
	v3 =	vld [tilespmem:s12+$0x0];
	[tilespmem:$0x1F8E0] =	vst v14  }
0xf2: {  	s2 =	sshrl.u32 s11, $0x2;
	s11 =	sadd.s32 $0x524, s1;
	s14 =	sadd.s32 $0x4D00, s0;
	v30 =	vld [tilespmem:s26+$0x0];
	[tilespmem:$0x1F900] =	vst v21  }
0xf3: {  	s23 =	sadd.s32 $0x148C, s21;
	s17 =	sadd.s32 $0x4D00, s11;
	v9 =	vld [tilespmem:s14+$0x0];
	[tilespmem:$0x1FBE0] =	vst v60  }
0xf4: {  	[dreg:$0x17] =	wrdreg s25;
	s25 =	sadd.s32 $0xD74C, s21;
	s3 =	sshrl.u32 s23, $0x2;
	v50 =	vld [tilespmem:s17+$0x0];
	[tilespmem:$0x1FC80] =	vst v39  }
0xf5: {  	s19 =	sadd.s32 $0xE184, s21;
	s25 =	sshrl.u32 s25, $0x2;
	s28 =	sadd.s32 $0x4D00, s3;
	v60 =	vld [tilespmem:s20+$0x0];
	[tilespmem:$0x1FC60] =	vst v63  }
0xf6: {  	[dreg:$0x16] =	wrdreg s2;
	s16 =	sadd.s32 $0x4D00, s2;
	s3 =	sadd.s32 $0x0, s3;
	v55 =	vld [tilespmem:s28+$0x0];
	v6 =	vsub.f32 v2, v6;
	[tilespmem:$0x1FBF0] =	vst v4  }
0xf7: {  	s2 =	sshrl.u32 s19, $0x2;
	s19 =	sadd.s32 $0x1484, s21;
	s17 =	sadd.s32 $0x0, s8;
	v52 =	vld [tilespmem:s3+$0x0];
	v13 =	vsub.f32 v7, v13;
	[tilespmem:$0x1FC90] =	vst v40  }
0xf8: {  	s22 =	sshrl.u32 s19, $0x2;
	s19 =	sadd.s32 $0x3344, s1;
	s28 =	sadd.s32 $0x4D00, s25;
	v39 =	vld [tilespmem:s17+$0x0];
	v24 =	vsub.f32 v2, v54;
	[tilespmem:$0x1F930] =	vst v6  }
0xf9: {  	s12 =	sadd.s32 $0x4D00, s19;
	v49 =	vld [tilespmem:s28+$0x0];
	v5 =	vsub.f32 v2, v5;
	[tilespmem:$0x1FE40] =	vst v13  }
0xfa: {  	v14 =	vld [tilespmem:s12+$0x0];
	v10 =	vsub.f32 v7, v10;
	[tilespmem:$0x1F910] =	vst v24  }
0xfb: {  	s7 =	sadd.s32 $0xD744, s21;
	s24 =	sadd.s32 $0x4D00, s2;
	v63 =	vld [tilespmem:s16+$0x0];
	v3 =	vsub.f32 v2, v3;
	[tilespmem:$0x1F940] =	vst v5  }
0xfc: {  	s18 =	sadd.s32 $0x0, s11;
	s11 =	sadd.s32 $0xCD0C, s21;
	s17 =	sshrl.u32 s7, $0x2;
	v4 =	vld [tilespmem:s24+$0x0];
	v24 =	vsub.f32 v2, v62;
	[tilespmem:$0x1FEE0] =	vst v10  }
0xfd: {  	s28 =	sshrl.u32 s11, $0x2;
	v40 =	vld [tilespmem:s18+$0x0];
	s9 =	sadd.s32 $0x4D00, s17;
	v9 =	vsub.f32 v7, v9;
	[tilespmem:$0x1F960] =	vst v3  }
0xfe: {  	[dreg:$0x18] =	wrdreg s0;
	s0 =	sadd.s32 $0x522, s1;
	s14 =	sadd.s32 $0x4D00, s28;
	v20 =	vld [tilespmem:s9+$0x0];
	[tilespmem:$0x1F920] =	vst v24;
	v0 =	vsub.f32 v2, v49  }
0xff: {  	s23 =	sadd.s32 $0x1EC0, s1;
	s16 =	sadd.s32 $0x4D00, s0;
	v21 =	vld [tilespmem:s14+$0x0];
	[tilespmem:$0x1FF20] =	vst v9;
	v49 =	vsub.f32 v2, v14  }
0x100: {  	s24 =	sadd.s32 $0x4D00, s23;
	s18 =	sadd.s32 $0x35D0, s1;
	v31 =	vld [tilespmem:s16+$0x0];
	v14 =	vsub.f32 v7, v17;
	[tilespmem:$0x1F980] =	vst v0  }
0x101: {  	v8 =	vld [tilespmem:s24+$0x0];
	s10 =	sadd.s32 $0x4D00, s18;
	v4 =	vsub.f32 v2, v4;
	[tilespmem:$0x1F9B0] =	vst v49  }
0x102: {  	[dreg:$0x19] =	wrdreg s23;
	s5 =	sadd.s32 $0x4D00, s22;
	s16 =	sadd.s32 $0x35D4, s1;
	v15 =	vld [tilespmem:s10+$0x0];
	v13 =	vsub.f32 v7, v63;
	[tilespmem:$0x1FD40] =	vst v14  }
0x103: {  	v12 =	vld [tilespmem:s5+$0x0];
	s11 =	sadd.s32 $0x3342, s1;
	s23 =	sadd.s32 $0xCD04, s21;
	s20 =	sadd.s32 $0x4D00, s16;
	v6 =	vsub.f32 v2, v20;
	[tilespmem:$0x1F950] =	vst v4  }
0x104: {  	s24 =	sadd.s32 $0x4D00, s11;
	s23 =	sshrl.u32 s23, $0x2;
	v1 =	vld [tilespmem:s20+$0x0];
	v51 =	vsub.f32 v2, v21;
	[tilespmem:$0x1FE90] =	vst v13  }
0x105: {  	s26 =	sadd.s32 $0x4D00, s23;
	v24 =	vld [tilespmem:s24+$0x0];
	v14 =	vsub.f32 v7, v18;
	[tilespmem:$0x1F990] =	vst v6  }
0x106: {  	s2 =	sadd.s32 $0x0, s2;
	s10 =	sadd.s32 $0x3340, s1;
	v5 =	vld [tilespmem:s26+$0x0];
	v8 =	vsub.f32 v7, v8;
	[tilespmem:$0x1F9C0] =	vst v51  }
0x107: {  	v10 =	vld [tilespmem:s2+$0x0];
	s20 =	sadd.s32 $0x35D2, s1;
	s6 =	sadd.s32 $0x4D00, s10;
	v38 =	vsub.f32 v2, v15;
	[tilespmem:$0x1FD60] =	vst v14  }
0x108: {  	s7 =	sadd.s32 $0x1C34, s1;
	s8 =	sadd.s32 $0x4D00, s20;
	v3 =	vld [tilespmem:s6+$0x0];
	v15 =	vsub.f32 v7, v26;
	[tilespmem:$0x1FF70] =	vst v8  }
0x109: {  	[dreg:$0x1a] =	wrdreg s7;
	s0 =	sadd.s32 $0x0, s0;
	v16 =	vld [tilespmem:s8+$0x0];
	v1 =	vsub.f32 v2, v1;
	[tilespmem:$0x1F9A0] =	vst v38  }
0x10a: {  	s4 =	sadd.s32 $0x4D00, s7;
	s6 =	sadd.s32 $0x1C30, s1;
	s8 =	sadd.s32 $0x70CC, s21;
	v63 =	vld [tilespmem:s0+$0x0];
	v54 =	vsub.f32 v2, v24;
	[tilespmem:$0x1FD80] =	vst v15  }
0x10b: {  	s14 =	sadd.s32 $0x1C32, s1;
	s7 =	sadd.s32 $0x4D00, s6;
	v0 =	vld [tilespmem:s4+$0x0];
	s3 =	sshrl.u32 s8, $0x2;
	v5 =	vsub.f32 v2, v5;
	[tilespmem:$0x1F970] =	vst v1  }
0x10c: {  	s24 =	sadd.s32 $0x70C4, s21;
	v49 =	vld [tilespmem:s7+$0x0];
	[dreg:$0x1b] =	wrdreg s3;
	s3 =	sadd.s32 $0x4D00, s3;
	v51 =	vsub.f32 v7, v53;
	[tilespmem:$0x1F9D0] =	vst v54  }
0x10d: {  	s26 =	sadd.s32 $0x4D00, s14;
	s4 =	sshrl.u32 s24, $0x2;
	s24 =	sadd.s32 $0x6684, s21;
	v4 =	vld [tilespmem:s3+$0x0];
	v53 =	vsub.f32 v7, v22;
	[tilespmem:$0x1F9E0] =	vst v5  }
0x10e: {  	s30 =	simm.s32 $0x0;
	s9 =	sadd.s32 $0x520, s1;
	s24 =	sshrl.u32 s24, $0x2;
	v6 =	vld [tilespmem:s26+$0x0];
	v38 =	vsub.f32 v7, v42;
	[tilespmem:$0x1FCF0] =	vst v51  }
0x10f: {  	[dreg:$0x1e] =	wrdreg s6;
	s8 =	sadd.s32 $0x668C, s21;
	s6 =	sadd.s32 $0x4D00, s24;
	v8 =	vld [tilespmem:s30+$0xE100];
	v42 =	vsub.f32 v7, v33;
	[tilespmem:$0x1FD20] =	vst v53  }
0x110: {  	s31 =	sadd.s32 $0x19A4, s1;
	s12 =	sadd.s32 $0x4D00, s9;
	s26 =	sshrl.u32 s8, $0x2;
	v15 =	vsub.f32 v7, v34;
	v17 =	vld [tilespmem:s6+$0x0];
	[tilespmem:$0x1FCA0] =	vst v38  }
0x111: {  	[dreg:$0x1d] =	wrdreg s14;
	s8 =	sadd.s32 $0xA4C, s21;
	s14 =	sadd.s32 $0x4D00, s26;
	v62 =	vsub.f32 v2, v16;
	v1 =	vld [tilespmem:s12+$0x0];
	v2 =	vsub.f32 v2, v3;
	[tilespmem:$0x1FCC0] =	vst v42  }
0x112: {  	s8 =	sshrl.u32 s8, $0x2;
	s12 =	sadd.s32 $0x4D00, s31;
	v14 =	vld [tilespmem:s14+$0x0];
	v16 =	vsub.f32 v7, v43;
	[tilespmem:$0x1FDA0] =	vst v15  }
0x113: {  	[dreg:$0x1c] =	wrdreg s4;
	s2 =	sadd.s32 $0x4D00, s8;
	v54 =	vld [tilespmem:s12+$0x0];
	v0 =	vsub.f32 v7, v0;
	[tilespmem:$0x1F9F0] =	vst v2  }
0x114: {  	s5 =	sadd.s32 $0x4D00, s4;
	s4 =	sadd.s32 $0xA44, s21;
	s14 =	sadd.s32 $0x19A0, s1;
	v38 =	vsub.f32 v7, v49;
	v3 =	vld [tilespmem:s2+$0x0];
	[tilespmem:$0x1FDD0] =	vst v16  }
0x115: {  	s21 =	sshrl.u32 s4, $0x2;
	s7 =	sadd.s32 $0x4D00, s14;
	v2 =	vld [tilespmem:s5+$0x0];
	[tilespmem:$0x1FA00] =	vst v0;
	v4 =	vsub.f32 v7, v4  }
0x116: {  	s12 =	sadd.s32 $0x19A2, s1;
	s2 =	sadd.s32 $0x4D00, s21;
	v13 =	vld [tilespmem:s7+$0x0];
	v33 =	vsub.f32 v7, v6;
	[tilespmem:$0x1FA40] =	vst v38  }
0x117: {  	s4 =	sor.u32 $0x4, s1;
	s5 =	sadd.s32 $0x4D00, s12;
	v5 =	vld [tilespmem:s2+$0x0];
	v38 =	vsub.f32 v8, v58;
	[tilespmem:$0x1FA10] =	vst v4  }
0x118: {  	s2 =	sadd.s32 $0x4D00, s4;
	v15 =	vld [tilespmem:s5+$0x0];
	s5 =	sadd.s32 $0x292, s1;
	v51 =	vsub.f32 v7, v17;
	[tilespmem:$0x1FA20] =	vst v33  }
0x119: {  	v9 =	vld [tilespmem:s2+$0x0];
	s6 =	sadd.s32 $0x4D00, s5;
	v43 =	vsub.f32 v7, v14;
	[tilespmem:$0x1FE60] =	vst v38  }
0x11a: {  	s16 =	sadd.s32 $0x0, s16;
	v4 =	vld [tilespmem:s6+$0x0];
	v33 =	vsub.f32 v8, v25;
	[tilespmem:$0x1FA80] =	vst v51  }
0x11b: {  	v16 =	vsub.f32 v7, v19;
	s7 =	sadd.s32 $0x294, s1;
	v25 =	vld [tilespmem:s16+$0x0];
	v42 =	vsub.f32 v7, v54;
	[tilespmem:$0x1FA60] =	vst v43  }
0x11c: {  	s3 =	sadd.s32 $0x4D00, s7;
	v38 =	vld [tilespmem:$0x1FB70];
	v51 =	vsub.f32 v8, v41;
	v54 =	vsub.f32 v8, v45;
	[tilespmem:$0x1FD90] =	vst v33  }
0x11d: {  	s13 =	sadd.s32 $0x0, s13;
	s6 =	sadd.s32 $0x290, s1;
	v41 =	vsub.f32 v8, v50;
	v34 =	vsub.f32 v7, v2;
	v2 =	vld [tilespmem:s3+$0x0];
	[tilespmem:$0x1FA50] =	vst v42  }
0x11e: {  	v45 =	vsub.f32 v8, v1;
	s3 =	sadd.s32 $0x4D00, s6;
	v43 =	vsub.f32 v8, v31;
	v31 =	vld [tilespmem:s13+$0x0];
	[tilespmem:$0x1FD50] =	vst v54  }
0x11f: {  	v53 =	vsub.f32 v7, v13;
	v49 =	vsub.f32 v7, v15;
	v6 =	vld [tilespmem:s3+$0x0];
	[tilespmem:$0x1FEB0] =	vst v41  }
0x120: {  	s17 =	sadd.s32 $0x0, s17;
	v7 =	vsub.f32 v8, v35;
	v42 =	vsub.f32 v8, v55;
	[tilespmem:$0x1FAB0] =	vst v45;
	v55 =	vld [tilespmem:s15+$0x0]  }
0x121: {  	s16 =	sadd.s32 $0x0, s20;
	s20 =	sadd.s32 $0x0, s18;
	v35 =	vsub.f32 v8, v27;
	v54 =	vsub.f32 v8, v3;
	v3 =	vld [tilespmem:s17+$0x0];
	[tilespmem:$0x1FA30] =	vst v34  }
0x122: {  	s17 =	sadd.s32 $0x0, s23;
	[tilespmem:$0x1FA90] =	vst v53;
	v34 =	vsub.f32 v8, v36;
	v36 =	vsub.f32 v8, v29;
	v29 =	vld [tilespmem:s20+$0x0]  }
0x123: {  	s3 =	sor.u32 $0x3, s1;
	v53 =	vsub.f32 v8, v44;
	[tilespmem:$0x1FF40] =	vst v43;
	v44 =	vsub.f32 v8, v12;
	v12 =	vld [tilespmem:s17+$0x0]  }
0x124: {  	s0 =	sadd.s32 $0x4D00, s3;
	v43 =	vsub.f32 v11, v46;
	v46 =	vsub.f32 v11, v39;
	v39 =	vld [tilespmem:$0x1FB80];
	[tilespmem:$0x1FA70] =	vst v49  }
0x125: {  	v41 =	vsub.f32 v11, v37;
	[tilespmem:$0x1FD70] =	vst v7;
	v13 =	vld [tilespmem:s0+$0x0]  }
0x126: {  	v45 =	vsub.f32 v11, v28;
	v49 =	vsub.f32 v8, v47;
	[tilespmem:$0x1FDE0] =	vst v35;
	v47 =	vld [tilespmem:s15+$0xF7C]  }
0x127: {  	s2 =	sor.u32 $0x2, s1;
	[tilespmem:$0x1FE10] =	vst v41;
	v41 =	vld [tilespmem:$0x1FB90]  }
0x128: {  	s0 =	sadd.s32 $0x4D00, s2;
	[tilespmem:$0x1FE30] =	vst v45;
	v45 =	vld [tilespmem:$0x1FBD0]  }
0x129: {  	[tilespmem:$0x1FF00] =	vst v42;
	v15 =	vld [tilespmem:s0+$0x0]  }
0x12a: {  	[tilespmem:$0x1FE20] =	vst v36;
	v36 =	vld [tilespmem:$0x1FB60]  }
0x12b: {  	s1 =	sor.u32 $0x1, s1;
	[tilespmem:$0x1FDF0] =	vst v43;
	v43 =	vld [tilespmem:$0x1FBB0]  }
0x12c: {  	v58 =	vsub.f32 v8, v4;
	s0 =	sadd.s32 $0x4D00, s1;
	[tilespmem:$0x1FEA0] =	vst v46;
	v46 =	vld [tilespmem:$0x1FBE0]  }
0x12d: {  	s13 =	sadd.s32 $0x0, s25;
	s25 =	sadd.s32 $0x0, s19;
	v0 =	vsub.f32 v11, v38;
	[tilespmem:$0x1FAA0] =	vst v44;
	v18 =	vld [tilespmem:s0+$0x0]  }
0x12e: {  	s19 =	sadd.s32 $0x0, s22;
	s22 =	sadd.s32 $0x0, s7;
	s7 =	sadd.s32 $0x0, s6;
	v4 =	vsub.f32 v8, v5;
	[tilespmem:$0x1FAE0] =	vst v58;
	v58 =	vsub.f32 v11, v10;
	v10 =	vld [tilespmem:s30+$0xB400]  }
0x12f: {  	v44 =	vsub.f32 v11, v23;
	[tilespmem:$0x1FDC0] =	vst v0;
	v0 =	vld [tilespmem:s7+$0x0]  }
0x130: {  	[tilespmem:$0x1FAF0] =	vst v4;
	v5 =	vsub.f32 v8, v6;
	v6 =	vsub.f32 v8, v9;
	v9 =	vld [tilespmem:s19+$0x0]  }
0x131: {  	s20 =	sadd.s32 $0x0, s9;
	s9 =	sadd.s32 $0x0, s1;
	v4 =	vsub.f32 v11, v31;
	[tilespmem:$0x1FE50] =	vst v44;
	v44 =	vld [tilespmem:$0x1FBC0]  }
0x132: {  	[tilespmem:$0x1FEF0] =	vst v58;
	v58 =	vld [tilespmem:s9+$0x0]  }
0x133: {  	[tilespmem:$0x1FED0] =	vst v4;
	v4 =	vld [tilespmem:$0x1FC00]  }
0x134: {  	[tilespmem:$0x1FB10] =	vst v6;
	v6 =	vld [tilespmem:s13+$0x0]  }
0x135: {  	s18 =	sadd.s32 $0x0, s10;
	[tilespmem:$0x1FAD0] =	vst v54;
	v50 =	vsub.f32 v8, v2;
	v7 =	vsub.f32 v8, v13;
	v13 =	vld [tilespmem:s16+$0x0]  }
0x136: {  	v54 =	vsub.f32 v11, v57;
	[tilespmem:$0x1FDB0] =	vst v34;
	v35 =	vsub.f32 v8, v47;
	s13 =	sadd.s32 $0x0, s28;
	v47 =	vld [tilespmem:s18+$0x0]  }
0x137: {  	[tilespmem:$0x1FAC0] =	vst v50;
	v50 =	vsub.f32 v11, v30;
	v38 =	vsub.f32 v11, v12;
	s16 =	sadd.s32 $0x0, s11;
	v1 =	vld [tilespmem:s13+$0x0]  }
0x138: {  	s2 =	sadd.s32 $0x0, s2;
	[tilespmem:$0x1FB00] =	vst v5;
	v5 =	vsub.f32 v11, v25;
	v33 =	vsub.f32 v8, v15;
	v42 =	vld [tilespmem:s16+$0x0]  }
0x139: {  	s28 =	sadd.s32 $0x0, s21;
	[tilespmem:$0x1FE80] =	vst v50;
	v50 =	vld [tilespmem:s2+$0x0];
	v34 =	vsub.f32 v8, v18;
	v8 =	vsub.f32 v11, v48  }
0x13a: {  	s4 =	sadd.s32 $0x0, s4;
	v48 =	vsub.f32 v11, v55;
	v55 =	vsub.f32 v11, v59;
	[tilespmem:$0x1FF30] =	vst v5;
	v5 =	vld [tilespmem:s28+$0x0]  }
0x13b: {  	s23 =	sadd.s32 $0x0, s8;
	s8 =	sadd.s32 $0x0, s3;
	s11 =	rddreg [dreg:$0x16];
	v59 =	vsub.f32 v11, v32;
	v32 =	vsub.f32 v11, v3;
	v3 =	vld [tilespmem:s4+$0x0]  }
0x13c: {  	s1 =	sadd.s32 $0x0, s11;
	v27 =	vsub.f32 v10, v45;
	v45 =	vsub.f32 v10, v60;
	v60 =	vld [tilespmem:s8+$0x0]  }
0x13d: {  	v57 =	vsub.f32 v11, v36;
	v24 =	vsub.f32 v10, v41;
	v22 =	vld [tilespmem:s1+$0x0]  }
0x13e: {  	v26 =	vsub.f32 v10, v43;
	v31 =	vsub.f32 v10, v46;
	[tilespmem:$0x1FB40] =	vst v34;
	v34 =	vld [tilespmem:s25+$0x0]  }
0x13f: {  	v56 =	vsub.f32 v10, v56;
	[tilespmem:$0x1FF60] =	vst v32;
	v32 =	vsub.f32 v10, v9;
	v9 =	vld [tilespmem:s15+$0xFFFFC27C]  }
0x140: {  	v40 =	vsub.f32 v10, v40;
	v12 =	vsub.f32 v61, v4;
	v4 =	vld [tilespmem:$0x1FC60]  }
0x141: {  	s10 =	rddreg [dreg:$0x15];
	[tilespmem:$0x1FB20] =	vst v7;
	v52 =	vsub.f32 v10, v52;
	v7 =	vsub.f32 v11, v13;
	v13 =	vld [tilespmem:s20+$0x0]  }
0x142: {  	s0 =	sadd.s32 $0x0, s10;
	v63 =	vsub.f32 v10, v63;
	v37 =	vsub.f32 v11, v42;
	v42 =	vld [tilespmem:$0x1FBA0]  }
0x143: {  	[tilespmem:$0x1FB30] =	vst v33;
	v6 =	vsub.f32 v11, v6;
	v36 =	vsub.f32 v11, v1;
	v1 =	vld [tilespmem:s0+$0x0]  }
0x144: {  	v33 =	vsub.f32 v11, v29;
	v29 =	vsub.f32 v10, v39;
	[tilespmem:$0x1FF90] =	vst v7;
	v7 =	vld [tilespmem:s22+$0x0]  }
0x145: {  	v30 =	vsub.f32 v10, v44;
	[tilespmem:$0x1FF10] =	vst v6;
	v6 =	vld [tilespmem:s23+$0x0];
	v43 =	vsub.f32 v10, v5  }
0x146: {  	s13 =	rddreg [dreg:$0x17];
	[tilespmem:$0x1FB50] =	vst v35;
	s25 =	sadd.s32 $0x0, s5;
	v35 =	vsub.f32 v11, v34;
	v34 =	vsub.f32 v11, v47;
	v47 =	vld [tilespmem:$0x1FBF0]  }
0x147: {  	[tilespmem:$0x1FFE0] =	vst v38;
	s15 =	rddreg [dreg:$0x18];
	s0 =	sadd.s32 $0x0, s13;
	v44 =	vsub.f32 v10, v3;
	v38 =	vsub.f32 v10, v60;
	v11 =	vld [tilespmem:s25+$0x0]  }
0x148: {  	s1 =	sadd.s32 $0x0, s15;
	v20 =	vld [tilespmem:s0+$0x0];
	[tilespmem:$0x1FFC0] =	vst v36;
	v36 =	vsub.f32 v10, v0;
	v46 =	vsub.f32 v10, v9  }
0x149: {  	s17 =	rddreg [dreg:$0x1a];
	v60 =	vld [tilespmem:s1+$0x0];
	[tilespmem:$0x1FFD0] =	vst v37;
	v39 =	vsub.f32 v10, v13;
	v37 =	vsub.f32 v10, v42  }
0x14a: {  	s16 =	rddreg [dreg:$0x19];
	[tilespmem:$0x1FFA0] =	vst v33;
	s1 =	sadd.s32 $0x0, s17;
	v5 =	vld [tilespmem:$0x1FC10];
	v42 =	vsub.f32 v10, v58;
	v33 =	vsub.f32 v10, v7  }
0x14b: {  	s0 =	sadd.s32 $0x0, s16;
	v0 =	vld [tilespmem:s1+$0x0];
	v41 =	vsub.f32 v10, v6;
	v28 =	vsub.f32 v10, v47  }
0x14c: {  	s22 =	sadd.s32 $0x0, s31;
	[tilespmem:$0x1FFB0] =	vst v35;
	v35 =	vsub.f32 v10, v11;
	v47 =	vsub.f32 v10, v50;
	v10 =	vld [tilespmem:s0+$0x0]  }
0x14d: {  	v2 =	vld [tilespmem:s22+$0x0]  }
0x14e: {  	v24 =	vmul.f32 v24, v24;
	v55 =	vmul.f32 v55, v55;
	v58 =	vld [tilespmem:$0x1FC50]  }
0x14f: {  	v29 =	vmul.f32 v29, v29;
	v18 =	vsub.f32 v61, v4;
	v21 =	vsub.f32 v61, v1;
	v6 =	vld [tilespmem:$0x1FC20]  }
0x150: {  	v12 =	vmul.f32 v12, v12;
	v1 =	vsub.f32 v61, v22;
	v9 =	vsub.f32 v61, v5;
	v7 =	vld [tilespmem:$0x1FC30]  }
0x151: {  	s18 =	rddreg [dreg:$0x1b];
	v43 =	vmul.f32 v43, v43;
	v22 =	vsub.f32 v61, v20;
	v23 =	vsub.f32 v61, v10;
	v10 =	vld [tilespmem:$0x1FCA0]  }
0x152: {  	v18 =	vmul.f32 v18, v18;
	v20 =	vsub.f32 v61, v60;
	v0 =	vsub.f32 v61, v0;
	s0 =	sadd.s32 $0x0, s18;
	v50 =	vld [tilespmem:$0x1FC40]  }
0x153: {  	s19 =	rddreg [dreg:$0x1d];
	v2 =	vsub.f32 v61, v2;
	v1 =	vmul.f32 v1, v1;
	v9 =	vmul.f32 v9, v9;
	v5 =	vld [tilespmem:s0+$0x0]  }
0x154: {  	s1 =	sadd.s32 $0x0, s19;
	v20 =	vmul.f32 v20, v20;
	v0 =	vmul.f32 v0, v0;
	v13 =	vsub.f32 v61, v58;
	v58 =	vld [tilespmem:$0x1FC90]  }
0x155: {  	v2 =	vmul.f32 v2, v2;
	v9 =	vadd.f32 v9, v24;
	v11 =	vsub.f32 v61, v7;
	v7 =	vld [tilespmem:s1+$0x0]  }
0x156: {  	v24 =	vmul.f32 v26, v26;
	v15 =	vsub.f32 v61, v6;
	v6 =	vld [tilespmem:$0x1FC70];
	v10 =	vmul.f32 v10, v10  }
0x157: {  	[tilespmem:$0x1FE00] =	vst v16;
	v26 =	vmul.f32 v37, v37;
	v11 =	vmul.f32 v11, v11  }
0x158: {  	v16 =	vsub.f32 v61, v50;
	v15 =	vmul.f32 v15, v15;
	v5 =	vsub.f32 v61, v5;
	[tilespmem:$0x1FCB0] =	vst v10;
	v10 =	vld [tilespmem:$0x1FCC0]  }
0x159: {  	v13 =	vmul.f32 v13, v13;
	v50 =	vld [tilespmem:$0x1FC80];
	v17 =	vsub.f32 v61, v58;
	v24 =	vadd.f32 v11, v24  }
0x15a: {  	v11 =	vmul.f32 v27, v27;
	v15 =	vadd.f32 v15, v26;
	v26 =	vmul.f32 v30, v30  }
0x15b: {  	s23 =	sadd.s32 $0x0, s26;
	s26 =	sadd.s32 $0x0, s24;
	v16 =	vmul.f32 v16, v16;
	v14 =	vsub.f32 v61, v6;
	v7 =	vsub.f32 v61, v7  }
0x15c: {  	s25 =	sadd.s32 $0x0, s12;
	v60 =	vld [tilespmem:s26+$0x0];
	v5 =	vmul.f32 v5, v5;
	v13 =	vadd.f32 v13, v11;
	v11 =	vmul.f32 v28, v28  }
0x15d: {  	v58 =	vld [tilespmem:s25+$0x0];
	v16 =	vadd.f32 v16, v26;
	v14 =	vmul.f32 v14, v14;
	v10 =	vmul.f32 v10, v10  }
0x15e: {  	s21 =	rddreg [dreg:$0x1e];
	v26 =	vmul.f32 v31, v31;
	v19 =	vsub.f32 v61, v50;
	v50 =	vmul.f32 v48, v48  }
0x15f: {  	s1 =	sadd.s32 $0x0, s21;
	v7 =	vmul.f32 v7, v7;
	v27 =	vadd.f32 v14, v11;
	[tilespmem:$0x1FCD0] =	vst v10;
	v10 =	vmul.f32 v49, v49  }
0x160: {  	v3 =	vld [tilespmem:s1+$0x0];
	v11 =	vmul.f32 v56, v56;
	v14 =	vmul.f32 v17, v17;
	v17 =	vadd.f32 v18, v26  }
0x161: {  	v18 =	vmul.f32 v45, v45;
	v19 =	vmul.f32 v19, v19;
	v49 =	vsub.f32 v61, v60;
	[tilespmem:$0x1FCE0] =	vst v10;
	v10 =	vld [tilespmem:$0x1FCF0]  }
0x162: {  	v48 =	vsub.f32 v61, v58;
	v45 =	vmul.f32 v38, v38;
	v56 =	vmul.f32 v42, v42  }
0x163: {  	s20 =	rddreg [dreg:$0x1c];
	v26 =	vadd.f32 v14, v11;
	v11 =	vmul.f32 v52, v52;
	v58 =	vmul.f32 v49, v49;
	v49 =	vld [tilespmem:$0x1FD40]  }
0x164: {  	v25 =	vld [tilespmem:$0x1FD20];
	s0 =	sadd.s32 $0x0, s20;
	v18 =	vadd.f32 v19, v18;
	v14 =	vmul.f32 v40, v40;
	v19 =	vmul.f32 v21, v21  }
0x165: {  	v12 =	vadd.f32 v12, v29;
	v6 =	vld [tilespmem:s0+$0x0];
	v21 =	vmul.f32 v22, v22;
	v40 =	vmul.f32 v35, v35  }
0x166: {  	v4 =	vld [tilespmem:s23+$0x0];
	v3 =	vsub.f32 v61, v3;
	v35 =	vmul.f32 v54, v54;
	v10 =	vmul.f32 v10, v10  }
0x167: {  	v19 =	vadd.f32 v19, v14;
	v14 =	vmul.f32 v63, v63;
	v38 =	vadd.f32 v58, v56;
	v58 =	vld [tilespmem:$0x1FD60]  }
0x168: {  	v37 =	vadd.f32 v50, v12;
	v54 =	vmul.f32 v49, v49;
	[tilespmem:$0x1FD00] =	vst v10;
	v10 =	vmul.f32 v51, v51  }
0x169: {  	v42 =	vadd.f32 v55, v15;
	v49 =	vld [tilespmem:$0x1FDD0];
	v51 =	vmul.f32 v25, v25;
	v25 =	vmul.f32 v53, v53  }
0x16a: {  	v6 =	vsub.f32 v61, v6;
	v22 =	vadd.f32 v21, v14;
	v14 =	vmul.f32 v39, v39  }
0x16b: {  	v55 =	vld [tilespmem:$0x1FDF0];
	[tilespmem:$0x1FD30] =	vst v25;
	v25 =	vsub.f32 v61, v4;
	v4 =	vadd.f32 v1, v11;
	v11 =	vmul.f32 v32, v32  }
0x16c: {  	s28 =	sadd.s32 $0x0, s14;
	v53 =	vmul.f32 v44, v44;
	v50 =	vmul.f32 v58, v58;
	v44 =	vadd.f32 v35, v9;
	v35 =	vld [tilespmem:$0x1FDB0]  }
0x16d: {  	[tilespmem:$0x1FD10] =	vst v10;
	v10 =	vld [tilespmem:s28+$0x0];
	v29 =	vadd.f32 v20, v11;
	v11 =	vmul.f32 v33, v33;
	v20 =	vmul.f32 v23, v23  }
0x16e: {  	v58 =	vmul.f32 v49, v49;
	v49 =	vld [tilespmem:$0x1FE80];
	v33 =	vadd.f32 v7, v40;
	v52 =	vmul.f32 v25, v25  }
0x16f: {  	v3 =	vmul.f32 v3, v3;
	v7 =	vld [tilespmem:$0x1FDA0];
	v31 =	vadd.f32 v0, v11;
	v23 =	vadd.f32 v20, v14  }
0x170: {  	v11 =	vmul.f32 v41, v41;
	v20 =	vadd.f32 v52, v45;
	v52 =	vadd.f32 v2, v53;
	v53 =	vld [tilespmem:$0x1FD50]  }
0x171: {  	v6 =	vmul.f32 v6, v6;
	v41 =	vmul.f32 v36, v36;
	v45 =	vld [tilespmem:$0x1FDC0]  }
0x172: {  	v36 =	vmul.f32 v59, v59;
	v59 =	vmul.f32 v55, v55;
	v55 =	vld [tilespmem:$0x1FE90];
	v1 =	vadd.f32 v5, v11  }
0x173: {  	v8 =	vmul.f32 v8, v8;
	v11 =	vadd.f32 v3, v41;
	v41 =	vadd.f32 v6, v43;
	v6 =	vld [tilespmem:$0x1FD90]  }
0x174: {  	v60 =	vmul.f32 v47, v47;
	v10 =	vsub.f32 v61, v10;
	v61 =	vmul.f32 v48, v48;
	v5 =	vld [tilespmem:$0x1FE30]  }
0x175: {  	v39 =	vadd.f32 v8, v16;
	v16 =	vadd.f32 v59, v18;
	v59 =	vld [tilespmem:$0x1FEA0]  }
0x176: {  	v63 =	vmul.f32 v46, v46;
	v32 =	vmul.f32 v10, v10;
	v56 =	vadd.f32 v61, v60;
	v60 =	vld [tilespmem:$0x1FD70]  }
0x177: {  	v61 =	vmul.f32 v57, v57;
	v57 =	vmul.f32 v7, v7;
	v7 =	vld [tilespmem:$0x1FE50]  }
0x178: {  	v47 =	vadd.f32 v32, v63;
	v63 =	vld [tilespmem:$0x1FD80]  }
0x179: {  	v14 =	vmul.f32 v53, v53;
	v53 =	vld [tilespmem:$0x1FDE0]  }
0x17a: {  	v43 =	vadd.f32 v61, v24;
	v46 =	vmul.f32 v45, v45;
	v61 =	vld [tilespmem:$0x1FE10]  }
0x17b: {  	v32 =	vmul.f32 v6, v6;
	v6 =	vld [tilespmem:$0x1FE40]  }
0x17c: {  	v48 =	vmul.f32 v35, v35;
	v35 =	vadd.f32 v46, v13;
	v46 =	vld [tilespmem:$0x1FE60]  }
0x17d: {  	v2 =	vmul.f32 v5, v5;
	v5 =	vld [tilespmem:$0x1FEB0]  }
0x17e: {  	v13 =	vmul.f32 v59, v59;
	v59 =	vld [tilespmem:$0x1FF10]  }
0x17f: {  	v12 =	vmul.f32 v60, v60;
	v60 =	vld [tilespmem:$0x1FE00]  }
0x180: {  	v45 =	vmul.f32 v7, v7;
	v28 =	vadd.f32 v13, v4;
	v4 =	vld [tilespmem:$0x1FF20]  }
0x181: {  	v36 =	vadd.f32 v36, v17;
	v40 =	vmul.f32 v63, v63;
	v17 =	vmul.f32 v53, v53;
	v63 =	vld [tilespmem:$0x1FE20]  }
0x182: {  	v0 =	vmul.f32 v61, v61;
	v53 =	vmul.f32 v49, v49;
	v49 =	vld [tilespmem:$0x1FEF0]  }
0x183: {  	v61 =	vmul.f32 v6, v6;
	v6 =	vld [tilespmem:$0x1FED0]  }
0x184: {  	v27 =	vadd.f32 v0, v27;
	v0 =	vmul.f32 v46, v46;
	v46 =	vadd.f32 v45, v26;
	v45 =	vld [tilespmem:$0x1FEE0]  }
0x185: {  	v22 =	vadd.f32 v53, v22;
	v53 =	vld [tilespmem:$0x1FF00]  }
0x186: {  	[tilespmem:$0x1FE70] =	vst v0;
	v0 =	vmul.f32 v5, v5;
	v5 =	vld [tilespmem:$0x1FF30]  }
0x187: {  	v13 =	vmul.f32 v59, v59;
	v59 =	vmul.f32 v4, v4;
	v4 =	vld [tilespmem:$0x1FFB0]  }
0x188: {  	[tilespmem:$0x1FEC0] =	vst v0;
	v0 =	vmul.f32 v49, v49;
	v49 =	vld [tilespmem:$0x1FF90];
	v7 =	vmul.f32 v6, v6  }
0x189: {  	v6 =	vld [tilespmem:$0x1FF40]  }
0x18a: {  	v21 =	vadd.f32 v2, v19;
	v18 =	vmul.f32 v63, v63;
	v19 =	vadd.f32 v7, v23;
	v7 =	vld [tilespmem:$0x1FF60]  }
0x18b: {  	v63 =	vmul.f32 v55, v55;
	v55 =	vmul.f32 v45, v45;
	v45 =	vld [tilespmem:$0x1FF70]  }
0x18c: {  	v23 =	vmul.f32 v53, v53;
	v53 =	vld [tilespmem:$0x1FFA0]  }
0x18d: {  	v30 =	vadd.f32 v0, v29;
	v0 =	vmul.f32 v5, v5;
	v5 =	vld [tilespmem:$0x1FFC0]  }
0x18e: {  	v15 =	vadd.f32 v13, v1;
	v1 =	vmul.f32 v6, v6;
	v6 =	vld [tilespmem:$0x1FFD0]  }
0x18f: {  	v13 =	vmul.f32 v7, v7;
	v7 =	vld [tilespmem:$0x1FFE0]  }
0x190: {  	v29 =	vmul.f32 v49, v49  }
0x191: {  	v26 =	vadd.f32 v0, v31;
	v0 =	vmul.f32 v45, v45;
	v45 =	vimm.f32 $0.0e+00  }
0x192: {  	v60 =	vmul.f32 v60, v60;
	v31 =	vadd.f32 v29, v33;
	[tilespmem:$0x1FFF0] =	vst v45;
	v49 =	vmul.f32 v53, v53  }
0x193: {  	[tilespmem:$0x1FF50] =	vst v1;
	v24 =	vadd.f32 v13, v41;
	v41 =	vmul.f32 v4, v4;
	v13 =	vmul.f32 v5, v5  }
0x194: {  	s31 =	simm.s32 $0xFFFFF100;
	s1 =	simm.s32 $0x40;
	s0 =	simm.s32 $0x0;
	[tilespmem:$0x1FF80] =	vst v0;
	v53 =	vimm.f32 $0.0e+00;
	v33 =	vmul.f32 v6, v6;
	v29 =	vmul.f32 v7, v7  }
.LBB2_6:
0x195: {  	v0 =	vld [tilespmem:$0x1FAA0]  }
0x196: {  	v4 =	vld [tilespmem:$0x1FD10]  }
0x197: {  	v5 =	vld [tilespmem:$0x1FCE0]  }
0x198: {  	v6 =	vld [tilespmem:$0x1FAC0]  }
0x199: {  	v7 =	vld [tilespmem:$0x1FD30]  }
0x19a: {  	v11 =	vadd.f32 v49, v11;
	v49 =	vld [tilespmem:$0x1FAF0]  }
0x19b: {  	v25 =	vmul.f32 v34, v34;
	v34 =	vadd.f32 v41, v52;
	v52 =	vld [tilespmem:$0x1FA00]  }
0x19c: {  	v33 =	vadd.f32 v33, v56;
	v56 =	vld [tilespmem:$0x1FAB0]  }
0x19d: {  	v29 =	vadd.f32 v29, v38;
	v45 =	vadd.f32 v25, v47;
	v47 =	vld [tilespmem:$0x1FAE0]  }
0x19e: {  	v17 =	vadd.f32 v17, v27;
	v27 =	vadd.f32 v48, v36;
	v48 =	vld [tilespmem:$0x1FB30]  }
0x19f: {  	v38 =	vadd.f32 v4, v44;
	v44 =	vadd.f32 v14, v43;
	v43 =	vld [tilespmem:$0x1FAD0]  }
0x1a0: {  	v4 =	vld [tilespmem:$0x1FEC0]  }
0x1a1: {  	v10 =	vadd.f32 v5, v37;
	v5 =	vld [tilespmem:$0x1FB10]  }
0x1a2: {  	v39 =	vadd.f32 v12, v39;
	v12 =	vmul.f32 v49, v49;
	v49 =	vld [tilespmem:s30+$0x11D00]  }
0x1a3: {  	v20 =	vadd.f32 v13, v20;
	v13 =	vmul.f32 v52, v52;
	v52 =	vld [tilespmem:$0x1FE70]  }
0x1a4: {  	v25 =	vmul.f32 v56, v56;
	v56 =	vld [tilespmem:$0x1FB00]  }
0x1a5: {  	v42 =	vadd.f32 v7, v42;
	s30 =	sshra.s32 s1, $0x2;
	v7 =	vmul.f32 v47, v47;
	v47 =	vld [tilespmem:$0x1FB20]  }
0x1a6: {  	v19 =	vadd.f32 v25, v19;
	v25 =	vld [tilespmem:s30+$0xE100]  }
0x1a7: {  	s29 =	sadd.s32 $0x1, s29;
	v37 =	vmul.f32 v6, v6;
	v6 =	vmul.f32 v43, v43;
	v43 =	vld [tilespmem:$0x1FF50]  }
0x1a8: {  	s31 =	sadd.s32 $0x10, s31;
	s2 =	smulhi.u32 $0xCCCCCCCD, s29;
	[tilespmem:$0x1F240] =	vst v49;
	v36 =	vadd.f32 v52, v46;
	v52 =	vld [tilespmem:$0x1FB40]  }
0x1a9: {  	s3 =	sadd.s32 $0xF00, s31;
	v9 =	vmul.f32 v56, v56;
	v56 =	vld [tilespmem:$0x1FB50]  }
0x1aa: {  	s3 =	sand.u32 $0xFF0, s3;
	s2 =	sshrl.u32 s2, $0x5;
	v35 =	vadd.f32 v32, v35;
	v32 =	vadd.f32 v4, v21;
	v4 =	vld [tilespmem:$0x1FCB0]  }
0x1ab: {  	s26 =	sshll.u32 s2, $0x6;
	v41 =	vmul.f32 v0, v0;
	v7 =	vadd.f32 v7, v31;
	v31 =	vld [tilespmem:s3+$0xF000]  }
0x1ac: {  	s10 =	sadd.s32 $0xF60C, s26;
	v14 =	vmul.f32 v5, v5;
	v5 =	vld [tilespmem:$0x1F9A0]  }
0x1ad: {  	s22 =	sadd.s32 $0x4D00, s30;
	s8 =	sshrl.u32 s10, $0x2;
	v30 =	vadd.f32 v41, v30;
	v41 =	vld [tilespmem:$0x1FD00]  }
0x1ae: {  	v12 =	vadd.f32 v12, v24;
	s11 =	sadd.s32 s8, s22;
	v24 =	vld [tilespmem:s3+$0xC300]  }
0x1af: {  	v28 =	vadd.f32 v23, v28;
	s8 =	sadd.s32 s8, s30;
	v1 =	vld [tilespmem:s11+$0x0]  }
0x1b0: {  	v23 =	vmul.f32 v48, v48;
	v2 =	vadd.f32 v59, v30;
	v59 =	vld [tilespmem:s8+$0x0]  }
0x1b1: {  	s0 =	sadd.s32 $0x10, s0;
	s4 =	sshll.u32 s2, $0x4;
	v0 =	vadd.f32 v63, v28;
	v63 =	vld [tilespmem:$0x1FA10]  }
0x1b2: {  	s4 =	sadd.s32 s4, s0;
	v21 =	vmul.f32 v47, v47;
	v47 =	vadd.f32 v23, v33;
	v33 =	vld [tilespmem:s3+$0xFF00]  }
0x1b3: {  	s9 =	sand.u32 $0xFFFFFFF0, s4;
	v34 =	vadd.f32 v14, v34;
	v14 =	vadd.f32 v51, v44;
	v44 =	vld [tilespmem:$0x1F9C0]  }
0x1b4: {  	s2 =	sadd.s32 s1, s26;
	v51 =	vld [tilespmem:s9+$0x8A80]  }
0x1b5: {  	s24 =	sshrl.u32 s26, $0x2;
	s2 =	sadd.s32 $0xF610, s2;
	v46 =	vadd.f32 v18, v16;
	v23 =	vadd.f32 v57, v17;
	v57 =	vld [tilespmem:$0x1F9F0]  }
0x1b6: {  	s7 =	sadd.s32 $0x3D82, s24;
	s21 =	sshra.s32 s2, $0x2;
	v16 =	vadd.f32 v9, v11;
	v9 =	vmul.f32 v62, v62;
	v62 =	vld [tilespmem:$0x1F990]  }
0x1b7: {  	v40 =	vadd.f32 v40, v27;
	s6 =	sadd.s32 s7, s22;
	v27 =	vadd.f32 v58, v46;
	v58 =	vld [tilespmem:s21+$0x4D00]  }
0x1b8: {  	v3 =	vadd.f32 v60, v36;
	v36 =	vld [tilespmem:s6+$0x0]  }
0x1b9: {  	v49 =	vadd.f32 v41, v42;
	v42 =	vld [tilespmem:$0x1FCD0]  }
0x1ba: {  	v46 =	vld [tilespmem:$0x1F9D0]  }
0x1bb: {  	v20 =	vadd.f32 v21, v20;
	v21 =	vld [tilespmem:s30+$0xB400]  }
0x1bc: {  	v18 =	vadd.f32 v43, v22;
	v43 =	vld [tilespmem:$0x1F9B0]  }
0x1bd: {  	s14 =	sadd.s32 $0xF604, s26;
	v6 =	vadd.f32 v6, v15;
	v15 =	vmul.f32 v52, v52;
	v52 =	vld [tilespmem:$0x1FA90]  }
0x1be: {  	s6 =	sshrl.u32 s14, $0x2;
	v41 =	vadd.f32 v42, v38;
	v42 =	vadd.f32 v61, v32;
	v61 =	vld [tilespmem:$0x1FA80]  }
0x1bf: {  	s11 =	sadd.s32 s6, s22;
	v22 =	vadd.f32 v37, v26;
	v26 =	vld [tilespmem:s3+$0xD200];
	v11 =	vmul.f32 v56, v56  }
0x1c0: {  	v8 =	vld [tilespmem:s11+$0x0];
	v48 =	vmul.f32 v5, v5  }
0x1c1: {  	v56 =	vld [tilespmem:s9+$0x3D80];
	v37 =	vadd.f32 v15, v29;
	v45 =	vadd.f32 v11, v45;
	v15 =	vmul.f32 v62, v62  }
0x1c2: {  	v29 =	vadd.f32 v4, v10;
	v10 =	vadd.f32 v50, v35;
	v35 =	vld [tilespmem:$0x1F9E0];
	v38 =	vmul.f32 v43, v43  }
0x1c3: {  	v5 =	vld [tilespmem:$0x1FA70];
	v43 =	vadd.f32 v54, v39;
	v54 =	vmul.f32 v52, v52;
	v62 =	vmul.f32 v61, v61  }
0x1c4: {  	s18 =	sadd.s32 $0x8F84, s26;
	[tilespmem:$0x1F280] =	vst v1;
	v1 =	vadd.f32 v55, v18;
	v50 =	vld [tilespmem:$0x1FA50]  }
0x1c5: {  	s2 =	sshrl.u32 s18, $0x2;
	v17 =	vmul.f32 v57, v57;
	v60 =	vadd.f32 v54, v45;
	v18 =	vadd.f32 v62, v37;
	v37 =	vld [tilespmem:$0x1FA60]  }
0x1c6: {  	s10 =	sadd.s32 $0x290C, s26;
	s19 =	sadd.s32 s2, s22;
	v45 =	vld [tilespmem:$0x1FF80]  }
0x1c7: {  	s17 =	sshrl.u32 s10, $0x2;
	s10 =	sadd.s32 $0xA42, s24;
	v55 =	vld [tilespmem:s19+$0x0];
	v28 =	vmul.f32 v35, v35;
	v17 =	vadd.f32 v17, v60  }
0x1c8: {  	s12 =	sadd.s32 $0x8F8C, s26;
	s20 =	sadd.s32 s10, s22;
	v13 =	vadd.f32 v13, v22;
	v39 =	vmul.f32 v44, v44;
	v5 =	vmul.f32 v5, v5;
	v52 =	vld [tilespmem:$0x1FA40]  }
0x1c9: {  	s4 =	sshrl.u32 s12, $0x2;
	[tilespmem:$0x1F250] =	vst v51;
	v57 =	vld [tilespmem:s20+$0x0];
	v51 =	vmul.f32 v50, v50;
	v17 =	vsub.f32 $0.0e+00, v17;
	v18 =	vadd.f32 v28, v18  }
0x1ca: {  	s3 =	sadd.s32 s4, s22;
	v30 =	vadd.f32 v5, v47;
	v54 =	vld [tilespmem:$0x1FA30];
	v28 =	vmul.f32 v46, v46;
	v44 =	vmul.f32 v37, v37  }
0x1cb: {  	s5 =	sadd.s32 $0x23E4, s24;
	v11 =	vld [tilespmem:s3+$0x0];
	v19 =	vadd.f32 v45, v19;
	v17 =	vmul.f32 $1.442695020e+00, v17;
	v18 =	vsub.f32 $0.0e+00, v18  }
0x1cc: {  	s13 =	sadd.s32 s5, s22;
	[tilespmem:$0x1F270] =	vst v58;
	s3 =	sadd.s32 $0x23E2, s24;
	v58 =	vld [tilespmem:$0x1FA20];
	v22 =	vadd.f32 v28, v30;
	v20 =	vadd.f32 v44, v20  }
0x1cd: {  	v4 =	vld [tilespmem:s13+$0x0];
	s16 =	sadd.s32 s3, s22;
	(erf) = vpow2.f32 v17;
	v28 =	vadd.f32 v51, v34;
	v30 =	vmul.f32 v52, v52  }
0x1ce: {  	s25 =	sadd.s32 s5, s30;
	[tilespmem:$0x1F260] =	vst v56;
	v56 =	vld [tilespmem:s16+$0x0];
	v18 =	vmul.f32 $1.442695020e+00, v18;
	v22 =	vsub.f32 $0.0e+00, v22;
	v20 =	vadd.f32 v39, v20  }
0x1cf: {  	v32 =	vld [tilespmem:s25+$0x0];
	v17 =	vadd.f32 v38, v28;
	v16 =	vadd.f32 v30, v16;
	v28 =	vmul.f32 v54, v54  }
0x1d0: {  	v35 =	vld [tilespmem:$0x1F980];
	v22 =	vmul.f32 $1.442695020e+00, v22;
	(erf) = vpow2.f32 v18;
	v20 =	vsub.f32 $0.0e+00, v20  }
0x1d1: {  	v50 =	vld [tilespmem:$0x1F940];
	v16 =	vadd.f32 v48, v16;
	v12 =	vadd.f32 v28, v12;
	v18 =	vmul.f32 v58, v58  }
0x1d2: {  	s7 =	sadd.s32 s7, s30;
	v37 =	vld [tilespmem:$0x1F970];
	v17 =	vsub.f32 $0.0e+00, v17;
	(erf) = vpow2.f32 v22;
	v20 =	vmul.f32 $1.442695020e+00, v20  }
0x1d3: {  	[tilespmem:$0x1F2D0] =	vst v57;
	v57 =	vld [tilespmem:s7+$0x0];
	v12 =	vadd.f32 v15, v12;
	v7 =	vadd.f32 v18, v7;
	v15 =	vmul.f32 v63, v63  }
0x1d4: {  	s9 =	sadd.s32 $0xA44, s24;
	v39 =	vld [tilespmem:$0x1F960];
	v17 =	vmul.f32 $1.442695020e+00, v17;
	v34 =	vsub.f32 $0.0e+00, v16;
	(erf) = vpow2.f32 v20  }
0x1d5: {  	s15 =	sadd.s32 s9, s22;
	s23 =	sadd.s32 s9, s30;
	s9 =	sadd.s32 $0x3AF4, s24;
	v45 =	vld [tilespmem:$0x1F950];
	v7 =	vadd.f32 v9, v7;
	v6 =	vadd.f32 v15, v6;
	v9 =	vmul.f32 v35, v35  }
0x1d6: {  	s13 =	sadd.s32 s9, s22;
	v47 =	vld [tilespmem:s15+$0x0];
	v51 =	vmul.f32 v50, v50;
	v5 =	vmul.f32 $1.442695020e+00, v34;
	v12 =	vsub.f32 $0.0e+00, v12  }
0x1d7: {  	s28 =	sadd.s32 $0x2904, s26;
	s18 =	sadd.s32 s4, s30;
	s4 =	sadd.s32 $0x2154, s24;
	v54 =	vld [tilespmem:s13+$0x0];
	v16 =	vpop (erf);
	v6 =	vadd.f32 v9, v6;
	v9 =	vmul.f32 v37, v37;
	(erf) = vpow2.f32 v17  }
0x1d8: {  	s20 =	sadd.s32 s4, s22;
	s13 =	sshrl.u32 s28, $0x2;
	v1 =	vadd.f32 v51, v1;
	v58 =	vld [tilespmem:$0x1F930];
	v17 =	vadd.f32 $0.0e+00, v16;
	(erf) = vpow2.f32 v5  }
0x1d9: {  	s16 =	sadd.s32 $0xEBCC, s26;
	[tilespmem:$0x1F2C0] =	vst v55;
	v55 =	vld [tilespmem:s20+$0x0];
	s15 =	sadd.s32 s13, s22;
	v12 =	vmul.f32 $1.442695020e+00, v12;
	v9 =	vadd.f32 v9, v13;
	v13 =	vmul.f32 v39, v39;
	v15 =	vpop (erf)  }
0x1da: {  	[tilespmem:$0x1F290] =	vst v36;
	s8 =	sshrl.u32 s16, $0x2;
	v46 =	vmul.f32 v45, v45;
	v36 =	vld [tilespmem:s15+$0x0];
	v7 =	vsub.f32 $0.0e+00, v7;
	v15 =	vadd.f32 v15, v17  }
0x1db: {  	s19 =	sadd.s32 s8, s22;
	v34 =	vld [tilespmem:$0x1F920];
	v6 =	vsub.f32 $0.0e+00, v6;
	(erf) = vpow2.f32 v12;
	v12 =	vadd.f32 v13, v19;
	v16 =	vpop (erf)  }
0x1dc: {  	[tilespmem:$0x1F2E0] =	vst v59;
	v59 =	vld [tilespmem:s19+$0x0];
	v7 =	vmul.f32 $1.442695020e+00, v7;
	v9 =	vsub.f32 $0.0e+00, v9;
	v15 =	vadd.f32 v16, v15  }
0x1dd: {  	v61 =	vld [tilespmem:s23+$0x0];
	[tilespmem:$0x1F2B0] =	vst v47;
	v63 =	vmul.f32 v58, v58;
	v6 =	vmul.f32 $1.442695020e+00, v6;
	v47 =	vsub.f32 $0.0e+00, v12;
	v13 =	vpop (erf)  }
0x1de: {  	[tilespmem:$0x1F300] =	vst v32;
	v45 =	vld [tilespmem:$0x1F910];
	(erf) = vpow2.f32 v7;
	v13 =	vadd.f32 v13, v15;
	v15 =	vmul.f32 $1.442695020e+00, v9  }
0x1df: {  	s12 =	sadd.s32 s17, s22;
	v2 =	vadd.f32 v46, v2;
	[tilespmem:$0x1F310] =	vst v36;
	v36 =	vld [tilespmem:$0x1F900];
	v32 =	vmul.f32 $1.442695020e+00, v47;
	(erf) = vpow2.f32 v6  }
0x1e0: {  	v60 =	vld [tilespmem:s12+$0x0];
	v1 =	vsub.f32 $0.0e+00, v1;
	v35 =	vmul.f32 v34, v34;
	v12 =	vpop (erf);
	(erf) = vpow2.f32 v15  }
0x1e1: {  	s5 =	sadd.s32 $0x23E0, s24;
	v2 =	vsub.f32 $0.0e+00, v2;
	v0 =	vadd.f32 v63, v0;
	v9 =	vpop (erf);
	(erf) = vpow2.f32 v32;
	v32 =	vld [tilespmem:$0x1F8F0]  }
0x1e2: {  	s14 =	sadd.s32 s5, s22;
	[tilespmem:$0x1F2A0] =	vst v4;
	v62 =	vld [tilespmem:s21+$0x0];
	v4 =	vadd.f32 v35, v42;
	v12 =	vadd.f32 v12, v13  }
0x1e3: {  	s11 =	sadd.s32 $0xA40, s24;
	[tilespmem:$0x1F2F0] =	vst v61;
	v61 =	vld [tilespmem:s14+$0x0];
	v1 =	vmul.f32 $1.442695020e+00, v1;
	v0 =	vsub.f32 $0.0e+00, v0;
	v47 =	vmul.f32 v45, v45  }
0x1e4: {  	s23 =	sadd.s32 s11, s22;
	v63 =	vsub.f32 $0.0e+00, v4;
	v4 =	vmul.f32 v36, v36;
	v36 =	vld [tilespmem:$0x1F8E0];
	v9 =	vadd.f32 v9, v12  }
0x1e5: {  	v52 =	vld [tilespmem:s23+$0x0];
	v2 =	vmul.f32 $1.442695020e+00, v2;
	v0 =	vmul.f32 $1.442695020e+00, v0;
	v3 =	vadd.f32 v47, v3;
	v58 =	vpop (erf)  }
0x1e6: {  	s17 =	sadd.s32 s17, s30;
	v47 =	vadd.f32 v4, v27;
	v9 =	vadd.f32 v58, v9;
	v4 =	vmul.f32 v32, v32;
	v32 =	vld [tilespmem:$0x1F8D0]  }
0x1e7: {  	s12 =	sadd.s32 s3, s30;
	v38 =	vld [tilespmem:s17+$0x0];
	v42 =	vpop (erf);
	(erf) = vpow2.f32 v2;
	v2 =	vmul.f32 $1.442695020e+00, v63  }
0x1e8: {  	v51 =	vld [tilespmem:s12+$0x0];
	(erf) = vpow2.f32 v1;
	v1 =	vsub.f32 $0.0e+00, v3;
	v6 =	vadd.f32 v42, v9  }
0x1e9: {  	v44 =	vld [tilespmem:s18+$0x0];
	s13 =	sadd.s32 s13, s30;
	v34 =	vpop (erf);
	(erf) = vpow2.f32 v0;
	v3 =	vadd.f32 v4, v23;
	v4 =	vmul.f32 v36, v36  }
0x1ea: {  	s7 =	sadd.s32 $0x3AF2, s24;
	s28 =	sadd.s32 $0x854C, s26;
	v48 =	vld [tilespmem:s13+$0x0];
	v6 =	vadd.f32 v34, v6;
	v42 =	vpop (erf);
	(erf) = vpow2.f32 v2  }
0x1eb: {  	s14 =	sadd.s32 s7, s22;
	s7 =	sadd.s32 s7, s30;
	s3 =	sshrl.u32 s28, $0x2;
	v2 =	vsub.f32 $0.0e+00, v3;
	v3 =	vadd.f32 v4, v40;
	v4 =	vmul.f32 v32, v32;
	v32 =	vld [tilespmem:$0x1F880]  }
0x1ec: {  	s18 =	sadd.s32 s2, s30;
	s2 =	sadd.s32 $0x2152, s24;
	s15 =	sadd.s32 s3, s22;
	v28 =	vld [tilespmem:s7+$0x0]  }
0x1ed: {  	s20 =	sadd.s32 s2, s22;
	v46 =	vld [tilespmem:s15+$0x0];
	v1 =	vmul.f32 $1.442695020e+00, v1;
	v0 =	vsub.f32 $0.0e+00, v47;
	v6 =	vadd.f32 v42, v6  }
0x1ee: {  	s25 =	sadd.s32 s10, s30;
	v50 =	vld [tilespmem:s20+$0x0];
	v36 =	vpop (erf)  }
0x1ef: {  	[tilespmem:$0x1F320] =	vst v38;
	v38 =	vld [tilespmem:s25+$0x0];
	v0 =	vmul.f32 $1.442695020e+00, v0;
	(erf) = vpow2.f32 v1;
	v6 =	vadd.f32 v36, v6  }
0x1f0: {  	s6 =	sadd.s32 s6, s30;
	[tilespmem:$0x1F330] =	vst v44;
	v44 =	vld [tilespmem:s14+$0x0];
	v1 =	vsub.f32 $0.0e+00, v3;
	v36 =	vpop (erf);
	v3 =	vadd.f32 v4, v10;
	v4 =	vmul.f32 v32, v32  }
0x1f1: {  	s12 =	sadd.s32 $0x7B4, s24;
	v37 =	vld [tilespmem:s6+$0x0];
	v6 =	vadd.f32 v36, v6  }
0x1f2: {  	s16 =	sadd.s32 s12, s22;
	(erf) = vpow2.f32 v0;
	v0 =	vsub.f32 $0.0e+00, v3;
	v3 =	vadd.f32 v4, v43;
	v43 =	vld [tilespmem:$0x1F8C0]  }
0x1f3: {  	s19 =	sadd.s32 $0x1ECC, s26;
	v39 =	vld [tilespmem:s16+$0x0];
	v36 =	vpop (erf)  }
0x1f4: {  	s17 =	sadd.s32 $0xEBC4, s26;
	s16 =	sadd.s32 s4, s30;
	s4 =	sadd.s32 $0x2150, s24;
	v6 =	vadd.f32 v36, v6;
	v36 =	vld [tilespmem:$0x1F8B0]  }
0x1f5: {  	s10 =	sshrl.u32 s19, $0x2;
	s6 =	sshrl.u32 s17, $0x2;
	v20 =	vld [tilespmem:s16+$0x0];
	s19 =	sadd.s32 s4, s22  }
0x1f6: {  	s14 =	sadd.s32 s6, s22;
	s6 =	sadd.s32 s6, s30;
	v19 =	vld [tilespmem:s19+$0x0];
	v2 =	vmul.f32 $1.442695020e+00, v2  }
0x1f7: {  	v17 =	vld [tilespmem:s6+$0x0];
	v4 =	vmul.f32 v43, v43  }
0x1f8: {  	v35 =	vld [tilespmem:s18+$0x0];
	v1 =	vmul.f32 $1.442695020e+00, v1;
	(erf) = vpow2.f32 v2  }
0x1f9: {  	s16 =	sadd.s32 s2, s30;
	v45 =	vld [tilespmem:s14+$0x0];
	v2 =	vsub.f32 $0.0e+00, v3;
	v3 =	vadd.f32 v4, v14;
	v4 =	vmul.f32 v36, v36  }
0x1fa: {  	v15 =	vld [tilespmem:s16+$0x0]  }
0x1fb: {  	s9 =	sadd.s32 s9, s30;
	v7 =	vpop (erf);
	(erf) = vpow2.f32 v1;
	v1 =	vsub.f32 $0.0e+00, v3;
	v3 =	vadd.f32 v4, v49;
	v49 =	vld [tilespmem:$0x1F8A0]  }
0x1fc: {  	s13 =	sadd.s32 s10, s22;
	v63 =	vld [tilespmem:s9+$0x0]  }
0x1fd: {  	s11 =	sadd.s32 s11, s30;
	v58 =	vld [tilespmem:s13+$0x0]  }
0x1fe: {  	s25 =	sadd.s32 s5, s30;
	v47 =	vld [tilespmem:s11+$0x0]  }
0x1ff: {  	s8 =	sadd.s32 s8, s30;
	s11 =	sadd.s32 $0x7B2, s24;
	v34 =	vld [tilespmem:s25+$0x0]  }
0x200: {  	s15 =	sadd.s32 s11, s22;
	s11 =	sadd.s32 s11, s30;
	v23 =	vld [tilespmem:s8+$0x0];
	v0 =	vmul.f32 $1.442695020e+00, v0;
	v4 =	vmul.f32 v49, v49  }
0x201: {  	v18 =	vld [tilespmem:s11+$0x0];
	v6 =	vadd.f32 v7, v6  }
0x202: {  	s23 =	sadd.s32 $0x8544, s26;
	s9 =	sadd.s32 $0x3AF0, s24;
	s25 =	sadd.s32 s3, s30;
	v7 =	vpop (erf);
	(erf) = vpow2.f32 v0;
	v0 =	vsub.f32 $0.0e+00, v3;
	v3 =	vadd.f32 v4, v41;
	v41 =	vld [tilespmem:$0x1F890]  }
0x203: {  	s5 =	sshrl.u32 s23, $0x2;
	s28 =	sadd.s32 s9, s22;
	v30 =	vld [tilespmem:s25+$0x0]  }
0x204: {  	s13 =	sadd.s32 s5, s22;
	s3 =	sadd.s32 $0x1EC4, s24;
	v42 =	vld [tilespmem:s28+$0x0]  }
0x205: {  	v40 =	vld [tilespmem:s13+$0x0];
	s28 =	sadd.s32 s3, s22  }
0x206: {  	v22 =	vld [tilespmem:s28+$0x0]  }
0x207: {  	s12 =	sadd.s32 s12, s30;
	s17 =	sadd.s32 $0x1EC4, s26;
	v32 =	vld [tilespmem:s15+$0x0];
	v6 =	vadd.f32 v7, v6;
	v5 =	vmul.f32 v41, v41  }
0x208: {  	v50 =	vsub.f32 v31, v50;
	s20 =	sshrl.u32 s17, $0x2;
	v7 =	vpop (erf);
	v43 =	vld [tilespmem:s12+$0x0]  }
0x209: {  	v6 =	vadd.f32 v7, v6;
	s12 =	sadd.s32 s20, s30;
	v7 =	vadd.f32 v5, v29;
	v5 =	vld [tilespmem:$0x1F240]  }
0x20a: {  	s8 =	sadd.s32 $0x3864, s24;
	s13 =	sadd.s32 s20, s22;
	s20 =	sadd.s32 s5, s30;
	v12 =	vld [tilespmem:s12+$0x0]  }
0x20b: {  	[tilespmem:$0x1F450] =	vst v50;
	s6 =	sadd.s32 $0x3862, s24;
	s18 =	sadd.s32 s8, s22;
	v50 =	vsub.f32 v31, v40;
	v40 =	vsub.f32 v26, v23;
	v2 =	vmul.f32 $1.442695020e+00, v2;
	v9 =	vld [tilespmem:s20+$0x0]  }
0x20c: {  	s17 =	sadd.s32 s6, s22;
	s5 =	sadd.s32 $0x1EC2, s24;
	v36 =	vld [tilespmem:s18+$0x0];
	v1 =	vmul.f32 $1.442695020e+00, v1;
	v4 =	vpop (erf)  }
0x20d: {  	[tilespmem:$0x1F480] =	vst v40;
	v40 =	vsub.f32 v31, v22;
	(erf) = vpow2.f32 v2;
	s28 =	sadd.s32 s5, s22;
	s5 =	sadd.s32 s5, s30;
	v14 =	vld [tilespmem:s17+$0x0];
	v4 =	vadd.f32 v4, v6  }
0x20e: {  	v22 =	vld [tilespmem:s5+$0x0];
	(erf) = vpow2.f32 v1;
	v1 =	vsub.f32 $0.0e+00, v7;
	v7 =	vpop (erf);
	v53 =	vadd.f32 v5, v53  }
0x20f: {  	s11 =	sadd.s32 $0x524, s24;
	v2 =	vsub.f32 $0.0e+00, v3;
	v3 =	vadd.f32 v7, v4;
	v7 =	vld [tilespmem:$0x1F270]  }
0x210: {  	s18 =	sadd.s32 s11, s22;
	[tilespmem:$0x1F690] =	vst v53;
	v53 =	vld [tilespmem:$0x1F250]  }
0x211: {  	v16 =	vld [tilespmem:s18+$0x0]  }
0x212: {  	v49 =	vld [tilespmem:s13+$0x0]  }
0x213: {  	v55 =	vsub.f32 v31, v55;
	s10 =	sadd.s32 s10, s30;
	s23 =	sadd.s32 $0xE18C, s26;
	v0 =	vmul.f32 $1.442695020e+00, v0;
	v6 =	vld [tilespmem:$0x1F260]  }
0x214: {  	s7 =	sshrl.u32 s23, $0x2;
	v43 =	vsub.f32 v21, v43;
	v41 =	vld [tilespmem:s10+$0x0]  }
0x215: {  	[tilespmem:$0x1F3E0] =	vst v55;
	s15 =	sadd.s32 $0x7B0C, s26;
	s13 =	sadd.s32 s7, s22;
	(erf) = vpow2.f32 v0;
	v0 =	vsub.f32 v33, v53;
	v53 =	vsub.f32 v33, v7;
	v7 =	vld [tilespmem:$0x1F280]  }
0x216: {  	v57 =	vsub.f32 v26, v57;
	s23 =	sadd.s32 $0x148C, s26;
	v55 =	vsub.f32 v26, v37;
	s2 =	sshrl.u32 s15, $0x2;
	[tilespmem:$0x1F490] =	vst v43;
	v2 =	vmul.f32 $1.442695020e+00, v2;
	v29 =	vld [tilespmem:s13+$0x0];
	v4 =	vpop (erf)  }
0x217: {  	s12 =	sshrl.u32 s23, $0x2;
	v43 =	vsub.f32 v21, v18;
	s13 =	sadd.s32 s2, s22;
	[tilespmem:$0x1F880] =	vst v0;
	v0 =	vadd.f32 v4, v3;
	v4 =	vld [tilespmem:$0x1F2A0]  }
0x218: {  	v62 =	vsub.f32 v26, v62;
	[tilespmem:$0x1F410] =	vst v55;
	v13 =	vld [tilespmem:s13+$0x0];
	s13 =	sadd.s32 s12, s22;
	(erf) = vpow2.f32 v2;
	v2 =	vsub.f32 v26, v6;
	v6 =	vpop (erf)  }
0x219: {  	v55 =	vsub.f32 v31, v46;
	[tilespmem:$0x1F4F0] =	vst v43;
	s10 =	sadd.s32 $0x7B0, s24;
	v10 =	vld [tilespmem:s13+$0x0];
	v0 =	vadd.f32 v6, v0  }
0x21a: {  	v43 =	vsub.f32 v21, v12;
	s14 =	sadd.s32 s10, s22;
	s13 =	sadd.s32 s10, s30;
	s10 =	sadd.s32 $0x3860, s24;
	[tilespmem:$0x1F890] =	vst v53;
	v53 =	vld [tilespmem:$0x1F290];
	v3 =	vsub.f32 v33, v7;
	v7 =	vpop (erf)  }
0x21b: {  	[tilespmem:$0x1F3C0] =	vst v57;
	v23 =	vsub.f32 v33, v36;
	v27 =	vld [tilespmem:s14+$0x0];
	s15 =	sadd.s32 s10, s22;
	v0 =	vadd.f32 v7, v0  }
0x21c: {  	[tilespmem:$0x1F530] =	vst v43;
	v57 =	vld [tilespmem:s15+$0x0];
	v6 =	vsub.f32 v31, v4;
	v4 =	vsub.f32 v33, v8  }
0x21d: {  	[tilespmem:$0x1F920] =	vst v23;
	v1 =	vmul.f32 $1.442695020e+00, v1;
	v23 =	vsub.f32 v33, v29;
	v29 =	vmul.f32 v40, v40;
	v40 =	vld [tilespmem:$0x1F530];
	v7 =	vpop (erf)  }
0x21e: {  	[tilespmem:$0x1F370] =	vst v62;
	v46 =	vsub.f32 v24, v35;
	s9 =	sadd.s32 s9, s30;
	v0 =	vadd.f32 v7, v0;
	v7 =	vld [tilespmem:$0x1F2D0]  }
0x21f: {  	(erf) = vpow2.f32 v1;
	v1 =	vsub.f32 v33, v53;
	v53 =	vsub.f32 v31, v11;
	v11 =	vld [tilespmem:s9+$0x0];
	[tilespmem:$0x1F350] =	vst v6  }
0x220: {  	[tilespmem:$0x1F8C0] =	vst v4;
	v6 =	vld [tilespmem:$0x1F2B0];
	v4 =	vpop (erf)  }
0x221: {  	s4 =	sadd.s32 s4, s30;
	s19 =	sadd.s32 $0xE184, s26;
	[tilespmem:$0x1F440] =	vst v46;
	v0 =	vadd.f32 v4, v0;
	v4 =	vld [tilespmem:$0x1F2E0]  }
0x222: {  	v35 =	vsub.f32 v25, v32;
	[tilespmem:$0x1F8A0] =	vst v3;
	s9 =	sshrl.u32 s19, $0x2;
	v3 =	vld [tilespmem:s4+$0x0];
	s19 =	sadd.s32 s11, s30  }
0x223: {  	s11 =	sadd.s32 s6, s30;
	v37 =	vld [tilespmem:s19+$0x0];
	[tilespmem:$0x1F8B0] =	vst v1;
	v1 =	vsub.f32 v25, v7  }
0x224: {  	[tilespmem:$0x1F470] =	vst v35;
	v46 =	vld [tilespmem:s11+$0x0]  }
0x225: {  	v14 =	vsub.f32 v33, v14;
	v32 =	vsub.f32 v21, v41;
	[tilespmem:$0x1F380] =	vst v1;
	v1 =	vld [tilespmem:$0x1F320]  }
0x226: {  	[tilespmem:$0x1F360] =	vst v53;
	v53 =	vsub.f32 v25, v6;
	v6 =	vld [tilespmem:$0x1F2C0];
	v7 =	vsub.f32 v26, v4;
	v4 =	vpop (erf)  }
0x227: {  	[tilespmem:$0x1F940] =	vst v14;
	v0 =	vadd.f32 v4, v0;
	v4 =	vsub.f32 v33, v54;
	v54 =	vld [tilespmem:$0x1F300]  }
0x228: {  	v41 =	vsub.f32 v26, v17;
	s25 =	sadd.s32 s9, s22;
	[tilespmem:$0x1F390] =	vst v7;
	v7 =	vld [tilespmem:$0x1F2F0]  }
0x229: {  	[tilespmem:$0x1F4C0] =	vst v32;
	s19 =	sadd.s32 s9, s30;
	s9 =	sadd.s32 s10, s30;
	v8 =	vld [tilespmem:s25+$0x0]  }
0x22a: {  	[tilespmem:$0x1F4E0] =	vst v41;
	v41 =	vsub.f32 v26, v11;
	v11 =	vld [tilespmem:s9+$0x0];
	v1 =	vsub.f32 v21, v1  }
0x22b: {  	v62 =	vsub.f32 v31, v6;
	v6 =	vld [tilespmem:s28+$0x0];
	[tilespmem:$0x1F8D0] =	vst v4  }
0x22c: {  	s8 =	sadd.s32 s8, s30;
	v35 =	vsub.f32 v25, v27;
	[tilespmem:$0x1F3D0] =	vst v1;
	v1 =	vld [tilespmem:$0x1F330];
	v4 =	vsub.f32 v24, v54;
	v54 =	vpop (erf)  }
0x22d: {  	s14 =	sadd.s32 $0x7B04, s26;
	[tilespmem:$0x1F340] =	vst v2;
	v2 =	vsub.f32 v21, v7;
	v7 =	vld [tilespmem:s8+$0x0];
	v0 =	vadd.f32 v54, v0  }
0x22e: {  	[tilespmem:$0x1F4D0] =	vst v35;
	s8 =	sshrl.u32 s14, $0x2;
	v54 =	vld [tilespmem:$0x1F310]  }
0x22f: {  	[tilespmem:$0x1F3B0] =	vst v4;
	v4 =	vld [tilespmem:s13+$0x0];
	s16 =	sadd.s32 s8, s22;
	v0 =	vmul.f32 v0, v5;
	v5 =	vsub.f32 v33, v59  }
0x230: {  	[tilespmem:$0x1F3A0] =	vst v2;
	v2 =	vld [tilespmem:s16+$0x0];
	v59 =	vsub.f32 v25, v52  }
0x231: {  	s3 =	sadd.s32 s3, s30;
	s13 =	sadd.s32 $0x522, s24;
	v1 =	vsub.f32 v24, v1;
	[tilespmem:$0x1F8E0] =	vst v5;
	v5 =	vld [tilespmem:$0x1FFF0]  }
0x232: {  	s20 =	sadd.s32 $0x1484, s26;
	s4 =	sadd.s32 $0x1EC0, s24;
	s17 =	sadd.s32 s13, s22;
	[tilespmem:$0x1F400] =	vst v59;
	v59 =	vsub.f32 v21, v38;
	v38 =	vld [tilespmem:s3+$0x0]  }
0x233: {  	s15 =	sshrl.u32 s20, $0x2;
	v35 =	vsub.f32 v31, v13;
	s25 =	sadd.s32 s4, s22;
	s4 =	sadd.s32 s4, s30;
	[tilespmem:$0x1F3F0] =	vst v1;
	v1 =	vld [tilespmem:s17+$0x0];
	v43 =	vsub.f32 v26, v7  }
0x234: {  	s28 =	sadd.s32 s15, s22;
	s3 =	sadd.s32 $0x1C34, s24;
	v7 =	vld [tilespmem:s4+$0x0];
	[tilespmem:$0x1F420] =	vst v59;
	v59 =	vsub.f32 v21, v48;
	v48 =	vsub.f32 v33, v45  }
0x235: {  	v32 =	vsub.f32 v24, v15;
	[tilespmem:$0x1F510] =	vst v35;
	s17 =	sadd.s32 s3, s22;
	v45 =	vld [tilespmem:s28+$0x0]  }
0x236: {  	s18 =	sadd.s32 s7, s30;
	s7 =	sadd.s32 $0x35D4, s24;
	v35 =	vsub.f32 v24, v9;
	[tilespmem:$0x1F900] =	vst v48;
	v48 =	vsub.f32 v24, v20;
	v20 =	vld [tilespmem:s17+$0x0]  }
0x237: {  	s23 =	sadd.s32 s7, s22;
	[tilespmem:$0x1F930] =	vst v23;
	v57 =	vsub.f32 v33, v57;
	s14 =	sadd.s32 $0xD74C, s26;
	s16 =	sadd.s32 s12, s30;
	v52 =	vadd.f32 v0, v5;
	v0 =	vld [tilespmem:s18+$0x0]  }
0x238: {  	[tilespmem:$0x1F500] =	vst v32;
	s12 =	sshrl.u32 s14, $0x2;
	s14 =	sadd.s32 $0x520, s24;
	s17 =	sadd.s32 s8, s30;
	v5 =	vsub.f32 v33, v44;
	v44 =	vsub.f32 v25, v39;
	v39 =	vld [tilespmem:s23+$0x0]  }
0x239: {  	[tilespmem:$0x1F540] =	vst v35;
	v23 =	vsub.f32 v31, v6;
	s18 =	sadd.s32 s14, s22;
	v6 =	vld [tilespmem:s17+$0x0]  }
0x23a: {  	v36 =	vsub.f32 v31, v19;
	[tilespmem:$0x1F960] =	vst v57;
	v19 =	vld [tilespmem:s18+$0x0]  }
0x23b: {  	[tilespmem:$0x1F4A0] =	vst v48;
	v48 =	vsub.f32 v25, v49;
	v49 =	vsub.f32 v26, v28;
	v28 =	vld [tilespmem:s19+$0x0]  }
0x23c: {  	s2 =	sadd.s32 s2, s30;
	[tilespmem:$0x1F430] =	vst v44;
	v44 =	vld [tilespmem:s25+$0x0]  }
0x23d: {  	s6 =	sadd.s32 s12, s22;
	[tilespmem:$0x1F8F0] =	vst v5;
	v5 =	vsub.f32 v33, v42;
	v42 =	vld [tilespmem:s2+$0x0]  }
0x23e: {  	s11 =	sadd.s32 $0x35D2, s24;
	s20 =	sadd.s32 s13, s30;
	[tilespmem:$0x1FFF0] =	vst v52;
	v52 =	vsub.f32 v24, v51;
	v51 =	vsub.f32 v21, v47;
	v47 =	vld [tilespmem:s6+$0x0]  }
0x23f: {  	v3 =	vsub.f32 v24, v3;
	s13 =	sadd.s32 $0x294, s24;
	s25 =	sadd.s32 s11, s22;
	[tilespmem:$0x1F4B0] =	vst v49;
	v49 =	vsub.f32 v24, v30;
	v30 =	vld [tilespmem:s20+$0x0]  }
0x240: {  	v35 =	vsub.f32 v21, v37;
	[tilespmem:$0x1F520] =	vst v41;
	s23 =	sadd.s32 $0x70CC, s26;
	s6 =	sadd.s32 s13, s22;
	v17 =	vld [tilespmem:s25+$0x0]  }
0x241: {  	[tilespmem:$0x1F580] =	vst v3;
	s2 =	sshrl.u32 s23, $0x2;
	s23 =	sadd.s32 s14, s30;
	v13 =	vld [tilespmem:s6+$0x0]  }
0x242: {  	v8 =	vsub.f32 v33, v8;
	[tilespmem:$0x1F5A0] =	vst v35;
	v18 =	vsub.f32 v25, v1;
	v1 =	vld [tilespmem:s23+$0x0]  }
0x243: {  	s9 =	sadd.s32 $0x1C32, s24;
	v41 =	vsub.f32 v25, v10;
	s18 =	sadd.s32 $0xA4C, s26;
	s28 =	sadd.s32 s2, s22;
	[tilespmem:$0x1F460] =	vst v51;
	v51 =	vsub.f32 v24, v34;
	v34 =	vld [tilespmem:s16+$0x0]  }
0x244: {  	[tilespmem:$0x1F950] =	vst v8;
	v4 =	vsub.f32 v21, v4;
	s5 =	sshrl.u32 s18, $0x2;
	s20 =	sadd.s32 s9, s22;
	v15 =	vld [tilespmem:s28+$0x0]  }
0x245: {  	s10 =	sadd.s32 $0xD744, s26;
	[tilespmem:$0x1F550] =	vst v41;
	s8 =	sadd.s32 s5, s22;
	v3 =	vld [tilespmem:s20+$0x0]  }
0x246: {  	[tilespmem:$0x1F570] =	vst v4;
	s6 =	sshrl.u32 s10, $0x2;
	s16 =	sadd.s32 s15, s30;
	v4 =	vld [tilespmem:s8+$0x0]  }
0x247: {  	[tilespmem:$0x1F560] =	vst v43;
	v2 =	vsub.f32 v31, v2;
	s19 =	sadd.s32 s6, s22;
	v9 =	vld [tilespmem:s16+$0x0]  }
0x248: {  	s7 =	sadd.s32 s7, s30;
	s10 =	sadd.s32 $0x35D0, s24;
	[tilespmem:$0x1F910] =	vst v5;
	v5 =	vld [tilespmem:s19+$0x0];
	v37 =	vsub.f32 v33, v39  }
0x249: {  	[tilespmem:$0x1F590] =	vst v2;
	s14 =	sadd.s32 $0x292, s24;
	s25 =	sadd.s32 $0x70C4, s26;
	s28 =	sadd.s32 s10, s22;
	v8 =	vsub.f32 v26, v0;
	v0 =	vld [tilespmem:s7+$0x0];
	v39 =	vsub.f32 v25, v45  }
0x24a: {  	s8 =	sshrl.u32 s25, $0x2;
	s15 =	sadd.s32 s14, s22;
	v45 =	vsub.f32 v26, v46;
	v10 =	vld [tilespmem:s28+$0x0];
	v46 =	vsub.f32 v25, v19;
	[tilespmem:$0x1F970] =	vst v37  }
0x24b: {  	v57 =	vsub.f32 v24, v38;
	s7 =	sadd.s32 s8, s22;
	v14 =	vld [tilespmem:s15+$0x0];
	v38 =	vsub.f32 v31, v44;
	[tilespmem:$0x1FAA0] =	vst v39  }
0x24c: {  	v32 =	vsub.f32 v25, v16;
	s16 =	sadd.s32 s12, s30;
	v12 =	vld [tilespmem:s7+$0x0];
	v43 =	vsub.f32 v33, v47;
	[tilespmem:$0x1FAB0] =	vst v46  }
0x24d: {  	v16 =	vld [tilespmem:s16+$0x0];
	v44 =	vsub.f32 v31, v20;
	v47 =	vsub.f32 v26, v28;
	[tilespmem:$0x1F5B0] =	vst v38  }
0x24e: {  	s17 =	sadd.s32 s13, s30;
	v37 =	vsub.f32 v24, v22;
	v35 =	vsub.f32 v21, v30;
	v30 =	vmul.f32 v59, v59;
	v59 =	vld [tilespmem:$0x1F460];
	[tilespmem:$0x1F980] =	vst v43  }
0x24f: {  	s3 =	sadd.s32 s3, s30;
	s7 =	sadd.s32 $0x3344, s24;
	v1 =	vsub.f32 v21, v1;
	[tilespmem:$0x1FA00] =	vst v44;
	v39 =	vsub.f32 v31, v15;
	v15 =	vld [tilespmem:s17+$0x0]  }
0x250: {  	s4 =	sadd.s32 $0x1C30, s24;
	s18 =	sadd.s32 $0xA44, s26;
	s19 =	sadd.s32 s7, s22;
	v41 =	vsub.f32 v21, v34;
	[tilespmem:$0x1F6E0] =	vst v47;
	v38 =	vsub.f32 v33, v17;
	v17 =	vld [tilespmem:s3+$0x0]  }
0x251: {  	s13 =	sshrl.u32 s18, $0x2;
	s20 =	sadd.s32 s4, s22;
	v34 =	vsub.f32 v24, v42;
	[tilespmem:$0x1F5F0] =	vst v37;
	v42 =	vsub.f32 v26, v11;
	v11 =	vld [tilespmem:s19+$0x0]  }
0x252: {  	s23 =	sadd.s32 s13, s22;
	s15 =	sadd.s32 s2, s30;
	s2 =	sadd.s32 $0x19A4, s24;
	v44 =	vsub.f32 v24, v6;
	v6 =	vld [tilespmem:s20+$0x0];
	[tilespmem:$0x1F5D0] =	vst v35  }
0x253: {  	s18 =	sadd.s32 s6, s30;
	s6 =	sadd.s32 $0x3342, s24;
	s16 =	sadd.s32 s2, s22;
	v47 =	vsub.f32 v31, v3;
	v3 =	vld [tilespmem:s23+$0x0];
	[tilespmem:$0x1F600] =	vst v1  }
0x254: {  	s23 =	sadd.s32 s6, s22;
	v35 =	vsub.f32 v24, v7;
	v7 =	vld [tilespmem:s16+$0x0];
	[tilespmem:$0x1F5C0] =	vst v41  }
0x255: {  	s12 =	sadd.s32 s5, s30;
	v46 =	vsub.f32 v33, v5;
	v5 =	vsub.f32 v25, v4;
	v4 =	vld [tilespmem:s23+$0x0];
	[tilespmem:$0x1F860] =	vst v38  }
0x256: {  	[tilespmem:$0x1FA10] =	vst v39;
	v39 =	vld [tilespmem:s12+$0x0]  }
0x257: {  	s28 =	sadd.s32 $0xCD0C, s26;
	s7 =	sadd.s32 s7, s30;
	v0 =	vsub.f32 v26, v0;
	[tilespmem:$0x1F6F0] =	vst v42;
	v42 =	vld [tilespmem:s15+$0x0]  }
0x258: {  	s25 =	sadd.s32 s11, s30;
	s5 =	sshrl.u32 s28, $0x2;
	v41 =	vsub.f32 v25, v13;
	[tilespmem:$0x1F610] =	vst v44;
	v13 =	vld [tilespmem:s7+$0x0]  }
0x259: {  	s11 =	sadd.s32 s5, s22;
	v37 =	vsub.f32 v33, v10;
	[tilespmem:$0x1F710] =	vst v0;
	v0 =	vld [tilespmem:s25+$0x0]  }
0x25a: {  	v38 =	vsub.f32 v31, v12;
	[tilespmem:$0x1FAD0] =	vst v5;
	v5 =	vld [tilespmem:s11+$0x0]  }
0x25b: {  	v43 =	vsub.f32 v21, v9;
	s12 =	sadd.s32 $0x290, s24;
	[tilespmem:$0x1F9A0] =	vst v37;
	v37 =	vld [tilespmem:$0x1F340]  }
0x25c: {  	s7 =	sadd.s32 $0x3340, s24;
	s17 =	sadd.s32 s12, s22;
	s12 =	sadd.s32 s12, s30;
	[tilespmem:$0x1FA30] =	vst v38;
	v38 =	vld [tilespmem:$0x1F350]  }
0x25d: {  	[tilespmem:$0x1F5E0] =	vst v43;
	v43 =	vsub.f32 v26, v16;
	s23 =	sadd.s32 s7, s22;
	v16 =	vld [tilespmem:s12+$0x0]  }
0x25e: {  	s9 =	sadd.s32 s9, s30;
	[tilespmem:$0x1FA20] =	vst v47;
	s11 =	sor.u32 $0x4, s24;
	v19 =	vld [tilespmem:s23+$0x0]  }
0x25f: {  	[tilespmem:$0x1F630] =	vst v35;
	s28 =	sadd.s32 s11, s22;
	v35 =	vsub.f32 v25, v3;
	v3 =	vld [tilespmem:s9+$0x0]  }
0x260: {  	[tilespmem:$0x1FAC0] =	vst v41;
	v6 =	vsub.f32 v31, v6;
	v9 =	vld [tilespmem:s28+$0x0]  }
0x261: {  	v56 =	vsub.f32 v31, v56;
	[tilespmem:$0x1F740] =	vst v43;
	v43 =	vmul.f32 v53, v53;
	v53 =	vsub.f32 v31, v7;
	v7 =	vld [tilespmem:$0x1F380]  }
0x262: {  	v60 =	vsub.f32 v25, v60;
	s19 =	sadd.s32 s14, s30;
	v41 =	vsub.f32 v25, v14;
	[tilespmem:$0x1FA40] =	vst v6;
	v6 =	vld [tilespmem:s17+$0x0]  }
0x263: {  	s20 =	sadd.s32 $0x668C, s26;
	[tilespmem:$0x1F990] =	vst v46;
	v47 =	vsub.f32 v33, v11;
	v1 =	vsub.f32 v21, v39;
	v39 =	vld [tilespmem:s19+$0x0]  }
0x264: {  	s3 =	sshrl.u32 s20, $0x2;
	v46 =	vsub.f32 v24, v17;
	[tilespmem:$0x1FAE0] =	vst v41;
	v41 =	vsub.f32 v24, v42;
	v42 =	vld [tilespmem:$0x1F360]  }
0x265: {  	s25 =	sadd.s32 s3, s22;
	[tilespmem:$0x1F9B0] =	vst v47;
	v47 =	vmul.f32 v60, v60;
	v60 =	vld [tilespmem:$0x1F370]  }
0x266: {  	[tilespmem:$0x1F650] =	vst v46;
	v46 =	vmul.f32 v56, v56;
	v56 =	vmul.f32 v62, v62;
	v62 =	vld [tilespmem:s25+$0x0]  }
0x267: {  	[tilespmem:$0x1FAF0] =	vst v35;
	v35 =	vld [tilespmem:$0x1F390]  }
0x268: {  	[tilespmem:$0x1FCE0] =	vst v43;
	v43 =	vld [tilespmem:$0x1F3C0]  }
0x269: {  	[tilespmem:$0x1FA50] =	vst v53;
	v53 =	vld [tilespmem:$0x1F3E0]  }
0x26a: {  	v54 =	vsub.f32 v25, v54;
	s14 =	sadd.s32 $0xCD04, s26;
	[tilespmem:$0x1F640] =	vst v1;
	v1 =	vmul.f32 v37, v37;
	v37 =	vld [tilespmem:$0x1F3A0]  }
0x26b: {  	s9 =	sshrl.u32 s14, $0x2;
	[tilespmem:$0x1FD00] =	vst v46;
	v46 =	vld [tilespmem:$0x1F3D0]  }
0x26c: {  	s16 =	sadd.s32 s9, s22;
	v0 =	vsub.f32 v26, v0;
	[tilespmem:$0x1F660] =	vst v41;
	v41 =	vmul.f32 v54, v54;
	v54 =	vld [tilespmem:$0x1F3F0]  }
0x26d: {  	[tilespmem:$0x1FD10] =	vst v47;
	v47 =	vsub.f32 v33, v4;
	v4 =	vld [tilespmem:s16+$0x0]  }
0x26e: {  	[tilespmem:$0x1F770] =	vst v0;
	v0 =	vld [tilespmem:s18+$0x0]  }
0x26f: {  	[tilespmem:$0x1F750] =	vst v1;
	v1 =	vmul.f32 v38, v38;
	v38 =	vld [tilespmem:$0x1F3B0]  }
0x270: {  	v61 =	vsub.f32 v31, v61;
	v44 =	vsub.f32 v21, v15;
	[tilespmem:$0x1F840] =	vst v41;
	v41 =	vld [tilespmem:$0x1F420]  }
0x271: {  	s15 =	sadd.s32 s8, s30;
	s8 =	sadd.s32 $0x19A2, s24;
	[tilespmem:$0x1F9D0] =	vst v47;
	v47 =	vld [tilespmem:$0x1F430]  }
0x272: {  	[tilespmem:$0x1F620] =	vst v44;
	s17 =	sadd.s32 s8, s22;
	v2 =	vmul.f32 v42, v42;
	v42 =	vsub.f32 v21, v39;
	v39 =	vmul.f32 v61, v61;
	v61 =	vld [tilespmem:$0x1F410]  }
0x273: {  	s13 =	sadd.s32 s13, s30;
	[tilespmem:$0x1F7A0] =	vst v56;
	v56 =	vsub.f32 v31, v62;
	v62 =	vld [tilespmem:s17+$0x0]  }
0x274: {  	s19 =	sadd.s32 $0x6684, s26;
	[tilespmem:$0x1FCB0] =	vst v1;
	v1 =	vld [tilespmem:s13+$0x0]  }
0x275: {  	s20 =	sadd.s32 s4, s30;
	s4 =	sshrl.u32 s19, $0x2;
	v6 =	vsub.f32 v25, v6;
	[tilespmem:$0x1F6D0] =	vst v39;
	v39 =	vsub.f32 v24, v3;
	v3 =	vld [tilespmem:s15+$0x0]  }
0x276: {  	s25 =	sor.u32 $0x2, s24;
	s13 =	sadd.s32 s4, s22;
	[tilespmem:$0x1FCD0] =	vst v2;
	v2 =	vmul.f32 v60, v60;
	v60 =	vld [tilespmem:$0x1F400]  }
0x277: {  	v44 =	vsub.f32 v33, v5;
	s26 =	sadd.s32 s25, s22;
	[tilespmem:$0x1FB00] =	vst v6;
	v5 =	vld [tilespmem:s13+$0x0]  }
0x278: {  	v63 =	vsub.f32 v26, v63;
	v58 =	vsub.f32 v25, v58;
	v6 =	vld [tilespmem:s26+$0x0];
	s26 =	sadd.s32 s4, s30;
	[tilespmem:$0x1F700] =	vst v2;
	v2 =	vmul.f32 v7, v7  }
0x279: {  	[tilespmem:$0x1F9C0] =	vst v44;
	v0 =	vsub.f32 v26, v0;
	v17 =	vld [tilespmem:s26+$0x0];
	v44 =	vmul.f32 v38, v38;
	v38 =	vmul.f32 v54, v54  }
0x27a: {  	s5 =	sadd.s32 s5, s30;
	[tilespmem:$0x1FA60] =	vst v56;
	v54 =	vmul.f32 v58, v58;
	v58 =	vmul.f32 v63, v63;
	v63 =	vld [tilespmem:$0x1F480]  }
0x27b: {  	v7 =	vsub.f32 v26, v13;
	v13 =	vld [tilespmem:s5+$0x0];
	[tilespmem:$0x1F7B0] =	vst v0  }
0x27c: {  	s11 =	sadd.s32 s11, s30;
	[tilespmem:$0x1FD30] =	vst v2;
	v2 =	vmul.f32 v35, v35;
	v35 =	vmul.f32 v52, v52;
	v52 =	vld [tilespmem:$0x1F440]  }
0x27d: {  	s2 =	sadd.s32 s2, s30;
	[tilespmem:$0x1F790] =	vst v58;
	v58 =	vld [tilespmem:s11+$0x0]  }
0x27e: {  	s17 =	sadd.s32 s6, s30;
	v0 =	vmul.f32 v37, v37;
	[tilespmem:$0x1F6A0] =	vst v54;
	v54 =	vld [tilespmem:s2+$0x0]  }
0x27f: {  	v37 =	vsub.f32 v25, v9;
	v56 =	vsub.f32 v21, v1;
	[tilespmem:$0x1F810] =	vst v7;
	v1 =	vld [tilespmem:s17+$0x0]  }
0x280: {  	s10 =	sadd.s32 s10, s30;
	v7 =	vmul.f32 v32, v32;
	v32 =	vld [tilespmem:$0x1F520];
	[tilespmem:$0x1F670] =	vst v0  }
0x281: {  	v0 =	vld [tilespmem:s10+$0x0];
	[tilespmem:$0x1FB10] =	vst v37  }
0x282: {  	s10 =	sor.u32 $0x3, s24;
	v37 =	vld [tilespmem:$0x1F490];
	[tilespmem:$0x1F730] =	vst v2;
	v2 =	vmul.f32 v43, v43  }
0x283: {  	v43 =	vmul.f32 v46, v46;
	s18 =	sadd.s32 s10, s22;
	v46 =	vmul.f32 v55, v55;
	v55 =	vsub.f32 v33, v4;
	v4 =	vld [tilespmem:s20+$0x0]  }
0x284: {  	v9 =	vld [tilespmem:s18+$0x0]  }
0x285: {  	[tilespmem:$0x1F720] =	vst v2;
	v2 =	vmul.f32 v53, v53;
	v53 =	vld [tilespmem:$0x1F450]  }
0x286: {  	s23 =	sadd.s32 s8, s30;
	[tilespmem:$0x1F6B0] =	vst v46;
	v46 =	vld [tilespmem:$0x1F4A0]  }
0x287: {  	v22 =	vsub.f32 v24, v3;
	[tilespmem:$0x1F9E0] =	vst v55;
	v55 =	vsub.f32 v31, v5;
	v3 =	vmul.f32 v32, v32;
	v32 =	vld [tilespmem:s23+$0x0]  }
0x288: {  	[tilespmem:$0x1F7D0] =	vst v2;
	v2 =	vmul.f32 v60, v60;
	v60 =	vsub.f32 v31, v62;
	v62 =	vld [tilespmem:$0x1F470]  }
0x289: {  	[tilespmem:$0x1FA80] =	vst v55;
	v55 =	vld [tilespmem:$0x1F560]  }
0x28a: {  	v0 =	vsub.f32 v26, v0;
	v10 =	vsub.f32 v24, v4;
	v4 =	vld [tilespmem:$0x1F500];
	[tilespmem:$0x1F800] =	vst v3  }
0x28b: {  	v3 =	vmul.f32 v40, v40;
	v40 =	vld [tilespmem:$0x1F570];
	[tilespmem:$0x1F7F0] =	vst v2  }
0x28c: {  	[tilespmem:$0x1F7E0] =	vst v0;
	v0 =	vmul.f32 v47, v47;
	v47 =	vmul.f32 v59, v59;
	v59 =	vld [tilespmem:$0x1F4D0]  }
0x28d: {  	v2 =	vmul.f32 v61, v61;
	[tilespmem:$0x1FA70] =	vst v60;
	v60 =	vld [tilespmem:$0x1F4E0]  }
0x28e: {  	v28 =	vmul.f32 v52, v52;
	v52 =	vmul.f32 v37, v37;
	v61 =	vsub.f32 v25, v9;
	v9 =	vld [tilespmem:$0x1F5B0]  }
0x28f: {  	v37 =	vmul.f32 v46, v46;
	v46 =	vmul.f32 v48, v48;
	v48 =	vld [tilespmem:$0x1F4B0];
	[tilespmem:$0x1F760] =	vst v2  }
0x290: {  	v2 =	vmul.f32 v41, v41;
	[tilespmem:$0x1F850] =	vst v0;
	v41 =	vmul.f32 v51, v51;
	v51 =	vld [tilespmem:$0x1F4C0]  }
0x291: {  	s28 =	sadd.s32 $0x19A0, s24;
	v0 =	vmul.f32 v53, v53;
	[tilespmem:$0x1FB20] =	vst v61;
	v61 =	vsub.f32 v25, v6;
	v6 =	vld [tilespmem:$0x1F510]  }
0x292: {  	s14 =	sadd.s32 s28, s22;
	v53 =	vsub.f32 v33, v19;
	v19 =	vmul.f32 v8, v8;
	v8 =	vld [tilespmem:$0x1F5A0]  }
0x293: {  	s18 =	sadd.s32 s10, s30;
	[tilespmem:$0x1F6C0] =	vst v0;
	v0 =	vmul.f32 v62, v62;
	v62 =	vld [tilespmem:s14+$0x0]  }
0x294: {  	s19 =	sadd.s32 s3, s30;
	[tilespmem:$0x1F680] =	vst v2;
	v2 =	vld [tilespmem:s18+$0x0]  }
0x295: {  	v58 =	vsub.f32 v21, v58;
	[tilespmem:$0x1F9F0] =	vst v53;
	v15 =	vmul.f32 v4, v4;
	v4 =	vld [tilespmem:s19+$0x0]  }
0x296: {  	v27 =	vmul.f32 v50, v50;
	[tilespmem:$0x1FB30] =	vst v61;
	v53 =	vsub.f32 v24, v54;
	v54 =	vld [tilespmem:$0x1F550]  }
0x297: {  	v11 =	vsub.f32 v21, v16;
	v61 =	vmul.f32 v18, v18;
	v18 =	vld [tilespmem:$0x1F5E0];
	[tilespmem:$0x1F870] =	vst v0;
	v0 =	vmul.f32 v63, v63  }
0x298: {  	v16 =	vmul.f32 v49, v49;
	v43 =	vadd.f32 v38, v43;
	v49 =	vmul.f32 v60, v60;
	v60 =	vld [tilespmem:$0x1F590]  }
0x299: {  	v38 =	vmul.f32 v58, v58;
	v58 =	vmov v27;
	v27 =	vld [tilespmem:$0x1F680];
	[tilespmem:$0x1F780] =	vst v0;
	v0 =	vmul.f32 v48, v48  }
0x29a: {  	v63 =	vld [tilespmem:$0x1F4F0];
	[tilespmem:$0x1FF50] =	vst v61  }
0x29b: {  	s15 =	sor.u32 $0x1, s24;
	s24 =	sadd.s32 s7, s30;
	v61 =	vld [tilespmem:$0x1F650];
	[tilespmem:$0x1F7C0] =	vst v0;
	v0 =	vmul.f32 v59, v59  }
0x29c: {  	s16 =	sadd.s32 s15, s22;
	v9 =	vmul.f32 v9, v9;
	v12 =	vmul.f32 v8, v8;
	v8 =	vld [tilespmem:s24+$0x0]  }
0x29d: {  	[tilespmem:$0x1FE70] =	vst v0;
	v0 =	vld [tilespmem:s16+$0x0]  }
0x29e: {  	[tilespmem:$0x1FF80] =	vst v9;
	v9 =	vld [tilespmem:$0x1F5C0]  }
0x29f: {  	s20 =	sadd.s32 s9, s30;
	v48 =	vld [tilespmem:$0x1F540]  }
0x2a0: {  	v36 =	vmul.f32 v36, v36;
	v11 =	vmul.f32 v11, v11;
	v59 =	vld [tilespmem:s20+$0x0]  }
0x2a1: {  	v28 =	vadd.f32 v28, v30;
	v30 =	vadd.f32 v35, v27;
	v35 =	vmul.f32 v53, v53;
	v53 =	vld [tilespmem:$0x1F690]  }
0x2a2: {  	v20 =	vmul.f32 v51, v51;
	v27 =	vadd.f32 v41, v47;
	v41 =	vld [tilespmem:$0x1F710];
	v0 =	vsub.f32 v25, v0  }
0x2a3: {  	v51 =	vsub.f32 v31, v62;
	v50 =	vmul.f32 v63, v63;
	v63 =	vmul.f32 v6, v6;
	v6 =	vld [tilespmem:s21+$0xF7C]  }
0x2a4: {  	s22 =	sadd.s32 s25, s30;
	[tilespmem:$0x1FB40] =	vst v0;
	v0 =	vmul.f32 v40, v40;
	v40 =	vmul.f32 v18, v18;
	v18 =	vld [tilespmem:$0x1F5F0]  }
0x2a5: {  	v42 =	vmul.f32 v42, v42;
	v39 =	vmul.f32 v39, v39;
	v5 =	vsub.f32 v26, v13;
	[tilespmem:$0x1FA90] =	vst v51;
	v51 =	vld [tilespmem:s22+$0x0]  }
0x2a6: {  	v17 =	vsub.f32 v24, v17;
	v22 =	vmul.f32 v22, v22;
	v14 =	vmul.f32 v9, v9;
	v9 =	vld [tilespmem:$0x1F5D0]  }
0x2a7: {  	v13 =	vmul.f32 v23, v23;
	[tilespmem:$0x1F830] =	vst v5;
	v5 =	vmul.f32 v48, v48;
	v48 =	vld [tilespmem:$0x1F580];
	v50 =	vadd.f32 v15, v50  }
0x2a8: {  	v15 =	vadd.f32 v16, v20;
	v16 =	vmul.f32 v17, v17;
	v17 =	vadd.f32 v39, v42;
	v39 =	vld [tilespmem:$0x1F700]  }
0x2a9: {  	[tilespmem:$0x1FEC0] =	vst v7;
	v7 =	vmul.f32 v54, v54;
	v54 =	vmul.f32 v18, v18;
	v18 =	vld [tilespmem:$0x1F600]  }
0x2aa: {  	v33 =	vsub.f32 v26, v1;
	v31 =	vmul.f32 v55, v55;
	v42 =	vld [tilespmem:$0x1F720];
	v6 =	vsub.f32 v25, v6  }
0x2ab: {  	s25 =	sadd.s32 s15, s30;
	v2 =	vsub.f32 v21, v2;
	v55 =	vmul.f32 v57, v57;
	v57 =	vmul.f32 v9, v9;
	v9 =	vld [tilespmem:s21+$0xFFFFC27C]  }
0x2ac: {  	s28 =	sadd.s32 s28, s30;
	v60 =	vmul.f32 v60, v60;
	v62 =	vsub.f32 v26, v59;
	v59 =	vmul.f32 v34, v34;
	[tilespmem:$0x1FB50] =	vst v6;
	v6 =	vld [tilespmem:s25+$0x0]  }
0x2ad: {  	v10 =	vmul.f32 v10, v10;
	v4 =	vsub.f32 v24, v4;
	[tilespmem:$0x1F820] =	vst v7;
	v7 =	vsub.f32 v21, v51;
	v51 =	vld [tilespmem:s28+$0x0]  }
0x2ae: {  	v1 =	vsub.f32 v24, v32;
	v2 =	vmul.f32 v2, v2;
	v32 =	vmul.f32 v18, v18;
	v18 =	vld [tilespmem:$0x1F610]  }
0x2af: {  	v4 =	vmul.f32 v4, v4;
	v34 =	vmul.f32 v61, v61;
	v61 =	vld [tilespmem:$0x1F660]  }
0x2b0: {  	v47 =	vmul.f32 v7, v7;
	v7 =	vadd.f32 v59, v14;
	v59 =	vmovc v60;
	v60 =	vmov v36;
	v36 =	vld [tilespmem:$0x1F6E0]  }
0x2b1: {  	v9 =	vsub.f32 v21, v9;
	v6 =	vsub.f32 v21, v6;
	v21 =	vmul.f32 v56, v56;
	v56 =	vld [tilespmem:$0x1F670]  }
0x2b2: {  	v11 =	vadd.f32 v10, v11;
	v20 =	vadd.f32 v4, v2;
	v4 =	vmul.f32 v41, v41;
	v41 =	vld [tilespmem:$0x1F7C0]  }
0x2b3: {  	v24 =	vsub.f32 v24, v51;
	v23 =	vmul.f32 v18, v18;
	v18 =	vsub.f32 v26, v8;
	v8 =	vld [tilespmem:$0x1F620]  }
0x2b4: {  	v1 =	vmul.f32 v1, v1;
	v25 =	vmul.f32 v45, v45;
	v45 =	vld [tilespmem:$0x1F640];
	v51 =	vadd.f32 v37, v52  }
0x2b5: {  	v37 =	vld [tilespmem:$0x1F6F0];
	v9 =	vmul.f32 v9, v9;
	v10 =	vadd.f32 v22, v21;
	v21 =	vmul.f32 v24, v24  }
0x2b6: {  	v44 =	vadd.f32 v44, v56;
	v56 =	vadd.f32 v1, v47;
	v1 =	vmul.f32 v36, v36;
	v36 =	vld [tilespmem:$0x1F770]  }
0x2b7: {  	v48 =	vmul.f32 v48, v48;
	v47 =	vadd.f32 v21, v9;
	v9 =	vld [tilespmem:$0x1F780]  }
0x2b8: {  	v26 =	vmul.f32 v8, v8;
	v8 =	vld [tilespmem:$0x1F630]  }
0x2b9: {  	v12 =	vadd.f32 v55, v12;
	v0 =	vadd.f32 v48, v0;
	v48 =	vld [tilespmem:$0x1F6A0]  }
0x2ba: {  	v52 =	vadd.f32 v35, v38;
	v35 =	vld [tilespmem:$0x1F760];
	v6 =	vmul.f32 v6, v6  }
0x2bb: {  	v61 =	vmul.f32 v61, v61;
	v2 =	vmul.f32 v37, v37;
	v21 =	vadd.f32 v31, v12;
	v12 =	vld [tilespmem:$0x1F7F0]  }
0x2bc: {  	v38 =	vadd.f32 v16, v6;
	v37 =	vadd.f32 v39, v44;
	v44 =	vld [tilespmem:$0x1F730];
	v6 =	vmul.f32 v36, v36  }
0x2bd: {  	v45 =	vmul.f32 v45, v45;
	v36 =	vadd.f32 v9, v15;
	v9 =	vld [tilespmem:$0x1F790];
	v8 =	vmul.f32 v8, v8  }
0x2be: {  	v31 =	vadd.f32 v6, v17;
	v17 =	vld [tilespmem:$0x1F870]  }
0x2bf: {  	v8 =	vadd.f32 v8, v32;
	v32 =	vadd.f32 v61, v45;
	v45 =	vld [tilespmem:$0x1F740]  }
0x2c0: {  	v14 =	vadd.f32 v23, v40;
	v40 =	vld [tilespmem:$0x1F6B0]  }
0x2c1: {  	v23 =	vadd.f32 v54, v57;
	v57 =	vld [tilespmem:$0x1F6C0]  }
0x2c2: {  	v26 =	vadd.f32 v34, v26;
	v34 =	vmov v18;
	v18 =	vmov v46;
	v46 =	vld [tilespmem:$0x1F750]  }
0x2c3: {  	v54 =	vld [tilespmem:$0x1F6D0]  }
0x2c4: {  	v3 =	vadd.f32 v5, v3;
	v44 =	vadd.f32 v44, v43;
	v5 =	vmul.f32 v45, v45;
	v45 =	vld [tilespmem:$0x1F7E0]  }
0x2c5: {  	v43 =	vadd.f32 v35, v28;
	v35 =	vadd.f32 v9, v51;
	v9 =	vld [tilespmem:$0x1F7B0]  }
0x2c6: {  	v51 =	vld [tilespmem:$0x1F7A0]  }
0x2c7: {  	v39 =	vadd.f32 v46, v27;
	v46 =	vld [tilespmem:$0x1F800]  }
0x2c8: {  	v27 =	vadd.f32 v41, v50;
	v41 =	vld [tilespmem:$0x1F810]  }
0x2c9: {  	p0 =	sne.s32 s1, $0x3BC0;
	v16 =	vadd.f32 v49, v3;
	v49 =	vmul.f32 v45, v45;
	v45 =	vld [tilespmem:$0x1F830]  }
.Ltmp2:
0x2ca: {  	v42 =	vadd.f32 v42, v30;
	v22 =	vadd.f32 v25, v23;
	v23 =	vld [tilespmem:$0x1F820];
	v9 =	vmul.f32 v9, v9;
	(pc) =	sbr.rel @p0 .LBB2_6-.Ltmp2, $4  }
0x2cb: {  	v28 =	vadd.f32 v19, v7;
	v30 =	vadd.f32 v1, v14;
	v14 =	vld [tilespmem:$0x1F840]  }
0x2cc: {  	v33 =	vmul.f32 v33, v33;
	v26 =	vadd.f32 v4, v26;
	v24 =	vadd.f32 v9, v10;
	v50 =	vld [tilespmem:$0x1F7D0]  }
0x2cd: {  	v61 =	vmovc v29;
	v29 =	vmul.f32 v62, v62;
	v62 =	vld [tilespmem:$0x1F860];
	v19 =	vadd.f32 v2, v8;
	v46 =	vadd.f32 v46, v0  }
0x2ce: {  	s1 =	sadd.s32 $0x40, s1;
	v55 =	vmovc v13;
	v41 =	vmul.f32 v41, v41;
	v15 =	vadd.f32 v5, v32;
	v32 =	vld [tilespmem:$0x1F850];
	v13 =	vmul.f32 v45, v45  }
0x2cf: {  	v6 =	vld [tilespmem:$0x1FD10]  }
0x2d0: {  	v25 =	vld [tilespmem:$0x1FCE0]  }
0x2d1: {  	v9 =	vld [tilespmem:$0x1FD30]  }
0x2d2: {  	v5 =	vadd.f32 v29, v38;
	v29 =	vld [tilespmem:$0x1FE70]  }
0x2d3: {  	v3 =	vadd.f32 v33, v56;
	v33 =	vld [tilespmem:$0x1FAA0]  }
0x2d4: {  	v2 =	vadd.f32 v49, v11;
	v11 =	vadd.f32 v48, v36;
	v36 =	vld [tilespmem:$0x1FAC0]  }
0x2d5: {  	v38 =	vld [tilespmem:$0x1FAB0]  }
0x2d6: {  	v12 =	vadd.f32 v12, v39;
	v39 =	vld [tilespmem:$0x1FAD0]  }
0x2d7: {  	v45 =	vld [tilespmem:$0x1FB40]  }
0x2d8: {  	v48 =	vld [tilespmem:$0x1FCB0]  }
0x2d9: {  	v49 =	vld [tilespmem:$0x1FD00]  }
0x2da: {  	v1 =	vmul.f32 v34, v34;
	v34 =	vadd.f32 v23, v28;
	v56 =	vld [tilespmem:$0x1FA90]  }
0x2db: {  	v0 =	vadd.f32 v41, v52;
	v4 =	vadd.f32 v13, v20;
	v41 =	vld [tilespmem:$0x1FB00]  }
0x2dc: {  	v8 =	vadd.f32 v14, v43;
	v13 =	vadd.f32 v17, v27;
	v43 =	vld [tilespmem:$0x1FB20]  }
0x2dd: {  	v16 =	vadd.f32 v18, v16;
	v52 =	vld [tilespmem:$0x1FCD0];
	v1 =	vadd.f32 v1, v47  }
0x2de: {  	v47 =	vld [tilespmem:$0x1FB50];
	v20 =	vadd.f32 v63, v34;
	v13 =	vadd.f32 v57, v13  }
0x2df: {  	v34 =	vld [tilespmem:$0x1FF80];
	v10 =	vadd.f32 v32, v35;
	v7 =	vadd.f32 v6, v44;
	v14 =	vmul.f32 v33, v33  }
0x2e0: {  	v35 =	vld [tilespmem:$0x1FEC0];
	v6 =	vadd.f32 v25, v37;
	v9 =	vadd.f32 v9, v42  }
0x2e1: {  	v32 =	vadd.f32 v29, v46;
	v37 =	vld [tilespmem:$0x1FF50];
	v27 =	vmul.f32 v41, v41;
	v23 =	vadd.f32 v14, v30  }
0x2e2: {  	v25 =	vld [tilespmem:$0x1FAE0];
	v14 =	vmul.f32 v36, v36;
	v6 =	vadd.f32 v48, v6;
	v9 =	vadd.f32 v49, v9  }
0x2e3: {  	v46 =	vld [tilespmem:$0x1FB30];
	v28 =	vmul.f32 v47, v47;
	v7 =	vadd.f32 v52, v7;
	v17 =	vadd.f32 v60, v32  }
0x2e4: {  	v57 =	vld [tilespmem:$0x1FA80];
	v2 =	vadd.f32 v27, v2;
	v26 =	vadd.f32 v14, v26;
	v14 =	vmul.f32 v39, v39  }
0x2e5: {  	v42 =	vld [tilespmem:$0x1FAF0];
	v27 =	vmul.f32 v45, v45;
	v21 =	vadd.f32 v35, v21;
	v1 =	vadd.f32 v28, v1  }
0x2e6: {  	v44 =	vld [tilespmem:$0x1FB10];
	v59 =	vadd.f32 v59, v23;
	v15 =	vadd.f32 v14, v15;
	v14 =	vmul.f32 v43, v43  }
0x2e7: {  	v33 =	vld [tilespmem:$0x1FA50];
	v18 =	vadd.f32 v37, v22;
	v22 =	vmul.f32 v38, v38;
	v25 =	vmul.f32 v25, v25  }
0x2e8: {  	v35 =	vld [tilespmem:$0x1FA40];
	v5 =	vadd.f32 v27, v5;
	v4 =	vadd.f32 v14, v4;
	v14 =	vmul.f32 v46, v46  }
0x2e9: {  	v60 =	vld [tilespmem:$0x1FA70];
	v19 =	vadd.f32 v22, v19;
	v22 =	vadd.f32 v25, v31  }
0x2ea: {  	v37 =	vld [tilespmem:$0x1FA00];
	v25 =	vmul.f32 v42, v42;
	v3 =	vadd.f32 v14, v3;
	v14 =	vadd.f32 v54, v12  }
0x2eb: {  	v12 =	vadd.f32 v51, v8;
	v8 =	vadd.f32 v58, v16;
	v58 =	vld [tilespmem:$0x1F9F0]  }
0x2ec: {  	v21 =	vadd.f32 v61, v21;
	v61 =	vld [tilespmem:$0x1F9E0];
	v24 =	vadd.f32 v25, v24;
	v25 =	vmul.f32 v44, v44  }
0x2ed: {  	v30 =	vld [tilespmem:$0x1FA60];
	v19 =	vadd.f32 v34, v19;
	v28 =	vmul.f32 v35, v35;
	v16 =	vmul.f32 v56, v56  }
0x2ee: {  	v32 =	vld [tilespmem:$0x1F9D0];
	v34 =	vadd.f32 v40, v11;
	v0 =	vadd.f32 v25, v0;
	v25 =	vmul.f32 v57, v57  }
0x2ef: {  	v31 =	vld [tilespmem:$0x1F9C0];
	v36 =	vadd.f32 v28, v2;
	v2 =	vmul.f32 v37, v37;
	v1 =	vadd.f32 v16, v1  }
0x2f0: {  	v5 =	vadd.f32 v25, v5;
	v25 =	vmul.f32 v60, v60;
	v16 =	vmul.f32 v58, v58  }
0x2f1: {  	v27 =	vmul.f32 v61, v61;
	v61 =	vadd.f32 v55, v18;
	v2 =	vadd.f32 v2, v26  }
0x2f2: {  	v39 =	vld [tilespmem:$0x1F9B0];
	v3 =	vadd.f32 v25, v3;
	v1 =	vadd.f32 v16, v1;
	v16 =	vmul.f32 v30, v30  }
0x2f3: {  	v41 =	vld [tilespmem:$0x1FA30];
	v5 =	vadd.f32 v27, v5;
	v25 =	vmul.f32 v32, v32;
	v27 =	vmul.f32 v33, v33  }
0x2f4: {  	v4 =	vadd.f32 v16, v4;
	v16 =	vmul.f32 v31, v31;
	v1 =	vsub.f32 $0.0e+00, v1  }
0x2f5: {  	v45 =	vmul.f32 v62, v62;
	v38 =	vld [tilespmem:$0x1F9A0];
	v5 =	vsub.f32 $0.0e+00, v5;
	v3 =	vadd.f32 v25, v3  }
0x2f6: {  	v43 =	vld [tilespmem:$0x1FA20];
	v0 =	vadd.f32 v27, v0;
	v1 =	vmul.f32 $1.442695020e+00, v1;
	v4 =	vadd.f32 v16, v4  }
0x2f7: {  	v44 =	vld [tilespmem:$0x1F990];
	v5 =	vmul.f32 $1.442695020e+00, v5;
	v3 =	vsub.f32 $0.0e+00, v3;
	v16 =	vmul.f32 v39, v39  }
0x2f8: {  	v46 =	vld [tilespmem:$0x1FA10];
	v25 =	vmul.f32 v41, v41;
	(erf) = vpow2.f32 v1;
	v4 =	vsub.f32 $0.0e+00, v4  }
0x2f9: {  	v3 =	vmul.f32 $1.442695020e+00, v3;
	v0 =	vadd.f32 v16, v0;
	(erf) = vpow2.f32 v5  }
0x2fa: {  	v48 =	vld [tilespmem:$0x1F980];
	v42 =	vadd.f32 v25, v24;
	v5 =	vmul.f32 v38, v38;
	v4 =	vmul.f32 $1.442695020e+00, v4  }
0x2fb: {  	(erf) = vpow2.f32 v3;
	v3 =	vmul.f32 v43, v43;
	v0 =	vsub.f32 $0.0e+00, v0  }
0x2fc: {  	v51 =	vld [tilespmem:$0x1F970];
	v1 =	vadd.f32 v5, v36;
	(erf) = vpow2.f32 v4;
	v4 =	vmul.f32 v44, v44  }
0x2fd: {  	v36 =	vadd.f32 v50, v10;
	v3 =	vadd.f32 v3, v22;
	v22 =	vmul.f32 v46, v46  }
0x2fe: {  	v54 =	vld [tilespmem:$0x1F960];
	v0 =	vmul.f32 $1.442695020e+00, v0;
	v1 =	vsub.f32 $0.0e+00, v1;
	v4 =	vadd.f32 v4, v42  }
0x2ff: {  	v3 =	vadd.f32 v45, v3;
	v47 =	vadd.f32 v22, v15;
	v15 =	vmul.f32 v48, v48  }
0x300: {  	(erf) = vpow2.f32 v0;
	v1 =	vmul.f32 $1.442695020e+00, v1;
	v4 =	vsub.f32 $0.0e+00, v4  }
0x301: {  	v60 =	vld [tilespmem:$0x1F950];
	v5 =	vadd.f32 v15, v47;
	v15 =	vmul.f32 v51, v51;
	v3 =	vsub.f32 $0.0e+00, v3;
	v49 =	vpop (erf)  }
0x302: {  	v62 =	vld [tilespmem:$0x1F940];
	(erf) = vpow2.f32 v1;
	v0 =	vadd.f32 $0.0e+00, v49;
	v4 =	vmul.f32 $1.442695020e+00, v4  }
0x303: {  	v1 =	vmul.f32 v54, v54;
	v52 =	vpop (erf);
	v2 =	vadd.f32 v15, v2;
	v5 =	vsub.f32 $0.0e+00, v5  }
0x304: {  	v22 =	vld [tilespmem:$0x1F930];
	v3 =	vmul.f32 $1.442695020e+00, v3;
	v0 =	vadd.f32 v52, v0;
	(erf) = vpow2.f32 v4  }
0x305: {  	v56 =	vpop (erf);
	v1 =	vadd.f32 v1, v19;
	v2 =	vsub.f32 $0.0e+00, v2;
	v57 =	vmul.f32 $1.442695020e+00, v5  }
0x306: {  	(erf) = vpow2.f32 v3;
	v3 =	vmul.f32 v60, v60;
	v0 =	vadd.f32 v56, v0  }
0x307: {  	v24 =	vld [tilespmem:$0x1F920];
	v5 =	vmul.f32 v62, v62;
	v58 =	vpop (erf);
	v1 =	vsub.f32 $0.0e+00, v1;
	(erf) = vpow2.f32 v57  }
0x308: {  	v26 =	vld [tilespmem:$0x1F910];
	v2 =	vmul.f32 $1.442695020e+00, v2;
	v3 =	vadd.f32 v3, v59;
	v0 =	vadd.f32 v58, v0  }
0x309: {  	v4 =	vmul.f32 v22, v22;
	v19 =	vadd.f32 v5, v61;
	v63 =	vpop (erf);
	v1 =	vmul.f32 $1.442695020e+00, v1  }
0x30a: {  	v28 =	vld [tilespmem:$0x1F900];
	(erf) = vpow2.f32 v2;
	v18 =	vsub.f32 $0.0e+00, v3;
	v0 =	vadd.f32 v63, v0  }
0x30b: {  	v4 =	vadd.f32 v4, v20;
	v3 =	vsub.f32 $0.0e+00, v19;
	v23 =	vpop (erf);
	(erf) = vpow2.f32 v1  }
0x30c: {  	v30 =	vld [tilespmem:$0x1F8F0];
	v1 =	vmul.f32 v24, v24;
	v2 =	vmul.f32 $1.442695020e+00, v18;
	v0 =	vadd.f32 v23, v0  }
0x30d: {  	v5 =	vmul.f32 v26, v26;
	v4 =	vsub.f32 $0.0e+00, v4;
	v3 =	vmul.f32 $1.442695020e+00, v3;
	v25 =	vpop (erf)  }
0x30e: {  	v1 =	vadd.f32 v1, v21;
	(erf) = vpow2.f32 v2;
	v0 =	vadd.f32 v25, v0  }
0x30f: {  	v35 =	vld [tilespmem:$0x1F8E0];
	v5 =	vadd.f32 v5, v17;
	v4 =	vmul.f32 $1.442695020e+00, v4;
	v2 =	vmul.f32 v28, v28;
	v27 =	vpop (erf)  }
0x310: {  	v37 =	vld [tilespmem:$0x1F8D0];
	v1 =	vsub.f32 $0.0e+00, v1;
	(erf) = vpow2.f32 v3;
	v0 =	vadd.f32 v27, v0  }
0x311: {  	v5 =	vsub.f32 $0.0e+00, v5;
	v3 =	vmul.f32 v30, v30;
	v29 =	vpop (erf);
	v2 =	vadd.f32 v2, v8  }
0x312: {  	v41 =	vld [tilespmem:$0x1F880];
	(erf) = vpow2.f32 v4;
	v1 =	vmul.f32 $1.442695020e+00, v1;
	v0 =	vadd.f32 v29, v0  }
0x313: {  	v32 =	vmul.f32 $1.442695020e+00, v5;
	v3 =	vadd.f32 v3, v13;
	v31 =	vpop (erf);
	v2 =	vsub.f32 $0.0e+00, v2  }
0x314: {  	v43 =	vld [tilespmem:$0x1F8C0];
	(erf) = vpow2.f32 v1;
	v1 =	vmul.f32 v35, v35;
	v0 =	vadd.f32 v31, v0  }
0x315: {  	v5 =	vmul.f32 v37, v37;
	v3 =	vsub.f32 $0.0e+00, v3;
	v33 =	vpop (erf);
	(erf) = vpow2.f32 v32  }
0x316: {  	v45 =	vld [tilespmem:$0x1F8B0];
	v2 =	vmul.f32 $1.442695020e+00, v2;
	v1 =	vadd.f32 v1, v34;
	v0 =	vadd.f32 v33, v0  }
0x317: {  	v40 =	vadd.f32 v5, v36;
	v4 =	vmul.f32 v41, v41;
	v39 =	vmul.f32 $1.442695020e+00, v3;
	v38 =	vpop (erf)  }
0x318: {  	v47 =	vld [tilespmem:$0x1F8A0];
	(erf) = vpow2.f32 v2;
	v1 =	vsub.f32 $0.0e+00, v1;
	v0 =	vadd.f32 v38, v0  }
0x319: {  	v4 =	vadd.f32 v4, v14;
	v3 =	vsub.f32 $0.0e+00, v40;
	v2 =	vmul.f32 v43, v43;
	v42 =	vpop (erf)  }
0x31a: {  	v49 =	vld [tilespmem:$0x1F890];
	(erf) = vpow2.f32 v39;
	v1 =	vmul.f32 $1.442695020e+00, v1;
	v0 =	vadd.f32 v42, v0  }
0x31b: {  	v5 =	vmul.f32 v45, v45;
	v4 =	vsub.f32 $0.0e+00, v4;
	v3 =	vmul.f32 $1.442695020e+00, v3;
	v44 =	vpop (erf)  }
0x31c: {  	v2 =	vadd.f32 v2, v12;
	(erf) = vpow2.f32 v1;
	v0 =	vadd.f32 v44, v0  }
0x31d: {  	v5 =	vadd.f32 v5, v9;
	v4 =	vmul.f32 $1.442695020e+00, v4;
	v1 =	vmul.f32 v47, v47;
	v46 =	vpop (erf)  }
0x31e: {  	v2 =	vsub.f32 $0.0e+00, v2;
	(erf) = vpow2.f32 v3;
	v0 =	vadd.f32 v46, v0  }
0x31f: {  	v5 =	vsub.f32 $0.0e+00, v5;
	v3 =	vmul.f32 v49, v49;
	v48 =	vpop (erf);
	v1 =	vadd.f32 v1, v7  }
0x320: {  	v2 =	vmul.f32 $1.442695020e+00, v2;
	(erf) = vpow2.f32 v4;
	v0 =	vadd.f32 v48, v0  }
0x321: {  	v51 =	vmul.f32 $1.442695020e+00, v5;
	v3 =	vadd.f32 v3, v6;
	v50 =	vpop (erf)  }
0x322: {  	v1 =	vsub.f32 $0.0e+00, v1;
	(erf) = vpow2.f32 v2;
	v0 =	vadd.f32 v50, v0  }
0x323: {  	v54 =	vsub.f32 $0.0e+00, v3;
	v52 =	vpop (erf)  }
0x324: {  	v1 =	vmul.f32 $1.442695020e+00, v1;
	(erf) = vpow2.f32 v51;
	v0 =	vadd.f32 v52, v0  }
0x325: {  	v55 =	vpop (erf)  }
0x326: {  	v2 =	vmul.f32 $1.442695020e+00, v54;
	(erf) = vpow2.f32 v1;
	v0 =	vadd.f32 v55, v0  }
0x327: {  	v56 =	vpop (erf)  }
0x328: {  	(erf) = vpow2.f32 v2;
	v0 =	vadd.f32 v56, v0  }
0x329: {  	v57 =	vpop (erf)  }
0x32a: {  	v0 =	vadd.f32 v57, v0  }
0x32b: {  	v58 =	vpop (erf)  }
0x32c: {  	v0 =	vadd.f32 v58, v0  }
0x32d: {  	v59 =	vpop (erf)  }
0x32e: {  	v0 =	vadd.f32 v59, v0  }
0x32f: {  	v60 =	vld [tilespmem:s30+$0x11D00];
	v61 =	vpop (erf)  }
0x330: {  	v0 =	vadd.f32 v61, v0  }
0x331: {  	v63 =	vld [tilespmem:$0x1FFF0];
	v62 =	vpop (erf)  }
0x332: {  	v0 =	vadd.f32 v62, v0;
	_ =	sdelay $0x1  }
0x333: {  	v0 =	vmul.f32 v0, v60  }
0x334: {  	v1 =	vadd.f32 v60, v53  }
0x335: {  	v0 =	vadd.f32 v0, v63  }
0x336: {  	s12 =	simm.s32 $0x0;
	[tilespmem:$0x12C80] =	vst v1  }
0x337: {  	s0 =	rddreg [dreg:$0x11];
	s1 =	simm.s32 $0x12C00;
	s28 =	simm.s32 $0x2;
	[tilespmem:$0x12C00] =	vst v0  }
0x338: {  	[hbm4b:s0+s12] =	stream.linear.scatter [tilespmem:s1], [sflag:$0x2], $0x10, $0x38;
	[tilespmem:$0x12D00] =	vst v63  }
0x339: {  	_ =	swait.ge [sflag:s28], $0x10  }
0x33a: {  	[sflag:s28] =	ssyncset.done $0x0  }
0x33b: {  	s2 =	simm.s32 $0x12C80;
	s29 =	rddreg [dreg:$0x12];
	[sflag:s28] =	ssyncadd.s32 $0xFFFFFFF0  }
0x33c: {  	[hbm4b:s29+s12] =	stream.linear.scatter [tilespmem:s2], [sflag:$0x2], $0x10, $0x38;
	[tilespmem:$0x12D00] =	vst v63  }
0x33d: {  	_ =	swait.ge [sflag:s28], $0x10  }
0x33e: {  	s30 =	rddreg [dreg:$0x14]  }
0x33f: {  	s31 =	rddreg [dreg:$0x13];
	s2 =	sadd.s32 $0x1, s30  }
0x340: {  	p0 =	sne.s32 s2, s31  }
.Ltmp3:
0x341: {  	_ = 	snop;
	(pc) =	sbr.rel @p0 .LBB2_1-.Ltmp3, $3  }
0x342: {  	_ =	sdelay $0x1  }
0x343: {  	[sflag:s28] =	ssyncset.done $0x0  }
0x344: {  	[sflag:s28] =	ssyncadd.s32 $0xFFFFFFF0  }
0x345: {  	_ =	sfence.sel $0x180000  }
0x346: {  	[bflag:$0x0] =	sbarrier.arrive $0xFFFF  }
0x347: {  	_ =	strace $0x90000047  }
0x348: {  	s0 =	stileid.u32;
	[bflag:$0x2] =	sbarrier.arrive $0xFFFF  }
0x349: {  	p0 =	sne.s32 s0, $0x0;
	s0 =	rddreg [dreg:$0x1]  }
0x34a: {  	s0 =	sadd.s32 @!p0 $0x100000, s0  }
0x34b: {  	[sflag:s0] =	ssyncadd.tile.s32 @!p0 $0x1;
	_ =	shalt  }
.Lfunc_end2:
_tile_overlayer_lowered:
.L_overlay_start_2:
0x34c: {  	(tag) =	ssettag $0x2  }
0x34d: {  	s0 =	rddreg [dreg:$0x0];
	s2 =	stileid.u32  }
0x34e: {  	s1 =	rddreg [dreg:$0x1];
	p0 =	sne.s32 s2, $0x0  }
0x34f: {  	s3 =	rddreg [dreg:$0x2];
	[bflag:$0x3] =	sbarrier.arrive $0xFFFF;
	s2 =	simm.s32 @!p0 $0x1C02  }
0x350: {  	[timem:s3], [sflag:s2] =	dma.local @!p0 [hbm:s0], s1  }
0x351: {  	s0 =	simm.s32 @!p0 $0x2  }
0x352: {  	_ =	swait.ge @!p0 [sflag:s0], s1  }
0x353: {  	s1 =	ssub.s32 @!p0 $0x0, s1;
	[sflag:s0] =	ssyncset.done @!p0 $0x0  }
0x354: {  	[sflag:s0] =	ssyncadd.s32 @!p0 s1  }
0x355: {  	[bflag:$0x3] =	sbarrier.arrive $0xFFFF  }
0x356: {  	_ =	shalt  }

</sc_bundles>
